<compile_context>
chip_gen: v7x
topology: tpu7x:2x2x1
jax: 0.10.2.dev20260603
libtpu: 0.0.44.dev20260713+nightly
codegen_flags: <defaults>
</compile_context>

<pallas_src>
import jax
import jax.numpy as jnp
from jax import lax
from jax.experimental import pallas as pl
from jax.experimental.pallas import tpu as pltpu
from jax.experimental.pallas import tpu_sc as plsc

D_EMB = 64
EMB_SCALE = 8.0
NC = 2
NS = 16
NW = NC * NS
CHUNK = 128
LANES = 16
NBUF = 4


def _emb_body(x_hbm, w_hbm, out_hbm, idx_v, rows_v, gsem, osem):
    wid = lax.axis_index("s") * NC + lax.axis_index("c")
    chunks_w = idx_v.shape[0]
    base_chunk = wid * chunks_w
    pltpu.sync_copy(x_hbm.at[pl.ds(base_chunk, chunks_w)], idx_v)

    def start_gather(k, b):
        pltpu.async_copy(w_hbm.at[idx_v.at[k]], rows_v.at[b], gsem.at[b])

    def wait_gather(b):
        pltpu.make_async_copy(out_hbm.at[pl.ds(0, CHUNK)], rows_v.at[b],
                              gsem.at[b]).wait()

    def start_out(j, b):
        pltpu.async_copy(rows_v.at[b],
                         out_hbm.at[pl.ds((base_chunk + j) * CHUNK, CHUNK)],
                         osem.at[b])

    def wait_out(b):
        pltpu.make_async_copy(rows_v.at[b], out_hbm.at[pl.ds(0, CHUNK)],
                              osem.at[b]).wait()

    def scale(b):
        def srow(r, c):
            for l in range(D_EMB // LANES):
                sl = (b, r, pl.ds(LANES * l, LANES))
                rows_v[sl] = rows_v[sl] * EMB_SCALE
            return c
        lax.fori_loop(0, CHUNK, srow, 0, unroll=4)

    start_gather(0, 0)
    start_gather(1, 1)
    start_gather(2, 2)
    wait_gather(0); scale(0); start_out(0, 0)
    start_gather(3, 3)
    wait_gather(1); scale(1); start_out(1, 1)
    wait_out(0); start_gather(4, 0)
    wait_gather(2); scale(2); start_out(2, 2)
    wait_out(1); start_gather(5, 1)
    wait_gather(3); scale(3); start_out(3, 3)

    def outer(o, c):
        j0 = o * NBUF
        for b in range(NBUF):
            j = j0 + b
            b2 = (b + 2) % NBUF
            wait_out(b2)
            start_gather(j + 2, b2)
            wait_gather(b)
            scale(b)
            start_out(j, b)
        return c
    lax.fori_loop(1, chunks_w // NBUF - 1, outer, 0)

    jt = chunks_w - NBUF
    wait_out(2); start_gather(jt + 2, 2)
    wait_gather(0); scale(0); start_out(jt + 0, 0)
    wait_out(3); start_gather(jt + 3, 3)
    wait_gather(1); scale(1); start_out(jt + 1, 1)
    wait_out(0)
    wait_gather(2); scale(2); start_out(jt + 2, 2)
    wait_out(1)
    wait_gather(3); scale(3); start_out(jt + 3, 3)
    wait_out(2)
    wait_out(3)


def _make_kernel(nb, d):
    chunks_w = nb // (NW * CHUNK)
    mesh = plsc.VectorSubcoreMesh(core_axis_name="c", subcore_axis_name="s")
    return pl.kernel(
        _emb_body,
        mesh=mesh,
        compiler_params=pltpu.CompilerParams(use_tc_tiling_on_sc=False),
        out_type=jax.ShapeDtypeStruct((nb, d), jnp.float32),
        scratch_types=[
            pltpu.VMEM((chunks_w, CHUNK), jnp.int32),
            pltpu.VMEM((NBUF, CHUNK, d), jnp.float32),
            pltpu.SemaphoreType.DMA((NBUF,)),
            pltpu.SemaphoreType.DMA((NBUF,)),
        ],
    )


def kernel(x, weight):
    b, s = x.shape
    nb = b * s
    d = weight.shape[1]
    xf = x.reshape(nb // CHUNK, CHUNK).astype(jnp.int32)
    out = _make_kernel(nb, d)(xf, weight)
    return out.reshape(b, s, d)

# --- scband reference (transcript-rebuilt; emitter-appended) ---
"""Pipeline reference for scband-embedding-39264591020164 (READ-ONLY COPY).

The authoritative reference and input builder live on the scoring server;
editing this copy changes nothing except your own understanding.
"""

import math
import jax, jax.numpy as jnp
import numpy as np

D_MODEL = 64
VOCAB = 1000000
SCALE = math.sqrt(D_MODEL)

def setup_inputs(seed: int = 0) -> dict:
    key = jax.random.key(seed)
    k1, k2 = jax.random.split(key)
    x = jax.random.randint(k1, (4096, 200), 0, VOCAB, dtype=jnp.int64 if jax.config.jax_enable_x64 else jnp.int32)
    weight = jax.random.normal(k2, (VOCAB, D_MODEL), dtype=jnp.float32)
    return {"x": x, "weight": weight}

def reference(x, weight):
    # nn.Embedding lookup followed by scaling by sqrt(d_model)
    emb = jnp.take(weight, x, axis=0)
    return emb * SCALE

if __name__ == "__main__":
    import jax
    _d = setup_inputs()
    print(jax.jit(kernel)(*tuple(_d.values())))

</pallas_src>

<mosaic_0001>
#map = affine_map<(d0, d1) -> (0, 0)>
module attributes {stable_mosaic.version = 14 : i64} {
  func.func @_emb_body(%arg0: i32, %arg1: i32, %arg2: memref<6400x128xi32, #tpu.memory_space<hbm>>, %arg3: memref<1000000x64xf32, #tpu.memory_space<hbm>>, %arg4: memref<819200x64xf32, #tpu.memory_space<hbm>>, %arg5: memref<200x128xi32, #tpu.memory_space<vmem>>, %arg6: memref<4x128x64xf32, #tpu.memory_space<vmem>>, %arg7: memref<4x!tpu.dma_semaphore, #tpu.memory_space<semaphore_mem>>, %arg8: memref<4x!tpu.dma_semaphore, #tpu.memory_space<semaphore_mem>>) attributes {dimension_semantics = [#tpu.dimension_semantics<core_parallel>, #tpu.dimension_semantics<subcore_parallel>], iteration_bounds = array<i64: 2, 16>, scalar_prefetch = 0 : i64, scratch_operands = 4 : i64, tpu.core_type = #tpu.core_type<sc_vector_subcore>, window_params = [{transform_indices = #map}, {transform_indices = #map}, {transform_indices = #map}]} {
    %mul3A = arith.constant 2 : i32
    %mul3A_0 = arith.muli %arg1, %mul3A : i32
    %add3A = arith.addi %mul3A_0, %arg0 : i32
    %mul3A_1 = arith.constant 200 : i32
    %mul3A_2 = arith.muli %add3A, %mul3A_1 : i32
    "tpu.region"() ({
      %run_scoped3A = tpu.sem_alloc : memref<!tpu.dma_semaphore, #tpu.memory_space<semaphore_mem>>
      %dma_start3A_622 = arith.constant 0 : i32
      %dma_start3A_623 = tpu.memref_slice %arg2[%mul3A_2, %dma_start3A_622] : memref<6400x128xi32, #tpu.memory_space<hbm>> -> memref<200x128xi32, #tpu.memory_space<hbm>>
      %dma_start3A_624 = arith.constant 0 : i32
      %dma_start3A_625 = tpu.memref_slice %arg2[%mul3A_2, %dma_start3A_624] : memref<6400x128xi32, #tpu.memory_space<hbm>> -> memref<200x128xi32, #tpu.memory_space<hbm>>
      tpu.enqueue_dma source(%dma_start3A_625 : memref<200x128xi32, #tpu.memory_space<hbm>>) target(%arg5 : memref<200x128xi32, #tpu.memory_space<vmem>>) target_semaphore(%run_scoped3A : memref<!tpu.dma_semaphore, #tpu.memory_space<semaphore_mem>>)
      %dma_wait3A_626 = arith.constant 0 : i32
      %dma_wait3A_627 = tpu.memref_slice %arg2[%mul3A_2, %dma_wait3A_626] : memref<6400x128xi32, #tpu.memory_space<hbm>> -> memref<200x128xi32, #tpu.memory_space<hbm>>
      %dma_wait3A_628 = arith.constant 0 : i32
      %dma_wait3A_629 = tpu.memref_slice %arg2[%mul3A_2, %dma_wait3A_628] : memref<6400x128xi32, #tpu.memory_space<hbm>> -> memref<200x128xi32, #tpu.memory_space<hbm>>
      tpu.wait_dma2 semaphore(%run_scoped3A : memref<!tpu.dma_semaphore, #tpu.memory_space<semaphore_mem>>) src(%dma_wait3A_629 : memref<200x128xi32, #tpu.memory_space<hbm>>) dst(%arg5 : memref<200x128xi32, #tpu.memory_space<vmem>>)
      tpu.yield
    }) : () -> ()
    %dma_start3A = arith.constant 0 : i32
    %dma_start3A_3 = arith.constant 0 : i32
    %dma_start3A_4 = arith.constant 0 : i32
    %dma_start3A_5 = arith.constant 0 : i32
    %dma_start3A_6 = arith.constant 0 : i32
    %dma_start3A_7 = tpu.memref_slice %arg6[%dma_start3A_3, %dma_start3A_5, %dma_start3A_6] : memref<4x128x64xf32, #tpu.memory_space<vmem>> -> memref<1x128x64xf32, #tpu.memory_space<vmem>>
    %dma_start3A_8 = tpu.memref_squeeze %dma_start3A_7 : memref<1x128x64xf32, #tpu.memory_space<vmem>> -> memref<128x64xf32, #tpu.memory_space<vmem>>
    %dma_start3A_9 = arith.constant 0 : i32
    %dma_start3A_10 = tpu.memref_slice %arg5[%dma_start3A, %dma_start3A_9] : memref<200x128xi32, #tpu.memory_space<vmem>> -> memref<1x128xi32, #tpu.memory_space<vmem>>
    %dma_start3A_11 = tpu.memref_squeeze %dma_start3A_10 : memref<1x128xi32, #tpu.memory_space<vmem>> -> memref<128xi32, #tpu.memory_space<vmem>>
    %dma_start3A_12 = arith.constant 0 : i32
    %dma_start3A_13 = arith.constant 0 : i32
    %dma_start3A_14 = tpu.memref_slice %arg3[%dma_start3A_12, %dma_start3A_13] : memref<1000000x64xf32, #tpu.memory_space<hbm>> -> memref<1000000x64xf32, #tpu.memory_space<hbm>>
    %dma_start3A_15 = tpu.memref_slice %arg7[%dma_start3A_4] : memref<4x!tpu.dma_semaphore, #tpu.memory_space<semaphore_mem>> -> memref<1x!tpu.dma_semaphore, #tpu.memory_space<semaphore_mem>>
    %dma_start3A_16 = tpu.memref_squeeze %dma_start3A_15 : memref<1x!tpu.dma_semaphore, #tpu.memory_space<semaphore_mem>> -> memref<!tpu.dma_semaphore, #tpu.memory_space<semaphore_mem>>
    tpu.enqueue_indirect_dma source(%dma_start3A_14 : memref<1000000x64xf32, #tpu.memory_space<hbm>>) target(%dma_start3A_8 : memref<128x64xf32, #tpu.memory_space<vmem>>) offsets(%dma_start3A_11 : memref<128xi32, #tpu.memory_space<vmem>>) semaphore(%dma_start3A_16 : memref<!tpu.dma_semaphore, #tpu.memory_space<semaphore_mem>>)
    %dma_start3A_17 = arith.constant 1 : i32
    %dma_start3A_18 = arith.constant 1 : i32
    %dma_start3A_19 = arith.constant 1 : i32
    %dma_start3A_20 = arith.constant 0 : i32
    %dma_start3A_21 = arith.constant 0 : i32
    %dma_start3A_22 = tpu.memref_slice %arg6[%dma_start3A_18, %dma_start3A_20, %dma_start3A_21] : memref<4x128x64xf32, #tpu.memory_space<vmem>> -> memref<1x128x64xf32, #tpu.memory_space<vmem>>
    %dma_start3A_23 = tpu.memref_squeeze %dma_start3A_22 : memref<1x128x64xf32, #tpu.memory_space<vmem>> -> memref<128x64xf32, #tpu.memory_space<vmem>>
    %dma_start3A_24 = arith.constant 0 : i32
    %dma_start3A_25 = tpu.memref_slice %arg5[%dma_start3A_17, %dma_start3A_24] : memref<200x128xi32, #tpu.memory_space<vmem>> -> memref<1x128xi32, #tpu.memory_space<vmem>>
    %dma_start3A_26 = tpu.memref_squeeze %dma_start3A_25 : memref<1x128xi32, #tpu.memory_space<vmem>> -> memref<128xi32, #tpu.memory_space<vmem>>
    %dma_start3A_27 = arith.constant 0 : i32
    %dma_start3A_28 = arith.constant 0 : i32
    %dma_start3A_29 = tpu.memref_slice %arg3[%dma_start3A_27, %dma_start3A_28] : memref<1000000x64xf32, #tpu.memory_space<hbm>> -> memref<1000000x64xf32, #tpu.memory_space<hbm>>
    %dma_start3A_30 = tpu.memref_slice %arg7[%dma_start3A_19] : memref<4x!tpu.dma_semaphore, #tpu.memory_space<semaphore_mem>> -> memref<1x!tpu.dma_semaphore, #tpu.memory_space<semaphore_mem>>
    %dma_start3A_31 = tpu.memref_squeeze %dma_start3A_30 : memref<1x!tpu.dma_semaphore, #tpu.memory_space<semaphore_mem>> -> memref<!tpu.dma_semaphore, #tpu.memory_space<semaphore_mem>>
    tpu.enqueue_indirect_dma source(%dma_start3A_29 : memref<1000000x64xf32, #tpu.memory_space<hbm>>) target(%dma_start3A_23 : memref<128x64xf32, #tpu.memory_space<vmem>>) offsets(%dma_start3A_26 : memref<128xi32, #tpu.memory_space<vmem>>) semaphore(%dma_start3A_31 : memref<!tpu.dma_semaphore, #tpu.memory_space<semaphore_mem>>)
    %dma_start3A_32 = arith.constant 2 : i32
    %dma_start3A_33 = arith.constant 2 : i32
    %dma_start3A_34 = arith.constant 2 : i32
    %dma_start3A_35 = arith.constant 0 : i32
    %dma_start3A_36 = arith.constant 0 : i32
    %dma_start3A_37 = tpu.memref_slice %arg6[%dma_start3A_33, %dma_start3A_35, %dma_start3A_36] : memref<4x128x64xf32, #tpu.memory_space<vmem>> -> memref<1x128x64xf32, #tpu.memory_space<vmem>>
    %dma_start3A_38 = tpu.memref_squeeze %dma_start3A_37 : memref<1x128x64xf32, #tpu.memory_space<vmem>> -> memref<128x64xf32, #tpu.memory_space<vmem>>
    %dma_start3A_39 = arith.constant 0 : i32
    %dma_start3A_40 = tpu.memref_slice %arg5[%dma_start3A_32, %dma_start3A_39] : memref<200x128xi32, #tpu.memory_space<vmem>> -> memref<1x128xi32, #tpu.memory_space<vmem>>
    %dma_start3A_41 = tpu.memref_squeeze %dma_start3A_40 : memref<1x128xi32, #tpu.memory_space<vmem>> -> memref<128xi32, #tpu.memory_space<vmem>>
    %dma_start3A_42 = arith.constant 0 : i32
    %dma_start3A_43 = arith.constant 0 : i32
    %dma_start3A_44 = tpu.memref_slice %arg3[%dma_start3A_42, %dma_start3A_43] : memref<1000000x64xf32, #tpu.memory_space<hbm>> -> memref<1000000x64xf32, #tpu.memory_space<hbm>>
    %dma_start3A_45 = tpu.memref_slice %arg7[%dma_start3A_34] : memref<4x!tpu.dma_semaphore, #tpu.memory_space<semaphore_mem>> -> memref<1x!tpu.dma_semaphore, #tpu.memory_space<semaphore_mem>>
    %dma_start3A_46 = tpu.memref_squeeze %dma_start3A_45 : memref<1x!tpu.dma_semaphore, #tpu.memory_space<semaphore_mem>> -> memref<!tpu.dma_semaphore, #tpu.memory_space<semaphore_mem>>
    tpu.enqueue_indirect_dma source(%dma_start3A_44 : memref<1000000x64xf32, #tpu.memory_space<hbm>>) target(%dma_start3A_38 : memref<128x64xf32, #tpu.memory_space<vmem>>) offsets(%dma_start3A_41 : memref<128xi32, #tpu.memory_space<vmem>>) semaphore(%dma_start3A_46 : memref<!tpu.dma_semaphore, #tpu.memory_space<semaphore_mem>>)
    %dma_wait3A = arith.constant 0 : i32
    %dma_wait3A_47 = arith.constant 0 : i32
    %dma_wait3A_48 = arith.constant 0 : i32
    %dma_wait3A_49 = arith.constant 0 : i32
    %dma_wait3A_50 = tpu.memref_slice %arg6[%dma_wait3A, %dma_wait3A_48, %dma_wait3A_49] : memref<4x128x64xf32, #tpu.memory_space<vmem>> -> memref<1x128x64xf32, #tpu.memory_space<vmem>>
    %dma_wait3A_51 = tpu.memref_squeeze %dma_wait3A_50 : memref<1x128x64xf32, #tpu.memory_space<vmem>> -> memref<128x64xf32, #tpu.memory_space<vmem>>
    %dma_wait3A_52 = arith.constant 0 : i32
    %dma_wait3A_53 = arith.constant 0 : i32
    %dma_wait3A_54 = tpu.memref_slice %arg4[%dma_wait3A_52, %dma_wait3A_53] : memref<819200x64xf32, #tpu.memory_space<hbm>> -> memref<128x64xf32, #tpu.memory_space<hbm>>
    %dma_wait3A_55 = tpu.memref_slice %arg7[%dma_wait3A_47] : memref<4x!tpu.dma_semaphore, #tpu.memory_space<semaphore_mem>> -> memref<1x!tpu.dma_semaphore, #tpu.memory_space<semaphore_mem>>
    %dma_wait3A_56 = tpu.memref_squeeze %dma_wait3A_55 : memref<1x!tpu.dma_semaphore, #tpu.memory_space<semaphore_mem>> -> memref<!tpu.dma_semaphore, #tpu.memory_space<semaphore_mem>>
    %dma_wait3A_57 = arith.constant 0 : i32
    %dma_wait3A_58 = arith.constant 0 : i32
    %dma_wait3A_59 = tpu.memref_slice %arg6[%dma_wait3A, %dma_wait3A_57, %dma_wait3A_58] : memref<4x128x64xf32, #tpu.memory_space<vmem>> -> memref<1x128x64xf32, #tpu.memory_space<vmem>>
    %dma_wait3A_60 = tpu.memref_squeeze %dma_wait3A_59 : memref<1x128x64xf32, #tpu.memory_space<vmem>> -> memref<128x64xf32, #tpu.memory_space<vmem>>
    %dma_wait3A_61 = arith.constant 0 : i32
    %dma_wait3A_62 = arith.constant 0 : i32
    %dma_wait3A_63 = tpu.memref_slice %arg4[%dma_wait3A_61, %dma_wait3A_62] : memref<819200x64xf32, #tpu.memory_space<hbm>> -> memref<128x64xf32, #tpu.memory_space<hbm>>
    tpu.wait_dma2 semaphore(%dma_wait3A_56 : memref<!tpu.dma_semaphore, #tpu.memory_space<semaphore_mem>>) src(%dma_wait3A_63 : memref<128x64xf32, #tpu.memory_space<hbm>>) dst(%dma_wait3A_60 : memref<128x64xf32, #tpu.memory_space<vmem>>)
    %scan3A = arith.constant 0 : i32
    %scan3A_64 = arith.constant 0 : i32
    %scan3A_65 = arith.constant 128 : i32
    %scan3A_66 = arith.addi %scan3A_64, %scan3A_65 : i32
    %scan3A_67 = arith.constant 4 : i32
    scf.for %scan3A_622 = %scan3A_64 to %scan3A_66 step %scan3A_67  : i32 {
      %get3A = arith.constant 0 : i32
      %get3A_623 = arith.index_cast %get3A : i32 to index
      %get3A_624 = arith.index_cast %scan3A_622 : i32 to index
      %get3A_625 = arith.constant 0 : index
      %get3A_626 = tpu.vector_load %arg6[%get3A_623, %get3A_624, %get3A_625] {strides = array<i32>} : memref<4x128x64xf32, #tpu.memory_space<vmem>>, vector<1x1x16xf32>,
      %get3A_627 = vector.shape_cast %get3A_626 : vector<1x1x16xf32> to vector<16xf32>
      %mul3A_628 = arith.constant 8.000000e+00 : f32
      %mul3A_629 = vector.broadcast %mul3A_628 : f32 to vector<16xf32>
      %mul3A_630 = arith.mulf %get3A_627, %mul3A_629 : vector<16xf32>
      %swap3A = arith.constant 0 : i32
      %swap3A_631 = arith.index_cast %swap3A : i32 to index
      %swap3A_632 = arith.index_cast %scan3A_622 : i32 to index
      %swap3A_633 = arith.constant 0 : index
      %swap3A_634 = tpu.vector_load %arg6[%swap3A_631, %swap3A_632, %swap3A_633] {strides = array<i32>} : memref<4x128x64xf32, #tpu.memory_space<vmem>>, vector<1x1x16xf32>,
      %swap3A_635 = vector.shape_cast %swap3A_634 : vector<1x1x16xf32> to vector<16xf32>
      %swap3A_636 = vector.shape_cast %mul3A_630 : vector<16xf32> to vector<1x1x16xf32>
      tpu.vector_store %arg6[%swap3A_631, %swap3A_632, %swap3A_633], %swap3A_636 {strides = array<i32>} : memref<4x128x64xf32, #tpu.memory_space<vmem>>, vector<1x1x16xf32>,
      %get3A_637 = arith.constant 0 : i32
      %get3A_638 = arith.index_cast %get3A_637 : i32 to index
      %get3A_639 = arith.index_cast %scan3A_622 : i32 to index
      %get3A_640 = arith.constant 16 : index
      %get3A_641 = tpu.vector_load %arg6[%get3A_638, %get3A_639, %get3A_640] {strides = array<i32>} : memref<4x128x64xf32, #tpu.memory_space<vmem>>, vector<1x1x16xf32>,
      %get3A_642 = vector.shape_cast %get3A_641 : vector<1x1x16xf32> to vector<16xf32>
      %mul3A_643 = arith.constant 8.000000e+00 : f32
      %mul3A_644 = vector.broadcast %mul3A_643 : f32 to vector<16xf32>
      %mul3A_645 = arith.mulf %get3A_642, %mul3A_644 : vector<16xf32>
      %swap3A_646 = arith.constant 0 : i32
      %swap3A_647 = arith.index_cast %swap3A_646 : i32 to index
      %swap3A_648 = arith.index_cast %scan3A_622 : i32 to index
      %swap3A_649 = arith.constant 16 : index
      %swap3A_650 = tpu.vector_load %arg6[%swap3A_647, %swap3A_648, %swap3A_649] {strides = array<i32>} : memref<4x128x64xf32, #tpu.memory_space<vmem>>, vector<1x1x16xf32>,
      %swap3A_651 = vector.shape_cast %swap3A_650 : vector<1x1x16xf32> to vector<16xf32>
      %swap3A_652 = vector.shape_cast %mul3A_645 : vector<16xf32> to vector<1x1x16xf32>
      tpu.vector_store %arg6[%swap3A_647, %swap3A_648, %swap3A_649], %swap3A_652 {strides = array<i32>} : memref<4x128x64xf32, #tpu.memory_space<vmem>>, vector<1x1x16xf32>,
      %get3A_653 = arith.constant 0 : i32
      %get3A_654 = arith.index_cast %get3A_653 : i32 to index
      %get3A_655 = arith.index_cast %scan3A_622 : i32 to index
      %get3A_656 = arith.constant 32 : index
      %get3A_657 = tpu.vector_load %arg6[%get3A_654, %get3A_655, %get3A_656] {strides = array<i32>} : memref<4x128x64xf32, #tpu.memory_space<vmem>>, vector<1x1x16xf32>,
      %get3A_658 = vector.shape_cast %get3A_657 : vector<1x1x16xf32> to vector<16xf32>
      %mul3A_659 = arith.constant 8.000000e+00 : f32
      %mul3A_660 = vector.broadcast %mul3A_659 : f32 to vector<16xf32>
      %mul3A_661 = arith.mulf %get3A_658, %mul3A_660 : vector<16xf32>
      %swap3A_662 = arith.constant 0 : i32
      %swap3A_663 = arith.index_cast %swap3A_662 : i32 to index
      %swap3A_664 = arith.index_cast %scan3A_622 : i32 to index
      %swap3A_665 = arith.constant 32 : index
      %swap3A_666 = tpu.vector_load %arg6[%swap3A_663, %swap3A_664, %swap3A_665] {strides = array<i32>} : memref<4x128x64xf32, #tpu.memory_space<vmem>>, vector<1x1x16xf32>,
      %swap3A_667 = vector.shape_cast %swap3A_666 : vector<1x1x16xf32> to vector<16xf32>
      %swap3A_668 = vector.shape_cast %mul3A_661 : vector<16xf32> to vector<1x1x16xf32>
      tpu.vector_store %arg6[%swap3A_663, %swap3A_664, %swap3A_665], %swap3A_668 {strides = array<i32>} : memref<4x128x64xf32, #tpu.memory_space<vmem>>, vector<1x1x16xf32>,
      %get3A_669 = arith.constant 0 : i32
      %get3A_670 = arith.index_cast %get3A_669 : i32 to index
      %get3A_671 = arith.index_cast %scan3A_622 : i32 to index
      %get3A_672 = arith.constant 48 : index
      %get3A_673 = tpu.vector_load %arg6[%get3A_670, %get3A_671, %get3A_672] {strides = array<i32>} : memref<4x128x64xf32, #tpu.memory_space<vmem>>, vector<1x1x16xf32>,
      %get3A_674 = vector.shape_cast %get3A_673 : vector<1x1x16xf32> to vector<16xf32>
      %mul3A_675 = arith.constant 8.000000e+00 : f32
      %mul3A_676 = vector.broadcast %mul3A_675 : f32 to vector<16xf32>
      %mul3A_677 = arith.mulf %get3A_674, %mul3A_676 : vector<16xf32>
      %swap3A_678 = arith.constant 0 : i32
      %swap3A_679 = arith.index_cast %swap3A_678 : i32 to index
      %swap3A_680 = arith.index_cast %scan3A_622 : i32 to index
      %swap3A_681 = arith.constant 48 : index
      %swap3A_682 = tpu.vector_load %arg6[%swap3A_679, %swap3A_680, %swap3A_681] {strides = array<i32>} : memref<4x128x64xf32, #tpu.memory_space<vmem>>, vector<1x1x16xf32>,
      %swap3A_683 = vector.shape_cast %swap3A_682 : vector<1x1x16xf32> to vector<16xf32>
      %swap3A_684 = vector.shape_cast %mul3A_677 : vector<16xf32> to vector<1x1x16xf32>
      tpu.vector_store %arg6[%swap3A_679, %swap3A_680, %swap3A_681], %swap3A_684 {strides = array<i32>} : memref<4x128x64xf32, #tpu.memory_space<vmem>>, vector<1x1x16xf32>,
      %scan3A_685 = arith.constant 1 : i32
      %scan3A_686 = arith.addi %scan3A_622, %scan3A_685 : i32
      %get3A_687 = arith.constant 0 : i32
      %get3A_688 = arith.index_cast %get3A_687 : i32 to index
      %get3A_689 = arith.index_cast %scan3A_686 : i32 to index
      %get3A_690 = arith.constant 0 : index
      %get3A_691 = tpu.vector_load %arg6[%get3A_688, %get3A_689, %get3A_690] {strides = array<i32>} : memref<4x128x64xf32, #tpu.memory_space<vmem>>, vector<1x1x16xf32>,
      %get3A_692 = vector.shape_cast %get3A_691 : vector<1x1x16xf32> to vector<16xf32>
      %mul3A_693 = arith.constant 8.000000e+00 : f32
      %mul3A_694 = vector.broadcast %mul3A_693 : f32 to vector<16xf32>
      %mul3A_695 = arith.mulf %get3A_692, %mul3A_694 : vector<16xf32>
      %swap3A_696 = arith.constant 0 : i32
      %swap3A_697 = arith.index_cast %swap3A_696 : i32 to index
      %swap3A_698 = arith.index_cast %scan3A_686 : i32 to index
      %swap3A_699 = arith.constant 0 : index
      %swap3A_700 = tpu.vector_load %arg6[%swap3A_697, %swap3A_698, %swap3A_699] {strides = array<i32>} : memref<4x128x64xf32, #tpu.memory_space<vmem>>, vector<1x1x16xf32>,
      %swap3A_701 = vector.shape_cast %swap3A_700 : vector<1x1x16xf32> to vector<16xf32>
      %swap3A_702 = vector.shape_cast %mul3A_695 : vector<16xf32> to vector<1x1x16xf32>
      tpu.vector_store %arg6[%swap3A_697, %swap3A_698, %swap3A_699], %swap3A_702 {strides = array<i32>} : memref<4x128x64xf32, #tpu.memory_space<vmem>>, vector<1x1x16xf32>,
      %get3A_703 = arith.constant 0 : i32
      %get3A_704 = arith.index_cast %get3A_703 : i32 to index
      %get3A_705 = arith.index_cast %scan3A_686 : i32 to index
      %get3A_706 = arith.constant 16 : index
      %get3A_707 = tpu.vector_load %arg6[%get3A_704, %get3A_705, %get3A_706] {strides = array<i32>} : memref<4x128x64xf32, #tpu.memory_space<vmem>>, vector<1x1x16xf32>,
      %get3A_708 = vector.shape_cast %get3A_707 : vector<1x1x16xf32> to vector<16xf32>
      %mul3A_709 = arith.constant 8.000000e+00 : f32
      %mul3A_710 = vector.broadcast %mul3A_709 : f32 to vector<16xf32>
      %mul3A_711 = arith.mulf %get3A_708, %mul3A_710 : vector<16xf32>
      %swap3A_712 = arith.constant 0 : i32
      %swap3A_713 = arith.index_cast %swap3A_712 : i32 to index
      %swap3A_714 = arith.index_cast %scan3A_686 : i32 to index
      %swap3A_715 = arith.constant 16 : index
      %swap3A_716 = tpu.vector_load %arg6[%swap3A_713, %swap3A_714, %swap3A_715] {strides = array<i32>} : memref<4x128x64xf32, #tpu.memory_space<vmem>>, vector<1x1x16xf32>,
      %swap3A_717 = vector.shape_cast %swap3A_716 : vector<1x1x16xf32> to vector<16xf32>
      %swap3A_718 = vector.shape_cast %mul3A_711 : vector<16xf32> to vector<1x1x16xf32>
      tpu.vector_store %arg6[%swap3A_713, %swap3A_714, %swap3A_715], %swap3A_718 {strides = array<i32>} : memref<4x128x64xf32, #tpu.memory_space<vmem>>, vector<1x1x16xf32>,
      %get3A_719 = arith.constant 0 : i32
      %get3A_720 = arith.index_cast %get3A_719 : i32 to index
      %get3A_721 = arith.index_cast %scan3A_686 : i32 to index
      %get3A_722 = arith.constant 32 : index
      %get3A_723 = tpu.vector_load %arg6[%get3A_720, %get3A_721, %get3A_722] {strides = array<i32>} : memref<4x128x64xf32, #tpu.memory_space<vmem>>, vector<1x1x16xf32>,
      %get3A_724 = vector.shape_cast %get3A_723 : vector<1x1x16xf32> to vector<16xf32>
      %mul3A_725 = arith.constant 8.000000e+00 : f32
      %mul3A_726 = vector.broadcast %mul3A_725 : f32 to vector<16xf32>
      %mul3A_727 = arith.mulf %get3A_724, %mul3A_726 : vector<16xf32>
      %swap3A_728 = arith.constant 0 : i32
      %swap3A_729 = arith.index_cast %swap3A_728 : i32 to index
      %swap3A_730 = arith.index_cast %scan3A_686 : i32 to index
      %swap3A_731 = arith.constant 32 : index
      %swap3A_732 = tpu.vector_load %arg6[%swap3A_729, %swap3A_730, %swap3A_731] {strides = array<i32>} : memref<4x128x64xf32, #tpu.memory_space<vmem>>, vector<1x1x16xf32>,
      %swap3A_733 = vector.shape_cast %swap3A_732 : vector<1x1x16xf32> to vector<16xf32>
      %swap3A_734 = vector.shape_cast %mul3A_727 : vector<16xf32> to vector<1x1x16xf32>
      tpu.vector_store %arg6[%swap3A_729, %swap3A_730, %swap3A_731], %swap3A_734 {strides = array<i32>} : memref<4x128x64xf32, #tpu.memory_space<vmem>>, vector<1x1x16xf32>,
      %get3A_735 = arith.constant 0 : i32
      %get3A_736 = arith.index_cast %get3A_735 : i32 to index
      %get3A_737 = arith.index_cast %scan3A_686 : i32 to index
      %get3A_738 = arith.constant 48 : index
      %get3A_739 = tpu.vector_load %arg6[%get3A_736, %get3A_737, %get3A_738] {strides = array<i32>} : memref<4x128x64xf32, #tpu.memory_space<vmem>>, vector<1x1x16xf32>,
      %get3A_740 = vector.shape_cast %get3A_739 : vector<1x1x16xf32> to vector<16xf32>
      %mul3A_741 = arith.constant 8.000000e+00 : f32
      %mul3A_742 = vector.broadcast %mul3A_741 : f32 to vector<16xf32>
      %mul3A_743 = arith.mulf %get3A_740, %mul3A_742 : vector<16xf32>
      %swap3A_744 = arith.constant 0 : i32
      %swap3A_745 = arith.index_cast %swap3A_744 : i32 to index
      %swap3A_746 = arith.index_cast %scan3A_686 : i32 to index
      %swap3A_747 = arith.constant 48 : index
      %swap3A_748 = tpu.vector_load %arg6[%swap3A_745, %swap3A_746, %swap3A_747] {strides = array<i32>} : memref<4x128x64xf32, #tpu.memory_space<vmem>>, vector<1x1x16xf32>,
      %swap3A_749 = vector.shape_cast %swap3A_748 : vector<1x1x16xf32> to vector<16xf32>
      %swap3A_750 = vector.shape_cast %mul3A_743 : vector<16xf32> to vector<1x1x16xf32>
      tpu.vector_store %arg6[%swap3A_745, %swap3A_746, %swap3A_747], %swap3A_750 {strides = array<i32>} : memref<4x128x64xf32, #tpu.memory_space<vmem>>, vector<1x1x16xf32>,
      %scan3A_751 = arith.constant 2 : i32
      %scan3A_752 = arith.addi %scan3A_622, %scan3A_751 : i32
      %get3A_753 = arith.constant 0 : i32
      %get3A_754 = arith.index_cast %get3A_753 : i32 to index
      %get3A_755 = arith.index_cast %scan3A_752 : i32 to index
      %get3A_756 = arith.constant 0 : index
      %get3A_757 = tpu.vector_load %arg6[%get3A_754, %get3A_755, %get3A_756] {strides = array<i32>} : memref<4x128x64xf32, #tpu.memory_space<vmem>>, vector<1x1x16xf32>,
      %get3A_758 = vector.shape_cast %get3A_757 : vector<1x1x16xf32> to vector<16xf32>
      %mul3A_759 = arith.constant 8.000000e+00 : f32
      %mul3A_760 = vector.broadcast %mul3A_759 : f32 to vector<16xf32>
      %mul3A_761 = arith.mulf %get3A_758, %mul3A_760 : vector<16xf32>
      %swap3A_762 = arith.constant 0 : i32
      %swap3A_763 = arith.index_cast %swap3A_762 : i32 to index
      %swap3A_764 = arith.index_cast %scan3A_752 : i32 to index
      %swap3A_765 = arith.constant 0 : index
      %swap3A_766 = tpu.vector_load %arg6[%swap3A_763, %swap3A_764, %swap3A_765] {strides = array<i32>} : memref<4x128x64xf32, #tpu.memory_space<vmem>>, vector<1x1x16xf32>,
      %swap3A_767 = vector.shape_cast %swap3A_766 : vector<1x1x16xf32> to vector<16xf32>
      %swap3A_768 = vector.shape_cast %mul3A_761 : vector<16xf32> to vector<1x1x16xf32>
      tpu.vector_store %arg6[%swap3A_763, %swap3A_764, %swap3A_765], %swap3A_768 {strides = array<i32>} : memref<4x128x64xf32, #tpu.memory_space<vmem>>, vector<1x1x16xf32>,
      %get3A_769 = arith.constant 0 : i32
      %get3A_770 = arith.index_cast %get3A_769 : i32 to index
      %get3A_771 = arith.index_cast %scan3A_752 : i32 to index
      %get3A_772 = arith.constant 16 : index
      %get3A_773 = tpu.vector_load %arg6[%get3A_770, %get3A_771, %get3A_772] {strides = array<i32>} : memref<4x128x64xf32, #tpu.memory_space<vmem>>, vector<1x1x16xf32>,
      %get3A_774 = vector.shape_cast %get3A_773 : vector<1x1x16xf32> to vector<16xf32>
      %mul3A_775 = arith.constant 8.000000e+00 : f32
      %mul3A_776 = vector.broadcast %mul3A_775 : f32 to vector<16xf32>
      %mul3A_777 = arith.mulf %get3A_774, %mul3A_776 : vector<16xf32>
      %swap3A_778 = arith.constant 0 : i32
      %swap3A_779 = arith.index_cast %swap3A_778 : i32 to index
      %swap3A_780 = arith.index_cast %scan3A_752 : i32 to index
      %swap3A_781 = arith.constant 16 : index
      %swap3A_782 = tpu.vector_load %arg6[%swap3A_779, %swap3A_780, %swap3A_781] {strides = array<i32>} : memref<4x128x64xf32, #tpu.memory_space<vmem>>, vector<1x1x16xf32>,
      %swap3A_783 = vector.shape_cast %swap3A_782 : vector<1x1x16xf32> to vector<16xf32>
      %swap3A_784 = vector.shape_cast %mul3A_777 : vector<16xf32> to vector<1x1x16xf32>
      tpu.vector_store %arg6[%swap3A_779, %swap3A_780, %swap3A_781], %swap3A_784 {strides = array<i32>} : memref<4x128x64xf32, #tpu.memory_space<vmem>>, vector<1x1x16xf32>,
      %get3A_785 = arith.constant 0 : i32
      %get3A_786 = arith.index_cast %get3A_785 : i32 to index
      %get3A_787 = arith.index_cast %scan3A_752 : i32 to index
      %get3A_788 = arith.constant 32 : index
      %get3A_789 = tpu.vector_load %arg6[%get3A_786, %get3A_787, %get3A_788] {strides = array<i32>} : memref<4x128x64xf32, #tpu.memory_space<vmem>>, vector<1x1x16xf32>,
      %get3A_790 = vector.shape_cast %get3A_789 : vector<1x1x16xf32> to vector<16xf32>
      %mul3A_791 = arith.constant 8.000000e+00 : f32
      %mul3A_792 = vector.broadcast %mul3A_791 : f32 to vector<16xf32>
      %mul3A_793 = arith.mulf %get3A_790, %mul3A_792 : vector<16xf32>
      %swap3A_794 = arith.constant 0 : i32
      %swap3A_795 = arith.index_cast %swap3A_794 : i32 to index
      %swap3A_796 = arith.index_cast %scan3A_752 : i32 to index
      %swap3A_797 = arith.constant 32 : index
      %swap3A_798 = tpu.vector_load %arg6[%swap3A_795, %swap3A_796, %swap3A_797] {strides = array<i32>} : memref<4x128x64xf32, #tpu.memory_space<vmem>>, vector<1x1x16xf32>,
      %swap3A_799 = vector.shape_cast %swap3A_798 : vector<1x1x16xf32> to vector<16xf32>
      %swap3A_800 = vector.shape_cast %mul3A_793 : vector<16xf32> to vector<1x1x16xf32>
      tpu.vector_store %arg6[%swap3A_795, %swap3A_796, %swap3A_797], %swap3A_800 {strides = array<i32>} : memref<4x128x64xf32, #tpu.memory_space<vmem>>, vector<1x1x16xf32>,
      %get3A_801 = arith.constant 0 : i32
      %get3A_802 = arith.index_cast %get3A_801 : i32 to index
      %get3A_803 = arith.index_cast %scan3A_752 : i32 to index
      %get3A_804 = arith.constant 48 : index
      %get3A_805 = tpu.vector_load %arg6[%get3A_802, %get3A_803, %get3A_804] {strides = array<i32>} : memref<4x128x64xf32, #tpu.memory_space<vmem>>, vector<1x1x16xf32>,
      %get3A_806 = vector.shape_cast %get3A_805 : vector<1x1x16xf32> to vector<16xf32>
      %mul3A_807 = arith.constant 8.000000e+00 : f32
      %mul3A_808 = vector.broadcast %mul3A_807 : f32 to vector<16xf32>
      %mul3A_809 = arith.mulf %get3A_806, %mul3A_808 : vector<16xf32>
      %swap3A_810 = arith.constant 0 : i32
      %swap3A_811 = arith.index_cast %swap3A_810 : i32 to index
      %swap3A_812 = arith.index_cast %scan3A_752 : i32 to index
      %swap3A_813 = arith.constant 48 : index
      %swap3A_814 = tpu.vector_load %arg6[%swap3A_811, %swap3A_812, %swap3A_813] {strides = array<i32>} : memref<4x128x64xf32, #tpu.memory_space<vmem>>, vector<1x1x16xf32>,
      %swap3A_815 = vector.shape_cast %swap3A_814 : vector<1x1x16xf32> to vector<16xf32>
      %swap3A_816 = vector.shape_cast %mul3A_809 : vector<16xf32> to vector<1x1x16xf32>
      tpu.vector_store %arg6[%swap3A_811, %swap3A_812, %swap3A_813], %swap3A_816 {strides = array<i32>} : memref<4x128x64xf32, #tpu.memory_space<vmem>>, vector<1x1x16xf32>,
      %scan3A_817 = arith.constant 3 : i32
      %scan3A_818 = arith.addi %scan3A_622, %scan3A_817 : i32
      %get3A_819 = arith.constant 0 : i32
      %get3A_820 = arith.index_cast %get3A_819 : i32 to index
      %get3A_821 = arith.index_cast %scan3A_818 : i32 to index
      %get3A_822 = arith.constant 0 : index
      %get3A_823 = tpu.vector_load %arg6[%get3A_820, %get3A_821, %get3A_822] {strides = array<i32>} : memref<4x128x64xf32, #tpu.memory_space<vmem>>, vector<1x1x16xf32>,
      %get3A_824 = vector.shape_cast %get3A_823 : vector<1x1x16xf32> to vector<16xf32>
      %mul3A_825 = arith.constant 8.000000e+00 : f32
      %mul3A_826 = vector.broadcast %mul3A_825 : f32 to vector<16xf32>
      %mul3A_827 = arith.mulf %get3A_824, %mul3A_826 : vector<16xf32>
      %swap3A_828 = arith.constant 0 : i32
      %swap3A_829 = arith.index_cast %swap3A_828 : i32 to index
      %swap3A_830 = arith.index_cast %scan3A_818 : i32 to index
      %swap3A_831 = arith.constant 0 : index
      %swap3A_832 = tpu.vector_load %arg6[%swap3A_829, %swap3A_830, %swap3A_831] {strides = array<i32>} : memref<4x128x64xf32, #tpu.memory_space<vmem>>, vector<1x1x16xf32>,
      %swap3A_833 = vector.shape_cast %swap3A_832 : vector<1x1x16xf32> to vector<16xf32>
      %swap3A_834 = vector.shape_cast %mul3A_827 : vector<16xf32> to vector<1x1x16xf32>
      tpu.vector_store %arg6[%swap3A_829, %swap3A_830, %swap3A_831], %swap3A_834 {strides = array<i32>} : memref<4x128x64xf32, #tpu.memory_space<vmem>>, vector<1x1x16xf32>,
      %get3A_835 = arith.constant 0 : i32
      %get3A_836 = arith.index_cast %get3A_835 : i32 to index
      %get3A_837 = arith.index_cast %scan3A_818 : i32 to index
      %get3A_838 = arith.constant 16 : index
      %get3A_839 = tpu.vector_load %arg6[%get3A_836, %get3A_837, %get3A_838] {strides = array<i32>} : memref<4x128x64xf32, #tpu.memory_space<vmem>>, vector<1x1x16xf32>,
      %get3A_840 = vector.shape_cast %get3A_839 : vector<1x1x16xf32> to vector<16xf32>
      %mul3A_841 = arith.constant 8.000000e+00 : f32
      %mul3A_842 = vector.broadcast %mul3A_841 : f32 to vector<16xf32>
      %mul3A_843 = arith.mulf %get3A_840, %mul3A_842 : vector<16xf32>
      %swap3A_844 = arith.constant 0 : i32
      %swap3A_845 = arith.index_cast %swap3A_844 : i32 to index
      %swap3A_846 = arith.index_cast %scan3A_818 : i32 to index
      %swap3A_847 = arith.constant 16 : index
      %swap3A_848 = tpu.vector_load %arg6[%swap3A_845, %swap3A_846, %swap3A_847] {strides = array<i32>} : memref<4x128x64xf32, #tpu.memory_space<vmem>>, vector<1x1x16xf32>,
      %swap3A_849 = vector.shape_cast %swap3A_848 : vector<1x1x16xf32> to vector<16xf32>
      %swap3A_850 = vector.shape_cast %mul3A_843 : vector<16xf32> to vector<1x1x16xf32>
      tpu.vector_store %arg6[%swap3A_845, %swap3A_846, %swap3A_847], %swap3A_850 {strides = array<i32>} : memref<4x128x64xf32, #tpu.memory_space<vmem>>, vector<1x1x16xf32>,
      %get3A_851 = arith.constant 0 : i32
      %get3A_852 = arith.index_cast %get3A_851 : i32 to index
      %get3A_853 = arith.index_cast %scan3A_818 : i32 to index
      %get3A_854 = arith.constant 32 : index
      %get3A_855 = tpu.vector_load %arg6[%get3A_852, %get3A_853, %get3A_854] {strides = array<i32>} : memref<4x128x64xf32, #tpu.memory_space<vmem>>, vector<1x1x16xf32>,
      %get3A_856 = vector.shape_cast %get3A_855 : vector<1x1x16xf32> to vector<16xf32>
      %mul3A_857 = arith.constant 8.000000e+00 : f32
      %mul3A_858 = vector.broadcast %mul3A_857 : f32 to vector<16xf32>
      %mul3A_859 = arith.mulf %get3A_856, %mul3A_858 : vector<16xf32>
      %swap3A_860 = arith.constant 0 : i32
      %swap3A_861 = arith.index_cast %swap3A_860 : i32 to index
      %swap3A_862 = arith.index_cast %scan3A_818 : i32 to index
      %swap3A_863 = arith.constant 32 : index
      %swap3A_864 = tpu.vector_load %arg6[%swap3A_861, %swap3A_862, %swap3A_863] {strides = array<i32>} : memref<4x128x64xf32, #tpu.memory_space<vmem>>, vector<1x1x16xf32>,
      %swap3A_865 = vector.shape_cast %swap3A_864 : vector<1x1x16xf32> to vector<16xf32>
      %swap3A_866 = vector.shape_cast %mul3A_859 : vector<16xf32> to vector<1x1x16xf32>
      tpu.vector_store %arg6[%swap3A_861, %swap3A_862, %swap3A_863], %swap3A_866 {strides = array<i32>} : memref<4x128x64xf32, #tpu.memory_space<vmem>>, vector<1x1x16xf32>,
      %get3A_867 = arith.constant 0 : i32
      %get3A_868 = arith.index_cast %get3A_867 : i32 to index
      %get3A_869 = arith.index_cast %scan3A_818 : i32 to index
      %get3A_870 = arith.constant 48 : index
      %get3A_871 = tpu.vector_load %arg6[%get3A_868, %get3A_869, %get3A_870] {strides = array<i32>} : memref<4x128x64xf32, #tpu.memory_space<vmem>>, vector<1x1x16xf32>,
      %get3A_872 = vector.shape_cast %get3A_871 : vector<1x1x16xf32> to vector<16xf32>
      %mul3A_873 = arith.constant 8.000000e+00 : f32
      %mul3A_874 = vector.broadcast %mul3A_873 : f32 to vector<16xf32>
      %mul3A_875 = arith.mulf %get3A_872, %mul3A_874 : vector<16xf32>
      %swap3A_876 = arith.constant 0 : i32
      %swap3A_877 = arith.index_cast %swap3A_876 : i32 to index
      %swap3A_878 = arith.index_cast %scan3A_818 : i32 to index
      %swap3A_879 = arith.constant 48 : index
      %swap3A_880 = tpu.vector_load %arg6[%swap3A_877, %swap3A_878, %swap3A_879] {strides = array<i32>} : memref<4x128x64xf32, #tpu.memory_space<vmem>>, vector<1x1x16xf32>,
      %swap3A_881 = vector.shape_cast %swap3A_880 : vector<1x1x16xf32> to vector<16xf32>
      %swap3A_882 = vector.shape_cast %mul3A_875 : vector<16xf32> to vector<1x1x16xf32>
      tpu.vector_store %arg6[%swap3A_877, %swap3A_878, %swap3A_879], %swap3A_882 {strides = array<i32>} : memref<4x128x64xf32, #tpu.memory_space<vmem>>, vector<1x1x16xf32>,
    }
    %scan3A_68 = arith.constant 128 : i32
    %add3A_69 = arith.constant 0 : i32
    %add3A_70 = arith.addi %mul3A_2, %add3A_69 : i32
    %mul3A_71 = arith.constant 128 : i32
    %mul3A_72 = arith.muli %add3A_70, %mul3A_71 : i32
    %dma_start3A_73 = arith.constant 0 : i32
    %dma_start3A_74 = arith.constant 0 : i32
    %dma_start3A_75 = arith.constant 0 : i32
    %dma_start3A_76 = arith.constant 0 : i32
    %dma_start3A_77 = tpu.memref_slice %arg6[%dma_start3A_73, %dma_start3A_75, %dma_start3A_76] : memref<4x128x64xf32, #tpu.memory_space<vmem>> -> memref<1x128x64xf32, #tpu.memory_space<vmem>>
    %dma_start3A_78 = tpu.memref_squeeze %dma_start3A_77 : memref<1x128x64xf32, #tpu.memory_space<vmem>> -> memref<128x64xf32, #tpu.memory_space<vmem>>
    %dma_start3A_79 = arith.constant 0 : i32
    %dma_start3A_80 = tpu.memref_slice %arg4[%mul3A_72, %dma_start3A_79] : memref<819200x64xf32, #tpu.memory_space<hbm>> -> memref<128x64xf32, #tpu.memory_space<hbm>>
    %dma_start3A_81 = tpu.memref_slice %arg8[%dma_start3A_74] : memref<4x!tpu.dma_semaphore, #tpu.memory_space<semaphore_mem>> -> memref<1x!tpu.dma_semaphore, #tpu.memory_space<semaphore_mem>>
    %dma_start3A_82 = tpu.memref_squeeze %dma_start3A_81 : memref<1x!tpu.dma_semaphore, #tpu.memory_space<semaphore_mem>> -> memref<!tpu.dma_semaphore, #tpu.memory_space<semaphore_mem>>
    %dma_start3A_83 = arith.constant 0 : i32
    %dma_start3A_84 = tpu.memref_slice %arg4[%mul3A_72, %dma_start3A_83] : memref<819200x64xf32, #tpu.memory_space<hbm>> -> memref<128x64xf32, #tpu.memory_space<hbm>>
    %dma_start3A_85 = arith.constant 0 : i32
    %dma_start3A_86 = arith.constant 0 : i32
    %dma_start3A_87 = tpu.memref_slice %arg6[%dma_start3A_73, %dma_start3A_85, %dma_start3A_86] : memref<4x128x64xf32, #tpu.memory_space<vmem>> -> memref<1x128x64xf32, #tpu.memory_space<vmem>>
    %dma_start3A_88 = tpu.memref_squeeze %dma_start3A_87 : memref<1x128x64xf32, #tpu.memory_space<vmem>> -> memref<128x64xf32, #tpu.memory_space<vmem>>
    tpu.enqueue_dma source(%dma_start3A_88 : memref<128x64xf32, #tpu.memory_space<vmem>>) target(%dma_start3A_84 : memref<128x64xf32, #tpu.memory_space<hbm>>) target_semaphore(%dma_start3A_82 : memref<!tpu.dma_semaphore, #tpu.memory_space<semaphore_mem>>)
    %dma_start3A_89 = arith.constant 3 : i32
    %dma_start3A_90 = arith.constant 3 : i32
    %dma_start3A_91 = arith.constant 3 : i32
    %dma_start3A_92 = arith.constant 0 : i32
    %dma_start3A_93 = arith.constant 0 : i32
    %dma_start3A_94 = tpu.memref_slice %arg6[%dma_start3A_90, %dma_start3A_92, %dma_start3A_93] : memref<4x128x64xf32, #tpu.memory_space<vmem>> -> memref<1x128x64xf32, #tpu.memory_space<vmem>>
    %dma_start3A_95 = tpu.memref_squeeze %dma_start3A_94 : memref<1x128x64xf32, #tpu.memory_space<vmem>> -> memref<128x64xf32, #tpu.memory_space<vmem>>
    %dma_start3A_96 = arith.constant 0 : i32
    %dma_start3A_97 = tpu.memref_slice %arg5[%dma_start3A_89, %dma_start3A_96] : memref<200x128xi32, #tpu.memory_space<vmem>> -> memref<1x128xi32, #tpu.memory_space<vmem>>
    %dma_start3A_98 = tpu.memref_squeeze %dma_start3A_97 : memref<1x128xi32, #tpu.memory_space<vmem>> -> memref<128xi32, #tpu.memory_space<vmem>>
    %dma_start3A_99 = arith.constant 0 : i32
    %dma_start3A_100 = arith.constant 0 : i32
    %dma_start3A_101 = tpu.memref_slice %arg3[%dma_start3A_99, %dma_start3A_100] : memref<1000000x64xf32, #tpu.memory_space<hbm>> -> memref<1000000x64xf32, #tpu.memory_space<hbm>>
    %dma_start3A_102 = tpu.memref_slice %arg7[%dma_start3A_91] : memref<4x!tpu.dma_semaphore, #tpu.memory_space<semaphore_mem>> -> memref<1x!tpu.dma_semaphore, #tpu.memory_space<semaphore_mem>>
    %dma_start3A_103 = tpu.memref_squeeze %dma_start3A_102 : memref<1x!tpu.dma_semaphore, #tpu.memory_space<semaphore_mem>> -> memref<!tpu.dma_semaphore, #tpu.memory_space<semaphore_mem>>
    tpu.enqueue_indirect_dma source(%dma_start3A_101 : memref<1000000x64xf32, #tpu.memory_space<hbm>>) target(%dma_start3A_95 : memref<128x64xf32, #tpu.memory_space<vmem>>) offsets(%dma_start3A_98 : memref<128xi32, #tpu.memory_space<vmem>>) semaphore(%dma_start3A_103 : memref<!tpu.dma_semaphore, #tpu.memory_space<semaphore_mem>>)
    %dma_wait3A_104 = arith.constant 1 : i32
    %dma_wait3A_105 = arith.constant 1 : i32
    %dma_wait3A_106 = arith.constant 0 : i32
    %dma_wait3A_107 = arith.constant 0 : i32
    %dma_wait3A_108 = tpu.memref_slice %arg6[%dma_wait3A_104, %dma_wait3A_106, %dma_wait3A_107] : memref<4x128x64xf32, #tpu.memory_space<vmem>> -> memref<1x128x64xf32, #tpu.memory_space<vmem>>
    %dma_wait3A_109 = tpu.memref_squeeze %dma_wait3A_108 : memref<1x128x64xf32, #tpu.memory_space<vmem>> -> memref<128x64xf32, #tpu.memory_space<vmem>>
    %dma_wait3A_110 = arith.constant 0 : i32
    %dma_wait3A_111 = arith.constant 0 : i32
    %dma_wait3A_112 = tpu.memref_slice %arg4[%dma_wait3A_110, %dma_wait3A_111] : memref<819200x64xf32, #tpu.memory_space<hbm>> -> memref<128x64xf32, #tpu.memory_space<hbm>>
    %dma_wait3A_113 = tpu.memref_slice %arg7[%dma_wait3A_105] : memref<4x!tpu.dma_semaphore, #tpu.memory_space<semaphore_mem>> -> memref<1x!tpu.dma_semaphore, #tpu.memory_space<semaphore_mem>>
    %dma_wait3A_114 = tpu.memref_squeeze %dma_wait3A_113 : memref<1x!tpu.dma_semaphore, #tpu.memory_space<semaphore_mem>> -> memref<!tpu.dma_semaphore, #tpu.memory_space<semaphore_mem>>
    %dma_wait3A_115 = arith.constant 0 : i32
    %dma_wait3A_116 = arith.constant 0 : i32
    %dma_wait3A_117 = tpu.memref_slice %arg6[%dma_wait3A_104, %dma_wait3A_115, %dma_wait3A_116] : memref<4x128x64xf32, #tpu.memory_space<vmem>> -> memref<1x128x64xf32, #tpu.memory_space<vmem>>
    %dma_wait3A_118 = tpu.memref_squeeze %dma_wait3A_117 : memref<1x128x64xf32, #tpu.memory_space<vmem>> -> memref<128x64xf32, #tpu.memory_space<vmem>>
    %dma_wait3A_119 = arith.constant 0 : i32
    %dma_wait3A_120 = arith.constant 0 : i32
    %dma_wait3A_121 = tpu.memref_slice %arg4[%dma_wait3A_119, %dma_wait3A_120] : memref<819200x64xf32, #tpu.memory_space<hbm>> -> memref<128x64xf32, #tpu.memory_space<hbm>>
    tpu.wait_dma2 semaphore(%dma_wait3A_114 : memref<!tpu.dma_semaphore, #tpu.memory_space<semaphore_mem>>) src(%dma_wait3A_121 : memref<128x64xf32, #tpu.memory_space<hbm>>) dst(%dma_wait3A_118 : memref<128x64xf32, #tpu.memory_space<vmem>>)
    %scan3A_122 = arith.constant 0 : i32
    %scan3A_123 = arith.constant 0 : i32
    %scan3A_124 = arith.constant 128 : i32
    %scan3A_125 = arith.addi %scan3A_123, %scan3A_124 : i32
    %scan3A_126 = arith.constant 4 : i32
    scf.for %scan3A_622 = %scan3A_123 to %scan3A_125 step %scan3A_126  : i32 {
      %get3A = arith.constant 1 : i32
      %get3A_623 = arith.index_cast %get3A : i32 to index
      %get3A_624 = arith.index_cast %scan3A_622 : i32 to index
      %get3A_625 = arith.constant 0 : index
      %get3A_626 = tpu.vector_load %arg6[%get3A_623, %get3A_624, %get3A_625] {strides = array<i32>} : memref<4x128x64xf32, #tpu.memory_space<vmem>>, vector<1x1x16xf32>,
      %get3A_627 = vector.shape_cast %get3A_626 : vector<1x1x16xf32> to vector<16xf32>
      %mul3A_628 = arith.constant 8.000000e+00 : f32
      %mul3A_629 = vector.broadcast %mul3A_628 : f32 to vector<16xf32>
      %mul3A_630 = arith.mulf %get3A_627, %mul3A_629 : vector<16xf32>
      %swap3A = arith.constant 1 : i32
      %swap3A_631 = arith.index_cast %swap3A : i32 to index
      %swap3A_632 = arith.index_cast %scan3A_622 : i32 to index
      %swap3A_633 = arith.constant 0 : index
      %swap3A_634 = tpu.vector_load %arg6[%swap3A_631, %swap3A_632, %swap3A_633] {strides = array<i32>} : memref<4x128x64xf32, #tpu.memory_space<vmem>>, vector<1x1x16xf32>,
      %swap3A_635 = vector.shape_cast %swap3A_634 : vector<1x1x16xf32> to vector<16xf32>
      %swap3A_636 = vector.shape_cast %mul3A_630 : vector<16xf32> to vector<1x1x16xf32>
      tpu.vector_store %arg6[%swap3A_631, %swap3A_632, %swap3A_633], %swap3A_636 {strides = array<i32>} : memref<4x128x64xf32, #tpu.memory_space<vmem>>, vector<1x1x16xf32>,
      %get3A_637 = arith.constant 1 : i32
      %get3A_638 = arith.index_cast %get3A_637 : i32 to index
      %get3A_639 = arith.index_cast %scan3A_622 : i32 to index
      %get3A_640 = arith.constant 16 : index
      %get3A_641 = tpu.vector_load %arg6[%get3A_638, %get3A_639, %get3A_640] {strides = array<i32>} : memref<4x128x64xf32, #tpu.memory_space<vmem>>, vector<1x1x16xf32>,
      %get3A_642 = vector.shape_cast %get3A_641 : vector<1x1x16xf32> to vector<16xf32>
      %mul3A_643 = arith.constant 8.000000e+00 : f32
      %mul3A_644 = vector.broadcast %mul3A_643 : f32 to vector<16xf32>
      %mul3A_645 = arith.mulf %get3A_642, %mul3A_644 : vector<16xf32>
      %swap3A_646 = arith.constant 1 : i32
      %swap3A_647 = arith.index_cast %swap3A_646 : i32 to index
      %swap3A_648 = arith.index_cast %scan3A_622 : i32 to index
      %swap3A_649 = arith.constant 16 : index
      %swap3A_650 = tpu.vector_load %arg6[%swap3A_647, %swap3A_648, %swap3A_649] {strides = array<i32>} : memref<4x128x64xf32, #tpu.memory_space<vmem>>, vector<1x1x16xf32>,
      %swap3A_651 = vector.shape_cast %swap3A_650 : vector<1x1x16xf32> to vector<16xf32>
      %swap3A_652 = vector.shape_cast %mul3A_645 : vector<16xf32> to vector<1x1x16xf32>
      tpu.vector_store %arg6[%swap3A_647, %swap3A_648, %swap3A_649], %swap3A_652 {strides = array<i32>} : memref<4x128x64xf32, #tpu.memory_space<vmem>>, vector<1x1x16xf32>,
      %get3A_653 = arith.constant 1 : i32
      %get3A_654 = arith.index_cast %get3A_653 : i32 to index
      %get3A_655 = arith.index_cast %scan3A_622 : i32 to index
      %get3A_656 = arith.constant 32 : index
      %get3A_657 = tpu.vector_load %arg6[%get3A_654, %get3A_655, %get3A_656] {strides = array<i32>} : memref<4x128x64xf32, #tpu.memory_space<vmem>>, vector<1x1x16xf32>,
      %get3A_658 = vector.shape_cast %get3A_657 : vector<1x1x16xf32> to vector<16xf32>
      %mul3A_659 = arith.constant 8.000000e+00 : f32
      %mul3A_660 = vector.broadcast %mul3A_659 : f32 to vector<16xf32>
      %mul3A_661 = arith.mulf %get3A_658, %mul3A_660 : vector<16xf32>
      %swap3A_662 = arith.constant 1 : i32
      %swap3A_663 = arith.index_cast %swap3A_662 : i32 to index
      %swap3A_664 = arith.index_cast %scan3A_622 : i32 to index
      %swap3A_665 = arith.constant 32 : index
      %swap3A_666 = tpu.vector_load %arg6[%swap3A_663, %swap3A_664, %swap3A_665] {strides = array<i32>} : memref<4x128x64xf32, #tpu.memory_space<vmem>>, vector<1x1x16xf32>,
      %swap3A_667 = vector.shape_cast %swap3A_666 : vector<1x1x16xf32> to vector<16xf32>
      %swap3A_668 = vector.shape_cast %mul3A_661 : vector<16xf32> to vector<1x1x16xf32>
      tpu.vector_store %arg6[%swap3A_663, %swap3A_664, %swap3A_665], %swap3A_668 {strides = array<i32>} : memref<4x128x64xf32, #tpu.memory_space<vmem>>, vector<1x1x16xf32>,
      %get3A_669 = arith.constant 1 : i32
      %get3A_670 = arith.index_cast %get3A_669 : i32 to index
      %get3A_671 = arith.index_cast %scan3A_622 : i32 to index
      %get3A_672 = arith.constant 48 : index
      %get3A_673 = tpu.vector_load %arg6[%get3A_670, %get3A_671, %get3A_672] {strides = array<i32>} : memref<4x128x64xf32, #tpu.memory_space<vmem>>, vector<1x1x16xf32>,
      %get3A_674 = vector.shape_cast %get3A_673 : vector<1x1x16xf32> to vector<16xf32>
      %mul3A_675 = arith.constant 8.000000e+00 : f32
      %mul3A_676 = vector.broadcast %mul3A_675 : f32 to vector<16xf32>
      %mul3A_677 = arith.mulf %get3A_674, %mul3A_676 : vector<16xf32>
      %swap3A_678 = arith.constant 1 : i32
      %swap3A_679 = arith.index_cast %swap3A_678 : i32 to index
      %swap3A_680 = arith.index_cast %scan3A_622 : i32 to index
      %swap3A_681 = arith.constant 48 : index
      %swap3A_682 = tpu.vector_load %arg6[%swap3A_679, %swap3A_680, %swap3A_681] {strides = array<i32>} : memref<4x128x64xf32, #tpu.memory_space<vmem>>, vector<1x1x16xf32>,
      %swap3A_683 = vector.shape_cast %swap3A_682 : vector<1x1x16xf32> to vector<16xf32>
      %swap3A_684 = vector.shape_cast %mul3A_677 : vector<16xf32> to vector<1x1x16xf32>
      tpu.vector_store %arg6[%swap3A_679, %swap3A_680, %swap3A_681], %swap3A_684 {strides = array<i32>} : memref<4x128x64xf32, #tpu.memory_space<vmem>>, vector<1x1x16xf32>,
      %scan3A_685 = arith.constant 1 : i32
      %scan3A_686 = arith.addi %scan3A_622, %scan3A_685 : i32
      %get3A_687 = arith.constant 1 : i32
      %get3A_688 = arith.index_cast %get3A_687 : i32 to index
      %get3A_689 = arith.index_cast %scan3A_686 : i32 to index
      %get3A_690 = arith.constant 0 : index
      %get3A_691 = tpu.vector_load %arg6[%get3A_688, %get3A_689, %get3A_690] {strides = array<i32>} : memref<4x128x64xf32, #tpu.memory_space<vmem>>, vector<1x1x16xf32>,
      %get3A_692 = vector.shape_cast %get3A_691 : vector<1x1x16xf32> to vector<16xf32>
      %mul3A_693 = arith.constant 8.000000e+00 : f32
      %mul3A_694 = vector.broadcast %mul3A_693 : f32 to vector<16xf32>
      %mul3A_695 = arith.mulf %get3A_692, %mul3A_694 : vector<16xf32>
      %swap3A_696 = arith.constant 1 : i32
      %swap3A_697 = arith.index_cast %swap3A_696 : i32 to index
      %swap3A_698 = arith.index_cast %scan3A_686 : i32 to index
      %swap3A_699 = arith.constant 0 : index
      %swap3A_700 = tpu.vector_load %arg6[%swap3A_697, %swap3A_698, %swap3A_699] {strides = array<i32>} : memref<4x128x64xf32, #tpu.memory_space<vmem>>, vector<1x1x16xf32>,
      %swap3A_701 = vector.shape_cast %swap3A_700 : vector<1x1x16xf32> to vector<16xf32>
      %swap3A_702 = vector.shape_cast %mul3A_695 : vector<16xf32> to vector<1x1x16xf32>
      tpu.vector_store %arg6[%swap3A_697, %swap3A_698, %swap3A_699], %swap3A_702 {strides = array<i32>} : memref<4x128x64xf32, #tpu.memory_space<vmem>>, vector<1x1x16xf32>,
      %get3A_703 = arith.constant 1 : i32
      %get3A_704 = arith.index_cast %get3A_703 : i32 to index
      %get3A_705 = arith.index_cast %scan3A_686 : i32 to index
      %get3A_706 = arith.constant 16 : index
      %get3A_707 = tpu.vector_load %arg6[%get3A_704, %get3A_705, %get3A_706] {strides = array<i32>} : memref<4x128x64xf32, #tpu.memory_space<vmem>>, vector<1x1x16xf32>,
      %get3A_708 = vector.shape_cast %get3A_707 : vector<1x1x16xf32> to vector<16xf32>
      %mul3A_709 = arith.constant 8.000000e+00 : f32
      %mul3A_710 = vector.broadcast %mul3A_709 : f32 to vector<16xf32>
      %mul3A_711 = arith.mulf %get3A_708, %mul3A_710 : vector<16xf32>
      %swap3A_712 = arith.constant 1 : i32
      %swap3A_713 = arith.index_cast %swap3A_712 : i32 to index
      %swap3A_714 = arith.index_cast %scan3A_686 : i32 to index
      %swap3A_715 = arith.constant 16 : index
      %swap3A_716 = tpu.vector_load %arg6[%swap3A_713, %swap3A_714, %swap3A_715] {strides = array<i32>} : memref<4x128x64xf32, #tpu.memory_space<vmem>>, vector<1x1x16xf32>,
      %swap3A_717 = vector.shape_cast %swap3A_716 : vector<1x1x16xf32> to vector<16xf32>
      %swap3A_718 = vector.shape_cast %mul3A_711 : vector<16xf32> to vector<1x1x16xf32>
      tpu.vector_store %arg6[%swap3A_713, %swap3A_714, %swap3A_715], %swap3A_718 {strides = array<i32>} : memref<4x128x64xf32, #tpu.memory_space<vmem>>, vector<1x1x16xf32>,
      %get3A_719 = arith.constant 1 : i32
      %get3A_720 = arith.index_cast %get3A_719 : i32 to index
      %get3A_721 = arith.index_cast %scan3A_686 : i32 to index
      %get3A_722 = arith.constant 32 : index
      %get3A_723 = tpu.vector_load %arg6[%get3A_720, %get3A_721, %get3A_722] {strides = array<i32>} : memref<4x128x64xf32, #tpu.memory_space<vmem>>, vector<1x1x16xf32>,
      %get3A_724 = vector.shape_cast %get3A_723 : vector<1x1x16xf32> to vector<16xf32>
      %mul3A_725 = arith.constant 8.000000e+00 : f32
      %mul3A_726 = vector.broadcast %mul3A_725 : f32 to vector<16xf32>
      %mul3A_727 = arith.mulf %get3A_724, %mul3A_726 : vector<16xf32>
      %swap3A_728 = arith.constant 1 : i32
      %swap3A_729 = arith.index_cast %swap3A_728 : i32 to index
      %swap3A_730 = arith.index_cast %scan3A_686 : i32 to index
      %swap3A_731 = arith.constant 32 : index
      %swap3A_732 = tpu.vector_load %arg6[%swap3A_729, %swap3A_730, %swap3A_731] {strides = array<i32>} : memref<4x128x64xf32, #tpu.memory_space<vmem>>, vector<1x1x16xf32>,
      %swap3A_733 = vector.shape_cast %swap3A_732 : vector<1x1x16xf32> to vector<16xf32>
      %swap3A_734 = vector.shape_cast %mul3A_727 : vector<16xf32> to vector<1x1x16xf32>
      tpu.vector_store %arg6[%swap3A_729, %swap3A_730, %swap3A_731], %swap3A_734 {strides = array<i32>} : memref<4x128x64xf32, #tpu.memory_space<vmem>>, vector<1x1x16xf32>,
      %get3A_735 = arith.constant 1 : i32
      %get3A_736 = arith.index_cast %get3A_735 : i32 to index
      %get3A_737 = arith.index_cast %scan3A_686 : i32 to index
      %get3A_738 = arith.constant 48 : index
      %get3A_739 = tpu.vector_load %arg6[%get3A_736, %get3A_737, %get3A_738] {strides = array<i32>} : memref<4x128x64xf32, #tpu.memory_space<vmem>>, vector<1x1x16xf32>,
      %get3A_740 = vector.shape_cast %get3A_739 : vector<1x1x16xf32> to vector<16xf32>
      %mul3A_741 = arith.constant 8.000000e+00 : f32
      %mul3A_742 = vector.broadcast %mul3A_741 : f32 to vector<16xf32>
      %mul3A_743 = arith.mulf %get3A_740, %mul3A_742 : vector<16xf32>
      %swap3A_744 = arith.constant 1 : i32
      %swap3A_745 = arith.index_cast %swap3A_744 : i32 to index
      %swap3A_746 = arith.index_cast %scan3A_686 : i32 to index
      %swap3A_747 = arith.constant 48 : index
      %swap3A_748 = tpu.vector_load %arg6[%swap3A_745, %swap3A_746, %swap3A_747] {strides = array<i32>} : memref<4x128x64xf32, #tpu.memory_space<vmem>>, vector<1x1x16xf32>,
      %swap3A_749 = vector.shape_cast %swap3A_748 : vector<1x1x16xf32> to vector<16xf32>
      %swap3A_750 = vector.shape_cast %mul3A_743 : vector<16xf32> to vector<1x1x16xf32>
      tpu.vector_store %arg6[%swap3A_745, %swap3A_746, %swap3A_747], %swap3A_750 {strides = array<i32>} : memref<4x128x64xf32, #tpu.memory_space<vmem>>, vector<1x1x16xf32>,
      %scan3A_751 = arith.constant 2 : i32
      %scan3A_752 = arith.addi %scan3A_622, %scan3A_751 : i32
      %get3A_753 = arith.constant 1 : i32
      %get3A_754 = arith.index_cast %get3A_753 : i32 to index
      %get3A_755 = arith.index_cast %scan3A_752 : i32 to index
      %get3A_756 = arith.constant 0 : index
      %get3A_757 = tpu.vector_load %arg6[%get3A_754, %get3A_755, %get3A_756] {strides = array<i32>} : memref<4x128x64xf32, #tpu.memory_space<vmem>>, vector<1x1x16xf32>,
      %get3A_758 = vector.shape_cast %get3A_757 : vector<1x1x16xf32> to vector<16xf32>
      %mul3A_759 = arith.constant 8.000000e+00 : f32
      %mul3A_760 = vector.broadcast %mul3A_759 : f32 to vector<16xf32>
      %mul3A_761 = arith.mulf %get3A_758, %mul3A_760 : vector<16xf32>
      %swap3A_762 = arith.constant 1 : i32
      %swap3A_763 = arith.index_cast %swap3A_762 : i32 to index
      %swap3A_764 = arith.index_cast %scan3A_752 : i32 to index
      %swap3A_765 = arith.constant 0 : index
      %swap3A_766 = tpu.vector_load %arg6[%swap3A_763, %swap3A_764, %swap3A_765] {strides = array<i32>} : memref<4x128x64xf32, #tpu.memory_space<vmem>>, vector<1x1x16xf32>,
      %swap3A_767 = vector.shape_cast %swap3A_766 : vector<1x1x16xf32> to vector<16xf32>
      %swap3A_768 = vector.shape_cast %mul3A_761 : vector<16xf32> to vector<1x1x16xf32>
      tpu.vector_store %arg6[%swap3A_763, %swap3A_764, %swap3A_765], %swap3A_768 {strides = array<i32>} : memref<4x128x64xf32, #tpu.memory_space<vmem>>, vector<1x1x16xf32>,
      %get3A_769 = arith.constant 1 : i32
      %get3A_770 = arith.index_cast %get3A_769 : i32 to index
      %get3A_771 = arith.index_cast %scan3A_752 : i32 to index
      %get3A_772 = arith.constant 16 : index
      %get3A_773 = tpu.vector_load %arg6[%get3A_770, %get3A_771, %get3A_772] {strides = array<i32>} : memref<4x128x64xf32, #tpu.memory_space<vmem>>, vector<1x1x16xf32>,
      %get3A_774 = vector.shape_cast %get3A_773 : vector<1x1x16xf32> to vector<16xf32>
      %mul3A_775 = arith.constant 8.000000e+00 : f32
      %mul3A_776 = vector.broadcast %mul3A_775 : f32 to vector<16xf32>
      %mul3A_777 = arith.mulf %get3A_774, %mul3A_776 : vector<16xf32>
      %swap3A_778 = arith.constant 1 : i32
      %swap3A_779 = arith.index_cast %swap3A_778 : i32 to index
      %swap3A_780 = arith.index_cast %scan3A_752 : i32 to index
      %swap3A_781 = arith.constant 16 : index
      %swap3A_782 = tpu.vector_load %arg6[%swap3A_779, %swap3A_780, %swap3A_781] {strides = array<i32>} : memref<4x128x64xf32, #tpu.memory_space<vmem>>, vector<1x1x16xf32>,
      %swap3A_783 = vector.shape_cast %swap3A_782 : vector<1x1x16xf32> to vector<16xf32>
      %swap3A_784 = vector.shape_cast %mul3A_777 : vector<16xf32> to vector<1x1x16xf32>
      tpu.vector_store %arg6[%swap3A_779, %swap3A_780, %swap3A_781], %swap3A_784 {strides = array<i32>} : memref<4x128x64xf32, #tpu.memory_space<vmem>>, vector<1x1x16xf32>,
      %get3A_785 = arith.constant 1 : i32
      %get3A_786 = arith.index_cast %get3A_785 : i32 to index
      %get3A_787 = arith.index_cast %scan3A_752 : i32 to index
      %get3A_788 = arith.constant 32 : index
      %get3A_789 = tpu.vector_load %arg6[%get3A_786, %get3A_787, %get3A_788] {strides = array<i32>} : memref<4x128x64xf32, #tpu.memory_space<vmem>>, vector<1x1x16xf32>,
      %get3A_790 = vector.shape_cast %get3A_789 : vector<1x1x16xf32> to vector<16xf32>
      %mul3A_791 = arith.constant 8.000000e+00 : f32
      %mul3A_792 = vector.broadcast %mul3A_791 : f32 to vector<16xf32>
      %mul3A_793 = arith.mulf %get3A_790, %mul3A_792 : vector<16xf32>
      %swap3A_794 = arith.constant 1 : i32
      %swap3A_795 = arith.index_cast %swap3A_794 : i32 to index
      %swap3A_796 = arith.index_cast %scan3A_752 : i32 to index
      %swap3A_797 = arith.constant 32 : index
      %swap3A_798 = tpu.vector_load %arg6[%swap3A_795, %swap3A_796, %swap3A_797] {strides = array<i32>} : memref<4x128x64xf32, #tpu.memory_space<vmem>>, vector<1x1x16xf32>,
      %swap3A_799 = vector.shape_cast %swap3A_798 : vector<1x1x16xf32> to vector<16xf32>
      %swap3A_800 = vector.shape_cast %mul3A_793 : vector<16xf32> to vector<1x1x16xf32>
      tpu.vector_store %arg6[%swap3A_795, %swap3A_796, %swap3A_797], %swap3A_800 {strides = array<i32>} : memref<4x128x64xf32, #tpu.memory_space<vmem>>, vector<1x1x16xf32>,
      %get3A_801 = arith.constant 1 : i32
      %get3A_802 = arith.index_cast %get3A_801 : i32 to index
      %get3A_803 = arith.index_cast %scan3A_752 : i32 to index
      %get3A_804 = arith.constant 48 : index
      %get3A_805 = tpu.vector_load %arg6[%get3A_802, %get3A_803, %get3A_804] {strides = array<i32>} : memref<4x128x64xf32, #tpu.memory_space<vmem>>, vector<1x1x16xf32>,
      %get3A_806 = vector.shape_cast %get3A_805 : vector<1x1x16xf32> to vector<16xf32>
      %mul3A_807 = arith.constant 8.000000e+00 : f32
      %mul3A_808 = vector.broadcast %mul3A_807 : f32 to vector<16xf32>
      %mul3A_809 = arith.mulf %get3A_806, %mul3A_808 : vector<16xf32>
      %swap3A_810 = arith.constant 1 : i32
      %swap3A_811 = arith.index_cast %swap3A_810 : i32 to index
      %swap3A_812 = arith.index_cast %scan3A_752 : i32 to index
      %swap3A_813 = arith.constant 48 : index
      %swap3A_814 = tpu.vector_load %arg6[%swap3A_811, %swap3A_812, %swap3A_813] {strides = array<i32>} : memref<4x128x64xf32, #tpu.memory_space<vmem>>, vector<1x1x16xf32>,
      %swap3A_815 = vector.shape_cast %swap3A_814 : vector<1x1x16xf32> to vector<16xf32>
      %swap3A_816 = vector.shape_cast %mul3A_809 : vector<16xf32> to vector<1x1x16xf32>
      tpu.vector_store %arg6[%swap3A_811, %swap3A_812, %swap3A_813], %swap3A_816 {strides = array<i32>} : memref<4x128x64xf32, #tpu.memory_space<vmem>>, vector<1x1x16xf32>,
      %scan3A_817 = arith.constant 3 : i32
      %scan3A_818 = arith.addi %scan3A_622, %scan3A_817 : i32
      %get3A_819 = arith.constant 1 : i32
      %get3A_820 = arith.index_cast %get3A_819 : i32 to index
      %get3A_821 = arith.index_cast %scan3A_818 : i32 to index
      %get3A_822 = arith.constant 0 : index
      %get3A_823 = tpu.vector_load %arg6[%get3A_820, %get3A_821, %get3A_822] {strides = array<i32>} : memref<4x128x64xf32, #tpu.memory_space<vmem>>, vector<1x1x16xf32>,
      %get3A_824 = vector.shape_cast %get3A_823 : vector<1x1x16xf32> to vector<16xf32>
      %mul3A_825 = arith.constant 8.000000e+00 : f32
      %mul3A_826 = vector.broadcast %mul3A_825 : f32 to vector<16xf32>
      %mul3A_827 = arith.mulf %get3A_824, %mul3A_826 : vector<16xf32>
      %swap3A_828 = arith.constant 1 : i32
      %swap3A_829 = arith.index_cast %swap3A_828 : i32 to index
      %swap3A_830 = arith.index_cast %scan3A_818 : i32 to index
      %swap3A_831 = arith.constant 0 : index
      %swap3A_832 = tpu.vector_load %arg6[%swap3A_829, %swap3A_830, %swap3A_831] {strides = array<i32>} : memref<4x128x64xf32, #tpu.memory_space<vmem>>, vector<1x1x16xf32>,
      %swap3A_833 = vector.shape_cast %swap3A_832 : vector<1x1x16xf32> to vector<16xf32>
      %swap3A_834 = vector.shape_cast %mul3A_827 : vector<16xf32> to vector<1x1x16xf32>
      tpu.vector_store %arg6[%swap3A_829, %swap3A_830, %swap3A_831], %swap3A_834 {strides = array<i32>} : memref<4x128x64xf32, #tpu.memory_space<vmem>>, vector<1x1x16xf32>,
      %get3A_835 = arith.constant 1 : i32
      %get3A_836 = arith.index_cast %get3A_835 : i32 to index
      %get3A_837 = arith.index_cast %scan3A_818 : i32 to index
      %get3A_838 = arith.constant 16 : index
      %get3A_839 = tpu.vector_load %arg6[%get3A_836, %get3A_837, %get3A_838] {strides = array<i32>} : memref<4x128x64xf32, #tpu.memory_space<vmem>>, vector<1x1x16xf32>,
      %get3A_840 = vector.shape_cast %get3A_839 : vector<1x1x16xf32> to vector<16xf32>
      %mul3A_841 = arith.constant 8.000000e+00 : f32
      %mul3A_842 = vector.broadcast %mul3A_841 : f32 to vector<16xf32>
      %mul3A_843 = arith.mulf %get3A_840, %mul3A_842 : vector<16xf32>
      %swap3A_844 = arith.constant 1 : i32
      %swap3A_845 = arith.index_cast %swap3A_844 : i32 to index
      %swap3A_846 = arith.index_cast %scan3A_818 : i32 to index
      %swap3A_847 = arith.constant 16 : index
      %swap3A_848 = tpu.vector_load %arg6[%swap3A_845, %swap3A_846, %swap3A_847] {strides = array<i32>} : memref<4x128x64xf32, #tpu.memory_space<vmem>>, vector<1x1x16xf32>,
      %swap3A_849 = vector.shape_cast %swap3A_848 : vector<1x1x16xf32> to vector<16xf32>
      %swap3A_850 = vector.shape_cast %mul3A_843 : vector<16xf32> to vector<1x1x16xf32>
      tpu.vector_store %arg6[%swap3A_845, %swap3A_846, %swap3A_847], %swap3A_850 {strides = array<i32>} : memref<4x128x64xf32, #tpu.memory_space<vmem>>, vector<1x1x16xf32>,
      %get3A_851 = arith.constant 1 : i32
      %get3A_852 = arith.index_cast %get3A_851 : i32 to index
      %get3A_853 = arith.index_cast %scan3A_818 : i32 to index
      %get3A_854 = arith.constant 32 : index
      %get3A_855 = tpu.vector_load %arg6[%get3A_852, %get3A_853, %get3A_854] {strides = array<i32>} : memref<4x128x64xf32, #tpu.memory_space<vmem>>, vector<1x1x16xf32>,
      %get3A_856 = vector.shape_cast %get3A_855 : vector<1x1x16xf32> to vector<16xf32>
      %mul3A_857 = arith.constant 8.000000e+00 : f32
      %mul3A_858 = vector.broadcast %mul3A_857 : f32 to vector<16xf32>
      %mul3A_859 = arith.mulf %get3A_856, %mul3A_858 : vector<16xf32>
      %swap3A_860 = arith.constant 1 : i32
      %swap3A_861 = arith.index_cast %swap3A_860 : i32 to index
      %swap3A_862 = arith.index_cast %scan3A_818 : i32 to index
      %swap3A_863 = arith.constant 32 : index
      %swap3A_864 = tpu.vector_load %arg6[%swap3A_861, %swap3A_862, %swap3A_863] {strides = array<i32>} : memref<4x128x64xf32, #tpu.memory_space<vmem>>, vector<1x1x16xf32>,
      %swap3A_865 = vector.shape_cast %swap3A_864 : vector<1x1x16xf32> to vector<16xf32>
      %swap3A_866 = vector.shape_cast %mul3A_859 : vector<16xf32> to vector<1x1x16xf32>
      tpu.vector_store %arg6[%swap3A_861, %swap3A_862, %swap3A_863], %swap3A_866 {strides = array<i32>} : memref<4x128x64xf32, #tpu.memory_space<vmem>>, vector<1x1x16xf32>,
      %get3A_867 = arith.constant 1 : i32
      %get3A_868 = arith.index_cast %get3A_867 : i32 to index
      %get3A_869 = arith.index_cast %scan3A_818 : i32 to index
      %get3A_870 = arith.constant 48 : index
      %get3A_871 = tpu.vector_load %arg6[%get3A_868, %get3A_869, %get3A_870] {strides = array<i32>} : memref<4x128x64xf32, #tpu.memory_space<vmem>>, vector<1x1x16xf32>,
      %get3A_872 = vector.shape_cast %get3A_871 : vector<1x1x16xf32> to vector<16xf32>
      %mul3A_873 = arith.constant 8.000000e+00 : f32
      %mul3A_874 = vector.broadcast %mul3A_873 : f32 to vector<16xf32>
      %mul3A_875 = arith.mulf %get3A_872, %mul3A_874 : vector<16xf32>
      %swap3A_876 = arith.constant 1 : i32
      %swap3A_877 = arith.index_cast %swap3A_876 : i32 to index
      %swap3A_878 = arith.index_cast %scan3A_818 : i32 to index
      %swap3A_879 = arith.constant 48 : index
      %swap3A_880 = tpu.vector_load %arg6[%swap3A_877, %swap3A_878, %swap3A_879] {strides = array<i32>} : memref<4x128x64xf32, #tpu.memory_space<vmem>>, vector<1x1x16xf32>,
      %swap3A_881 = vector.shape_cast %swap3A_880 : vector<1x1x16xf32> to vector<16xf32>
      %swap3A_882 = vector.shape_cast %mul3A_875 : vector<16xf32> to vector<1x1x16xf32>
      tpu.vector_store %arg6[%swap3A_877, %swap3A_878, %swap3A_879], %swap3A_882 {strides = array<i32>} : memref<4x128x64xf32, #tpu.memory_space<vmem>>, vector<1x1x16xf32>,
    }
    %scan3A_127 = arith.constant 128 : i32
    %add3A_128 = arith.constant 1 : i32
    %add3A_129 = arith.addi %mul3A_2, %add3A_128 : i32
    %mul3A_130 = arith.constant 128 : i32
    %mul3A_131 = arith.muli %add3A_129, %mul3A_130 : i32
    %dma_start3A_132 = arith.constant 1 : i32
    %dma_start3A_133 = arith.constant 1 : i32
    %dma_start3A_134 = arith.constant 0 : i32
    %dma_start3A_135 = arith.constant 0 : i32
    %dma_start3A_136 = tpu.memref_slice %arg6[%dma_start3A_132, %dma_start3A_134, %dma_start3A_135] : memref<4x128x64xf32, #tpu.memory_space<vmem>> -> memref<1x128x64xf32, #tpu.memory_space<vmem>>
    %dma_start3A_137 = tpu.memref_squeeze %dma_start3A_136 : memref<1x128x64xf32, #tpu.memory_space<vmem>> -> memref<128x64xf32, #tpu.memory_space<vmem>>
    %dma_start3A_138 = arith.constant 0 : i32
    %dma_start3A_139 = tpu.memref_slice %arg4[%mul3A_131, %dma_start3A_138] : memref<819200x64xf32, #tpu.memory_space<hbm>> -> memref<128x64xf32, #tpu.memory_space<hbm>>
    %dma_start3A_140 = tpu.memref_slice %arg8[%dma_start3A_133] : memref<4x!tpu.dma_semaphore, #tpu.memory_space<semaphore_mem>> -> memref<1x!tpu.dma_semaphore, #tpu.memory_space<semaphore_mem>>
    %dma_start3A_141 = tpu.memref_squeeze %dma_start3A_140 : memref<1x!tpu.dma_semaphore, #tpu.memory_space<semaphore_mem>> -> memref<!tpu.dma_semaphore, #tpu.memory_space<semaphore_mem>>
    %dma_start3A_142 = arith.constant 0 : i32
    %dma_start3A_143 = tpu.memref_slice %arg4[%mul3A_131, %dma_start3A_142] : memref<819200x64xf32, #tpu.memory_space<hbm>> -> memref<128x64xf32, #tpu.memory_space<hbm>>
    %dma_start3A_144 = arith.constant 0 : i32
    %dma_start3A_145 = arith.constant 0 : i32
    %dma_start3A_146 = tpu.memref_slice %arg6[%dma_start3A_132, %dma_start3A_144, %dma_start3A_145] : memref<4x128x64xf32, #tpu.memory_space<vmem>> -> memref<1x128x64xf32, #tpu.memory_space<vmem>>
    %dma_start3A_147 = tpu.memref_squeeze %dma_start3A_146 : memref<1x128x64xf32, #tpu.memory_space<vmem>> -> memref<128x64xf32, #tpu.memory_space<vmem>>
    tpu.enqueue_dma source(%dma_start3A_147 : memref<128x64xf32, #tpu.memory_space<vmem>>) target(%dma_start3A_143 : memref<128x64xf32, #tpu.memory_space<hbm>>) target_semaphore(%dma_start3A_141 : memref<!tpu.dma_semaphore, #tpu.memory_space<semaphore_mem>>)
    %dma_wait3A_148 = arith.constant 0 : i32
    %dma_wait3A_149 = arith.constant 0 : i32
    %dma_wait3A_150 = arith.constant 0 : i32
    %dma_wait3A_151 = arith.constant 0 : i32
    %dma_wait3A_152 = tpu.memref_slice %arg6[%dma_wait3A_148, %dma_wait3A_150, %dma_wait3A_151] : memref<4x128x64xf32, #tpu.memory_space<vmem>> -> memref<1x128x64xf32, #tpu.memory_space<vmem>>
    %dma_wait3A_153 = tpu.memref_squeeze %dma_wait3A_152 : memref<1x128x64xf32, #tpu.memory_space<vmem>> -> memref<128x64xf32, #tpu.memory_space<vmem>>
    %dma_wait3A_154 = arith.constant 0 : i32
    %dma_wait3A_155 = arith.constant 0 : i32
    %dma_wait3A_156 = tpu.memref_slice %arg4[%dma_wait3A_154, %dma_wait3A_155] : memref<819200x64xf32, #tpu.memory_space<hbm>> -> memref<128x64xf32, #tpu.memory_space<hbm>>
    %dma_wait3A_157 = tpu.memref_slice %arg8[%dma_wait3A_149] : memref<4x!tpu.dma_semaphore, #tpu.memory_space<semaphore_mem>> -> memref<1x!tpu.dma_semaphore, #tpu.memory_space<semaphore_mem>>
    %dma_wait3A_158 = tpu.memref_squeeze %dma_wait3A_157 : memref<1x!tpu.dma_semaphore, #tpu.memory_space<semaphore_mem>> -> memref<!tpu.dma_semaphore, #tpu.memory_space<semaphore_mem>>
    %dma_wait3A_159 = arith.constant 0 : i32
    %dma_wait3A_160 = arith.constant 0 : i32
    %dma_wait3A_161 = tpu.memref_slice %arg4[%dma_wait3A_159, %dma_wait3A_160] : memref<819200x64xf32, #tpu.memory_space<hbm>> -> memref<128x64xf32, #tpu.memory_space<hbm>>
    %dma_wait3A_162 = arith.constant 0 : i32
    %dma_wait3A_163 = arith.constant 0 : i32
    %dma_wait3A_164 = tpu.memref_slice %arg6[%dma_wait3A_148, %dma_wait3A_162, %dma_wait3A_163] : memref<4x128x64xf32, #tpu.memory_space<vmem>> -> memref<1x128x64xf32, #tpu.memory_space<vmem>>
    %dma_wait3A_165 = tpu.memref_squeeze %dma_wait3A_164 : memref<1x128x64xf32, #tpu.memory_space<vmem>> -> memref<128x64xf32, #tpu.memory_space<vmem>>
    tpu.wait_dma2 semaphore(%dma_wait3A_158 : memref<!tpu.dma_semaphore, #tpu.memory_space<semaphore_mem>>) src(%dma_wait3A_165 : memref<128x64xf32, #tpu.memory_space<vmem>>) dst(%dma_wait3A_161 : memref<128x64xf32, #tpu.memory_space<hbm>>)
    %dma_start3A_166 = arith.constant 4 : i32
    %dma_start3A_167 = arith.constant 0 : i32
    %dma_start3A_168 = arith.constant 0 : i32
    %dma_start3A_169 = arith.constant 0 : i32
    %dma_start3A_170 = arith.constant 0 : i32
    %dma_start3A_171 = tpu.memref_slice %arg6[%dma_start3A_167, %dma_start3A_169, %dma_start3A_170] : memref<4x128x64xf32, #tpu.memory_space<vmem>> -> memref<1x128x64xf32, #tpu.memory_space<vmem>>
    %dma_start3A_172 = tpu.memref_squeeze %dma_start3A_171 : memref<1x128x64xf32, #tpu.memory_space<vmem>> -> memref<128x64xf32, #tpu.memory_space<vmem>>
    %dma_start3A_173 = arith.constant 0 : i32
    %dma_start3A_174 = tpu.memref_slice %arg5[%dma_start3A_166, %dma_start3A_173] : memref<200x128xi32, #tpu.memory_space<vmem>> -> memref<1x128xi32, #tpu.memory_space<vmem>>
    %dma_start3A_175 = tpu.memref_squeeze %dma_start3A_174 : memref<1x128xi32, #tpu.memory_space<vmem>> -> memref<128xi32, #tpu.memory_space<vmem>>
    %dma_start3A_176 = arith.constant 0 : i32
    %dma_start3A_177 = arith.constant 0 : i32
    %dma_start3A_178 = tpu.memref_slice %arg3[%dma_start3A_176, %dma_start3A_177] : memref<1000000x64xf32, #tpu.memory_space<hbm>> -> memref<1000000x64xf32, #tpu.memory_space<hbm>>
    %dma_start3A_179 = tpu.memref_slice %arg7[%dma_start3A_168] : memref<4x!tpu.dma_semaphore, #tpu.memory_space<semaphore_mem>> -> memref<1x!tpu.dma_semaphore, #tpu.memory_space<semaphore_mem>>
    %dma_start3A_180 = tpu.memref_squeeze %dma_start3A_179 : memref<1x!tpu.dma_semaphore, #tpu.memory_space<semaphore_mem>> -> memref<!tpu.dma_semaphore, #tpu.memory_space<semaphore_mem>>
    tpu.enqueue_indirect_dma source(%dma_start3A_178 : memref<1000000x64xf32, #tpu.memory_space<hbm>>) target(%dma_start3A_172 : memref<128x64xf32, #tpu.memory_space<vmem>>) offsets(%dma_start3A_175 : memref<128xi32, #tpu.memory_space<vmem>>) semaphore(%dma_start3A_180 : memref<!tpu.dma_semaphore, #tpu.memory_space<semaphore_mem>>)
    %dma_wait3A_181 = arith.constant 2 : i32
    %dma_wait3A_182 = arith.constant 2 : i32
    %dma_wait3A_183 = arith.constant 0 : i32
    %dma_wait3A_184 = arith.constant 0 : i32
    %dma_wait3A_185 = tpu.memref_slice %arg6[%dma_wait3A_181, %dma_wait3A_183, %dma_wait3A_184] : memref<4x128x64xf32, #tpu.memory_space<vmem>> -> memref<1x128x64xf32, #tpu.memory_space<vmem>>
    %dma_wait3A_186 = tpu.memref_squeeze %dma_wait3A_185 : memref<1x128x64xf32, #tpu.memory_space<vmem>> -> memref<128x64xf32, #tpu.memory_space<vmem>>
    %dma_wait3A_187 = arith.constant 0 : i32
    %dma_wait3A_188 = arith.constant 0 : i32
    %dma_wait3A_189 = tpu.memref_slice %arg4[%dma_wait3A_187, %dma_wait3A_188] : memref<819200x64xf32, #tpu.memory_space<hbm>> -> memref<128x64xf32, #tpu.memory_space<hbm>>
    %dma_wait3A_190 = tpu.memref_slice %arg7[%dma_wait3A_182] : memref<4x!tpu.dma_semaphore, #tpu.memory_space<semaphore_mem>> -> memref<1x!tpu.dma_semaphore, #tpu.memory_space<semaphore_mem>>
    %dma_wait3A_191 = tpu.memref_squeeze %dma_wait3A_190 : memref<1x!tpu.dma_semaphore, #tpu.memory_space<semaphore_mem>> -> memref<!tpu.dma_semaphore, #tpu.memory_space<semaphore_mem>>
    %dma_wait3A_192 = arith.constant 0 : i32
    %dma_wait3A_193 = arith.constant 0 : i32
    %dma_wait3A_194 = tpu.memref_slice %arg6[%dma_wait3A_181, %dma_wait3A_192, %dma_wait3A_193] : memref<4x128x64xf32, #tpu.memory_space<vmem>> -> memref<1x128x64xf32, #tpu.memory_space<vmem>>
    %dma_wait3A_195 = tpu.memref_squeeze %dma_wait3A_194 : memref<1x128x64xf32, #tpu.memory_space<vmem>> -> memref<128x64xf32, #tpu.memory_space<vmem>>
    %dma_wait3A_196 = arith.constant 0 : i32
    %dma_wait3A_197 = arith.constant 0 : i32
    %dma_wait3A_198 = tpu.memref_slice %arg4[%dma_wait3A_196, %dma_wait3A_197] : memref<819200x64xf32, #tpu.memory_space<hbm>> -> memref<128x64xf32, #tpu.memory_space<hbm>>
    tpu.wait_dma2 semaphore(%dma_wait3A_191 : memref<!tpu.dma_semaphore, #tpu.memory_space<semaphore_mem>>) src(%dma_wait3A_198 : memref<128x64xf32, #tpu.memory_space<hbm>>) dst(%dma_wait3A_195 : memref<128x64xf32, #tpu.memory_space<vmem>>)
    %scan3A_199 = arith.constant 0 : i32
    %scan3A_200 = arith.constant 0 : i32
    %scan3A_201 = arith.constant 128 : i32
    %scan3A_202 = arith.addi %scan3A_200, %scan3A_201 : i32
    %scan3A_203 = arith.constant 4 : i32
    scf.for %scan3A_622 = %scan3A_200 to %scan3A_202 step %scan3A_203  : i32 {
      %get3A = arith.constant 2 : i32
      %get3A_623 = arith.index_cast %get3A : i32 to index
      %get3A_624 = arith.index_cast %scan3A_622 : i32 to index
      %get3A_625 = arith.constant 0 : index
      %get3A_626 = tpu.vector_load %arg6[%get3A_623, %get3A_624, %get3A_625] {strides = array<i32>} : memref<4x128x64xf32, #tpu.memory_space<vmem>>, vector<1x1x16xf32>,
      %get3A_627 = vector.shape_cast %get3A_626 : vector<1x1x16xf32> to vector<16xf32>
      %mul3A_628 = arith.constant 8.000000e+00 : f32
      %mul3A_629 = vector.broadcast %mul3A_628 : f32 to vector<16xf32>
      %mul3A_630 = arith.mulf %get3A_627, %mul3A_629 : vector<16xf32>
      %swap3A = arith.constant 2 : i32
      %swap3A_631 = arith.index_cast %swap3A : i32 to index
      %swap3A_632 = arith.index_cast %scan3A_622 : i32 to index
      %swap3A_633 = arith.constant 0 : index
      %swap3A_634 = tpu.vector_load %arg6[%swap3A_631, %swap3A_632, %swap3A_633] {strides = array<i32>} : memref<4x128x64xf32, #tpu.memory_space<vmem>>, vector<1x1x16xf32>,
      %swap3A_635 = vector.shape_cast %swap3A_634 : vector<1x1x16xf32> to vector<16xf32>
      %swap3A_636 = vector.shape_cast %mul3A_630 : vector<16xf32> to vector<1x1x16xf32>
      tpu.vector_store %arg6[%swap3A_631, %swap3A_632, %swap3A_633], %swap3A_636 {strides = array<i32>} : memref<4x128x64xf32, #tpu.memory_space<vmem>>, vector<1x1x16xf32>,
      %get3A_637 = arith.constant 2 : i32
      %get3A_638 = arith.index_cast %get3A_637 : i32 to index
      %get3A_639 = arith.index_cast %scan3A_622 : i32 to index
      %get3A_640 = arith.constant 16 : index
      %get3A_641 = tpu.vector_load %arg6[%get3A_638, %get3A_639, %get3A_640] {strides = array<i32>} : memref<4x128x64xf32, #tpu.memory_space<vmem>>, vector<1x1x16xf32>,
      %get3A_642 = vector.shape_cast %get3A_641 : vector<1x1x16xf32> to vector<16xf32>
      %mul3A_643 = arith.constant 8.000000e+00 : f32
      %mul3A_644 = vector.broadcast %mul3A_643 : f32 to vector<16xf32>
      %mul3A_645 = arith.mulf %get3A_642, %mul3A_644 : vector<16xf32>
      %swap3A_646 = arith.constant 2 : i32
      %swap3A_647 = arith.index_cast %swap3A_646 : i32 to index
      %swap3A_648 = arith.index_cast %scan3A_622 : i32 to index
      %swap3A_649 = arith.constant 16 : index
      %swap3A_650 = tpu.vector_load %arg6[%swap3A_647, %swap3A_648, %swap3A_649] {strides = array<i32>} : memref<4x128x64xf32, #tpu.memory_space<vmem>>, vector<1x1x16xf32>,
      %swap3A_651 = vector.shape_cast %swap3A_650 : vector<1x1x16xf32> to vector<16xf32>
      %swap3A_652 = vector.shape_cast %mul3A_645 : vector<16xf32> to vector<1x1x16xf32>
      tpu.vector_store %arg6[%swap3A_647, %swap3A_648, %swap3A_649], %swap3A_652 {strides = array<i32>} : memref<4x128x64xf32, #tpu.memory_space<vmem>>, vector<1x1x16xf32>,
      %get3A_653 = arith.constant 2 : i32
      %get3A_654 = arith.index_cast %get3A_653 : i32 to index
      %get3A_655 = arith.index_cast %scan3A_622 : i32 to index
      %get3A_656 = arith.constant 32 : index
      %get3A_657 = tpu.vector_load %arg6[%get3A_654, %get3A_655, %get3A_656] {strides = array<i32>} : memref<4x128x64xf32, #tpu.memory_space<vmem>>, vector<1x1x16xf32>,
      %get3A_658 = vector.shape_cast %get3A_657 : vector<1x1x16xf32> to vector<16xf32>
      %mul3A_659 = arith.constant 8.000000e+00 : f32
      %mul3A_660 = vector.broadcast %mul3A_659 : f32 to vector<16xf32>
      %mul3A_661 = arith.mulf %get3A_658, %mul3A_660 : vector<16xf32>
      %swap3A_662 = arith.constant 2 : i32
      %swap3A_663 = arith.index_cast %swap3A_662 : i32 to index
      %swap3A_664 = arith.index_cast %scan3A_622 : i32 to index
      %swap3A_665 = arith.constant 32 : index
      %swap3A_666 = tpu.vector_load %arg6[%swap3A_663, %swap3A_664, %swap3A_665] {strides = array<i32>} : memref<4x128x64xf32, #tpu.memory_space<vmem>>, vector<1x1x16xf32>,
      %swap3A_667 = vector.shape_cast %swap3A_666 : vector<1x1x16xf32> to vector<16xf32>
      %swap3A_668 = vector.shape_cast %mul3A_661 : vector<16xf32> to vector<1x1x16xf32>
      tpu.vector_store %arg6[%swap3A_663, %swap3A_664, %swap3A_665], %swap3A_668 {strides = array<i32>} : memref<4x128x64xf32, #tpu.memory_space<vmem>>, vector<1x1x16xf32>,
      %get3A_669 = arith.constant 2 : i32
      %get3A_670 = arith.index_cast %get3A_669 : i32 to index
      %get3A_671 = arith.index_cast %scan3A_622 : i32 to index
      %get3A_672 = arith.constant 48 : index
      %get3A_673 = tpu.vector_load %arg6[%get3A_670, %get3A_671, %get3A_672] {strides = array<i32>} : memref<4x128x64xf32, #tpu.memory_space<vmem>>, vector<1x1x16xf32>,
      %get3A_674 = vector.shape_cast %get3A_673 : vector<1x1x16xf32> to vector<16xf32>
      %mul3A_675 = arith.constant 8.000000e+00 : f32
      %mul3A_676 = vector.broadcast %mul3A_675 : f32 to vector<16xf32>
      %mul3A_677 = arith.mulf %get3A_674, %mul3A_676 : vector<16xf32>
      %swap3A_678 = arith.constant 2 : i32
      %swap3A_679 = arith.index_cast %swap3A_678 : i32 to index
      %swap3A_680 = arith.index_cast %scan3A_622 : i32 to index
      %swap3A_681 = arith.constant 48 : index
      %swap3A_682 = tpu.vector_load %arg6[%swap3A_679, %swap3A_680, %swap3A_681] {strides = array<i32>} : memref<4x128x64xf32, #tpu.memory_space<vmem>>, vector<1x1x16xf32>,
      %swap3A_683 = vector.shape_cast %swap3A_682 : vector<1x1x16xf32> to vector<16xf32>
      %swap3A_684 = vector.shape_cast %mul3A_677 : vector<16xf32> to vector<1x1x16xf32>
      tpu.vector_store %arg6[%swap3A_679, %swap3A_680, %swap3A_681], %swap3A_684 {strides = array<i32>} : memref<4x128x64xf32, #tpu.memory_space<vmem>>, vector<1x1x16xf32>,
      %scan3A_685 = arith.constant 1 : i32
      %scan3A_686 = arith.addi %scan3A_622, %scan3A_685 : i32
      %get3A_687 = arith.constant 2 : i32
      %get3A_688 = arith.index_cast %get3A_687 : i32 to index
      %get3A_689 = arith.index_cast %scan3A_686 : i32 to index
      %get3A_690 = arith.constant 0 : index
      %get3A_691 = tpu.vector_load %arg6[%get3A_688, %get3A_689, %get3A_690] {strides = array<i32>} : memref<4x128x64xf32, #tpu.memory_space<vmem>>, vector<1x1x16xf32>,
      %get3A_692 = vector.shape_cast %get3A_691 : vector<1x1x16xf32> to vector<16xf32>
      %mul3A_693 = arith.constant 8.000000e+00 : f32
      %mul3A_694 = vector.broadcast %mul3A_693 : f32 to vector<16xf32>
      %mul3A_695 = arith.mulf %get3A_692, %mul3A_694 : vector<16xf32>
      %swap3A_696 = arith.constant 2 : i32
      %swap3A_697 = arith.index_cast %swap3A_696 : i32 to index
      %swap3A_698 = arith.index_cast %scan3A_686 : i32 to index
      %swap3A_699 = arith.constant 0 : index
      %swap3A_700 = tpu.vector_load %arg6[%swap3A_697, %swap3A_698, %swap3A_699] {strides = array<i32>} : memref<4x128x64xf32, #tpu.memory_space<vmem>>, vector<1x1x16xf32>,
      %swap3A_701 = vector.shape_cast %swap3A_700 : vector<1x1x16xf32> to vector<16xf32>
      %swap3A_702 = vector.shape_cast %mul3A_695 : vector<16xf32> to vector<1x1x16xf32>
      tpu.vector_store %arg6[%swap3A_697, %swap3A_698, %swap3A_699], %swap3A_702 {strides = array<i32>} : memref<4x128x64xf32, #tpu.memory_space<vmem>>, vector<1x1x16xf32>,
      %get3A_703 = arith.constant 2 : i32
      %get3A_704 = arith.index_cast %get3A_703 : i32 to index
      %get3A_705 = arith.index_cast %scan3A_686 : i32 to index
      %get3A_706 = arith.constant 16 : index
      %get3A_707 = tpu.vector_load %arg6[%get3A_704, %get3A_705, %get3A_706] {strides = array<i32>} : memref<4x128x64xf32, #tpu.memory_space<vmem>>, vector<1x1x16xf32>,
      %get3A_708 = vector.shape_cast %get3A_707 : vector<1x1x16xf32> to vector<16xf32>
      %mul3A_709 = arith.constant 8.000000e+00 : f32
      %mul3A_710 = vector.broadcast %mul3A_709 : f32 to vector<16xf32>
      %mul3A_711 = arith.mulf %get3A_708, %mul3A_710 : vector<16xf32>
      %swap3A_712 = arith.constant 2 : i32
      %swap3A_713 = arith.index_cast %swap3A_712 : i32 to index
      %swap3A_714 = arith.index_cast %scan3A_686 : i32 to index
      %swap3A_715 = arith.constant 16 : index
      %swap3A_716 = tpu.vector_load %arg6[%swap3A_713, %swap3A_714, %swap3A_715] {strides = array<i32>} : memref<4x128x64xf32, #tpu.memory_space<vmem>>, vector<1x1x16xf32>,
      %swap3A_717 = vector.shape_cast %swap3A_716 : vector<1x1x16xf32> to vector<16xf32>
      %swap3A_718 = vector.shape_cast %mul3A_711 : vector<16xf32> to vector<1x1x16xf32>
      tpu.vector_store %arg6[%swap3A_713, %swap3A_714, %swap3A_715], %swap3A_718 {strides = array<i32>} : memref<4x128x64xf32, #tpu.memory_space<vmem>>, vector<1x1x16xf32>,
      %get3A_719 = arith.constant 2 : i32
      %get3A_720 = arith.index_cast %get3A_719 : i32 to index
      %get3A_721 = arith.index_cast %scan3A_686 : i32 to index
      %get3A_722 = arith.constant 32 : index
      %get3A_723 = tpu.vector_load %arg6[%get3A_720, %get3A_721, %get3A_722] {strides = array<i32>} : memref<4x128x64xf32, #tpu.memory_space<vmem>>, vector<1x1x16xf32>,
      %get3A_724 = vector.shape_cast %get3A_723 : vector<1x1x16xf32> to vector<16xf32>
      %mul3A_725 = arith.constant 8.000000e+00 : f32
      %mul3A_726 = vector.broadcast %mul3A_725 : f32 to vector<16xf32>
      %mul3A_727 = arith.mulf %get3A_724, %mul3A_726 : vector<16xf32>
      %swap3A_728 = arith.constant 2 : i32
      %swap3A_729 = arith.index_cast %swap3A_728 : i32 to index
      %swap3A_730 = arith.index_cast %scan3A_686 : i32 to index
      %swap3A_731 = arith.constant 32 : index
      %swap3A_732 = tpu.vector_load %arg6[%swap3A_729, %swap3A_730, %swap3A_731] {strides = array<i32>} : memref<4x128x64xf32, #tpu.memory_space<vmem>>, vector<1x1x16xf32>,
      %swap3A_733 = vector.shape_cast %swap3A_732 : vector<1x1x16xf32> to vector<16xf32>
      %swap3A_734 = vector.shape_cast %mul3A_727 : vector<16xf32> to vector<1x1x16xf32>
      tpu.vector_store %arg6[%swap3A_729, %swap3A_730, %swap3A_731], %swap3A_734 {strides = array<i32>} : memref<4x128x64xf32, #tpu.memory_space<vmem>>, vector<1x1x16xf32>,
      %get3A_735 = arith.constant 2 : i32
      %get3A_736 = arith.index_cast %get3A_735 : i32 to index
      %get3A_737 = arith.index_cast %scan3A_686 : i32 to index
      %get3A_738 = arith.constant 48 : index
      %get3A_739 = tpu.vector_load %arg6[%get3A_736, %get3A_737, %get3A_738] {strides = array<i32>} : memref<4x128x64xf32, #tpu.memory_space<vmem>>, vector<1x1x16xf32>,
      %get3A_740 = vector.shape_cast %get3A_739 : vector<1x1x16xf32> to vector<16xf32>
      %mul3A_741 = arith.constant 8.000000e+00 : f32
      %mul3A_742 = vector.broadcast %mul3A_741 : f32 to vector<16xf32>
      %mul3A_743 = arith.mulf %get3A_740, %mul3A_742 : vector<16xf32>
      %swap3A_744 = arith.constant 2 : i32
      %swap3A_745 = arith.index_cast %swap3A_744 : i32 to index
      %swap3A_746 = arith.index_cast %scan3A_686 : i32 to index
      %swap3A_747 = arith.constant 48 : index
      %swap3A_748 = tpu.vector_load %arg6[%swap3A_745, %swap3A_746, %swap3A_747] {strides = array<i32>} : memref<4x128x64xf32, #tpu.memory_space<vmem>>, vector<1x1x16xf32>,
      %swap3A_749 = vector.shape_cast %swap3A_748 : vector<1x1x16xf32> to vector<16xf32>
      %swap3A_750 = vector.shape_cast %mul3A_743 : vector<16xf32> to vector<1x1x16xf32>
      tpu.vector_store %arg6[%swap3A_745, %swap3A_746, %swap3A_747], %swap3A_750 {strides = array<i32>} : memref<4x128x64xf32, #tpu.memory_space<vmem>>, vector<1x1x16xf32>,
      %scan3A_751 = arith.constant 2 : i32
      %scan3A_752 = arith.addi %scan3A_622, %scan3A_751 : i32
      %get3A_753 = arith.constant 2 : i32
      %get3A_754 = arith.index_cast %get3A_753 : i32 to index
      %get3A_755 = arith.index_cast %scan3A_752 : i32 to index
      %get3A_756 = arith.constant 0 : index
      %get3A_757 = tpu.vector_load %arg6[%get3A_754, %get3A_755, %get3A_756] {strides = array<i32>} : memref<4x128x64xf32, #tpu.memory_space<vmem>>, vector<1x1x16xf32>,
      %get3A_758 = vector.shape_cast %get3A_757 : vector<1x1x16xf32> to vector<16xf32>
      %mul3A_759 = arith.constant 8.000000e+00 : f32
      %mul3A_760 = vector.broadcast %mul3A_759 : f32 to vector<16xf32>
      %mul3A_761 = arith.mulf %get3A_758, %mul3A_760 : vector<16xf32>
      %swap3A_762 = arith.constant 2 : i32
      %swap3A_763 = arith.index_cast %swap3A_762 : i32 to index
      %swap3A_764 = arith.index_cast %scan3A_752 : i32 to index
      %swap3A_765 = arith.constant 0 : index
      %swap3A_766 = tpu.vector_load %arg6[%swap3A_763, %swap3A_764, %swap3A_765] {strides = array<i32>} : memref<4x128x64xf32, #tpu.memory_space<vmem>>, vector<1x1x16xf32>,
      %swap3A_767 = vector.shape_cast %swap3A_766 : vector<1x1x16xf32> to vector<16xf32>
      %swap3A_768 = vector.shape_cast %mul3A_761 : vector<16xf32> to vector<1x1x16xf32>
      tpu.vector_store %arg6[%swap3A_763, %swap3A_764, %swap3A_765], %swap3A_768 {strides = array<i32>} : memref<4x128x64xf32, #tpu.memory_space<vmem>>, vector<1x1x16xf32>,
      %get3A_769 = arith.constant 2 : i32
      %get3A_770 = arith.index_cast %get3A_769 : i32 to index
      %get3A_771 = arith.index_cast %scan3A_752 : i32 to index
      %get3A_772 = arith.constant 16 : index
      %get3A_773 = tpu.vector_load %arg6[%get3A_770, %get3A_771, %get3A_772] {strides = array<i32>} : memref<4x128x64xf32, #tpu.memory_space<vmem>>, vector<1x1x16xf32>,
      %get3A_774 = vector.shape_cast %get3A_773 : vector<1x1x16xf32> to vector<16xf32>
      %mul3A_775 = arith.constant 8.000000e+00 : f32
      %mul3A_776 = vector.broadcast %mul3A_775 : f32 to vector<16xf32>
      %mul3A_777 = arith.mulf %get3A_774, %mul3A_776 : vector<16xf32>
      %swap3A_778 = arith.constant 2 : i32
      %swap3A_779 = arith.index_cast %swap3A_778 : i32 to index
      %swap3A_780 = arith.index_cast %scan3A_752 : i32 to index
      %swap3A_781 = arith.constant 16 : index
      %swap3A_782 = tpu.vector_load %arg6[%swap3A_779, %swap3A_780, %swap3A_781] {strides = array<i32>} : memref<4x128x64xf32, #tpu.memory_space<vmem>>, vector<1x1x16xf32>,
      %swap3A_783 = vector.shape_cast %swap3A_782 : vector<1x1x16xf32> to vector<16xf32>
      %swap3A_784 = vector.shape_cast %mul3A_777 : vector<16xf32> to vector<1x1x16xf32>
      tpu.vector_store %arg6[%swap3A_779, %swap3A_780, %swap3A_781], %swap3A_784 {strides = array<i32>} : memref<4x128x64xf32, #tpu.memory_space<vmem>>, vector<1x1x16xf32>,
      %get3A_785 = arith.constant 2 : i32
      %get3A_786 = arith.index_cast %get3A_785 : i32 to index
      %get3A_787 = arith.index_cast %scan3A_752 : i32 to index
      %get3A_788 = arith.constant 32 : index
      %get3A_789 = tpu.vector_load %arg6[%get3A_786, %get3A_787, %get3A_788] {strides = array<i32>} : memref<4x128x64xf32, #tpu.memory_space<vmem>>, vector<1x1x16xf32>,
      %get3A_790 = vector.shape_cast %get3A_789 : vector<1x1x16xf32> to vector<16xf32>
      %mul3A_791 = arith.constant 8.000000e+00 : f32
      %mul3A_792 = vector.broadcast %mul3A_791 : f32 to vector<16xf32>
      %mul3A_793 = arith.mulf %get3A_790, %mul3A_792 : vector<16xf32>
      %swap3A_794 = arith.constant 2 : i32
      %swap3A_795 = arith.index_cast %swap3A_794 : i32 to index
      %swap3A_796 = arith.index_cast %scan3A_752 : i32 to index
      %swap3A_797 = arith.constant 32 : index
      %swap3A_798 = tpu.vector_load %arg6[%swap3A_795, %swap3A_796, %swap3A_797] {strides = array<i32>} : memref<4x128x64xf32, #tpu.memory_space<vmem>>, vector<1x1x16xf32>,
      %swap3A_799 = vector.shape_cast %swap3A_798 : vector<1x1x16xf32> to vector<16xf32>
      %swap3A_800 = vector.shape_cast %mul3A_793 : vector<16xf32> to vector<1x1x16xf32>
      tpu.vector_store %arg6[%swap3A_795, %swap3A_796, %swap3A_797], %swap3A_800 {strides = array<i32>} : memref<4x128x64xf32, #tpu.memory_space<vmem>>, vector<1x1x16xf32>,
      %get3A_801 = arith.constant 2 : i32
      %get3A_802 = arith.index_cast %get3A_801 : i32 to index
      %get3A_803 = arith.index_cast %scan3A_752 : i32 to index
      %get3A_804 = arith.constant 48 : index
      %get3A_805 = tpu.vector_load %arg6[%get3A_802, %get3A_803, %get3A_804] {strides = array<i32>} : memref<4x128x64xf32, #tpu.memory_space<vmem>>, vector<1x1x16xf32>,
      %get3A_806 = vector.shape_cast %get3A_805 : vector<1x1x16xf32> to vector<16xf32>
      %mul3A_807 = arith.constant 8.000000e+00 : f32
      %mul3A_808 = vector.broadcast %mul3A_807 : f32 to vector<16xf32>
      %mul3A_809 = arith.mulf %get3A_806, %mul3A_808 : vector<16xf32>
      %swap3A_810 = arith.constant 2 : i32
      %swap3A_811 = arith.index_cast %swap3A_810 : i32 to index
      %swap3A_812 = arith.index_cast %scan3A_752 : i32 to index
      %swap3A_813 = arith.constant 48 : index
      %swap3A_814 = tpu.vector_load %arg6[%swap3A_811, %swap3A_812, %swap3A_813] {strides = array<i32>} : memref<4x128x64xf32, #tpu.memory_space<vmem>>, vector<1x1x16xf32>,
      %swap3A_815 = vector.shape_cast %swap3A_814 : vector<1x1x16xf32> to vector<16xf32>
      %swap3A_816 = vector.shape_cast %mul3A_809 : vector<16xf32> to vector<1x1x16xf32>
      tpu.vector_store %arg6[%swap3A_811, %swap3A_812, %swap3A_813], %swap3A_816 {strides = array<i32>} : memref<4x128x64xf32, #tpu.memory_space<vmem>>, vector<1x1x16xf32>,
      %scan3A_817 = arith.constant 3 : i32
      %scan3A_818 = arith.addi %scan3A_622, %scan3A_817 : i32
      %get3A_819 = arith.constant 2 : i32
      %get3A_820 = arith.index_cast %get3A_819 : i32 to index
      %get3A_821 = arith.index_cast %scan3A_818 : i32 to index
      %get3A_822 = arith.constant 0 : index
      %get3A_823 = tpu.vector_load %arg6[%get3A_820, %get3A_821, %get3A_822] {strides = array<i32>} : memref<4x128x64xf32, #tpu.memory_space<vmem>>, vector<1x1x16xf32>,
      %get3A_824 = vector.shape_cast %get3A_823 : vector<1x1x16xf32> to vector<16xf32>
      %mul3A_825 = arith.constant 8.000000e+00 : f32
      %mul3A_826 = vector.broadcast %mul3A_825 : f32 to vector<16xf32>
      %mul3A_827 = arith.mulf %get3A_824, %mul3A_826 : vector<16xf32>
      %swap3A_828 = arith.constant 2 : i32
      %swap3A_829 = arith.index_cast %swap3A_828 : i32 to index
      %swap3A_830 = arith.index_cast %scan3A_818 : i32 to index
      %swap3A_831 = arith.constant 0 : index
      %swap3A_832 = tpu.vector_load %arg6[%swap3A_829, %swap3A_830, %swap3A_831] {strides = array<i32>} : memref<4x128x64xf32, #tpu.memory_space<vmem>>, vector<1x1x16xf32>,
      %swap3A_833 = vector.shape_cast %swap3A_832 : vector<1x1x16xf32> to vector<16xf32>
      %swap3A_834 = vector.shape_cast %mul3A_827 : vector<16xf32> to vector<1x1x16xf32>
      tpu.vector_store %arg6[%swap3A_829, %swap3A_830, %swap3A_831], %swap3A_834 {strides = array<i32>} : memref<4x128x64xf32, #tpu.memory_space<vmem>>, vector<1x1x16xf32>,
      %get3A_835 = arith.constant 2 : i32
      %get3A_836 = arith.index_cast %get3A_835 : i32 to index
      %get3A_837 = arith.index_cast %scan3A_818 : i32 to index
      %get3A_838 = arith.constant 16 : index
      %get3A_839 = tpu.vector_load %arg6[%get3A_836, %get3A_837, %get3A_838] {strides = array<i32>} : memref<4x128x64xf32, #tpu.memory_space<vmem>>, vector<1x1x16xf32>,
      %get3A_840 = vector.shape_cast %get3A_839 : vector<1x1x16xf32> to vector<16xf32>
      %mul3A_841 = arith.constant 8.000000e+00 : f32
      %mul3A_842 = vector.broadcast %mul3A_841 : f32 to vector<16xf32>
      %mul3A_843 = arith.mulf %get3A_840, %mul3A_842 : vector<16xf32>
      %swap3A_844 = arith.constant 2 : i32
      %swap3A_845 = arith.index_cast %swap3A_844 : i32 to index
      %swap3A_846 = arith.index_cast %scan3A_818 : i32 to index
      %swap3A_847 = arith.constant 16 : index
      %swap3A_848 = tpu.vector_load %arg6[%swap3A_845, %swap3A_846, %swap3A_847] {strides = array<i32>} : memref<4x128x64xf32, #tpu.memory_space<vmem>>, vector<1x1x16xf32>,
      %swap3A_849 = vector.shape_cast %swap3A_848 : vector<1x1x16xf32> to vector<16xf32>
      %swap3A_850 = vector.shape_cast %mul3A_843 : vector<16xf32> to vector<1x1x16xf32>
      tpu.vector_store %arg6[%swap3A_845, %swap3A_846, %swap3A_847], %swap3A_850 {strides = array<i32>} : memref<4x128x64xf32, #tpu.memory_space<vmem>>, vector<1x1x16xf32>,
      %get3A_851 = arith.constant 2 : i32
      %get3A_852 = arith.index_cast %get3A_851 : i32 to index
      %get3A_853 = arith.index_cast %scan3A_818 : i32 to index
      %get3A_854 = arith.constant 32 : index
      %get3A_855 = tpu.vector_load %arg6[%get3A_852, %get3A_853, %get3A_854] {strides = array<i32>} : memref<4x128x64xf32, #tpu.memory_space<vmem>>, vector<1x1x16xf32>,
      %get3A_856 = vector.shape_cast %get3A_855 : vector<1x1x16xf32> to vector<16xf32>
      %mul3A_857 = arith.constant 8.000000e+00 : f32
      %mul3A_858 = vector.broadcast %mul3A_857 : f32 to vector<16xf32>
      %mul3A_859 = arith.mulf %get3A_856, %mul3A_858 : vector<16xf32>
      %swap3A_860 = arith.constant 2 : i32
      %swap3A_861 = arith.index_cast %swap3A_860 : i32 to index
      %swap3A_862 = arith.index_cast %scan3A_818 : i32 to index
      %swap3A_863 = arith.constant 32 : index
      %swap3A_864 = tpu.vector_load %arg6[%swap3A_861, %swap3A_862, %swap3A_863] {strides = array<i32>} : memref<4x128x64xf32, #tpu.memory_space<vmem>>, vector<1x1x16xf32>,
      %swap3A_865 = vector.shape_cast %swap3A_864 : vector<1x1x16xf32> to vector<16xf32>
      %swap3A_866 = vector.shape_cast %mul3A_859 : vector<16xf32> to vector<1x1x16xf32>
      tpu.vector_store %arg6[%swap3A_861, %swap3A_862, %swap3A_863], %swap3A_866 {strides = array<i32>} : memref<4x128x64xf32, #tpu.memory_space<vmem>>, vector<1x1x16xf32>,
      %get3A_867 = arith.constant 2 : i32
      %get3A_868 = arith.index_cast %get3A_867 : i32 to index
      %get3A_869 = arith.index_cast %scan3A_818 : i32 to index
      %get3A_870 = arith.constant 48 : index
      %get3A_871 = tpu.vector_load %arg6[%get3A_868, %get3A_869, %get3A_870] {strides = array<i32>} : memref<4x128x64xf32, #tpu.memory_space<vmem>>, vector<1x1x16xf32>,
      %get3A_872 = vector.shape_cast %get3A_871 : vector<1x1x16xf32> to vector<16xf32>
      %mul3A_873 = arith.constant 8.000000e+00 : f32
      %mul3A_874 = vector.broadcast %mul3A_873 : f32 to vector<16xf32>
      %mul3A_875 = arith.mulf %get3A_872, %mul3A_874 : vector<16xf32>
      %swap3A_876 = arith.constant 2 : i32
      %swap3A_877 = arith.index_cast %swap3A_876 : i32 to index
      %swap3A_878 = arith.index_cast %scan3A_818 : i32 to index
      %swap3A_879 = arith.constant 48 : index
      %swap3A_880 = tpu.vector_load %arg6[%swap3A_877, %swap3A_878, %swap3A_879] {strides = array<i32>} : memref<4x128x64xf32, #tpu.memory_space<vmem>>, vector<1x1x16xf32>,
      %swap3A_881 = vector.shape_cast %swap3A_880 : vector<1x1x16xf32> to vector<16xf32>
      %swap3A_882 = vector.shape_cast %mul3A_875 : vector<16xf32> to vector<1x1x16xf32>
      tpu.vector_store %arg6[%swap3A_877, %swap3A_878, %swap3A_879], %swap3A_882 {strides = array<i32>} : memref<4x128x64xf32, #tpu.memory_space<vmem>>, vector<1x1x16xf32>,
    }
    %scan3A_204 = arith.constant 128 : i32
    %add3A_205 = arith.constant 2 : i32
    %add3A_206 = arith.addi %mul3A_2, %add3A_205 : i32
    %mul3A_207 = arith.constant 128 : i32
    %mul3A_208 = arith.muli %add3A_206, %mul3A_207 : i32
    %dma_start3A_209 = arith.constant 2 : i32
    %dma_start3A_210 = arith.constant 2 : i32
    %dma_start3A_211 = arith.constant 0 : i32
    %dma_start3A_212 = arith.constant 0 : i32
    %dma_start3A_213 = tpu.memref_slice %arg6[%dma_start3A_209, %dma_start3A_211, %dma_start3A_212] : memref<4x128x64xf32, #tpu.memory_space<vmem>> -> memref<1x128x64xf32, #tpu.memory_space<vmem>>
    %dma_start3A_214 = tpu.memref_squeeze %dma_start3A_213 : memref<1x128x64xf32, #tpu.memory_space<vmem>> -> memref<128x64xf32, #tpu.memory_space<vmem>>
    %dma_start3A_215 = arith.constant 0 : i32
    %dma_start3A_216 = tpu.memref_slice %arg4[%mul3A_208, %dma_start3A_215] : memref<819200x64xf32, #tpu.memory_space<hbm>> -> memref<128x64xf32, #tpu.memory_space<hbm>>
    %dma_start3A_217 = tpu.memref_slice %arg8[%dma_start3A_210] : memref<4x!tpu.dma_semaphore, #tpu.memory_space<semaphore_mem>> -> memref<1x!tpu.dma_semaphore, #tpu.memory_space<semaphore_mem>>
    %dma_start3A_218 = tpu.memref_squeeze %dma_start3A_217 : memref<1x!tpu.dma_semaphore, #tpu.memory_space<semaphore_mem>> -> memref<!tpu.dma_semaphore, #tpu.memory_space<semaphore_mem>>
    %dma_start3A_219 = arith.constant 0 : i32
    %dma_start3A_220 = tpu.memref_slice %arg4[%mul3A_208, %dma_start3A_219] : memref<819200x64xf32, #tpu.memory_space<hbm>> -> memref<128x64xf32, #tpu.memory_space<hbm>>
    %dma_start3A_221 = arith.constant 0 : i32
    %dma_start3A_222 = arith.constant 0 : i32
    %dma_start3A_223 = tpu.memref_slice %arg6[%dma_start3A_209, %dma_start3A_221, %dma_start3A_222] : memref<4x128x64xf32, #tpu.memory_space<vmem>> -> memref<1x128x64xf32, #tpu.memory_space<vmem>>
    %dma_start3A_224 = tpu.memref_squeeze %dma_start3A_223 : memref<1x128x64xf32, #tpu.memory_space<vmem>> -> memref<128x64xf32, #tpu.memory_space<vmem>>
    tpu.enqueue_dma source(%dma_start3A_224 : memref<128x64xf32, #tpu.memory_space<vmem>>) target(%dma_start3A_220 : memref<128x64xf32, #tpu.memory_space<hbm>>) target_semaphore(%dma_start3A_218 : memref<!tpu.dma_semaphore, #tpu.memory_space<semaphore_mem>>)
    %dma_wait3A_225 = arith.constant 1 : i32
    %dma_wait3A_226 = arith.constant 1 : i32
    %dma_wait3A_227 = arith.constant 0 : i32
    %dma_wait3A_228 = arith.constant 0 : i32
    %dma_wait3A_229 = tpu.memref_slice %arg6[%dma_wait3A_225, %dma_wait3A_227, %dma_wait3A_228] : memref<4x128x64xf32, #tpu.memory_space<vmem>> -> memref<1x128x64xf32, #tpu.memory_space<vmem>>
    %dma_wait3A_230 = tpu.memref_squeeze %dma_wait3A_229 : memref<1x128x64xf32, #tpu.memory_space<vmem>> -> memref<128x64xf32, #tpu.memory_space<vmem>>
    %dma_wait3A_231 = arith.constant 0 : i32
    %dma_wait3A_232 = arith.constant 0 : i32
    %dma_wait3A_233 = tpu.memref_slice %arg4[%dma_wait3A_231, %dma_wait3A_232] : memref<819200x64xf32, #tpu.memory_space<hbm>> -> memref<128x64xf32, #tpu.memory_space<hbm>>
    %dma_wait3A_234 = tpu.memref_slice %arg8[%dma_wait3A_226] : memref<4x!tpu.dma_semaphore, #tpu.memory_space<semaphore_mem>> -> memref<1x!tpu.dma_semaphore, #tpu.memory_space<semaphore_mem>>
    %dma_wait3A_235 = tpu.memref_squeeze %dma_wait3A_234 : memref<1x!tpu.dma_semaphore, #tpu.memory_space<semaphore_mem>> -> memref<!tpu.dma_semaphore, #tpu.memory_space<semaphore_mem>>
    %dma_wait3A_236 = arith.constant 0 : i32
    %dma_wait3A_237 = arith.constant 0 : i32
    %dma_wait3A_238 = tpu.memref_slice %arg4[%dma_wait3A_236, %dma_wait3A_237] : memref<819200x64xf32, #tpu.memory_space<hbm>> -> memref<128x64xf32, #tpu.memory_space<hbm>>
    %dma_wait3A_239 = arith.constant 0 : i32
    %dma_wait3A_240 = arith.constant 0 : i32
    %dma_wait3A_241 = tpu.memref_slice %arg6[%dma_wait3A_225, %dma_wait3A_239, %dma_wait3A_240] : memref<4x128x64xf32, #tpu.memory_space<vmem>> -> memref<1x128x64xf32, #tpu.memory_space<vmem>>
    %dma_wait3A_242 = tpu.memref_squeeze %dma_wait3A_241 : memref<1x128x64xf32, #tpu.memory_space<vmem>> -> memref<128x64xf32, #tpu.memory_space<vmem>>
    tpu.wait_dma2 semaphore(%dma_wait3A_235 : memref<!tpu.dma_semaphore, #tpu.memory_space<semaphore_mem>>) src(%dma_wait3A_242 : memref<128x64xf32, #tpu.memory_space<vmem>>) dst(%dma_wait3A_238 : memref<128x64xf32, #tpu.memory_space<hbm>>)
    %dma_start3A_243 = arith.constant 5 : i32
    %dma_start3A_244 = arith.constant 1 : i32
    %dma_start3A_245 = arith.constant 1 : i32
    %dma_start3A_246 = arith.constant 0 : i32
    %dma_start3A_247 = arith.constant 0 : i32
    %dma_start3A_248 = tpu.memref_slice %arg6[%dma_start3A_244, %dma_start3A_246, %dma_start3A_247] : memref<4x128x64xf32, #tpu.memory_space<vmem>> -> memref<1x128x64xf32, #tpu.memory_space<vmem>>
    %dma_start3A_249 = tpu.memref_squeeze %dma_start3A_248 : memref<1x128x64xf32, #tpu.memory_space<vmem>> -> memref<128x64xf32, #tpu.memory_space<vmem>>
    %dma_start3A_250 = arith.constant 0 : i32
    %dma_start3A_251 = tpu.memref_slice %arg5[%dma_start3A_243, %dma_start3A_250] : memref<200x128xi32, #tpu.memory_space<vmem>> -> memref<1x128xi32, #tpu.memory_space<vmem>>
    %dma_start3A_252 = tpu.memref_squeeze %dma_start3A_251 : memref<1x128xi32, #tpu.memory_space<vmem>> -> memref<128xi32, #tpu.memory_space<vmem>>
    %dma_start3A_253 = arith.constant 0 : i32
    %dma_start3A_254 = arith.constant 0 : i32
    %dma_start3A_255 = tpu.memref_slice %arg3[%dma_start3A_253, %dma_start3A_254] : memref<1000000x64xf32, #tpu.memory_space<hbm>> -> memref<1000000x64xf32, #tpu.memory_space<hbm>>
    %dma_start3A_256 = tpu.memref_slice %arg7[%dma_start3A_245] : memref<4x!tpu.dma_semaphore, #tpu.memory_space<semaphore_mem>> -> memref<1x!tpu.dma_semaphore, #tpu.memory_space<semaphore_mem>>
    %dma_start3A_257 = tpu.memref_squeeze %dma_start3A_256 : memref<1x!tpu.dma_semaphore, #tpu.memory_space<semaphore_mem>> -> memref<!tpu.dma_semaphore, #tpu.memory_space<semaphore_mem>>
    tpu.enqueue_indirect_dma source(%dma_start3A_255 : memref<1000000x64xf32, #tpu.memory_space<hbm>>) target(%dma_start3A_249 : memref<128x64xf32, #tpu.memory_space<vmem>>) offsets(%dma_start3A_252 : memref<128xi32, #tpu.memory_space<vmem>>) semaphore(%dma_start3A_257 : memref<!tpu.dma_semaphore, #tpu.memory_space<semaphore_mem>>)
    %dma_wait3A_258 = arith.constant 3 : i32
    %dma_wait3A_259 = arith.constant 3 : i32
    %dma_wait3A_260 = arith.constant 0 : i32
    %dma_wait3A_261 = arith.constant 0 : i32
    %dma_wait3A_262 = tpu.memref_slice %arg6[%dma_wait3A_258, %dma_wait3A_260, %dma_wait3A_261] : memref<4x128x64xf32, #tpu.memory_space<vmem>> -> memref<1x128x64xf32, #tpu.memory_space<vmem>>
    %dma_wait3A_263 = tpu.memref_squeeze %dma_wait3A_262 : memref<1x128x64xf32, #tpu.memory_space<vmem>> -> memref<128x64xf32, #tpu.memory_space<vmem>>
    %dma_wait3A_264 = arith.constant 0 : i32
    %dma_wait3A_265 = arith.constant 0 : i32
    %dma_wait3A_266 = tpu.memref_slice %arg4[%dma_wait3A_264, %dma_wait3A_265] : memref<819200x64xf32, #tpu.memory_space<hbm>> -> memref<128x64xf32, #tpu.memory_space<hbm>>
    %dma_wait3A_267 = tpu.memref_slice %arg7[%dma_wait3A_259] : memref<4x!tpu.dma_semaphore, #tpu.memory_space<semaphore_mem>> -> memref<1x!tpu.dma_semaphore, #tpu.memory_space<semaphore_mem>>
    %dma_wait3A_268 = tpu.memref_squeeze %dma_wait3A_267 : memref<1x!tpu.dma_semaphore, #tpu.memory_space<semaphore_mem>> -> memref<!tpu.dma_semaphore, #tpu.memory_space<semaphore_mem>>
    %dma_wait3A_269 = arith.constant 0 : i32
    %dma_wait3A_270 = arith.constant 0 : i32
    %dma_wait3A_271 = tpu.memref_slice %arg6[%dma_wait3A_258, %dma_wait3A_269, %dma_wait3A_270] : memref<4x128x64xf32, #tpu.memory_space<vmem>> -> memref<1x128x64xf32, #tpu.memory_space<vmem>>
    %dma_wait3A_272 = tpu.memref_squeeze %dma_wait3A_271 : memref<1x128x64xf32, #tpu.memory_space<vmem>> -> memref<128x64xf32, #tpu.memory_space<vmem>>
    %dma_wait3A_273 = arith.constant 0 : i32
    %dma_wait3A_274 = arith.constant 0 : i32
    %dma_wait3A_275 = tpu.memref_slice %arg4[%dma_wait3A_273, %dma_wait3A_274] : memref<819200x64xf32, #tpu.memory_space<hbm>> -> memref<128x64xf32, #tpu.memory_space<hbm>>
    tpu.wait_dma2 semaphore(%dma_wait3A_268 : memref<!tpu.dma_semaphore, #tpu.memory_space<semaphore_mem>>) src(%dma_wait3A_275 : memref<128x64xf32, #tpu.memory_space<hbm>>) dst(%dma_wait3A_272 : memref<128x64xf32, #tpu.memory_space<vmem>>)
    %scan3A_276 = arith.constant 0 : i32
    %scan3A_277 = arith.constant 0 : i32
    %scan3A_278 = arith.constant 128 : i32
    %scan3A_279 = arith.addi %scan3A_277, %scan3A_278 : i32
    %scan3A_280 = arith.constant 4 : i32
    scf.for %scan3A_622 = %scan3A_277 to %scan3A_279 step %scan3A_280  : i32 {
      %get3A = arith.constant 3 : i32
      %get3A_623 = arith.index_cast %get3A : i32 to index
      %get3A_624 = arith.index_cast %scan3A_622 : i32 to index
      %get3A_625 = arith.constant 0 : index
      %get3A_626 = tpu.vector_load %arg6[%get3A_623, %get3A_624, %get3A_625] {strides = array<i32>} : memref<4x128x64xf32, #tpu.memory_space<vmem>>, vector<1x1x16xf32>,
      %get3A_627 = vector.shape_cast %get3A_626 : vector<1x1x16xf32> to vector<16xf32>
      %mul3A_628 = arith.constant 8.000000e+00 : f32
      %mul3A_629 = vector.broadcast %mul3A_628 : f32 to vector<16xf32>
      %mul3A_630 = arith.mulf %get3A_627, %mul3A_629 : vector<16xf32>
      %swap3A = arith.constant 3 : i32
      %swap3A_631 = arith.index_cast %swap3A : i32 to index
      %swap3A_632 = arith.index_cast %scan3A_622 : i32 to index
      %swap3A_633 = arith.constant 0 : index
      %swap3A_634 = tpu.vector_load %arg6[%swap3A_631, %swap3A_632, %swap3A_633] {strides = array<i32>} : memref<4x128x64xf32, #tpu.memory_space<vmem>>, vector<1x1x16xf32>,
      %swap3A_635 = vector.shape_cast %swap3A_634 : vector<1x1x16xf32> to vector<16xf32>
      %swap3A_636 = vector.shape_cast %mul3A_630 : vector<16xf32> to vector<1x1x16xf32>
      tpu.vector_store %arg6[%swap3A_631, %swap3A_632, %swap3A_633], %swap3A_636 {strides = array<i32>} : memref<4x128x64xf32, #tpu.memory_space<vmem>>, vector<1x1x16xf32>,
      %get3A_637 = arith.constant 3 : i32
      %get3A_638 = arith.index_cast %get3A_637 : i32 to index
      %get3A_639 = arith.index_cast %scan3A_622 : i32 to index
      %get3A_640 = arith.constant 16 : index
      %get3A_641 = tpu.vector_load %arg6[%get3A_638, %get3A_639, %get3A_640] {strides = array<i32>} : memref<4x128x64xf32, #tpu.memory_space<vmem>>, vector<1x1x16xf32>,
      %get3A_642 = vector.shape_cast %get3A_641 : vector<1x1x16xf32> to vector<16xf32>
      %mul3A_643 = arith.constant 8.000000e+00 : f32
      %mul3A_644 = vector.broadcast %mul3A_643 : f32 to vector<16xf32>
      %mul3A_645 = arith.mulf %get3A_642, %mul3A_644 : vector<16xf32>
      %swap3A_646 = arith.constant 3 : i32
      %swap3A_647 = arith.index_cast %swap3A_646 : i32 to index
      %swap3A_648 = arith.index_cast %scan3A_622 : i32 to index
      %swap3A_649 = arith.constant 16 : index
      %swap3A_650 = tpu.vector_load %arg6[%swap3A_647, %swap3A_648, %swap3A_649] {strides = array<i32>} : memref<4x128x64xf32, #tpu.memory_space<vmem>>, vector<1x1x16xf32>,
      %swap3A_651 = vector.shape_cast %swap3A_650 : vector<1x1x16xf32> to vector<16xf32>
      %swap3A_652 = vector.shape_cast %mul3A_645 : vector<16xf32> to vector<1x1x16xf32>
      tpu.vector_store %arg6[%swap3A_647, %swap3A_648, %swap3A_649], %swap3A_652 {strides = array<i32>} : memref<4x128x64xf32, #tpu.memory_space<vmem>>, vector<1x1x16xf32>,
      %get3A_653 = arith.constant 3 : i32
      %get3A_654 = arith.index_cast %get3A_653 : i32 to index
      %get3A_655 = arith.index_cast %scan3A_622 : i32 to index
      %get3A_656 = arith.constant 32 : index
      %get3A_657 = tpu.vector_load %arg6[%get3A_654, %get3A_655, %get3A_656] {strides = array<i32>} : memref<4x128x64xf32, #tpu.memory_space<vmem>>, vector<1x1x16xf32>,
      %get3A_658 = vector.shape_cast %get3A_657 : vector<1x1x16xf32> to vector<16xf32>
      %mul3A_659 = arith.constant 8.000000e+00 : f32
      %mul3A_660 = vector.broadcast %mul3A_659 : f32 to vector<16xf32>
      %mul3A_661 = arith.mulf %get3A_658, %mul3A_660 : vector<16xf32>
      %swap3A_662 = arith.constant 3 : i32
      %swap3A_663 = arith.index_cast %swap3A_662 : i32 to index
      %swap3A_664 = arith.index_cast %scan3A_622 : i32 to index
      %swap3A_665 = arith.constant 32 : index
      %swap3A_666 = tpu.vector_load %arg6[%swap3A_663, %swap3A_664, %swap3A_665] {strides = array<i32>} : memref<4x128x64xf32, #tpu.memory_space<vmem>>, vector<1x1x16xf32>,
      %swap3A_667 = vector.shape_cast %swap3A_666 : vector<1x1x16xf32> to vector<16xf32>
      %swap3A_668 = vector.shape_cast %mul3A_661 : vector<16xf32> to vector<1x1x16xf32>
      tpu.vector_store %arg6[%swap3A_663, %swap3A_664, %swap3A_665], %swap3A_668 {strides = array<i32>} : memref<4x128x64xf32, #tpu.memory_space<vmem>>, vector<1x1x16xf32>,
      %get3A_669 = arith.constant 3 : i32
      %get3A_670 = arith.index_cast %get3A_669 : i32 to index
      %get3A_671 = arith.index_cast %scan3A_622 : i32 to index
      %get3A_672 = arith.constant 48 : index
      %get3A_673 = tpu.vector_load %arg6[%get3A_670, %get3A_671, %get3A_672] {strides = array<i32>} : memref<4x128x64xf32, #tpu.memory_space<vmem>>, vector<1x1x16xf32>,
      %get3A_674 = vector.shape_cast %get3A_673 : vector<1x1x16xf32> to vector<16xf32>
      %mul3A_675 = arith.constant 8.000000e+00 : f32
      %mul3A_676 = vector.broadcast %mul3A_675 : f32 to vector<16xf32>
      %mul3A_677 = arith.mulf %get3A_674, %mul3A_676 : vector<16xf32>
      %swap3A_678 = arith.constant 3 : i32
      %swap3A_679 = arith.index_cast %swap3A_678 : i32 to index
      %swap3A_680 = arith.index_cast %scan3A_622 : i32 to index
      %swap3A_681 = arith.constant 48 : index
      %swap3A_682 = tpu.vector_load %arg6[%swap3A_679, %swap3A_680, %swap3A_681] {strides = array<i32>} : memref<4x128x64xf32, #tpu.memory_space<vmem>>, vector<1x1x16xf32>,
      %swap3A_683 = vector.shape_cast %swap3A_682 : vector<1x1x16xf32> to vector<16xf32>
      %swap3A_684 = vector.shape_cast %mul3A_677 : vector<16xf32> to vector<1x1x16xf32>
      tpu.vector_store %arg6[%swap3A_679, %swap3A_680, %swap3A_681], %swap3A_684 {strides = array<i32>} : memref<4x128x64xf32, #tpu.memory_space<vmem>>, vector<1x1x16xf32>,
      %scan3A_685 = arith.constant 1 : i32
      %scan3A_686 = arith.addi %scan3A_622, %scan3A_685 : i32
      %get3A_687 = arith.constant 3 : i32
      %get3A_688 = arith.index_cast %get3A_687 : i32 to index
      %get3A_689 = arith.index_cast %scan3A_686 : i32 to index
      %get3A_690 = arith.constant 0 : index
      %get3A_691 = tpu.vector_load %arg6[%get3A_688, %get3A_689, %get3A_690] {strides = array<i32>} : memref<4x128x64xf32, #tpu.memory_space<vmem>>, vector<1x1x16xf32>,
      %get3A_692 = vector.shape_cast %get3A_691 : vector<1x1x16xf32> to vector<16xf32>
      %mul3A_693 = arith.constant 8.000000e+00 : f32
      %mul3A_694 = vector.broadcast %mul3A_693 : f32 to vector<16xf32>
      %mul3A_695 = arith.mulf %get3A_692, %mul3A_694 : vector<16xf32>
      %swap3A_696 = arith.constant 3 : i32
      %swap3A_697 = arith.index_cast %swap3A_696 : i32 to index
      %swap3A_698 = arith.index_cast %scan3A_686 : i32 to index
      %swap3A_699 = arith.constant 0 : index
      %swap3A_700 = tpu.vector_load %arg6[%swap3A_697, %swap3A_698, %swap3A_699] {strides = array<i32>} : memref<4x128x64xf32, #tpu.memory_space<vmem>>, vector<1x1x16xf32>,
      %swap3A_701 = vector.shape_cast %swap3A_700 : vector<1x1x16xf32> to vector<16xf32>
      %swap3A_702 = vector.shape_cast %mul3A_695 : vector<16xf32> to vector<1x1x16xf32>
      tpu.vector_store %arg6[%swap3A_697, %swap3A_698, %swap3A_699], %swap3A_702 {strides = array<i32>} : memref<4x128x64xf32, #tpu.memory_space<vmem>>, vector<1x1x16xf32>,
      %get3A_703 = arith.constant 3 : i32
      %get3A_704 = arith.index_cast %get3A_703 : i32 to index
      %get3A_705 = arith.index_cast %scan3A_686 : i32 to index
      %get3A_706 = arith.constant 16 : index
      %get3A_707 = tpu.vector_load %arg6[%get3A_704, %get3A_705, %get3A_706] {strides = array<i32>} : memref<4x128x64xf32, #tpu.memory_space<vmem>>, vector<1x1x16xf32>,
      %get3A_708 = vector.shape_cast %get3A_707 : vector<1x1x16xf32> to vector<16xf32>
      %mul3A_709 = arith.constant 8.000000e+00 : f32
      %mul3A_710 = vector.broadcast %mul3A_709 : f32 to vector<16xf32>
      %mul3A_711 = arith.mulf %get3A_708, %mul3A_710 : vector<16xf32>
      %swap3A_712 = arith.constant 3 : i32
      %swap3A_713 = arith.index_cast %swap3A_712 : i32 to index
      %swap3A_714 = arith.index_cast %scan3A_686 : i32 to index
      %swap3A_715 = arith.constant 16 : index
      %swap3A_716 = tpu.vector_load %arg6[%swap3A_713, %swap3A_714, %swap3A_715] {strides = array<i32>} : memref<4x128x64xf32, #tpu.memory_space<vmem>>, vector<1x1x16xf32>,
      %swap3A_717 = vector.shape_cast %swap3A_716 : vector<1x1x16xf32> to vector<16xf32>
      %swap3A_718 = vector.shape_cast %mul3A_711 : vector<16xf32> to vector<1x1x16xf32>
      tpu.vector_store %arg6[%swap3A_713, %swap3A_714, %swap3A_715], %swap3A_718 {strides = array<i32>} : memref<4x128x64xf32, #tpu.memory_space<vmem>>, vector<1x1x16xf32>,
      %get3A_719 = arith.constant 3 : i32
      %get3A_720 = arith.index_cast %get3A_719 : i32 to index
      %get3A_721 = arith.index_cast %scan3A_686 : i32 to index
      %get3A_722 = arith.constant 32 : index
      %get3A_723 = tpu.vector_load %arg6[%get3A_720, %get3A_721, %get3A_722] {strides = array<i32>} : memref<4x128x64xf32, #tpu.memory_space<vmem>>, vector<1x1x16xf32>,
      %get3A_724 = vector.shape_cast %get3A_723 : vector<1x1x16xf32> to vector<16xf32>
      %mul3A_725 = arith.constant 8.000000e+00 : f32
      %mul3A_726 = vector.broadcast %mul3A_725 : f32 to vector<16xf32>
      %mul3A_727 = arith.mulf %get3A_724, %mul3A_726 : vector<16xf32>
      %swap3A_728 = arith.constant 3 : i32
      %swap3A_729 = arith.index_cast %swap3A_728 : i32 to index
      %swap3A_730 = arith.index_cast %scan3A_686 : i32 to index
      %swap3A_731 = arith.constant 32 : index
      %swap3A_732 = tpu.vector_load %arg6[%swap3A_729, %swap3A_730, %swap3A_731] {strides = array<i32>} : memref<4x128x64xf32, #tpu.memory_space<vmem>>, vector<1x1x16xf32>,
      %swap3A_733 = vector.shape_cast %swap3A_732 : vector<1x1x16xf32> to vector<16xf32>
      %swap3A_734 = vector.shape_cast %mul3A_727 : vector<16xf32> to vector<1x1x16xf32>
      tpu.vector_store %arg6[%swap3A_729, %swap3A_730, %swap3A_731], %swap3A_734 {strides = array<i32>} : memref<4x128x64xf32, #tpu.memory_space<vmem>>, vector<1x1x16xf32>,
      %get3A_735 = arith.constant 3 : i32
      %get3A_736 = arith.index_cast %get3A_735 : i32 to index
      %get3A_737 = arith.index_cast %scan3A_686 : i32 to index
      %get3A_738 = arith.constant 48 : index
      %get3A_739 = tpu.vector_load %arg6[%get3A_736, %get3A_737, %get3A_738] {strides = array<i32>} : memref<4x128x64xf32, #tpu.memory_space<vmem>>, vector<1x1x16xf32>,
      %get3A_740 = vector.shape_cast %get3A_739 : vector<1x1x16xf32> to vector<16xf32>
      %mul3A_741 = arith.constant 8.000000e+00 : f32
      %mul3A_742 = vector.broadcast %mul3A_741 : f32 to vector<16xf32>
      %mul3A_743 = arith.mulf %get3A_740, %mul3A_742 : vector<16xf32>
      %swap3A_744 = arith.constant 3 : i32
      %swap3A_745 = arith.index_cast %swap3A_744 : i32 to index
      %swap3A_746 = arith.index_cast %scan3A_686 : i32 to index
      %swap3A_747 = arith.constant 48 : index
      %swap3A_748 = tpu.vector_load %arg6[%swap3A_745, %swap3A_746, %swap3A_747] {strides = array<i32>} : memref<4x128x64xf32, #tpu.memory_space<vmem>>, vector<1x1x16xf32>,
      %swap3A_749 = vector.shape_cast %swap3A_748 : vector<1x1x16xf32> to vector<16xf32>
      %swap3A_750 = vector.shape_cast %mul3A_743 : vector<16xf32> to vector<1x1x16xf32>
      tpu.vector_store %arg6[%swap3A_745, %swap3A_746, %swap3A_747], %swap3A_750 {strides = array<i32>} : memref<4x128x64xf32, #tpu.memory_space<vmem>>, vector<1x1x16xf32>,
      %scan3A_751 = arith.constant 2 : i32
      %scan3A_752 = arith.addi %scan3A_622, %scan3A_751 : i32
      %get3A_753 = arith.constant 3 : i32
      %get3A_754 = arith.index_cast %get3A_753 : i32 to index
      %get3A_755 = arith.index_cast %scan3A_752 : i32 to index
      %get3A_756 = arith.constant 0 : index
      %get3A_757 = tpu.vector_load %arg6[%get3A_754, %get3A_755, %get3A_756] {strides = array<i32>} : memref<4x128x64xf32, #tpu.memory_space<vmem>>, vector<1x1x16xf32>,
      %get3A_758 = vector.shape_cast %get3A_757 : vector<1x1x16xf32> to vector<16xf32>
      %mul3A_759 = arith.constant 8.000000e+00 : f32
      %mul3A_760 = vector.broadcast %mul3A_759 : f32 to vector<16xf32>
      %mul3A_761 = arith.mulf %get3A_758, %mul3A_760 : vector<16xf32>
      %swap3A_762 = arith.constant 3 : i32
      %swap3A_763 = arith.index_cast %swap3A_762 : i32 to index
      %swap3A_764 = arith.index_cast %scan3A_752 : i32 to index
      %swap3A_765 = arith.constant 0 : index
      %swap3A_766 = tpu.vector_load %arg6[%swap3A_763, %swap3A_764, %swap3A_765] {strides = array<i32>} : memref<4x128x64xf32, #tpu.memory_space<vmem>>, vector<1x1x16xf32>,
      %swap3A_767 = vector.shape_cast %swap3A_766 : vector<1x1x16xf32> to vector<16xf32>
      %swap3A_768 = vector.shape_cast %mul3A_761 : vector<16xf32> to vector<1x1x16xf32>
      tpu.vector_store %arg6[%swap3A_763, %swap3A_764, %swap3A_765], %swap3A_768 {strides = array<i32>} : memref<4x128x64xf32, #tpu.memory_space<vmem>>, vector<1x1x16xf32>,
      %get3A_769 = arith.constant 3 : i32
      %get3A_770 = arith.index_cast %get3A_769 : i32 to index
      %get3A_771 = arith.index_cast %scan3A_752 : i32 to index
      %get3A_772 = arith.constant 16 : index
      %get3A_773 = tpu.vector_load %arg6[%get3A_770, %get3A_771, %get3A_772] {strides = array<i32>} : memref<4x128x64xf32, #tpu.memory_space<vmem>>, vector<1x1x16xf32>,
      %get3A_774 = vector.shape_cast %get3A_773 : vector<1x1x16xf32> to vector<16xf32>
      %mul3A_775 = arith.constant 8.000000e+00 : f32
      %mul3A_776 = vector.broadcast %mul3A_775 : f32 to vector<16xf32>
      %mul3A_777 = arith.mulf %get3A_774, %mul3A_776 : vector<16xf32>
      %swap3A_778 = arith.constant 3 : i32
      %swap3A_779 = arith.index_cast %swap3A_778 : i32 to index
      %swap3A_780 = arith.index_cast %scan3A_752 : i32 to index
      %swap3A_781 = arith.constant 16 : index
      %swap3A_782 = tpu.vector_load %arg6[%swap3A_779, %swap3A_780, %swap3A_781] {strides = array<i32>} : memref<4x128x64xf32, #tpu.memory_space<vmem>>, vector<1x1x16xf32>,
      %swap3A_783 = vector.shape_cast %swap3A_782 : vector<1x1x16xf32> to vector<16xf32>
      %swap3A_784 = vector.shape_cast %mul3A_777 : vector<16xf32> to vector<1x1x16xf32>
      tpu.vector_store %arg6[%swap3A_779, %swap3A_780, %swap3A_781], %swap3A_784 {strides = array<i32>} : memref<4x128x64xf32, #tpu.memory_space<vmem>>, vector<1x1x16xf32>,
      %get3A_785 = arith.constant 3 : i32
      %get3A_786 = arith.index_cast %get3A_785 : i32 to index
      %get3A_787 = arith.index_cast %scan3A_752 : i32 to index
      %get3A_788 = arith.constant 32 : index
      %get3A_789 = tpu.vector_load %arg6[%get3A_786, %get3A_787, %get3A_788] {strides = array<i32>} : memref<4x128x64xf32, #tpu.memory_space<vmem>>, vector<1x1x16xf32>,
      %get3A_790 = vector.shape_cast %get3A_789 : vector<1x1x16xf32> to vector<16xf32>
      %mul3A_791 = arith.constant 8.000000e+00 : f32
      %mul3A_792 = vector.broadcast %mul3A_791 : f32 to vector<16xf32>
      %mul3A_793 = arith.mulf %get3A_790, %mul3A_792 : vector<16xf32>
      %swap3A_794 = arith.constant 3 : i32
      %swap3A_795 = arith.index_cast %swap3A_794 : i32 to index
      %swap3A_796 = arith.index_cast %scan3A_752 : i32 to index
      %swap3A_797 = arith.constant 32 : index
      %swap3A_798 = tpu.vector_load %arg6[%swap3A_795, %swap3A_796, %swap3A_797] {strides = array<i32>} : memref<4x128x64xf32, #tpu.memory_space<vmem>>, vector<1x1x16xf32>,
      %swap3A_799 = vector.shape_cast %swap3A_798 : vector<1x1x16xf32> to vector<16xf32>
      %swap3A_800 = vector.shape_cast %mul3A_793 : vector<16xf32> to vector<1x1x16xf32>
      tpu.vector_store %arg6[%swap3A_795, %swap3A_796, %swap3A_797], %swap3A_800 {strides = array<i32>} : memref<4x128x64xf32, #tpu.memory_space<vmem>>, vector<1x1x16xf32>,
      %get3A_801 = arith.constant 3 : i32
      %get3A_802 = arith.index_cast %get3A_801 : i32 to index
      %get3A_803 = arith.index_cast %scan3A_752 : i32 to index
      %get3A_804 = arith.constant 48 : index
      %get3A_805 = tpu.vector_load %arg6[%get3A_802, %get3A_803, %get3A_804] {strides = array<i32>} : memref<4x128x64xf32, #tpu.memory_space<vmem>>, vector<1x1x16xf32>,
      %get3A_806 = vector.shape_cast %get3A_805 : vector<1x1x16xf32> to vector<16xf32>
      %mul3A_807 = arith.constant 8.000000e+00 : f32
      %mul3A_808 = vector.broadcast %mul3A_807 : f32 to vector<16xf32>
      %mul3A_809 = arith.mulf %get3A_806, %mul3A_808 : vector<16xf32>
      %swap3A_810 = arith.constant 3 : i32
      %swap3A_811 = arith.index_cast %swap3A_810 : i32 to index
      %swap3A_812 = arith.index_cast %scan3A_752 : i32 to index
      %swap3A_813 = arith.constant 48 : index
      %swap3A_814 = tpu.vector_load %arg6[%swap3A_811, %swap3A_812, %swap3A_813] {strides = array<i32>} : memref<4x128x64xf32, #tpu.memory_space<vmem>>, vector<1x1x16xf32>,
      %swap3A_815 = vector.shape_cast %swap3A_814 : vector<1x1x16xf32> to vector<16xf32>
      %swap3A_816 = vector.shape_cast %mul3A_809 : vector<16xf32> to vector<1x1x16xf32>
      tpu.vector_store %arg6[%swap3A_811, %swap3A_812, %swap3A_813], %swap3A_816 {strides = array<i32>} : memref<4x128x64xf32, #tpu.memory_space<vmem>>, vector<1x1x16xf32>,
      %scan3A_817 = arith.constant 3 : i32
      %scan3A_818 = arith.addi %scan3A_622, %scan3A_817 : i32
      %get3A_819 = arith.constant 3 : i32
      %get3A_820 = arith.index_cast %get3A_819 : i32 to index
      %get3A_821 = arith.index_cast %scan3A_818 : i32 to index
      %get3A_822 = arith.constant 0 : index
      %get3A_823 = tpu.vector_load %arg6[%get3A_820, %get3A_821, %get3A_822] {strides = array<i32>} : memref<4x128x64xf32, #tpu.memory_space<vmem>>, vector<1x1x16xf32>,
      %get3A_824 = vector.shape_cast %get3A_823 : vector<1x1x16xf32> to vector<16xf32>
      %mul3A_825 = arith.constant 8.000000e+00 : f32
      %mul3A_826 = vector.broadcast %mul3A_825 : f32 to vector<16xf32>
      %mul3A_827 = arith.mulf %get3A_824, %mul3A_826 : vector<16xf32>
      %swap3A_828 = arith.constant 3 : i32
      %swap3A_829 = arith.index_cast %swap3A_828 : i32 to index
      %swap3A_830 = arith.index_cast %scan3A_818 : i32 to index
      %swap3A_831 = arith.constant 0 : index
      %swap3A_832 = tpu.vector_load %arg6[%swap3A_829, %swap3A_830, %swap3A_831] {strides = array<i32>} : memref<4x128x64xf32, #tpu.memory_space<vmem>>, vector<1x1x16xf32>,
      %swap3A_833 = vector.shape_cast %swap3A_832 : vector<1x1x16xf32> to vector<16xf32>
      %swap3A_834 = vector.shape_cast %mul3A_827 : vector<16xf32> to vector<1x1x16xf32>
      tpu.vector_store %arg6[%swap3A_829, %swap3A_830, %swap3A_831], %swap3A_834 {strides = array<i32>} : memref<4x128x64xf32, #tpu.memory_space<vmem>>, vector<1x1x16xf32>,
      %get3A_835 = arith.constant 3 : i32
      %get3A_836 = arith.index_cast %get3A_835 : i32 to index
      %get3A_837 = arith.index_cast %scan3A_818 : i32 to index
      %get3A_838 = arith.constant 16 : index
      %get3A_839 = tpu.vector_load %arg6[%get3A_836, %get3A_837, %get3A_838] {strides = array<i32>} : memref<4x128x64xf32, #tpu.memory_space<vmem>>, vector<1x1x16xf32>,
      %get3A_840 = vector.shape_cast %get3A_839 : vector<1x1x16xf32> to vector<16xf32>
      %mul3A_841 = arith.constant 8.000000e+00 : f32
      %mul3A_842 = vector.broadcast %mul3A_841 : f32 to vector<16xf32>
      %mul3A_843 = arith.mulf %get3A_840, %mul3A_842 : vector<16xf32>
      %swap3A_844 = arith.constant 3 : i32
      %swap3A_845 = arith.index_cast %swap3A_844 : i32 to index
      %swap3A_846 = arith.index_cast %scan3A_818 : i32 to index
      %swap3A_847 = arith.constant 16 : index
      %swap3A_848 = tpu.vector_load %arg6[%swap3A_845, %swap3A_846, %swap3A_847] {strides = array<i32>} : memref<4x128x64xf32, #tpu.memory_space<vmem>>, vector<1x1x16xf32>,
      %swap3A_849 = vector.shape_cast %swap3A_848 : vector<1x1x16xf32> to vector<16xf32>
      %swap3A_850 = vector.shape_cast %mul3A_843 : vector<16xf32> to vector<1x1x16xf32>
      tpu.vector_store %arg6[%swap3A_845, %swap3A_846, %swap3A_847], %swap3A_850 {strides = array<i32>} : memref<4x128x64xf32, #tpu.memory_space<vmem>>, vector<1x1x16xf32>,
      %get3A_851 = arith.constant 3 : i32
      %get3A_852 = arith.index_cast %get3A_851 : i32 to index
      %get3A_853 = arith.index_cast %scan3A_818 : i32 to index
      %get3A_854 = arith.constant 32 : index
      %get3A_855 = tpu.vector_load %arg6[%get3A_852, %get3A_853, %get3A_854] {strides = array<i32>} : memref<4x128x64xf32, #tpu.memory_space<vmem>>, vector<1x1x16xf32>,
      %get3A_856 = vector.shape_cast %get3A_855 : vector<1x1x16xf32> to vector<16xf32>
      %mul3A_857 = arith.constant 8.000000e+00 : f32
      %mul3A_858 = vector.broadcast %mul3A_857 : f32 to vector<16xf32>
      %mul3A_859 = arith.mulf %get3A_856, %mul3A_858 : vector<16xf32>
      %swap3A_860 = arith.constant 3 : i32
      %swap3A_861 = arith.index_cast %swap3A_860 : i32 to index
      %swap3A_862 = arith.index_cast %scan3A_818 : i32 to index
      %swap3A_863 = arith.constant 32 : index
      %swap3A_864 = tpu.vector_load %arg6[%swap3A_861, %swap3A_862, %swap3A_863] {strides = array<i32>} : memref<4x128x64xf32, #tpu.memory_space<vmem>>, vector<1x1x16xf32>,
      %swap3A_865 = vector.shape_cast %swap3A_864 : vector<1x1x16xf32> to vector<16xf32>
      %swap3A_866 = vector.shape_cast %mul3A_859 : vector<16xf32> to vector<1x1x16xf32>
      tpu.vector_store %arg6[%swap3A_861, %swap3A_862, %swap3A_863], %swap3A_866 {strides = array<i32>} : memref<4x128x64xf32, #tpu.memory_space<vmem>>, vector<1x1x16xf32>,
      %get3A_867 = arith.constant 3 : i32
      %get3A_868 = arith.index_cast %get3A_867 : i32 to index
      %get3A_869 = arith.index_cast %scan3A_818 : i32 to index
      %get3A_870 = arith.constant 48 : index
      %get3A_871 = tpu.vector_load %arg6[%get3A_868, %get3A_869, %get3A_870] {strides = array<i32>} : memref<4x128x64xf32, #tpu.memory_space<vmem>>, vector<1x1x16xf32>,
      %get3A_872 = vector.shape_cast %get3A_871 : vector<1x1x16xf32> to vector<16xf32>
      %mul3A_873 = arith.constant 8.000000e+00 : f32
      %mul3A_874 = vector.broadcast %mul3A_873 : f32 to vector<16xf32>
      %mul3A_875 = arith.mulf %get3A_872, %mul3A_874 : vector<16xf32>
      %swap3A_876 = arith.constant 3 : i32
      %swap3A_877 = arith.index_cast %swap3A_876 : i32 to index
      %swap3A_878 = arith.index_cast %scan3A_818 : i32 to index
      %swap3A_879 = arith.constant 48 : index
      %swap3A_880 = tpu.vector_load %arg6[%swap3A_877, %swap3A_878, %swap3A_879] {strides = array<i32>} : memref<4x128x64xf32, #tpu.memory_space<vmem>>, vector<1x1x16xf32>,
      %swap3A_881 = vector.shape_cast %swap3A_880 : vector<1x1x16xf32> to vector<16xf32>
      %swap3A_882 = vector.shape_cast %mul3A_875 : vector<16xf32> to vector<1x1x16xf32>
      tpu.vector_store %arg6[%swap3A_877, %swap3A_878, %swap3A_879], %swap3A_882 {strides = array<i32>} : memref<4x128x64xf32, #tpu.memory_space<vmem>>, vector<1x1x16xf32>,
    }
    %scan3A_281 = arith.constant 128 : i32
    %add3A_282 = arith.constant 3 : i32
    %add3A_283 = arith.addi %mul3A_2, %add3A_282 : i32
    %mul3A_284 = arith.constant 128 : i32
    %mul3A_285 = arith.muli %add3A_283, %mul3A_284 : i32
    %dma_start3A_286 = arith.constant 3 : i32
    %dma_start3A_287 = arith.constant 3 : i32
    %dma_start3A_288 = arith.constant 0 : i32
    %dma_start3A_289 = arith.constant 0 : i32
    %dma_start3A_290 = tpu.memref_slice %arg6[%dma_start3A_286, %dma_start3A_288, %dma_start3A_289] : memref<4x128x64xf32, #tpu.memory_space<vmem>> -> memref<1x128x64xf32, #tpu.memory_space<vmem>>
    %dma_start3A_291 = tpu.memref_squeeze %dma_start3A_290 : memref<1x128x64xf32, #tpu.memory_space<vmem>> -> memref<128x64xf32, #tpu.memory_space<vmem>>
    %dma_start3A_292 = arith.constant 0 : i32
    %dma_start3A_293 = tpu.memref_slice %arg4[%mul3A_285, %dma_start3A_292] : memref<819200x64xf32, #tpu.memory_space<hbm>> -> memref<128x64xf32, #tpu.memory_space<hbm>>
    %dma_start3A_294 = tpu.memref_slice %arg8[%dma_start3A_287] : memref<4x!tpu.dma_semaphore, #tpu.memory_space<semaphore_mem>> -> memref<1x!tpu.dma_semaphore, #tpu.memory_space<semaphore_mem>>
    %dma_start3A_295 = tpu.memref_squeeze %dma_start3A_294 : memref<1x!tpu.dma_semaphore, #tpu.memory_space<semaphore_mem>> -> memref<!tpu.dma_semaphore, #tpu.memory_space<semaphore_mem>>
    %dma_start3A_296 = arith.constant 0 : i32
    %dma_start3A_297 = tpu.memref_slice %arg4[%mul3A_285, %dma_start3A_296] : memref<819200x64xf32, #tpu.memory_space<hbm>> -> memref<128x64xf32, #tpu.memory_space<hbm>>
    %dma_start3A_298 = arith.constant 0 : i32
    %dma_start3A_299 = arith.constant 0 : i32
    %dma_start3A_300 = tpu.memref_slice %arg6[%dma_start3A_286, %dma_start3A_298, %dma_start3A_299] : memref<4x128x64xf32, #tpu.memory_space<vmem>> -> memref<1x128x64xf32, #tpu.memory_space<vmem>>
    %dma_start3A_301 = tpu.memref_squeeze %dma_start3A_300 : memref<1x128x64xf32, #tpu.memory_space<vmem>> -> memref<128x64xf32, #tpu.memory_space<vmem>>
    tpu.enqueue_dma source(%dma_start3A_301 : memref<128x64xf32, #tpu.memory_space<vmem>>) target(%dma_start3A_297 : memref<128x64xf32, #tpu.memory_space<hbm>>) target_semaphore(%dma_start3A_295 : memref<!tpu.dma_semaphore, #tpu.memory_space<semaphore_mem>>)
    %scan3A_302 = arith.constant 0 : i32
    %scan3A_303 = arith.constant 1 : i32
    %scan3A_304 = arith.constant 48 : i32
    %scan3A_305 = arith.addi %scan3A_303, %scan3A_304 : i32
    %scan3A_306 = arith.constant 1 : i32
    scf.for %scan3A_622 = %scan3A_303 to %scan3A_305 step %scan3A_306  : i32 {
      %mul3A_623 = arith.constant 4 : i32
      %mul3A_624 = arith.muli %scan3A_622, %mul3A_623 : i32
      %add3A_625 = arith.constant 0 : i32
      %add3A_626 = arith.addi %mul3A_624, %add3A_625 : i32
      %dma_wait3A_627 = arith.constant 2 : i32
      %dma_wait3A_628 = arith.constant 2 : i32
      %dma_wait3A_629 = arith.constant 0 : i32
      %dma_wait3A_630 = arith.constant 0 : i32
      %dma_wait3A_631 = tpu.memref_slice %arg6[%dma_wait3A_627, %dma_wait3A_629, %dma_wait3A_630] : memref<4x128x64xf32, #tpu.memory_space<vmem>> -> memref<1x128x64xf32, #tpu.memory_space<vmem>>
      %dma_wait3A_632 = tpu.memref_squeeze %dma_wait3A_631 : memref<1x128x64xf32, #tpu.memory_space<vmem>> -> memref<128x64xf32, #tpu.memory_space<vmem>>
      %dma_wait3A_633 = arith.constant 0 : i32
      %dma_wait3A_634 = arith.constant 0 : i32
      %dma_wait3A_635 = tpu.memref_slice %arg4[%dma_wait3A_633, %dma_wait3A_634] : memref<819200x64xf32, #tpu.memory_space<hbm>> -> memref<128x64xf32, #tpu.memory_space<hbm>>
      %dma_wait3A_636 = tpu.memref_slice %arg8[%dma_wait3A_628] : memref<4x!tpu.dma_semaphore, #tpu.memory_space<semaphore_mem>> -> memref<1x!tpu.dma_semaphore, #tpu.memory_space<semaphore_mem>>
      %dma_wait3A_637 = tpu.memref_squeeze %dma_wait3A_636 : memref<1x!tpu.dma_semaphore, #tpu.memory_space<semaphore_mem>> -> memref<!tpu.dma_semaphore, #tpu.memory_space<semaphore_mem>>
      %dma_wait3A_638 = arith.constant 0 : i32
      %dma_wait3A_639 = arith.constant 0 : i32
      %dma_wait3A_640 = tpu.memref_slice %arg4[%dma_wait3A_638, %dma_wait3A_639] : memref<819200x64xf32, #tpu.memory_space<hbm>> -> memref<128x64xf32, #tpu.memory_space<hbm>>
      %dma_wait3A_641 = arith.constant 0 : i32
      %dma_wait3A_642 = arith.constant 0 : i32
      %dma_wait3A_643 = tpu.memref_slice %arg6[%dma_wait3A_627, %dma_wait3A_641, %dma_wait3A_642] : memref<4x128x64xf32, #tpu.memory_space<vmem>> -> memref<1x128x64xf32, #tpu.memory_space<vmem>>
      %dma_wait3A_644 = tpu.memref_squeeze %dma_wait3A_643 : memref<1x128x64xf32, #tpu.memory_space<vmem>> -> memref<128x64xf32, #tpu.memory_space<vmem>>
      tpu.wait_dma2 semaphore(%dma_wait3A_637 : memref<!tpu.dma_semaphore, #tpu.memory_space<semaphore_mem>>) src(%dma_wait3A_644 : memref<128x64xf32, #tpu.memory_space<vmem>>) dst(%dma_wait3A_640 : memref<128x64xf32, #tpu.memory_space<hbm>>)
      %add3A_645 = arith.constant 2 : i32
      %add3A_646 = arith.addi %add3A_626, %add3A_645 : i32
      %dma_start3A_647 = arith.constant 2 : i32
      %dma_start3A_648 = arith.constant 2 : i32
      %dma_start3A_649 = arith.constant 0 : i32
      %dma_start3A_650 = arith.constant 0 : i32
      %dma_start3A_651 = tpu.memref_slice %arg6[%dma_start3A_647, %dma_start3A_649, %dma_start3A_650] : memref<4x128x64xf32, #tpu.memory_space<vmem>> -> memref<1x128x64xf32, #tpu.memory_space<vmem>>
      %dma_start3A_652 = tpu.memref_squeeze %dma_start3A_651 : memref<1x128x64xf32, #tpu.memory_space<vmem>> -> memref<128x64xf32, #tpu.memory_space<vmem>>
      %dma_start3A_653 = arith.constant 0 : i32
      %dma_start3A_654 = tpu.memref_slice %arg5[%add3A_646, %dma_start3A_653] : memref<200x128xi32, #tpu.memory_space<vmem>> -> memref<1x128xi32, #tpu.memory_space<vmem>>
      %dma_start3A_655 = tpu.memref_squeeze %dma_start3A_654 : memref<1x128xi32, #tpu.memory_space<vmem>> -> memref<128xi32, #tpu.memory_space<vmem>>
      %dma_start3A_656 = arith.constant 0 : i32
      %dma_start3A_657 = arith.constant 0 : i32
      %dma_start3A_658 = tpu.memref_slice %arg3[%dma_start3A_656, %dma_start3A_657] : memref<1000000x64xf32, #tpu.memory_space<hbm>> -> memref<1000000x64xf32, #tpu.memory_space<hbm>>
      %dma_start3A_659 = tpu.memref_slice %arg7[%dma_start3A_648] : memref<4x!tpu.dma_semaphore, #tpu.memory_space<semaphore_mem>> -> memref<1x!tpu.dma_semaphore, #tpu.memory_space<semaphore_mem>>
      %dma_start3A_660 = tpu.memref_squeeze %dma_start3A_659 : memref<1x!tpu.dma_semaphore, #tpu.memory_space<semaphore_mem>> -> memref<!tpu.dma_semaphore, #tpu.memory_space<semaphore_mem>>
      tpu.enqueue_indirect_dma source(%dma_start3A_658 : memref<1000000x64xf32, #tpu.memory_space<hbm>>) target(%dma_start3A_652 : memref<128x64xf32, #tpu.memory_space<vmem>>) offsets(%dma_start3A_655 : memref<128xi32, #tpu.memory_space<vmem>>) semaphore(%dma_start3A_660 : memref<!tpu.dma_semaphore, #tpu.memory_space<semaphore_mem>>)
      %dma_wait3A_661 = arith.constant 0 : i32
      %dma_wait3A_662 = arith.constant 0 : i32
      %dma_wait3A_663 = arith.constant 0 : i32
      %dma_wait3A_664 = arith.constant 0 : i32
      %dma_wait3A_665 = tpu.memref_slice %arg6[%dma_wait3A_661, %dma_wait3A_663, %dma_wait3A_664] : memref<4x128x64xf32, #tpu.memory_space<vmem>> -> memref<1x128x64xf32, #tpu.memory_space<vmem>>
      %dma_wait3A_666 = tpu.memref_squeeze %dma_wait3A_665 : memref<1x128x64xf32, #tpu.memory_space<vmem>> -> memref<128x64xf32, #tpu.memory_space<vmem>>
      %dma_wait3A_667 = arith.constant 0 : i32
      %dma_wait3A_668 = arith.constant 0 : i32
      %dma_wait3A_669 = tpu.memref_slice %arg4[%dma_wait3A_667, %dma_wait3A_668] : memref<819200x64xf32, #tpu.memory_space<hbm>> -> memref<128x64xf32, #tpu.memory_space<hbm>>
      %dma_wait3A_670 = tpu.memref_slice %arg7[%dma_wait3A_662] : memref<4x!tpu.dma_semaphore, #tpu.memory_space<semaphore_mem>> -> memref<1x!tpu.dma_semaphore, #tpu.memory_space<semaphore_mem>>
      %dma_wait3A_671 = tpu.memref_squeeze %dma_wait3A_670 : memref<1x!tpu.dma_semaphore, #tpu.memory_space<semaphore_mem>> -> memref<!tpu.dma_semaphore, #tpu.memory_space<semaphore_mem>>
      %dma_wait3A_672 = arith.constant 0 : i32
      %dma_wait3A_673 = arith.constant 0 : i32
      %dma_wait3A_674 = tpu.memref_slice %arg6[%dma_wait3A_661, %dma_wait3A_672, %dma_wait3A_673] : memref<4x128x64xf32, #tpu.memory_space<vmem>> -> memref<1x128x64xf32, #tpu.memory_space<vmem>>
      %dma_wait3A_675 = tpu.memref_squeeze %dma_wait3A_674 : memref<1x128x64xf32, #tpu.memory_space<vmem>> -> memref<128x64xf32, #tpu.memory_space<vmem>>
      %dma_wait3A_676 = arith.constant 0 : i32
      %dma_wait3A_677 = arith.constant 0 : i32
      %dma_wait3A_678 = tpu.memref_slice %arg4[%dma_wait3A_676, %dma_wait3A_677] : memref<819200x64xf32, #tpu.memory_space<hbm>> -> memref<128x64xf32, #tpu.memory_space<hbm>>
      tpu.wait_dma2 semaphore(%dma_wait3A_671 : memref<!tpu.dma_semaphore, #tpu.memory_space<semaphore_mem>>) src(%dma_wait3A_678 : memref<128x64xf32, #tpu.memory_space<hbm>>) dst(%dma_wait3A_675 : memref<128x64xf32, #tpu.memory_space<vmem>>)
      %scan3A_679 = arith.constant 0 : i32
      %scan3A_680 = arith.constant 0 : i32
      %scan3A_681 = arith.constant 128 : i32
      %scan3A_682 = arith.addi %scan3A_680, %scan3A_681 : i32
      %scan3A_683 = arith.constant 4 : i32
      scf.for %scan3A_941 = %scan3A_680 to %scan3A_682 step %scan3A_683  : i32 {
        %get3A = arith.constant 0 : i32
        %get3A_942 = arith.index_cast %get3A : i32 to index
        %get3A_943 = arith.index_cast %scan3A_941 : i32 to index
        %get3A_944 = arith.constant 0 : index
        %get3A_945 = tpu.vector_load %arg6[%get3A_942, %get3A_943, %get3A_944] {strides = array<i32>} : memref<4x128x64xf32, #tpu.memory_space<vmem>>, vector<1x1x16xf32>,
        %get3A_946 = vector.shape_cast %get3A_945 : vector<1x1x16xf32> to vector<16xf32>
        %mul3A_947 = arith.constant 8.000000e+00 : f32
        %mul3A_948 = vector.broadcast %mul3A_947 : f32 to vector<16xf32>
        %mul3A_949 = arith.mulf %get3A_946, %mul3A_948 : vector<16xf32>
        %swap3A = arith.constant 0 : i32
        %swap3A_950 = arith.index_cast %swap3A : i32 to index
        %swap3A_951 = arith.index_cast %scan3A_941 : i32 to index
        %swap3A_952 = arith.constant 0 : index
        %swap3A_953 = tpu.vector_load %arg6[%swap3A_950, %swap3A_951, %swap3A_952] {strides = array<i32>} : memref<4x128x64xf32, #tpu.memory_space<vmem>>, vector<1x1x16xf32>,
        %swap3A_954 = vector.shape_cast %swap3A_953 : vector<1x1x16xf32> to vector<16xf32>
        %swap3A_955 = vector.shape_cast %mul3A_949 : vector<16xf32> to vector<1x1x16xf32>
        tpu.vector_store %arg6[%swap3A_950, %swap3A_951, %swap3A_952], %swap3A_955 {strides = array<i32>} : memref<4x128x64xf32, #tpu.memory_space<vmem>>, vector<1x1x16xf32>,
        %get3A_956 = arith.constant 0 : i32
        %get3A_957 = arith.index_cast %get3A_956 : i32 to index
        %get3A_958 = arith.index_cast %scan3A_941 : i32 to index
        %get3A_959 = arith.constant 16 : index
        %get3A_960 = tpu.vector_load %arg6[%get3A_957, %get3A_958, %get3A_959] {strides = array<i32>} : memref<4x128x64xf32, #tpu.memory_space<vmem>>, vector<1x1x16xf32>,
        %get3A_961 = vector.shape_cast %get3A_960 : vector<1x1x16xf32> to vector<16xf32>
        %mul3A_962 = arith.constant 8.000000e+00 : f32
        %mul3A_963 = vector.broadcast %mul3A_962 : f32 to vector<16xf32>
        %mul3A_964 = arith.mulf %get3A_961, %mul3A_963 : vector<16xf32>
        %swap3A_965 = arith.constant 0 : i32
        %swap3A_966 = arith.index_cast %swap3A_965 : i32 to index
        %swap3A_967 = arith.index_cast %scan3A_941 : i32 to index
        %swap3A_968 = arith.constant 16 : index
        %swap3A_969 = tpu.vector_load %arg6[%swap3A_966, %swap3A_967, %swap3A_968] {strides = array<i32>} : memref<4x128x64xf32, #tpu.memory_space<vmem>>, vector<1x1x16xf32>,
        %swap3A_970 = vector.shape_cast %swap3A_969 : vector<1x1x16xf32> to vector<16xf32>
        %swap3A_971 = vector.shape_cast %mul3A_964 : vector<16xf32> to vector<1x1x16xf32>
        tpu.vector_store %arg6[%swap3A_966, %swap3A_967, %swap3A_968], %swap3A_971 {strides = array<i32>} : memref<4x128x64xf32, #tpu.memory_space<vmem>>, vector<1x1x16xf32>,
        %get3A_972 = arith.constant 0 : i32
        %get3A_973 = arith.index_cast %get3A_972 : i32 to index
        %get3A_974 = arith.index_cast %scan3A_941 : i32 to index
        %get3A_975 = arith.constant 32 : index
        %get3A_976 = tpu.vector_load %arg6[%get3A_973, %get3A_974, %get3A_975] {strides = array<i32>} : memref<4x128x64xf32, #tpu.memory_space<vmem>>, vector<1x1x16xf32>,
        %get3A_977 = vector.shape_cast %get3A_976 : vector<1x1x16xf32> to vector<16xf32>
        %mul3A_978 = arith.constant 8.000000e+00 : f32
        %mul3A_979 = vector.broadcast %mul3A_978 : f32 to vector<16xf32>
        %mul3A_980 = arith.mulf %get3A_977, %mul3A_979 : vector<16xf32>
        %swap3A_981 = arith.constant 0 : i32
        %swap3A_982 = arith.index_cast %swap3A_981 : i32 to index
        %swap3A_983 = arith.index_cast %scan3A_941 : i32 to index
        %swap3A_984 = arith.constant 32 : index
        %swap3A_985 = tpu.vector_load %arg6[%swap3A_982, %swap3A_983, %swap3A_984] {strides = array<i32>} : memref<4x128x64xf32, #tpu.memory_space<vmem>>, vector<1x1x16xf32>,
        %swap3A_986 = vector.shape_cast %swap3A_985 : vector<1x1x16xf32> to vector<16xf32>
        %swap3A_987 = vector.shape_cast %mul3A_980 : vector<16xf32> to vector<1x1x16xf32>
        tpu.vector_store %arg6[%swap3A_982, %swap3A_983, %swap3A_984], %swap3A_987 {strides = array<i32>} : memref<4x128x64xf32, #tpu.memory_space<vmem>>, vector<1x1x16xf32>,
        %get3A_988 = arith.constant 0 : i32
        %get3A_989 = arith.index_cast %get3A_988 : i32 to index
        %get3A_990 = arith.index_cast %scan3A_941 : i32 to index
        %get3A_991 = arith.constant 48 : index
        %get3A_992 = tpu.vector_load %arg6[%get3A_989, %get3A_990, %get3A_991] {strides = array<i32>} : memref<4x128x64xf32, #tpu.memory_space<vmem>>, vector<1x1x16xf32>,
        %get3A_993 = vector.shape_cast %get3A_992 : vector<1x1x16xf32> to vector<16xf32>
        %mul3A_994 = arith.constant 8.000000e+00 : f32
        %mul3A_995 = vector.broadcast %mul3A_994 : f32 to vector<16xf32>
        %mul3A_996 = arith.mulf %get3A_993, %mul3A_995 : vector<16xf32>
        %swap3A_997 = arith.constant 0 : i32
        %swap3A_998 = arith.index_cast %swap3A_997 : i32 to index
        %swap3A_999 = arith.index_cast %scan3A_941 : i32 to index
        %swap3A_1000 = arith.constant 48 : index
        %swap3A_1001 = tpu.vector_load %arg6[%swap3A_998, %swap3A_999, %swap3A_1000] {strides = array<i32>} : memref<4x128x64xf32, #tpu.memory_space<vmem>>, vector<1x1x16xf32>,
        %swap3A_1002 = vector.shape_cast %swap3A_1001 : vector<1x1x16xf32> to vector<16xf32>
        %swap3A_1003 = vector.shape_cast %mul3A_996 : vector<16xf32> to vector<1x1x16xf32>
        tpu.vector_store %arg6[%swap3A_998, %swap3A_999, %swap3A_1000], %swap3A_1003 {strides = array<i32>} : memref<4x128x64xf32, #tpu.memory_space<vmem>>, vector<1x1x16xf32>,
        %scan3A_1004 = arith.constant 1 : i32
        %scan3A_1005 = arith.addi %scan3A_941, %scan3A_1004 : i32
        %get3A_1006 = arith.constant 0 : i32
        %get3A_1007 = arith.index_cast %get3A_1006 : i32 to index
        %get3A_1008 = arith.index_cast %scan3A_1005 : i32 to index
        %get3A_1009 = arith.constant 0 : index
        %get3A_1010 = tpu.vector_load %arg6[%get3A_1007, %get3A_1008, %get3A_1009] {strides = array<i32>} : memref<4x128x64xf32, #tpu.memory_space<vmem>>, vector<1x1x16xf32>,
        %get3A_1011 = vector.shape_cast %get3A_1010 : vector<1x1x16xf32> to vector<16xf32>
        %mul3A_1012 = arith.constant 8.000000e+00 : f32
        %mul3A_1013 = vector.broadcast %mul3A_1012 : f32 to vector<16xf32>
        %mul3A_1014 = arith.mulf %get3A_1011, %mul3A_1013 : vector<16xf32>
        %swap3A_1015 = arith.constant 0 : i32
        %swap3A_1016 = arith.index_cast %swap3A_1015 : i32 to index
        %swap3A_1017 = arith.index_cast %scan3A_1005 : i32 to index
        %swap3A_1018 = arith.constant 0 : index
        %swap3A_1019 = tpu.vector_load %arg6[%swap3A_1016, %swap3A_1017, %swap3A_1018] {strides = array<i32>} : memref<4x128x64xf32, #tpu.memory_space<vmem>>, vector<1x1x16xf32>,
        %swap3A_1020 = vector.shape_cast %swap3A_1019 : vector<1x1x16xf32> to vector<16xf32>
        %swap3A_1021 = vector.shape_cast %mul3A_1014 : vector<16xf32> to vector<1x1x16xf32>
        tpu.vector_store %arg6[%swap3A_1016, %swap3A_1017, %swap3A_1018], %swap3A_1021 {strides = array<i32>} : memref<4x128x64xf32, #tpu.memory_space<vmem>>, vector<1x1x16xf32>,
        %get3A_1022 = arith.constant 0 : i32
        %get3A_1023 = arith.index_cast %get3A_1022 : i32 to index
        %get3A_1024 = arith.index_cast %scan3A_1005 : i32 to index
        %get3A_1025 = arith.constant 16 : index
        %get3A_1026 = tpu.vector_load %arg6[%get3A_1023, %get3A_1024, %get3A_1025] {strides = array<i32>} : memref<4x128x64xf32, #tpu.memory_space<vmem>>, vector<1x1x16xf32>,
        %get3A_1027 = vector.shape_cast %get3A_1026 : vector<1x1x16xf32> to vector<16xf32>
        %mul3A_1028 = arith.constant 8.000000e+00 : f32
        %mul3A_1029 = vector.broadcast %mul3A_1028 : f32 to vector<16xf32>
        %mul3A_1030 = arith.mulf %get3A_1027, %mul3A_1029 : vector<16xf32>
        %swap3A_1031 = arith.constant 0 : i32
        %swap3A_1032 = arith.index_cast %swap3A_1031 : i32 to index
        %swap3A_1033 = arith.index_cast %scan3A_1005 : i32 to index
        %swap3A_1034 = arith.constant 16 : index
        %swap3A_1035 = tpu.vector_load %arg6[%swap3A_1032, %swap3A_1033, %swap3A_1034] {strides = array<i32>} : memref<4x128x64xf32, #tpu.memory_space<vmem>>, vector<1x1x16xf32>,
        %swap3A_1036 = vector.shape_cast %swap3A_1035 : vector<1x1x16xf32> to vector<16xf32>
        %swap3A_1037 = vector.shape_cast %mul3A_1030 : vector<16xf32> to vector<1x1x16xf32>
        tpu.vector_store %arg6[%swap3A_1032, %swap3A_1033, %swap3A_1034], %swap3A_1037 {strides = array<i32>} : memref<4x128x64xf32, #tpu.memory_space<vmem>>, vector<1x1x16xf32>,
        %get3A_1038 = arith.constant 0 : i32
        %get3A_1039 = arith.index_cast %get3A_1038 : i32 to index
        %get3A_1040 = arith.index_cast %scan3A_1005 : i32 to index
        %get3A_1041 = arith.constant 32 : index
        %get3A_1042 = tpu.vector_load %arg6[%get3A_1039, %get3A_1040, %get3A_1041] {strides = array<i32>} : memref<4x128x64xf32, #tpu.memory_space<vmem>>, vector<1x1x16xf32>,
        %get3A_1043 = vector.shape_cast %get3A_1042 : vector<1x1x16xf32> to vector<16xf32>
        %mul3A_1044 = arith.constant 8.000000e+00 : f32
        %mul3A_1045 = vector.broadcast %mul3A_1044 : f32 to vector<16xf32>
        %mul3A_1046 = arith.mulf %get3A_1043, %mul3A_1045 : vector<16xf32>
        %swap3A_1047 = arith.constant 0 : i32
        %swap3A_1048 = arith.index_cast %swap3A_1047 : i32 to index
        %swap3A_1049 = arith.index_cast %scan3A_1005 : i32 to index
        %swap3A_1050 = arith.constant 32 : index
        %swap3A_1051 = tpu.vector_load %arg6[%swap3A_1048, %swap3A_1049, %swap3A_1050] {strides = array<i32>} : memref<4x128x64xf32, #tpu.memory_space<vmem>>, vector<1x1x16xf32>,
        %swap3A_1052 = vector.shape_cast %swap3A_1051 : vector<1x1x16xf32> to vector<16xf32>
        %swap3A_1053 = vector.shape_cast %mul3A_1046 : vector<16xf32> to vector<1x1x16xf32>
        tpu.vector_store %arg6[%swap3A_1048, %swap3A_1049, %swap3A_1050], %swap3A_1053 {strides = array<i32>} : memref<4x128x64xf32, #tpu.memory_space<vmem>>, vector<1x1x16xf32>,
        %get3A_1054 = arith.constant 0 : i32
        %get3A_1055 = arith.index_cast %get3A_1054 : i32 to index
        %get3A_1056 = arith.index_cast %scan3A_1005 : i32 to index
        %get3A_1057 = arith.constant 48 : index
        %get3A_1058 = tpu.vector_load %arg6[%get3A_1055, %get3A_1056, %get3A_1057] {strides = array<i32>} : memref<4x128x64xf32, #tpu.memory_space<vmem>>, vector<1x1x16xf32>,
        %get3A_1059 = vector.shape_cast %get3A_1058 : vector<1x1x16xf32> to vector<16xf32>
        %mul3A_1060 = arith.constant 8.000000e+00 : f32
        %mul3A_1061 = vector.broadcast %mul3A_1060 : f32 to vector<16xf32>
        %mul3A_1062 = arith.mulf %get3A_1059, %mul3A_1061 : vector<16xf32>
        %swap3A_1063 = arith.constant 0 : i32
        %swap3A_1064 = arith.index_cast %swap3A_1063 : i32 to index
        %swap3A_1065 = arith.index_cast %scan3A_1005 : i32 to index
        %swap3A_1066 = arith.constant 48 : index
        %swap3A_1067 = tpu.vector_load %arg6[%swap3A_1064, %swap3A_1065, %swap3A_1066] {strides = array<i32>} : memref<4x128x64xf32, #tpu.memory_space<vmem>>, vector<1x1x16xf32>,
        %swap3A_1068 = vector.shape_cast %swap3A_1067 : vector<1x1x16xf32> to vector<16xf32>
        %swap3A_1069 = vector.shape_cast %mul3A_1062 : vector<16xf32> to vector<1x1x16xf32>
        tpu.vector_store %arg6[%swap3A_1064, %swap3A_1065, %swap3A_1066], %swap3A_1069 {strides = array<i32>} : memref<4x128x64xf32, #tpu.memory_space<vmem>>, vector<1x1x16xf32>,
        %scan3A_1070 = arith.constant 2 : i32
        %scan3A_1071 = arith.addi %scan3A_941, %scan3A_1070 : i32
        %get3A_1072 = arith.constant 0 : i32
        %get3A_1073 = arith.index_cast %get3A_1072 : i32 to index
        %get3A_1074 = arith.index_cast %scan3A_1071 : i32 to index
        %get3A_1075 = arith.constant 0 : index
        %get3A_1076 = tpu.vector_load %arg6[%get3A_1073, %get3A_1074, %get3A_1075] {strides = array<i32>} : memref<4x128x64xf32, #tpu.memory_space<vmem>>, vector<1x1x16xf32>,
        %get3A_1077 = vector.shape_cast %get3A_1076 : vector<1x1x16xf32> to vector<16xf32>
        %mul3A_1078 = arith.constant 8.000000e+00 : f32
        %mul3A_1079 = vector.broadcast %mul3A_1078 : f32 to vector<16xf32>
        %mul3A_1080 = arith.mulf %get3A_1077, %mul3A_1079 : vector<16xf32>
        %swap3A_1081 = arith.constant 0 : i32
        %swap3A_1082 = arith.index_cast %swap3A_1081 : i32 to index
        %swap3A_1083 = arith.index_cast %scan3A_1071 : i32 to index
        %swap3A_1084 = arith.constant 0 : index
        %swap3A_1085 = tpu.vector_load %arg6[%swap3A_1082, %swap3A_1083, %swap3A_1084] {strides = array<i32>} : memref<4x128x64xf32, #tpu.memory_space<vmem>>, vector<1x1x16xf32>,
        %swap3A_1086 = vector.shape_cast %swap3A_1085 : vector<1x1x16xf32> to vector<16xf32>
        %swap3A_1087 = vector.shape_cast %mul3A_1080 : vector<16xf32> to vector<1x1x16xf32>
        tpu.vector_store %arg6[%swap3A_1082, %swap3A_1083, %swap3A_1084], %swap3A_1087 {strides = array<i32>} : memref<4x128x64xf32, #tpu.memory_space<vmem>>, vector<1x1x16xf32>,
        %get3A_1088 = arith.constant 0 : i32
        %get3A_1089 = arith.index_cast %get3A_1088 : i32 to index
        %get3A_1090 = arith.index_cast %scan3A_1071 : i32 to index
        %get3A_1091 = arith.constant 16 : index
        %get3A_1092 = tpu.vector_load %arg6[%get3A_1089, %get3A_1090, %get3A_1091] {strides = array<i32>} : memref<4x128x64xf32, #tpu.memory_space<vmem>>, vector<1x1x16xf32>,
        %get3A_1093 = vector.shape_cast %get3A_1092 : vector<1x1x16xf32> to vector<16xf32>
        %mul3A_1094 = arith.constant 8.000000e+00 : f32
        %mul3A_1095 = vector.broadcast %mul3A_1094 : f32 to vector<16xf32>
        %mul3A_1096 = arith.mulf %get3A_1093, %mul3A_1095 : vector<16xf32>
        %swap3A_1097 = arith.constant 0 : i32
        %swap3A_1098 = arith.index_cast %swap3A_1097 : i32 to index
        %swap3A_1099 = arith.index_cast %scan3A_1071 : i32 to index
        %swap3A_1100 = arith.constant 16 : index
        %swap3A_1101 = tpu.vector_load %arg6[%swap3A_1098, %swap3A_1099, %swap3A_1100] {strides = array<i32>} : memref<4x128x64xf32, #tpu.memory_space<vmem>>, vector<1x1x16xf32>,
        %swap3A_1102 = vector.shape_cast %swap3A_1101 : vector<1x1x16xf32> to vector<16xf32>
        %swap3A_1103 = vector.shape_cast %mul3A_1096 : vector<16xf32> to vector<1x1x16xf32>
        tpu.vector_store %arg6[%swap3A_1098, %swap3A_1099, %swap3A_1100], %swap3A_1103 {strides = array<i32>} : memref<4x128x64xf32, #tpu.memory_space<vmem>>, vector<1x1x16xf32>,
        %get3A_1104 = arith.constant 0 : i32
        %get3A_1105 = arith.index_cast %get3A_1104 : i32 to index
        %get3A_1106 = arith.index_cast %scan3A_1071 : i32 to index
        %get3A_1107 = arith.constant 32 : index
        %get3A_1108 = tpu.vector_load %arg6[%get3A_1105, %get3A_1106, %get3A_1107] {strides = array<i32>} : memref<4x128x64xf32, #tpu.memory_space<vmem>>, vector<1x1x16xf32>,
        %get3A_1109 = vector.shape_cast %get3A_1108 : vector<1x1x16xf32> to vector<16xf32>
        %mul3A_1110 = arith.constant 8.000000e+00 : f32
        %mul3A_1111 = vector.broadcast %mul3A_1110 : f32 to vector<16xf32>
        %mul3A_1112 = arith.mulf %get3A_1109, %mul3A_1111 : vector<16xf32>
        %swap3A_1113 = arith.constant 0 : i32
        %swap3A_1114 = arith.index_cast %swap3A_1113 : i32 to index
        %swap3A_1115 = arith.index_cast %scan3A_1071 : i32 to index
        %swap3A_1116 = arith.constant 32 : index
        %swap3A_1117 = tpu.vector_load %arg6[%swap3A_1114, %swap3A_1115, %swap3A_1116] {strides = array<i32>} : memref<4x128x64xf32, #tpu.memory_space<vmem>>, vector<1x1x16xf32>,
        %swap3A_1118 = vector.shape_cast %swap3A_1117 : vector<1x1x16xf32> to vector<16xf32>
        %swap3A_1119 = vector.shape_cast %mul3A_1112 : vector<16xf32> to vector<1x1x16xf32>
        tpu.vector_store %arg6[%swap3A_1114, %swap3A_1115, %swap3A_1116], %swap3A_1119 {strides = array<i32>} : memref<4x128x64xf32, #tpu.memory_space<vmem>>, vector<1x1x16xf32>,
        %get3A_1120 = arith.constant 0 : i32
        %get3A_1121 = arith.index_cast %get3A_1120 : i32 to index
        %get3A_1122 = arith.index_cast %scan3A_1071 : i32 to index
        %get3A_1123 = arith.constant 48 : index
        %get3A_1124 = tpu.vector_load %arg6[%get3A_1121, %get3A_1122, %get3A_1123] {strides = array<i32>} : memref<4x128x64xf32, #tpu.memory_space<vmem>>, vector<1x1x16xf32>,
        %get3A_1125 = vector.shape_cast %get3A_1124 : vector<1x1x16xf32> to vector<16xf32>
        %mul3A_1126 = arith.constant 8.000000e+00 : f32
        %mul3A_1127 = vector.broadcast %mul3A_1126 : f32 to vector<16xf32>
        %mul3A_1128 = arith.mulf %get3A_1125, %mul3A_1127 : vector<16xf32>
        %swap3A_1129 = arith.constant 0 : i32
        %swap3A_1130 = arith.index_cast %swap3A_1129 : i32 to index
        %swap3A_1131 = arith.index_cast %scan3A_1071 : i32 to index
        %swap3A_1132 = arith.constant 48 : index
        %swap3A_1133 = tpu.vector_load %arg6[%swap3A_1130, %swap3A_1131, %swap3A_1132] {strides = array<i32>} : memref<4x128x64xf32, #tpu.memory_space<vmem>>, vector<1x1x16xf32>,
        %swap3A_1134 = vector.shape_cast %swap3A_1133 : vector<1x1x16xf32> to vector<16xf32>
        %swap3A_1135 = vector.shape_cast %mul3A_1128 : vector<16xf32> to vector<1x1x16xf32>
        tpu.vector_store %arg6[%swap3A_1130, %swap3A_1131, %swap3A_1132], %swap3A_1135 {strides = array<i32>} : memref<4x128x64xf32, #tpu.memory_space<vmem>>, vector<1x1x16xf32>,
        %scan3A_1136 = arith.constant 3 : i32
        %scan3A_1137 = arith.addi %scan3A_941, %scan3A_1136 : i32
        %get3A_1138 = arith.constant 0 : i32
        %get3A_1139 = arith.index_cast %get3A_1138 : i32 to index
        %get3A_1140 = arith.index_cast %scan3A_1137 : i32 to index
        %get3A_1141 = arith.constant 0 : index
        %get3A_1142 = tpu.vector_load %arg6[%get3A_1139, %get3A_1140, %get3A_1141] {strides = array<i32>} : memref<4x128x64xf32, #tpu.memory_space<vmem>>, vector<1x1x16xf32>,
        %get3A_1143 = vector.shape_cast %get3A_1142 : vector<1x1x16xf32> to vector<16xf32>
        %mul3A_1144 = arith.constant 8.000000e+00 : f32
        %mul3A_1145 = vector.broadcast %mul3A_1144 : f32 to vector<16xf32>
        %mul3A_1146 = arith.mulf %get3A_1143, %mul3A_1145 : vector<16xf32>
        %swap3A_1147 = arith.constant 0 : i32
        %swap3A_1148 = arith.index_cast %swap3A_1147 : i32 to index
        %swap3A_1149 = arith.index_cast %scan3A_1137 : i32 to index
        %swap3A_1150 = arith.constant 0 : index
        %swap3A_1151 = tpu.vector_load %arg6[%swap3A_1148, %swap3A_1149, %swap3A_1150] {strides = array<i32>} : memref<4x128x64xf32, #tpu.memory_space<vmem>>, vector<1x1x16xf32>,
        %swap3A_1152 = vector.shape_cast %swap3A_1151 : vector<1x1x16xf32> to vector<16xf32>
        %swap3A_1153 = vector.shape_cast %mul3A_1146 : vector<16xf32> to vector<1x1x16xf32>
        tpu.vector_store %arg6[%swap3A_1148, %swap3A_1149, %swap3A_1150], %swap3A_1153 {strides = array<i32>} : memref<4x128x64xf32, #tpu.memory_space<vmem>>, vector<1x1x16xf32>,
        %get3A_1154 = arith.constant 0 : i32
        %get3A_1155 = arith.index_cast %get3A_1154 : i32 to index
        %get3A_1156 = arith.index_cast %scan3A_1137 : i32 to index
        %get3A_1157 = arith.constant 16 : index
        %get3A_1158 = tpu.vector_load %arg6[%get3A_1155, %get3A_1156, %get3A_1157] {strides = array<i32>} : memref<4x128x64xf32, #tpu.memory_space<vmem>>, vector<1x1x16xf32>,
        %get3A_1159 = vector.shape_cast %get3A_1158 : vector<1x1x16xf32> to vector<16xf32>
        %mul3A_1160 = arith.constant 8.000000e+00 : f32
        %mul3A_1161 = vector.broadcast %mul3A_1160 : f32 to vector<16xf32>
        %mul3A_1162 = arith.mulf %get3A_1159, %mul3A_1161 : vector<16xf32>
        %swap3A_1163 = arith.constant 0 : i32
        %swap3A_1164 = arith.index_cast %swap3A_1163 : i32 to index
        %swap3A_1165 = arith.index_cast %scan3A_1137 : i32 to index
        %swap3A_1166 = arith.constant 16 : index
        %swap3A_1167 = tpu.vector_load %arg6[%swap3A_1164, %swap3A_1165, %swap3A_1166] {strides = array<i32>} : memref<4x128x64xf32, #tpu.memory_space<vmem>>, vector<1x1x16xf32>,
        %swap3A_1168 = vector.shape_cast %swap3A_1167 : vector<1x1x16xf32> to vector<16xf32>
        %swap3A_1169 = vector.shape_cast %mul3A_1162 : vector<16xf32> to vector<1x1x16xf32>
        tpu.vector_store %arg6[%swap3A_1164, %swap3A_1165, %swap3A_1166], %swap3A_1169 {strides = array<i32>} : memref<4x128x64xf32, #tpu.memory_space<vmem>>, vector<1x1x16xf32>,
        %get3A_1170 = arith.constant 0 : i32
        %get3A_1171 = arith.index_cast %get3A_1170 : i32 to index
        %get3A_1172 = arith.index_cast %scan3A_1137 : i32 to index
        %get3A_1173 = arith.constant 32 : index
        %get3A_1174 = tpu.vector_load %arg6[%get3A_1171, %get3A_1172, %get3A_1173] {strides = array<i32>} : memref<4x128x64xf32, #tpu.memory_space<vmem>>, vector<1x1x16xf32>,
        %get3A_1175 = vector.shape_cast %get3A_1174 : vector<1x1x16xf32> to vector<16xf32>
        %mul3A_1176 = arith.constant 8.000000e+00 : f32
        %mul3A_1177 = vector.broadcast %mul3A_1176 : f32 to vector<16xf32>
        %mul3A_1178 = arith.mulf %get3A_1175, %mul3A_1177 : vector<16xf32>
        %swap3A_1179 = arith.constant 0 : i32
        %swap3A_1180 = arith.index_cast %swap3A_1179 : i32 to index
        %swap3A_1181 = arith.index_cast %scan3A_1137 : i32 to index
        %swap3A_1182 = arith.constant 32 : index
        %swap3A_1183 = tpu.vector_load %arg6[%swap3A_1180, %swap3A_1181, %swap3A_1182] {strides = array<i32>} : memref<4x128x64xf32, #tpu.memory_space<vmem>>, vector<1x1x16xf32>,
        %swap3A_1184 = vector.shape_cast %swap3A_1183 : vector<1x1x16xf32> to vector<16xf32>
        %swap3A_1185 = vector.shape_cast %mul3A_1178 : vector<16xf32> to vector<1x1x16xf32>
        tpu.vector_store %arg6[%swap3A_1180, %swap3A_1181, %swap3A_1182], %swap3A_1185 {strides = array<i32>} : memref<4x128x64xf32, #tpu.memory_space<vmem>>, vector<1x1x16xf32>,
        %get3A_1186 = arith.constant 0 : i32
        %get3A_1187 = arith.index_cast %get3A_1186 : i32 to index
        %get3A_1188 = arith.index_cast %scan3A_1137 : i32 to index
        %get3A_1189 = arith.constant 48 : index
        %get3A_1190 = tpu.vector_load %arg6[%get3A_1187, %get3A_1188, %get3A_1189] {strides = array<i32>} : memref<4x128x64xf32, #tpu.memory_space<vmem>>, vector<1x1x16xf32>,
        %get3A_1191 = vector.shape_cast %get3A_1190 : vector<1x1x16xf32> to vector<16xf32>
        %mul3A_1192 = arith.constant 8.000000e+00 : f32
        %mul3A_1193 = vector.broadcast %mul3A_1192 : f32 to vector<16xf32>
        %mul3A_1194 = arith.mulf %get3A_1191, %mul3A_1193 : vector<16xf32>
        %swap3A_1195 = arith.constant 0 : i32
        %swap3A_1196 = arith.index_cast %swap3A_1195 : i32 to index
        %swap3A_1197 = arith.index_cast %scan3A_1137 : i32 to index
        %swap3A_1198 = arith.constant 48 : index
        %swap3A_1199 = tpu.vector_load %arg6[%swap3A_1196, %swap3A_1197, %swap3A_1198] {strides = array<i32>} : memref<4x128x64xf32, #tpu.memory_space<vmem>>, vector<1x1x16xf32>,
        %swap3A_1200 = vector.shape_cast %swap3A_1199 : vector<1x1x16xf32> to vector<16xf32>
        %swap3A_1201 = vector.shape_cast %mul3A_1194 : vector<16xf32> to vector<1x1x16xf32>
        tpu.vector_store %arg6[%swap3A_1196, %swap3A_1197, %swap3A_1198], %swap3A_1201 {strides = array<i32>} : memref<4x128x64xf32, #tpu.memory_space<vmem>>, vector<1x1x16xf32>,
      }
      %scan3A_684 = arith.constant 128 : i32
      %add3A_685 = arith.addi %mul3A_2, %add3A_626 : i32
      %mul3A_686 = arith.constant 128 : i32
      %mul3A_687 = arith.muli %add3A_685, %mul3A_686 : i32
      %dma_start3A_688 = arith.constant 0 : i32
      %dma_start3A_689 = arith.constant 0 : i32
      %dma_start3A_690 = arith.constant 0 : i32
      %dma_start3A_691 = arith.constant 0 : i32
      %dma_start3A_692 = tpu.memref_slice %arg6[%dma_start3A_688, %dma_start3A_690, %dma_start3A_691] : memref<4x128x64xf32, #tpu.memory_space<vmem>> -> memref<1x128x64xf32, #tpu.memory_space<vmem>>
      %dma_start3A_693 = tpu.memref_squeeze %dma_start3A_692 : memref<1x128x64xf32, #tpu.memory_space<vmem>> -> memref<128x64xf32, #tpu.memory_space<vmem>>
      %dma_start3A_694 = arith.constant 0 : i32
      %dma_start3A_695 = tpu.memref_slice %arg4[%mul3A_687, %dma_start3A_694] : memref<819200x64xf32, #tpu.memory_space<hbm>> -> memref<128x64xf32, #tpu.memory_space<hbm>>
      %dma_start3A_696 = tpu.memref_slice %arg8[%dma_start3A_689] : memref<4x!tpu.dma_semaphore, #tpu.memory_space<semaphore_mem>> -> memref<1x!tpu.dma_semaphore, #tpu.memory_space<semaphore_mem>>
      %dma_start3A_697 = tpu.memref_squeeze %dma_start3A_696 : memref<1x!tpu.dma_semaphore, #tpu.memory_space<semaphore_mem>> -> memref<!tpu.dma_semaphore, #tpu.memory_space<semaphore_mem>>
      %dma_start3A_698 = arith.constant 0 : i32
      %dma_start3A_699 = tpu.memref_slice %arg4[%mul3A_687, %dma_start3A_698] : memref<819200x64xf32, #tpu.memory_space<hbm>> -> memref<128x64xf32, #tpu.memory_space<hbm>>
      %dma_start3A_700 = arith.constant 0 : i32
      %dma_start3A_701 = arith.constant 0 : i32
      %dma_start3A_702 = tpu.memref_slice %arg6[%dma_start3A_688, %dma_start3A_700, %dma_start3A_701] : memref<4x128x64xf32, #tpu.memory_space<vmem>> -> memref<1x128x64xf32, #tpu.memory_space<vmem>>
      %dma_start3A_703 = tpu.memref_squeeze %dma_start3A_702 : memref<1x128x64xf32, #tpu.memory_space<vmem>> -> memref<128x64xf32, #tpu.memory_space<vmem>>
      tpu.enqueue_dma source(%dma_start3A_703 : memref<128x64xf32, #tpu.memory_space<vmem>>) target(%dma_start3A_699 : memref<128x64xf32, #tpu.memory_space<hbm>>) target_semaphore(%dma_start3A_697 : memref<!tpu.dma_semaphore, #tpu.memory_space<semaphore_mem>>)
      %add3A_704 = arith.constant 1 : i32
      %add3A_705 = arith.addi %mul3A_624, %add3A_704 : i32
      %dma_wait3A_706 = arith.constant 3 : i32
      %dma_wait3A_707 = arith.constant 3 : i32
      %dma_wait3A_708 = arith.constant 0 : i32
      %dma_wait3A_709 = arith.constant 0 : i32
      %dma_wait3A_710 = tpu.memref_slice %arg6[%dma_wait3A_706, %dma_wait3A_708, %dma_wait3A_709] : memref<4x128x64xf32, #tpu.memory_space<vmem>> -> memref<1x128x64xf32, #tpu.memory_space<vmem>>
      %dma_wait3A_711 = tpu.memref_squeeze %dma_wait3A_710 : memref<1x128x64xf32, #tpu.memory_space<vmem>> -> memref<128x64xf32, #tpu.memory_space<vmem>>
      %dma_wait3A_712 = arith.constant 0 : i32
      %dma_wait3A_713 = arith.constant 0 : i32
      %dma_wait3A_714 = tpu.memref_slice %arg4[%dma_wait3A_712, %dma_wait3A_713] : memref<819200x64xf32, #tpu.memory_space<hbm>> -> memref<128x64xf32, #tpu.memory_space<hbm>>
      %dma_wait3A_715 = tpu.memref_slice %arg8[%dma_wait3A_707] : memref<4x!tpu.dma_semaphore, #tpu.memory_space<semaphore_mem>> -> memref<1x!tpu.dma_semaphore, #tpu.memory_space<semaphore_mem>>
      %dma_wait3A_716 = tpu.memref_squeeze %dma_wait3A_715 : memref<1x!tpu.dma_semaphore, #tpu.memory_space<semaphore_mem>> -> memref<!tpu.dma_semaphore, #tpu.memory_space<semaphore_mem>>
      %dma_wait3A_717 = arith.constant 0 : i32
      %dma_wait3A_718 = arith.constant 0 : i32
      %dma_wait3A_719 = tpu.memref_slice %arg4[%dma_wait3A_717, %dma_wait3A_718] : memref<819200x64xf32, #tpu.memory_space<hbm>> -> memref<128x64xf32, #tpu.memory_space<hbm>>
      %dma_wait3A_720 = arith.constant 0 : i32
      %dma_wait3A_721 = arith.constant 0 : i32
      %dma_wait3A_722 = tpu.memref_slice %arg6[%dma_wait3A_706, %dma_wait3A_720, %dma_wait3A_721] : memref<4x128x64xf32, #tpu.memory_space<vmem>> -> memref<1x128x64xf32, #tpu.memory_space<vmem>>
      %dma_wait3A_723 = tpu.memref_squeeze %dma_wait3A_722 : memref<1x128x64xf32, #tpu.memory_space<vmem>> -> memref<128x64xf32, #tpu.memory_space<vmem>>
      tpu.wait_dma2 semaphore(%dma_wait3A_716 : memref<!tpu.dma_semaphore, #tpu.memory_space<semaphore_mem>>) src(%dma_wait3A_723 : memref<128x64xf32, #tpu.memory_space<vmem>>) dst(%dma_wait3A_719 : memref<128x64xf32, #tpu.memory_space<hbm>>)
      %add3A_724 = arith.constant 2 : i32
      %add3A_725 = arith.addi %add3A_705, %add3A_724 : i32
      %dma_start3A_726 = arith.constant 3 : i32
      %dma_start3A_727 = arith.constant 3 : i32
      %dma_start3A_728 = arith.constant 0 : i32
      %dma_start3A_729 = arith.constant 0 : i32
      %dma_start3A_730 = tpu.memref_slice %arg6[%dma_start3A_726, %dma_start3A_728, %dma_start3A_729] : memref<4x128x64xf32, #tpu.memory_space<vmem>> -> memref<1x128x64xf32, #tpu.memory_space<vmem>>
      %dma_start3A_731 = tpu.memref_squeeze %dma_start3A_730 : memref<1x128x64xf32, #tpu.memory_space<vmem>> -> memref<128x64xf32, #tpu.memory_space<vmem>>
      %dma_start3A_732 = arith.constant 0 : i32
      %dma_start3A_733 = tpu.memref_slice %arg5[%add3A_725, %dma_start3A_732] : memref<200x128xi32, #tpu.memory_space<vmem>> -> memref<1x128xi32, #tpu.memory_space<vmem>>
      %dma_start3A_734 = tpu.memref_squeeze %dma_start3A_733 : memref<1x128xi32, #tpu.memory_space<vmem>> -> memref<128xi32, #tpu.memory_space<vmem>>
      %dma_start3A_735 = arith.constant 0 : i32
      %dma_start3A_736 = arith.constant 0 : i32
      %dma_start3A_737 = tpu.memref_slice %arg3[%dma_start3A_735, %dma_start3A_736] : memref<1000000x64xf32, #tpu.memory_space<hbm>> -> memref<1000000x64xf32, #tpu.memory_space<hbm>>
      %dma_start3A_738 = tpu.memref_slice %arg7[%dma_start3A_727] : memref<4x!tpu.dma_semaphore, #tpu.memory_space<semaphore_mem>> -> memref<1x!tpu.dma_semaphore, #tpu.memory_space<semaphore_mem>>
      %dma_start3A_739 = tpu.memref_squeeze %dma_start3A_738 : memref<1x!tpu.dma_semaphore, #tpu.memory_space<semaphore_mem>> -> memref<!tpu.dma_semaphore, #tpu.memory_space<semaphore_mem>>
      tpu.enqueue_indirect_dma source(%dma_start3A_737 : memref<1000000x64xf32, #tpu.memory_space<hbm>>) target(%dma_start3A_731 : memref<128x64xf32, #tpu.memory_space<vmem>>) offsets(%dma_start3A_734 : memref<128xi32, #tpu.memory_space<vmem>>) semaphore(%dma_start3A_739 : memref<!tpu.dma_semaphore, #tpu.memory_space<semaphore_mem>>)
      %dma_wait3A_740 = arith.constant 1 : i32
      %dma_wait3A_741 = arith.constant 1 : i32
      %dma_wait3A_742 = arith.constant 0 : i32
      %dma_wait3A_743 = arith.constant 0 : i32
      %dma_wait3A_744 = tpu.memref_slice %arg6[%dma_wait3A_740, %dma_wait3A_742, %dma_wait3A_743] : memref<4x128x64xf32, #tpu.memory_space<vmem>> -> memref<1x128x64xf32, #tpu.memory_space<vmem>>
      %dma_wait3A_745 = tpu.memref_squeeze %dma_wait3A_744 : memref<1x128x64xf32, #tpu.memory_space<vmem>> -> memref<128x64xf32, #tpu.memory_space<vmem>>
      %dma_wait3A_746 = arith.constant 0 : i32
      %dma_wait3A_747 = arith.constant 0 : i32
      %dma_wait3A_748 = tpu.memref_slice %arg4[%dma_wait3A_746, %dma_wait3A_747] : memref<819200x64xf32, #tpu.memory_space<hbm>> -> memref<128x64xf32, #tpu.memory_space<hbm>>
      %dma_wait3A_749 = tpu.memref_slice %arg7[%dma_wait3A_741] : memref<4x!tpu.dma_semaphore, #tpu.memory_space<semaphore_mem>> -> memref<1x!tpu.dma_semaphore, #tpu.memory_space<semaphore_mem>>
      %dma_wait3A_750 = tpu.memref_squeeze %dma_wait3A_749 : memref<1x!tpu.dma_semaphore, #tpu.memory_space<semaphore_mem>> -> memref<!tpu.dma_semaphore, #tpu.memory_space<semaphore_mem>>
      %dma_wait3A_751 = arith.constant 0 : i32
      %dma_wait3A_752 = arith.constant 0 : i32
      %dma_wait3A_753 = tpu.memref_slice %arg6[%dma_wait3A_740, %dma_wait3A_751, %dma_wait3A_752] : memref<4x128x64xf32, #tpu.memory_space<vmem>> -> memref<1x128x64xf32, #tpu.memory_space<vmem>>
      %dma_wait3A_754 = tpu.memref_squeeze %dma_wait3A_753 : memref<1x128x64xf32, #tpu.memory_space<vmem>> -> memref<128x64xf32, #tpu.memory_space<vmem>>
      %dma_wait3A_755 = arith.constant 0 : i32
      %dma_wait3A_756 = arith.constant 0 : i32
      %dma_wait3A_757 = tpu.memref_slice %arg4[%dma_wait3A_755, %dma_wait3A_756] : memref<819200x64xf32, #tpu.memory_space<hbm>> -> memref<128x64xf32, #tpu.memory_space<hbm>>
      tpu.wait_dma2 semaphore(%dma_wait3A_750 : memref<!tpu.dma_semaphore, #tpu.memory_space<semaphore_mem>>) src(%dma_wait3A_757 : memref<128x64xf32, #tpu.memory_space<hbm>>) dst(%dma_wait3A_754 : memref<128x64xf32, #tpu.memory_space<vmem>>)
      %scan3A_758 = arith.constant 0 : i32
      %scan3A_759 = arith.constant 0 : i32
      %scan3A_760 = arith.constant 128 : i32
      %scan3A_761 = arith.addi %scan3A_759, %scan3A_760 : i32
      %scan3A_762 = arith.constant 4 : i32
      scf.for %scan3A_941 = %scan3A_759 to %scan3A_761 step %scan3A_762  : i32 {
        %get3A = arith.constant 1 : i32
        %get3A_942 = arith.index_cast %get3A : i32 to index
        %get3A_943 = arith.index_cast %scan3A_941 : i32 to index
        %get3A_944 = arith.constant 0 : index
        %get3A_945 = tpu.vector_load %arg6[%get3A_942, %get3A_943, %get3A_944] {strides = array<i32>} : memref<4x128x64xf32, #tpu.memory_space<vmem>>, vector<1x1x16xf32>,
        %get3A_946 = vector.shape_cast %get3A_945 : vector<1x1x16xf32> to vector<16xf32>
        %mul3A_947 = arith.constant 8.000000e+00 : f32
        %mul3A_948 = vector.broadcast %mul3A_947 : f32 to vector<16xf32>
        %mul3A_949 = arith.mulf %get3A_946, %mul3A_948 : vector<16xf32>
        %swap3A = arith.constant 1 : i32
        %swap3A_950 = arith.index_cast %swap3A : i32 to index
        %swap3A_951 = arith.index_cast %scan3A_941 : i32 to index
        %swap3A_952 = arith.constant 0 : index
        %swap3A_953 = tpu.vector_load %arg6[%swap3A_950, %swap3A_951, %swap3A_952] {strides = array<i32>} : memref<4x128x64xf32, #tpu.memory_space<vmem>>, vector<1x1x16xf32>,
        %swap3A_954 = vector.shape_cast %swap3A_953 : vector<1x1x16xf32> to vector<16xf32>
        %swap3A_955 = vector.shape_cast %mul3A_949 : vector<16xf32> to vector<1x1x16xf32>
        tpu.vector_store %arg6[%swap3A_950, %swap3A_951, %swap3A_952], %swap3A_955 {strides = array<i32>} : memref<4x128x64xf32, #tpu.memory_space<vmem>>, vector<1x1x16xf32>,
        %get3A_956 = arith.constant 1 : i32
        %get3A_957 = arith.index_cast %get3A_956 : i32 to index
        %get3A_958 = arith.index_cast %scan3A_941 : i32 to index
        %get3A_959 = arith.constant 16 : index
        %get3A_960 = tpu.vector_load %arg6[%get3A_957, %get3A_958, %get3A_959] {strides = array<i32>} : memref<4x128x64xf32, #tpu.memory_space<vmem>>, vector<1x1x16xf32>,
        %get3A_961 = vector.shape_cast %get3A_960 : vector<1x1x16xf32> to vector<16xf32>
        %mul3A_962 = arith.constant 8.000000e+00 : f32
        %mul3A_963 = vector.broadcast %mul3A_962 : f32 to vector<16xf32>
        %mul3A_964 = arith.mulf %get3A_961, %mul3A_963 : vector<16xf32>
        %swap3A_965 = arith.constant 1 : i32
        %swap3A_966 = arith.index_cast %swap3A_965 : i32 to index
        %swap3A_967 = arith.index_cast %scan3A_941 : i32 to index
        %swap3A_968 = arith.constant 16 : index
        %swap3A_969 = tpu.vector_load %arg6[%swap3A_966, %swap3A_967, %swap3A_968] {strides = array<i32>} : memref<4x128x64xf32, #tpu.memory_space<vmem>>, vector<1x1x16xf32>,
        %swap3A_970 = vector.shape_cast %swap3A_969 : vector<1x1x16xf32> to vector<16xf32>
        %swap3A_971 = vector.shape_cast %mul3A_964 : vector<16xf32> to vector<1x1x16xf32>
        tpu.vector_store %arg6[%swap3A_966, %swap3A_967, %swap3A_968], %swap3A_971 {strides = array<i32>} : memref<4x128x64xf32, #tpu.memory_space<vmem>>, vector<1x1x16xf32>,
        %get3A_972 = arith.constant 1 : i32
        %get3A_973 = arith.index_cast %get3A_972 : i32 to index
        %get3A_974 = arith.index_cast %scan3A_941 : i32 to index
        %get3A_975 = arith.constant 32 : index
        %get3A_976 = tpu.vector_load %arg6[%get3A_973, %get3A_974, %get3A_975] {strides = array<i32>} : memref<4x128x64xf32, #tpu.memory_space<vmem>>, vector<1x1x16xf32>,
        %get3A_977 = vector.shape_cast %get3A_976 : vector<1x1x16xf32> to vector<16xf32>
        %mul3A_978 = arith.constant 8.000000e+00 : f32
        %mul3A_979 = vector.broadcast %mul3A_978 : f32 to vector<16xf32>
        %mul3A_980 = arith.mulf %get3A_977, %mul3A_979 : vector<16xf32>
        %swap3A_981 = arith.constant 1 : i32
        %swap3A_982 = arith.index_cast %swap3A_981 : i32 to index
        %swap3A_983 = arith.index_cast %scan3A_941 : i32 to index
        %swap3A_984 = arith.constant 32 : index
        %swap3A_985 = tpu.vector_load %arg6[%swap3A_982, %swap3A_983, %swap3A_984] {strides = array<i32>} : memref<4x128x64xf32, #tpu.memory_space<vmem>>, vector<1x1x16xf32>,
        %swap3A_986 = vector.shape_cast %swap3A_985 : vector<1x1x16xf32> to vector<16xf32>
        %swap3A_987 = vector.shape_cast %mul3A_980 : vector<16xf32> to vector<1x1x16xf32>
        tpu.vector_store %arg6[%swap3A_982, %swap3A_983, %swap3A_984], %swap3A_987 {strides = array<i32>} : memref<4x128x64xf32, #tpu.memory_space<vmem>>, vector<1x1x16xf32>,
        %get3A_988 = arith.constant 1 : i32
        %get3A_989 = arith.index_cast %get3A_988 : i32 to index
        %get3A_990 = arith.index_cast %scan3A_941 : i32 to index
        %get3A_991 = arith.constant 48 : index
        %get3A_992 = tpu.vector_load %arg6[%get3A_989, %get3A_990, %get3A_991] {strides = array<i32>} : memref<4x128x64xf32, #tpu.memory_space<vmem>>, vector<1x1x16xf32>,
        %get3A_993 = vector.shape_cast %get3A_992 : vector<1x1x16xf32> to vector<16xf32>
        %mul3A_994 = arith.constant 8.000000e+00 : f32
        %mul3A_995 = vector.broadcast %mul3A_994 : f32 to vector<16xf32>
        %mul3A_996 = arith.mulf %get3A_993, %mul3A_995 : vector<16xf32>
        %swap3A_997 = arith.constant 1 : i32
        %swap3A_998 = arith.index_cast %swap3A_997 : i32 to index
        %swap3A_999 = arith.index_cast %scan3A_941 : i32 to index
        %swap3A_1000 = arith.constant 48 : index
        %swap3A_1001 = tpu.vector_load %arg6[%swap3A_998, %swap3A_999, %swap3A_1000] {strides = array<i32>} : memref<4x128x64xf32, #tpu.memory_space<vmem>>, vector<1x1x16xf32>,
        %swap3A_1002 = vector.shape_cast %swap3A_1001 : vector<1x1x16xf32> to vector<16xf32>
        %swap3A_1003 = vector.shape_cast %mul3A_996 : vector<16xf32> to vector<1x1x16xf32>
        tpu.vector_store %arg6[%swap3A_998, %swap3A_999, %swap3A_1000], %swap3A_1003 {strides = array<i32>} : memref<4x128x64xf32, #tpu.memory_space<vmem>>, vector<1x1x16xf32>,
        %scan3A_1004 = arith.constant 1 : i32
        %scan3A_1005 = arith.addi %scan3A_941, %scan3A_1004 : i32
        %get3A_1006 = arith.constant 1 : i32
        %get3A_1007 = arith.index_cast %get3A_1006 : i32 to index
        %get3A_1008 = arith.index_cast %scan3A_1005 : i32 to index
        %get3A_1009 = arith.constant 0 : index
        %get3A_1010 = tpu.vector_load %arg6[%get3A_1007, %get3A_1008, %get3A_1009] {strides = array<i32>} : memref<4x128x64xf32, #tpu.memory_space<vmem>>, vector<1x1x16xf32>,
        %get3A_1011 = vector.shape_cast %get3A_1010 : vector<1x1x16xf32> to vector<16xf32>
        %mul3A_1012 = arith.constant 8.000000e+00 : f32
        %mul3A_1013 = vector.broadcast %mul3A_1012 : f32 to vector<16xf32>
        %mul3A_1014 = arith.mulf %get3A_1011, %mul3A_1013 : vector<16xf32>
        %swap3A_1015 = arith.constant 1 : i32
        %swap3A_1016 = arith.index_cast %swap3A_1015 : i32 to index
        %swap3A_1017 = arith.index_cast %scan3A_1005 : i32 to index
        %swap3A_1018 = arith.constant 0 : index
        %swap3A_1019 = tpu.vector_load %arg6[%swap3A_1016, %swap3A_1017, %swap3A_1018] {strides = array<i32>} : memref<4x128x64xf32, #tpu.memory_space<vmem>>, vector<1x1x16xf32>,
        %swap3A_1020 = vector.shape_cast %swap3A_1019 : vector<1x1x16xf32> to vector<16xf32>
        %swap3A_1021 = vector.shape_cast %mul3A_1014 : vector<16xf32> to vector<1x1x16xf32>
        tpu.vector_store %arg6[%swap3A_1016, %swap3A_1017, %swap3A_1018], %swap3A_1021 {strides = array<i32>} : memref<4x128x64xf32, #tpu.memory_space<vmem>>, vector<1x1x16xf32>,
        %get3A_1022 = arith.constant 1 : i32
        %get3A_1023 = arith.index_cast %get3A_1022 : i32 to index
        %get3A_1024 = arith.index_cast %scan3A_1005 : i32 to index
        %get3A_1025 = arith.constant 16 : index
        %get3A_1026 = tpu.vector_load %arg6[%get3A_1023, %get3A_1024, %get3A_1025] {strides = array<i32>} : memref<4x128x64xf32, #tpu.memory_space<vmem>>, vector<1x1x16xf32>,
        %get3A_1027 = vector.shape_cast %get3A_1026 : vector<1x1x16xf32> to vector<16xf32>
        %mul3A_1028 = arith.constant 8.000000e+00 : f32
        %mul3A_1029 = vector.broadcast %mul3A_1028 : f32 to vector<16xf32>
        %mul3A_1030 = arith.mulf %get3A_1027, %mul3A_1029 : vector<16xf32>
        %swap3A_1031 = arith.constant 1 : i32
        %swap3A_1032 = arith.index_cast %swap3A_1031 : i32 to index
        %swap3A_1033 = arith.index_cast %scan3A_1005 : i32 to index
        %swap3A_1034 = arith.constant 16 : index
        %swap3A_1035 = tpu.vector_load %arg6[%swap3A_1032, %swap3A_1033, %swap3A_1034] {strides = array<i32>} : memref<4x128x64xf32, #tpu.memory_space<vmem>>, vector<1x1x16xf32>,
        %swap3A_1036 = vector.shape_cast %swap3A_1035 : vector<1x1x16xf32> to vector<16xf32>
        %swap3A_1037 = vector.shape_cast %mul3A_1030 : vector<16xf32> to vector<1x1x16xf32>
        tpu.vector_store %arg6[%swap3A_1032, %swap3A_1033, %swap3A_1034], %swap3A_1037 {strides = array<i32>} : memref<4x128x64xf32, #tpu.memory_space<vmem>>, vector<1x1x16xf32>,
        %get3A_1038 = arith.constant 1 : i32
        %get3A_1039 = arith.index_cast %get3A_1038 : i32 to index
        %get3A_1040 = arith.index_cast %scan3A_1005 : i32 to index
        %get3A_1041 = arith.constant 32 : index
        %get3A_1042 = tpu.vector_load %arg6[%get3A_1039, %get3A_1040, %get3A_1041] {strides = array<i32>} : memref<4x128x64xf32, #tpu.memory_space<vmem>>, vector<1x1x16xf32>,
        %get3A_1043 = vector.shape_cast %get3A_1042 : vector<1x1x16xf32> to vector<16xf32>
        %mul3A_1044 = arith.constant 8.000000e+00 : f32
        %mul3A_1045 = vector.broadcast %mul3A_1044 : f32 to vector<16xf32>
        %mul3A_1046 = arith.mulf %get3A_1043, %mul3A_1045 : vector<16xf32>
        %swap3A_1047 = arith.constant 1 : i32
        %swap3A_1048 = arith.index_cast %swap3A_1047 : i32 to index
        %swap3A_1049 = arith.index_cast %scan3A_1005 : i32 to index
        %swap3A_1050 = arith.constant 32 : index
        %swap3A_1051 = tpu.vector_load %arg6[%swap3A_1048, %swap3A_1049, %swap3A_1050] {strides = array<i32>} : memref<4x128x64xf32, #tpu.memory_space<vmem>>, vector<1x1x16xf32>,
        %swap3A_1052 = vector.shape_cast %swap3A_1051 : vector<1x1x16xf32> to vector<16xf32>
        %swap3A_1053 = vector.shape_cast %mul3A_1046 : vector<16xf32> to vector<1x1x16xf32>
        tpu.vector_store %arg6[%swap3A_1048, %swap3A_1049, %swap3A_1050], %swap3A_1053 {strides = array<i32>} : memref<4x128x64xf32, #tpu.memory_space<vmem>>, vector<1x1x16xf32>,
        %get3A_1054 = arith.constant 1 : i32
        %get3A_1055 = arith.index_cast %get3A_1054 : i32 to index
        %get3A_1056 = arith.index_cast %scan3A_1005 : i32 to index
        %get3A_1057 = arith.constant 48 : index
        %get3A_1058 = tpu.vector_load %arg6[%get3A_1055, %get3A_1056, %get3A_1057] {strides = array<i32>} : memref<4x128x64xf32, #tpu.memory_space<vmem>>, vector<1x1x16xf32>,
        %get3A_1059 = vector.shape_cast %get3A_1058 : vector<1x1x16xf32> to vector<16xf32>
        %mul3A_1060 = arith.constant 8.000000e+00 : f32
        %mul3A_1061 = vector.broadcast %mul3A_1060 : f32 to vector<16xf32>
        %mul3A_1062 = arith.mulf %get3A_1059, %mul3A_1061 : vector<16xf32>
        %swap3A_1063 = arith.constant 1 : i32
        %swap3A_1064 = arith.index_cast %swap3A_1063 : i32 to index
        %swap3A_1065 = arith.index_cast %scan3A_1005 : i32 to index
        %swap3A_1066 = arith.constant 48 : index
        %swap3A_1067 = tpu.vector_load %arg6[%swap3A_1064, %swap3A_1065, %swap3A_1066] {strides = array<i32>} : memref<4x128x64xf32, #tpu.memory_space<vmem>>, vector<1x1x16xf32>,
        %swap3A_1068 = vector.shape_cast %swap3A_1067 : vector<1x1x16xf32> to vector<16xf32>
        %swap3A_1069 = vector.shape_cast %mul3A_1062 : vector<16xf32> to vector<1x1x16xf32>
        tpu.vector_store %arg6[%swap3A_1064, %swap3A_1065, %swap3A_1066], %swap3A_1069 {strides = array<i32>} : memref<4x128x64xf32, #tpu.memory_space<vmem>>, vector<1x1x16xf32>,
        %scan3A_1070 = arith.constant 2 : i32
        %scan3A_1071 = arith.addi %scan3A_941, %scan3A_1070 : i32
        %get3A_1072 = arith.constant 1 : i32
        %get3A_1073 = arith.index_cast %get3A_1072 : i32 to index
        %get3A_1074 = arith.index_cast %scan3A_1071 : i32 to index
        %get3A_1075 = arith.constant 0 : index
        %get3A_1076 = tpu.vector_load %arg6[%get3A_1073, %get3A_1074, %get3A_1075] {strides = array<i32>} : memref<4x128x64xf32, #tpu.memory_space<vmem>>, vector<1x1x16xf32>,
        %get3A_1077 = vector.shape_cast %get3A_1076 : vector<1x1x16xf32> to vector<16xf32>
        %mul3A_1078 = arith.constant 8.000000e+00 : f32
        %mul3A_1079 = vector.broadcast %mul3A_1078 : f32 to vector<16xf32>
        %mul3A_1080 = arith.mulf %get3A_1077, %mul3A_1079 : vector<16xf32>
        %swap3A_1081 = arith.constant 1 : i32
        %swap3A_1082 = arith.index_cast %swap3A_1081 : i32 to index
        %swap3A_1083 = arith.index_cast %scan3A_1071 : i32 to index
        %swap3A_1084 = arith.constant 0 : index
        %swap3A_1085 = tpu.vector_load %arg6[%swap3A_1082, %swap3A_1083, %swap3A_1084] {strides = array<i32>} : memref<4x128x64xf32, #tpu.memory_space<vmem>>, vector<1x1x16xf32>,
        %swap3A_1086 = vector.shape_cast %swap3A_1085 : vector<1x1x16xf32> to vector<16xf32>
        %swap3A_1087 = vector.shape_cast %mul3A_1080 : vector<16xf32> to vector<1x1x16xf32>
        tpu.vector_store %arg6[%swap3A_1082, %swap3A_1083, %swap3A_1084], %swap3A_1087 {strides = array<i32>} : memref<4x128x64xf32, #tpu.memory_space<vmem>>, vector<1x1x16xf32>,
        %get3A_1088 = arith.constant 1 : i32
        %get3A_1089 = arith.index_cast %get3A_1088 : i32 to index
        %get3A_1090 = arith.index_cast %scan3A_1071 : i32 to index
        %get3A_1091 = arith.constant 16 : index
        %get3A_1092 = tpu.vector_load %arg6[%get3A_1089, %get3A_1090, %get3A_1091] {strides = array<i32>} : memref<4x128x64xf32, #tpu.memory_space<vmem>>, vector<1x1x16xf32>,
        %get3A_1093 = vector.shape_cast %get3A_1092 : vector<1x1x16xf32> to vector<16xf32>
        %mul3A_1094 = arith.constant 8.000000e+00 : f32
        %mul3A_1095 = vector.broadcast %mul3A_1094 : f32 to vector<16xf32>
        %mul3A_1096 = arith.mulf %get3A_1093, %mul3A_1095 : vector<16xf32>
        %swap3A_1097 = arith.constant 1 : i32
        %swap3A_1098 = arith.index_cast %swap3A_1097 : i32 to index
        %swap3A_1099 = arith.index_cast %scan3A_1071 : i32 to index
        %swap3A_1100 = arith.constant 16 : index
        %swap3A_1101 = tpu.vector_load %arg6[%swap3A_1098, %swap3A_1099, %swap3A_1100] {strides = array<i32>} : memref<4x128x64xf32, #tpu.memory_space<vmem>>, vector<1x1x16xf32>,
        %swap3A_1102 = vector.shape_cast %swap3A_1101 : vector<1x1x16xf32> to vector<16xf32>
        %swap3A_1103 = vector.shape_cast %mul3A_1096 : vector<16xf32> to vector<1x1x16xf32>
        tpu.vector_store %arg6[%swap3A_1098, %swap3A_1099, %swap3A_1100], %swap3A_1103 {strides = array<i32>} : memref<4x128x64xf32, #tpu.memory_space<vmem>>, vector<1x1x16xf32>,
        %get3A_1104 = arith.constant 1 : i32
        %get3A_1105 = arith.index_cast %get3A_1104 : i32 to index
        %get3A_1106 = arith.index_cast %scan3A_1071 : i32 to index
        %get3A_1107 = arith.constant 32 : index
        %get3A_1108 = tpu.vector_load %arg6[%get3A_1105, %get3A_1106, %get3A_1107] {strides = array<i32>} : memref<4x128x64xf32, #tpu.memory_space<vmem>>, vector<1x1x16xf32>,
        %get3A_1109 = vector.shape_cast %get3A_1108 : vector<1x1x16xf32> to vector<16xf32>
        %mul3A_1110 = arith.constant 8.000000e+00 : f32
        %mul3A_1111 = vector.broadcast %mul3A_1110 : f32 to vector<16xf32>
        %mul3A_1112 = arith.mulf %get3A_1109, %mul3A_1111 : vector<16xf32>
        %swap3A_1113 = arith.constant 1 : i32
        %swap3A_1114 = arith.index_cast %swap3A_1113 : i32 to index
        %swap3A_1115 = arith.index_cast %scan3A_1071 : i32 to index
        %swap3A_1116 = arith.constant 32 : index
        %swap3A_1117 = tpu.vector_load %arg6[%swap3A_1114, %swap3A_1115, %swap3A_1116] {strides = array<i32>} : memref<4x128x64xf32, #tpu.memory_space<vmem>>, vector<1x1x16xf32>,
        %swap3A_1118 = vector.shape_cast %swap3A_1117 : vector<1x1x16xf32> to vector<16xf32>
        %swap3A_1119 = vector.shape_cast %mul3A_1112 : vector<16xf32> to vector<1x1x16xf32>
        tpu.vector_store %arg6[%swap3A_1114, %swap3A_1115, %swap3A_1116], %swap3A_1119 {strides = array<i32>} : memref<4x128x64xf32, #tpu.memory_space<vmem>>, vector<1x1x16xf32>,
        %get3A_1120 = arith.constant 1 : i32
        %get3A_1121 = arith.index_cast %get3A_1120 : i32 to index
        %get3A_1122 = arith.index_cast %scan3A_1071 : i32 to index
        %get3A_1123 = arith.constant 48 : index
        %get3A_1124 = tpu.vector_load %arg6[%get3A_1121, %get3A_1122, %get3A_1123] {strides = array<i32>} : memref<4x128x64xf32, #tpu.memory_space<vmem>>, vector<1x1x16xf32>,
        %get3A_1125 = vector.shape_cast %get3A_1124 : vector<1x1x16xf32> to vector<16xf32>
        %mul3A_1126 = arith.constant 8.000000e+00 : f32
        %mul3A_1127 = vector.broadcast %mul3A_1126 : f32 to vector<16xf32>
        %mul3A_1128 = arith.mulf %get3A_1125, %mul3A_1127 : vector<16xf32>
        %swap3A_1129 = arith.constant 1 : i32
        %swap3A_1130 = arith.index_cast %swap3A_1129 : i32 to index
        %swap3A_1131 = arith.index_cast %scan3A_1071 : i32 to index
        %swap3A_1132 = arith.constant 48 : index
        %swap3A_1133 = tpu.vector_load %arg6[%swap3A_1130, %swap3A_1131, %swap3A_1132] {strides = array<i32>} : memref<4x128x64xf32, #tpu.memory_space<vmem>>, vector<1x1x16xf32>,
        %swap3A_1134 = vector.shape_cast %swap3A_1133 : vector<1x1x16xf32> to vector<16xf32>
        %swap3A_1135 = vector.shape_cast %mul3A_1128 : vector<16xf32> to vector<1x1x16xf32>
        tpu.vector_store %arg6[%swap3A_1130, %swap3A_1131, %swap3A_1132], %swap3A_1135 {strides = array<i32>} : memref<4x128x64xf32, #tpu.memory_space<vmem>>, vector<1x1x16xf32>,
        %scan3A_1136 = arith.constant 3 : i32
        %scan3A_1137 = arith.addi %scan3A_941, %scan3A_1136 : i32
        %get3A_1138 = arith.constant 1 : i32
        %get3A_1139 = arith.index_cast %get3A_1138 : i32 to index
        %get3A_1140 = arith.index_cast %scan3A_1137 : i32 to index
        %get3A_1141 = arith.constant 0 : index
        %get3A_1142 = tpu.vector_load %arg6[%get3A_1139, %get3A_1140, %get3A_1141] {strides = array<i32>} : memref<4x128x64xf32, #tpu.memory_space<vmem>>, vector<1x1x16xf32>,
        %get3A_1143 = vector.shape_cast %get3A_1142 : vector<1x1x16xf32> to vector<16xf32>
        %mul3A_1144 = arith.constant 8.000000e+00 : f32
        %mul3A_1145 = vector.broadcast %mul3A_1144 : f32 to vector<16xf32>
        %mul3A_1146 = arith.mulf %get3A_1143, %mul3A_1145 : vector<16xf32>
        %swap3A_1147 = arith.constant 1 : i32
        %swap3A_1148 = arith.index_cast %swap3A_1147 : i32 to index
        %swap3A_1149 = arith.index_cast %scan3A_1137 : i32 to index
        %swap3A_1150 = arith.constant 0 : index
        %swap3A_1151 = tpu.vector_load %arg6[%swap3A_1148, %swap3A_1149, %swap3A_1150] {strides = array<i32>} : memref<4x128x64xf32, #tpu.memory_space<vmem>>, vector<1x1x16xf32>,
        %swap3A_1152 = vector.shape_cast %swap3A_1151 : vector<1x1x16xf32> to vector<16xf32>
        %swap3A_1153 = vector.shape_cast %mul3A_1146 : vector<16xf32> to vector<1x1x16xf32>
        tpu.vector_store %arg6[%swap3A_1148, %swap3A_1149, %swap3A_1150], %swap3A_1153 {strides = array<i32>} : memref<4x128x64xf32, #tpu.memory_space<vmem>>, vector<1x1x16xf32>,
        %get3A_1154 = arith.constant 1 : i32
        %get3A_1155 = arith.index_cast %get3A_1154 : i32 to index
        %get3A_1156 = arith.index_cast %scan3A_1137 : i32 to index
        %get3A_1157 = arith.constant 16 : index
        %get3A_1158 = tpu.vector_load %arg6[%get3A_1155, %get3A_1156, %get3A_1157] {strides = array<i32>} : memref<4x128x64xf32, #tpu.memory_space<vmem>>, vector<1x1x16xf32>,
        %get3A_1159 = vector.shape_cast %get3A_1158 : vector<1x1x16xf32> to vector<16xf32>
        %mul3A_1160 = arith.constant 8.000000e+00 : f32
        %mul3A_1161 = vector.broadcast %mul3A_1160 : f32 to vector<16xf32>
        %mul3A_1162 = arith.mulf %get3A_1159, %mul3A_1161 : vector<16xf32>
        %swap3A_1163 = arith.constant 1 : i32
        %swap3A_1164 = arith.index_cast %swap3A_1163 : i32 to index
        %swap3A_1165 = arith.index_cast %scan3A_1137 : i32 to index
        %swap3A_1166 = arith.constant 16 : index
        %swap3A_1167 = tpu.vector_load %arg6[%swap3A_1164, %swap3A_1165, %swap3A_1166] {strides = array<i32>} : memref<4x128x64xf32, #tpu.memory_space<vmem>>, vector<1x1x16xf32>,
        %swap3A_1168 = vector.shape_cast %swap3A_1167 : vector<1x1x16xf32> to vector<16xf32>
        %swap3A_1169 = vector.shape_cast %mul3A_1162 : vector<16xf32> to vector<1x1x16xf32>
        tpu.vector_store %arg6[%swap3A_1164, %swap3A_1165, %swap3A_1166], %swap3A_1169 {strides = array<i32>} : memref<4x128x64xf32, #tpu.memory_space<vmem>>, vector<1x1x16xf32>,
        %get3A_1170 = arith.constant 1 : i32
        %get3A_1171 = arith.index_cast %get3A_1170 : i32 to index
        %get3A_1172 = arith.index_cast %scan3A_1137 : i32 to index
        %get3A_1173 = arith.constant 32 : index
        %get3A_1174 = tpu.vector_load %arg6[%get3A_1171, %get3A_1172, %get3A_1173] {strides = array<i32>} : memref<4x128x64xf32, #tpu.memory_space<vmem>>, vector<1x1x16xf32>,
        %get3A_1175 = vector.shape_cast %get3A_1174 : vector<1x1x16xf32> to vector<16xf32>
        %mul3A_1176 = arith.constant 8.000000e+00 : f32
        %mul3A_1177 = vector.broadcast %mul3A_1176 : f32 to vector<16xf32>
        %mul3A_1178 = arith.mulf %get3A_1175, %mul3A_1177 : vector<16xf32>
        %swap3A_1179 = arith.constant 1 : i32
        %swap3A_1180 = arith.index_cast %swap3A_1179 : i32 to index
        %swap3A_1181 = arith.index_cast %scan3A_1137 : i32 to index
        %swap3A_1182 = arith.constant 32 : index
        %swap3A_1183 = tpu.vector_load %arg6[%swap3A_1180, %swap3A_1181, %swap3A_1182] {strides = array<i32>} : memref<4x128x64xf32, #tpu.memory_space<vmem>>, vector<1x1x16xf32>,
        %swap3A_1184 = vector.shape_cast %swap3A_1183 : vector<1x1x16xf32> to vector<16xf32>
        %swap3A_1185 = vector.shape_cast %mul3A_1178 : vector<16xf32> to vector<1x1x16xf32>
        tpu.vector_store %arg6[%swap3A_1180, %swap3A_1181, %swap3A_1182], %swap3A_1185 {strides = array<i32>} : memref<4x128x64xf32, #tpu.memory_space<vmem>>, vector<1x1x16xf32>,
        %get3A_1186 = arith.constant 1 : i32
        %get3A_1187 = arith.index_cast %get3A_1186 : i32 to index
        %get3A_1188 = arith.index_cast %scan3A_1137 : i32 to index
        %get3A_1189 = arith.constant 48 : index
        %get3A_1190 = tpu.vector_load %arg6[%get3A_1187, %get3A_1188, %get3A_1189] {strides = array<i32>} : memref<4x128x64xf32, #tpu.memory_space<vmem>>, vector<1x1x16xf32>,
        %get3A_1191 = vector.shape_cast %get3A_1190 : vector<1x1x16xf32> to vector<16xf32>
        %mul3A_1192 = arith.constant 8.000000e+00 : f32
        %mul3A_1193 = vector.broadcast %mul3A_1192 : f32 to vector<16xf32>
        %mul3A_1194 = arith.mulf %get3A_1191, %mul3A_1193 : vector<16xf32>
        %swap3A_1195 = arith.constant 1 : i32
        %swap3A_1196 = arith.index_cast %swap3A_1195 : i32 to index
        %swap3A_1197 = arith.index_cast %scan3A_1137 : i32 to index
        %swap3A_1198 = arith.constant 48 : index
        %swap3A_1199 = tpu.vector_load %arg6[%swap3A_1196, %swap3A_1197, %swap3A_1198] {strides = array<i32>} : memref<4x128x64xf32, #tpu.memory_space<vmem>>, vector<1x1x16xf32>,
        %swap3A_1200 = vector.shape_cast %swap3A_1199 : vector<1x1x16xf32> to vector<16xf32>
        %swap3A_1201 = vector.shape_cast %mul3A_1194 : vector<16xf32> to vector<1x1x16xf32>
        tpu.vector_store %arg6[%swap3A_1196, %swap3A_1197, %swap3A_1198], %swap3A_1201 {strides = array<i32>} : memref<4x128x64xf32, #tpu.memory_space<vmem>>, vector<1x1x16xf32>,
      }
      %scan3A_763 = arith.constant 128 : i32
      %add3A_764 = arith.addi %mul3A_2, %add3A_705 : i32
      %mul3A_765 = arith.constant 128 : i32
      %mul3A_766 = arith.muli %add3A_764, %mul3A_765 : i32
      %dma_start3A_767 = arith.constant 1 : i32
      %dma_start3A_768 = arith.constant 1 : i32
      %dma_start3A_769 = arith.constant 0 : i32
      %dma_start3A_770 = arith.constant 0 : i32
      %dma_start3A_771 = tpu.memref_slice %arg6[%dma_start3A_767, %dma_start3A_769, %dma_start3A_770] : memref<4x128x64xf32, #tpu.memory_space<vmem>> -> memref<1x128x64xf32, #tpu.memory_space<vmem>>
      %dma_start3A_772 = tpu.memref_squeeze %dma_start3A_771 : memref<1x128x64xf32, #tpu.memory_space<vmem>> -> memref<128x64xf32, #tpu.memory_space<vmem>>
      %dma_start3A_773 = arith.constant 0 : i32
      %dma_start3A_774 = tpu.memref_slice %arg4[%mul3A_766, %dma_start3A_773] : memref<819200x64xf32, #tpu.memory_space<hbm>> -> memref<128x64xf32, #tpu.memory_space<hbm>>
      %dma_start3A_775 = tpu.memref_slice %arg8[%dma_start3A_768] : memref<4x!tpu.dma_semaphore, #tpu.memory_space<semaphore_mem>> -> memref<1x!tpu.dma_semaphore, #tpu.memory_space<semaphore_mem>>
      %dma_start3A_776 = tpu.memref_squeeze %dma_start3A_775 : memref<1x!tpu.dma_semaphore, #tpu.memory_space<semaphore_mem>> -> memref<!tpu.dma_semaphore, #tpu.memory_space<semaphore_mem>>
      %dma_start3A_777 = arith.constant 0 : i32
      %dma_start3A_778 = tpu.memref_slice %arg4[%mul3A_766, %dma_start3A_777] : memref<819200x64xf32, #tpu.memory_space<hbm>> -> memref<128x64xf32, #tpu.memory_space<hbm>>
      %dma_start3A_779 = arith.constant 0 : i32
      %dma_start3A_780 = arith.constant 0 : i32
      %dma_start3A_781 = tpu.memref_slice %arg6[%dma_start3A_767, %dma_start3A_779, %dma_start3A_780] : memref<4x128x64xf32, #tpu.memory_space<vmem>> -> memref<1x128x64xf32, #tpu.memory_space<vmem>>
      %dma_start3A_782 = tpu.memref_squeeze %dma_start3A_781 : memref<1x128x64xf32, #tpu.memory_space<vmem>> -> memref<128x64xf32, #tpu.memory_space<vmem>>
      tpu.enqueue_dma source(%dma_start3A_782 : memref<128x64xf32, #tpu.memory_space<vmem>>) target(%dma_start3A_778 : memref<128x64xf32, #tpu.memory_space<hbm>>) target_semaphore(%dma_start3A_776 : memref<!tpu.dma_semaphore, #tpu.memory_space<semaphore_mem>>)
      %add3A_783 = arith.constant 2 : i32
      %add3A_784 = arith.addi %mul3A_624, %add3A_783 : i32
      %dma_wait3A_785 = arith.constant 0 : i32
      %dma_wait3A_786 = arith.constant 0 : i32
      %dma_wait3A_787 = arith.constant 0 : i32
      %dma_wait3A_788 = arith.constant 0 : i32
      %dma_wait3A_789 = tpu.memref_slice %arg6[%dma_wait3A_785, %dma_wait3A_787, %dma_wait3A_788] : memref<4x128x64xf32, #tpu.memory_space<vmem>> -> memref<1x128x64xf32, #tpu.memory_space<vmem>>
      %dma_wait3A_790 = tpu.memref_squeeze %dma_wait3A_789 : memref<1x128x64xf32, #tpu.memory_space<vmem>> -> memref<128x64xf32, #tpu.memory_space<vmem>>
      %dma_wait3A_791 = arith.constant 0 : i32
      %dma_wait3A_792 = arith.constant 0 : i32
      %dma_wait3A_793 = tpu.memref_slice %arg4[%dma_wait3A_791, %dma_wait3A_792] : memref<819200x64xf32, #tpu.memory_space<hbm>> -> memref<128x64xf32, #tpu.memory_space<hbm>>
      %dma_wait3A_794 = tpu.memref_slice %arg8[%dma_wait3A_786] : memref<4x!tpu.dma_semaphore, #tpu.memory_space<semaphore_mem>> -> memref<1x!tpu.dma_semaphore, #tpu.memory_space<semaphore_mem>>
      %dma_wait3A_795 = tpu.memref_squeeze %dma_wait3A_794 : memref<1x!tpu.dma_semaphore, #tpu.memory_space<semaphore_mem>> -> memref<!tpu.dma_semaphore, #tpu.memory_space<semaphore_mem>>
      %dma_wait3A_796 = arith.constant 0 : i32
      %dma_wait3A_797 = arith.constant 0 : i32
      %dma_wait3A_798 = tpu.memref_slice %arg4[%dma_wait3A_796, %dma_wait3A_797] : memref<819200x64xf32, #tpu.memory_space<hbm>> -> memref<128x64xf32, #tpu.memory_space<hbm>>
      %dma_wait3A_799 = arith.constant 0 : i32
      %dma_wait3A_800 = arith.constant 0 : i32
      %dma_wait3A_801 = tpu.memref_slice %arg6[%dma_wait3A_785, %dma_wait3A_799, %dma_wait3A_800] : memref<4x128x64xf32, #tpu.memory_space<vmem>> -> memref<1x128x64xf32, #tpu.memory_space<vmem>>
      %dma_wait3A_802 = tpu.memref_squeeze %dma_wait3A_801 : memref<1x128x64xf32, #tpu.memory_space<vmem>> -> memref<128x64xf32, #tpu.memory_space<vmem>>
      tpu.wait_dma2 semaphore(%dma_wait3A_795 : memref<!tpu.dma_semaphore, #tpu.memory_space<semaphore_mem>>) src(%dma_wait3A_802 : memref<128x64xf32, #tpu.memory_space<vmem>>) dst(%dma_wait3A_798 : memref<128x64xf32, #tpu.memory_space<hbm>>)
      %add3A_803 = arith.constant 2 : i32
      %add3A_804 = arith.addi %add3A_784, %add3A_803 : i32
      %dma_start3A_805 = arith.constant 0 : i32
      %dma_start3A_806 = arith.constant 0 : i32
      %dma_start3A_807 = arith.constant 0 : i32
      %dma_start3A_808 = arith.constant 0 : i32
      %dma_start3A_809 = tpu.memref_slice %arg6[%dma_start3A_805, %dma_start3A_807, %dma_start3A_808] : memref<4x128x64xf32, #tpu.memory_space<vmem>> -> memref<1x128x64xf32, #tpu.memory_space<vmem>>
      %dma_start3A_810 = tpu.memref_squeeze %dma_start3A_809 : memref<1x128x64xf32, #tpu.memory_space<vmem>> -> memref<128x64xf32, #tpu.memory_space<vmem>>
      %dma_start3A_811 = arith.constant 0 : i32
      %dma_start3A_812 = tpu.memref_slice %arg5[%add3A_804, %dma_start3A_811] : memref<200x128xi32, #tpu.memory_space<vmem>> -> memref<1x128xi32, #tpu.memory_space<vmem>>
      %dma_start3A_813 = tpu.memref_squeeze %dma_start3A_812 : memref<1x128xi32, #tpu.memory_space<vmem>> -> memref<128xi32, #tpu.memory_space<vmem>>
      %dma_start3A_814 = arith.constant 0 : i32
      %dma_start3A_815 = arith.constant 0 : i32
      %dma_start3A_816 = tpu.memref_slice %arg3[%dma_start3A_814, %dma_start3A_815] : memref<1000000x64xf32, #tpu.memory_space<hbm>> -> memref<1000000x64xf32, #tpu.memory_space<hbm>>
      %dma_start3A_817 = tpu.memref_slice %arg7[%dma_start3A_806] : memref<4x!tpu.dma_semaphore, #tpu.memory_space<semaphore_mem>> -> memref<1x!tpu.dma_semaphore, #tpu.memory_space<semaphore_mem>>
      %dma_start3A_818 = tpu.memref_squeeze %dma_start3A_817 : memref<1x!tpu.dma_semaphore, #tpu.memory_space<semaphore_mem>> -> memref<!tpu.dma_semaphore, #tpu.memory_space<semaphore_mem>>
      tpu.enqueue_indirect_dma source(%dma_start3A_816 : memref<1000000x64xf32, #tpu.memory_space<hbm>>) target(%dma_start3A_810 : memref<128x64xf32, #tpu.memory_space<vmem>>) offsets(%dma_start3A_813 : memref<128xi32, #tpu.memory_space<vmem>>) semaphore(%dma_start3A_818 : memref<!tpu.dma_semaphore, #tpu.memory_space<semaphore_mem>>)
      %dma_wait3A_819 = arith.constant 2 : i32
      %dma_wait3A_820 = arith.constant 2 : i32
      %dma_wait3A_821 = arith.constant 0 : i32
      %dma_wait3A_822 = arith.constant 0 : i32
      %dma_wait3A_823 = tpu.memref_slice %arg6[%dma_wait3A_819, %dma_wait3A_821, %dma_wait3A_822] : memref<4x128x64xf32, #tpu.memory_space<vmem>> -> memref<1x128x64xf32, #tpu.memory_space<vmem>>
      %dma_wait3A_824 = tpu.memref_squeeze %dma_wait3A_823 : memref<1x128x64xf32, #tpu.memory_space<vmem>> -> memref<128x64xf32, #tpu.memory_space<vmem>>
      %dma_wait3A_825 = arith.constant 0 : i32
      %dma_wait3A_826 = arith.constant 0 : i32
      %dma_wait3A_827 = tpu.memref_slice %arg4[%dma_wait3A_825, %dma_wait3A_826] : memref<819200x64xf32, #tpu.memory_space<hbm>> -> memref<128x64xf32, #tpu.memory_space<hbm>>
      %dma_wait3A_828 = tpu.memref_slice %arg7[%dma_wait3A_820] : memref<4x!tpu.dma_semaphore, #tpu.memory_space<semaphore_mem>> -> memref<1x!tpu.dma_semaphore, #tpu.memory_space<semaphore_mem>>
      %dma_wait3A_829 = tpu.memref_squeeze %dma_wait3A_828 : memref<1x!tpu.dma_semaphore, #tpu.memory_space<semaphore_mem>> -> memref<!tpu.dma_semaphore, #tpu.memory_space<semaphore_mem>>
      %dma_wait3A_830 = arith.constant 0 : i32
      %dma_wait3A_831 = arith.constant 0 : i32
      %dma_wait3A_832 = tpu.memref_slice %arg6[%dma_wait3A_819, %dma_wait3A_830, %dma_wait3A_831] : memref<4x128x64xf32, #tpu.memory_space<vmem>> -> memref<1x128x64xf32, #tpu.memory_space<vmem>>
      %dma_wait3A_833 = tpu.memref_squeeze %dma_wait3A_832 : memref<1x128x64xf32, #tpu.memory_space<vmem>> -> memref<128x64xf32, #tpu.memory_space<vmem>>
      %dma_wait3A_834 = arith.constant 0 : i32
      %dma_wait3A_835 = arith.constant 0 : i32
      %dma_wait3A_836 = tpu.memref_slice %arg4[%dma_wait3A_834, %dma_wait3A_835] : memref<819200x64xf32, #tpu.memory_space<hbm>> -> memref<128x64xf32, #tpu.memory_space<hbm>>
      tpu.wait_dma2 semaphore(%dma_wait3A_829 : memref<!tpu.dma_semaphore, #tpu.memory_space<semaphore_mem>>) src(%dma_wait3A_836 : memref<128x64xf32, #tpu.memory_space<hbm>>) dst(%dma_wait3A_833 : memref<128x64xf32, #tpu.memory_space<vmem>>)
      %scan3A_837 = arith.constant 0 : i32
      %scan3A_838 = arith.constant 0 : i32
      %scan3A_839 = arith.constant 128 : i32
      %scan3A_840 = arith.addi %scan3A_838, %scan3A_839 : i32
      %scan3A_841 = arith.constant 4 : i32
      scf.for %scan3A_941 = %scan3A_838 to %scan3A_840 step %scan3A_841  : i32 {
        %get3A = arith.constant 2 : i32
        %get3A_942 = arith.index_cast %get3A : i32 to index
        %get3A_943 = arith.index_cast %scan3A_941 : i32 to index
        %get3A_944 = arith.constant 0 : index
        %get3A_945 = tpu.vector_load %arg6[%get3A_942, %get3A_943, %get3A_944] {strides = array<i32>} : memref<4x128x64xf32, #tpu.memory_space<vmem>>, vector<1x1x16xf32>,
        %get3A_946 = vector.shape_cast %get3A_945 : vector<1x1x16xf32> to vector<16xf32>
        %mul3A_947 = arith.constant 8.000000e+00 : f32
        %mul3A_948 = vector.broadcast %mul3A_947 : f32 to vector<16xf32>
        %mul3A_949 = arith.mulf %get3A_946, %mul3A_948 : vector<16xf32>
        %swap3A = arith.constant 2 : i32
        %swap3A_950 = arith.index_cast %swap3A : i32 to index
        %swap3A_951 = arith.index_cast %scan3A_941 : i32 to index
        %swap3A_952 = arith.constant 0 : index
        %swap3A_953 = tpu.vector_load %arg6[%swap3A_950, %swap3A_951, %swap3A_952] {strides = array<i32>} : memref<4x128x64xf32, #tpu.memory_space<vmem>>, vector<1x1x16xf32>,
        %swap3A_954 = vector.shape_cast %swap3A_953 : vector<1x1x16xf32> to vector<16xf32>
        %swap3A_955 = vector.shape_cast %mul3A_949 : vector<16xf32> to vector<1x1x16xf32>
        tpu.vector_store %arg6[%swap3A_950, %swap3A_951, %swap3A_952], %swap3A_955 {strides = array<i32>} : memref<4x128x64xf32, #tpu.memory_space<vmem>>, vector<1x1x16xf32>,
        %get3A_956 = arith.constant 2 : i32
        %get3A_957 = arith.index_cast %get3A_956 : i32 to index
        %get3A_958 = arith.index_cast %scan3A_941 : i32 to index
        %get3A_959 = arith.constant 16 : index
        %get3A_960 = tpu.vector_load %arg6[%get3A_957, %get3A_958, %get3A_959] {strides = array<i32>} : memref<4x128x64xf32, #tpu.memory_space<vmem>>, vector<1x1x16xf32>,
        %get3A_961 = vector.shape_cast %get3A_960 : vector<1x1x16xf32> to vector<16xf32>
        %mul3A_962 = arith.constant 8.000000e+00 : f32
        %mul3A_963 = vector.broadcast %mul3A_962 : f32 to vector<16xf32>
        %mul3A_964 = arith.mulf %get3A_961, %mul3A_963 : vector<16xf32>
        %swap3A_965 = arith.constant 2 : i32
        %swap3A_966 = arith.index_cast %swap3A_965 : i32 to index
        %swap3A_967 = arith.index_cast %scan3A_941 : i32 to index
        %swap3A_968 = arith.constant 16 : index
        %swap3A_969 = tpu.vector_load %arg6[%swap3A_966, %swap3A_967, %swap3A_968] {strides = array<i32>} : memref<4x128x64xf32, #tpu.memory_space<vmem>>, vector<1x1x16xf32>,
        %swap3A_970 = vector.shape_cast %swap3A_969 : vector<1x1x16xf32> to vector<16xf32>
        %swap3A_971 = vector.shape_cast %mul3A_964 : vector<16xf32> to vector<1x1x16xf32>
        tpu.vector_store %arg6[%swap3A_966, %swap3A_967, %swap3A_968], %swap3A_971 {strides = array<i32>} : memref<4x128x64xf32, #tpu.memory_space<vmem>>, vector<1x1x16xf32>,
        %get3A_972 = arith.constant 2 : i32
        %get3A_973 = arith.index_cast %get3A_972 : i32 to index
        %get3A_974 = arith.index_cast %scan3A_941 : i32 to index
        %get3A_975 = arith.constant 32 : index
        %get3A_976 = tpu.vector_load %arg6[%get3A_973, %get3A_974, %get3A_975] {strides = array<i32>} : memref<4x128x64xf32, #tpu.memory_space<vmem>>, vector<1x1x16xf32>,
        %get3A_977 = vector.shape_cast %get3A_976 : vector<1x1x16xf32> to vector<16xf32>
        %mul3A_978 = arith.constant 8.000000e+00 : f32
        %mul3A_979 = vector.broadcast %mul3A_978 : f32 to vector<16xf32>
        %mul3A_980 = arith.mulf %get3A_977, %mul3A_979 : vector<16xf32>
        %swap3A_981 = arith.constant 2 : i32
        %swap3A_982 = arith.index_cast %swap3A_981 : i32 to index
        %swap3A_983 = arith.index_cast %scan3A_941 : i32 to index
        %swap3A_984 = arith.constant 32 : index
        %swap3A_985 = tpu.vector_load %arg6[%swap3A_982, %swap3A_983, %swap3A_984] {strides = array<i32>} : memref<4x128x64xf32, #tpu.memory_space<vmem>>, vector<1x1x16xf32>,
        %swap3A_986 = vector.shape_cast %swap3A_985 : vector<1x1x16xf32> to vector<16xf32>
        %swap3A_987 = vector.shape_cast %mul3A_980 : vector<16xf32> to vector<1x1x16xf32>
        tpu.vector_store %arg6[%swap3A_982, %swap3A_983, %swap3A_984], %swap3A_987 {strides = array<i32>} : memref<4x128x64xf32, #tpu.memory_space<vmem>>, vector<1x1x16xf32>,
        %get3A_988 = arith.constant 2 : i32
        %get3A_989 = arith.index_cast %get3A_988 : i32 to index
        %get3A_990 = arith.index_cast %scan3A_941 : i32 to index
        %get3A_991 = arith.constant 48 : index
        %get3A_992 = tpu.vector_load %arg6[%get3A_989, %get3A_990, %get3A_991] {strides = array<i32>} : memref<4x128x64xf32, #tpu.memory_space<vmem>>, vector<1x1x16xf32>,
        %get3A_993 = vector.shape_cast %get3A_992 : vector<1x1x16xf32> to vector<16xf32>
        %mul3A_994 = arith.constant 8.000000e+00 : f32
        %mul3A_995 = vector.broadcast %mul3A_994 : f32 to vector<16xf32>
        %mul3A_996 = arith.mulf %get3A_993, %mul3A_995 : vector<16xf32>
        %swap3A_997 = arith.constant 2 : i32
        %swap3A_998 = arith.index_cast %swap3A_997 : i32 to index
        %swap3A_999 = arith.index_cast %scan3A_941 : i32 to index
        %swap3A_1000 = arith.constant 48 : index
        %swap3A_1001 = tpu.vector_load %arg6[%swap3A_998, %swap3A_999, %swap3A_1000] {strides = array<i32>} : memref<4x128x64xf32, #tpu.memory_space<vmem>>, vector<1x1x16xf32>,
        %swap3A_1002 = vector.shape_cast %swap3A_1001 : vector<1x1x16xf32> to vector<16xf32>
        %swap3A_1003 = vector.shape_cast %mul3A_996 : vector<16xf32> to vector<1x1x16xf32>
        tpu.vector_store %arg6[%swap3A_998, %swap3A_999, %swap3A_1000], %swap3A_1003 {strides = array<i32>} : memref<4x128x64xf32, #tpu.memory_space<vmem>>, vector<1x1x16xf32>,
        %scan3A_1004 = arith.constant 1 : i32
        %scan3A_1005 = arith.addi %scan3A_941, %scan3A_1004 : i32
        %get3A_1006 = arith.constant 2 : i32
        %get3A_1007 = arith.index_cast %get3A_1006 : i32 to index
        %get3A_1008 = arith.index_cast %scan3A_1005 : i32 to index
        %get3A_1009 = arith.constant 0 : index
        %get3A_1010 = tpu.vector_load %arg6[%get3A_1007, %get3A_1008, %get3A_1009] {strides = array<i32>} : memref<4x128x64xf32, #tpu.memory_space<vmem>>, vector<1x1x16xf32>,
        %get3A_1011 = vector.shape_cast %get3A_1010 : vector<1x1x16xf32> to vector<16xf32>
        %mul3A_1012 = arith.constant 8.000000e+00 : f32
        %mul3A_1013 = vector.broadcast %mul3A_1012 : f32 to vector<16xf32>
        %mul3A_1014 = arith.mulf %get3A_1011, %mul3A_1013 : vector<16xf32>
        %swap3A_1015 = arith.constant 2 : i32
        %swap3A_1016 = arith.index_cast %swap3A_1015 : i32 to index
        %swap3A_1017 = arith.index_cast %scan3A_1005 : i32 to index
        %swap3A_1018 = arith.constant 0 : index
        %swap3A_1019 = tpu.vector_load %arg6[%swap3A_1016, %swap3A_1017, %swap3A_1018] {strides = array<i32>} : memref<4x128x64xf32, #tpu.memory_space<vmem>>, vector<1x1x16xf32>,
        %swap3A_1020 = vector.shape_cast %swap3A_1019 : vector<1x1x16xf32> to vector<16xf32>
        %swap3A_1021 = vector.shape_cast %mul3A_1014 : vector<16xf32> to vector<1x1x16xf32>
        tpu.vector_store %arg6[%swap3A_1016, %swap3A_1017, %swap3A_1018], %swap3A_1021 {strides = array<i32>} : memref<4x128x64xf32, #tpu.memory_space<vmem>>, vector<1x1x16xf32>,
        %get3A_1022 = arith.constant 2 : i32
        %get3A_1023 = arith.index_cast %get3A_1022 : i32 to index
        %get3A_1024 = arith.index_cast %scan3A_1005 : i32 to index
        %get3A_1025 = arith.constant 16 : index
        %get3A_1026 = tpu.vector_load %arg6[%get3A_1023, %get3A_1024, %get3A_1025] {strides = array<i32>} : memref<4x128x64xf32, #tpu.memory_space<vmem>>, vector<1x1x16xf32>,
        %get3A_1027 = vector.shape_cast %get3A_1026 : vector<1x1x16xf32> to vector<16xf32>
        %mul3A_1028 = arith.constant 8.000000e+00 : f32
        %mul3A_1029 = vector.broadcast %mul3A_1028 : f32 to vector<16xf32>
        %mul3A_1030 = arith.mulf %get3A_1027, %mul3A_1029 : vector<16xf32>
        %swap3A_1031 = arith.constant 2 : i32
        %swap3A_1032 = arith.index_cast %swap3A_1031 : i32 to index
        %swap3A_1033 = arith.index_cast %scan3A_1005 : i32 to index
        %swap3A_1034 = arith.constant 16 : index
        %swap3A_1035 = tpu.vector_load %arg6[%swap3A_1032, %swap3A_1033, %swap3A_1034] {strides = array<i32>} : memref<4x128x64xf32, #tpu.memory_space<vmem>>, vector<1x1x16xf32>,
        %swap3A_1036 = vector.shape_cast %swap3A_1035 : vector<1x1x16xf32> to vector<16xf32>
        %swap3A_1037 = vector.shape_cast %mul3A_1030 : vector<16xf32> to vector<1x1x16xf32>
        tpu.vector_store %arg6[%swap3A_1032, %swap3A_1033, %swap3A_1034], %swap3A_1037 {strides = array<i32>} : memref<4x128x64xf32, #tpu.memory_space<vmem>>, vector<1x1x16xf32>,
        %get3A_1038 = arith.constant 2 : i32
        %get3A_1039 = arith.index_cast %get3A_1038 : i32 to index
        %get3A_1040 = arith.index_cast %scan3A_1005 : i32 to index
        %get3A_1041 = arith.constant 32 : index
        %get3A_1042 = tpu.vector_load %arg6[%get3A_1039, %get3A_1040, %get3A_1041] {strides = array<i32>} : memref<4x128x64xf32, #tpu.memory_space<vmem>>, vector<1x1x16xf32>,
        %get3A_1043 = vector.shape_cast %get3A_1042 : vector<1x1x16xf32> to vector<16xf32>
        %mul3A_1044 = arith.constant 8.000000e+00 : f32
        %mul3A_1045 = vector.broadcast %mul3A_1044 : f32 to vector<16xf32>
        %mul3A_1046 = arith.mulf %get3A_1043, %mul3A_1045 : vector<16xf32>
        %swap3A_1047 = arith.constant 2 : i32
        %swap3A_1048 = arith.index_cast %swap3A_1047 : i32 to index
        %swap3A_1049 = arith.index_cast %scan3A_1005 : i32 to index
        %swap3A_1050 = arith.constant 32 : index
        %swap3A_1051 = tpu.vector_load %arg6[%swap3A_1048, %swap3A_1049, %swap3A_1050] {strides = array<i32>} : memref<4x128x64xf32, #tpu.memory_space<vmem>>, vector<1x1x16xf32>,
        %swap3A_1052 = vector.shape_cast %swap3A_1051 : vector<1x1x16xf32> to vector<16xf32>
        %swap3A_1053 = vector.shape_cast %mul3A_1046 : vector<16xf32> to vector<1x1x16xf32>
        tpu.vector_store %arg6[%swap3A_1048, %swap3A_1049, %swap3A_1050], %swap3A_1053 {strides = array<i32>} : memref<4x128x64xf32, #tpu.memory_space<vmem>>, vector<1x1x16xf32>,
        %get3A_1054 = arith.constant 2 : i32
        %get3A_1055 = arith.index_cast %get3A_1054 : i32 to index
        %get3A_1056 = arith.index_cast %scan3A_1005 : i32 to index
        %get3A_1057 = arith.constant 48 : index
        %get3A_1058 = tpu.vector_load %arg6[%get3A_1055, %get3A_1056, %get3A_1057] {strides = array<i32>} : memref<4x128x64xf32, #tpu.memory_space<vmem>>, vector<1x1x16xf32>,
        %get3A_1059 = vector.shape_cast %get3A_1058 : vector<1x1x16xf32> to vector<16xf32>
        %mul3A_1060 = arith.constant 8.000000e+00 : f32
        %mul3A_1061 = vector.broadcast %mul3A_1060 : f32 to vector<16xf32>
        %mul3A_1062 = arith.mulf %get3A_1059, %mul3A_1061 : vector<16xf32>
        %swap3A_1063 = arith.constant 2 : i32
        %swap3A_1064 = arith.index_cast %swap3A_1063 : i32 to index
        %swap3A_1065 = arith.index_cast %scan3A_1005 : i32 to index
        %swap3A_1066 = arith.constant 48 : index
        %swap3A_1067 = tpu.vector_load %arg6[%swap3A_1064, %swap3A_1065, %swap3A_1066] {strides = array<i32>} : memref<4x128x64xf32, #tpu.memory_space<vmem>>, vector<1x1x16xf32>,
        %swap3A_1068 = vector.shape_cast %swap3A_1067 : vector<1x1x16xf32> to vector<16xf32>
        %swap3A_1069 = vector.shape_cast %mul3A_1062 : vector<16xf32> to vector<1x1x16xf32>
        tpu.vector_store %arg6[%swap3A_1064, %swap3A_1065, %swap3A_1066], %swap3A_1069 {strides = array<i32>} : memref<4x128x64xf32, #tpu.memory_space<vmem>>, vector<1x1x16xf32>,
        %scan3A_1070 = arith.constant 2 : i32
        %scan3A_1071 = arith.addi %scan3A_941, %scan3A_1070 : i32
        %get3A_1072 = arith.constant 2 : i32
        %get3A_1073 = arith.index_cast %get3A_1072 : i32 to index
        %get3A_1074 = arith.index_cast %scan3A_1071 : i32 to index
        %get3A_1075 = arith.constant 0 : index
        %get3A_1076 = tpu.vector_load %arg6[%get3A_1073, %get3A_1074, %get3A_1075] {strides = array<i32>} : memref<4x128x64xf32, #tpu.memory_space<vmem>>, vector<1x1x16xf32>,
        %get3A_1077 = vector.shape_cast %get3A_1076 : vector<1x1x16xf32> to vector<16xf32>
        %mul3A_1078 = arith.constant 8.000000e+00 : f32
        %mul3A_1079 = vector.broadcast %mul3A_1078 : f32 to vector<16xf32>
        %mul3A_1080 = arith.mulf %get3A_1077, %mul3A_1079 : vector<16xf32>
        %swap3A_1081 = arith.constant 2 : i32
        %swap3A_1082 = arith.index_cast %swap3A_1081 : i32 to index
        %swap3A_1083 = arith.index_cast %scan3A_1071 : i32 to index
        %swap3A_1084 = arith.constant 0 : index
        %swap3A_1085 = tpu.vector_load %arg6[%swap3A_1082, %swap3A_1083, %swap3A_1084] {strides = array<i32>} : memref<4x128x64xf32, #tpu.memory_space<vmem>>, vector<1x1x16xf32>,
        %swap3A_1086 = vector.shape_cast %swap3A_1085 : vector<1x1x16xf32> to vector<16xf32>
        %swap3A_1087 = vector.shape_cast %mul3A_1080 : vector<16xf32> to vector<1x1x16xf32>
        tpu.vector_store %arg6[%swap3A_1082, %swap3A_1083, %swap3A_1084], %swap3A_1087 {strides = array<i32>} : memref<4x128x64xf32, #tpu.memory_space<vmem>>, vector<1x1x16xf32>,
        %get3A_1088 = arith.constant 2 : i32
        %get3A_1089 = arith.index_cast %get3A_1088 : i32 to index
        %get3A_1090 = arith.index_cast %scan3A_1071 : i32 to index
        %get3A_1091 = arith.constant 16 : index
        %get3A_1092 = tpu.vector_load %arg6[%get3A_1089, %get3A_1090, %get3A_1091] {strides = array<i32>} : memref<4x128x64xf32, #tpu.memory_space<vmem>>, vector<1x1x16xf32>,
        %get3A_1093 = vector.shape_cast %get3A_1092 : vector<1x1x16xf32> to vector<16xf32>
        %mul3A_1094 = arith.constant 8.000000e+00 : f32
        %mul3A_1095 = vector.broadcast %mul3A_1094 : f32 to vector<16xf32>
        %mul3A_1096 = arith.mulf %get3A_1093, %mul3A_1095 : vector<16xf32>
        %swap3A_1097 = arith.constant 2 : i32
        %swap3A_1098 = arith.index_cast %swap3A_1097 : i32 to index
        %swap3A_1099 = arith.index_cast %scan3A_1071 : i32 to index
        %swap3A_1100 = arith.constant 16 : index
        %swap3A_1101 = tpu.vector_load %arg6[%swap3A_1098, %swap3A_1099, %swap3A_1100] {strides = array<i32>} : memref<4x128x64xf32, #tpu.memory_space<vmem>>, vector<1x1x16xf32>,
        %swap3A_1102 = vector.shape_cast %swap3A_1101 : vector<1x1x16xf32> to vector<16xf32>
        %swap3A_1103 = vector.shape_cast %mul3A_1096 : vector<16xf32> to vector<1x1x16xf32>
        tpu.vector_store %arg6[%swap3A_1098, %swap3A_1099, %swap3A_1100], %swap3A_1103 {strides = array<i32>} : memref<4x128x64xf32, #tpu.memory_space<vmem>>, vector<1x1x16xf32>,
        %get3A_1104 = arith.constant 2 : i32
        %get3A_1105 = arith.index_cast %get3A_1104 : i32 to index
        %get3A_1106 = arith.index_cast %scan3A_1071 : i32 to index
        %get3A_1107 = arith.constant 32 : index
        %get3A_1108 = tpu.vector_load %arg6[%get3A_1105, %get3A_1106, %get3A_1107] {strides = array<i32>} : memref<4x128x64xf32, #tpu.memory_space<vmem>>, vector<1x1x16xf32>,
        %get3A_1109 = vector.shape_cast %get3A_1108 : vector<1x1x16xf32> to vector<16xf32>
        %mul3A_1110 = arith.constant 8.000000e+00 : f32
        %mul3A_1111 = vector.broadcast %mul3A_1110 : f32 to vector<16xf32>
        %mul3A_1112 = arith.mulf %get3A_1109, %mul3A_1111 : vector<16xf32>
        %swap3A_1113 = arith.constant 2 : i32
        %swap3A_1114 = arith.index_cast %swap3A_1113 : i32 to index
        %swap3A_1115 = arith.index_cast %scan3A_1071 : i32 to index
        %swap3A_1116 = arith.constant 32 : index
        %swap3A_1117 = tpu.vector_load %arg6[%swap3A_1114, %swap3A_1115, %swap3A_1116] {strides = array<i32>} : memref<4x128x64xf32, #tpu.memory_space<vmem>>, vector<1x1x16xf32>,
        %swap3A_1118 = vector.shape_cast %swap3A_1117 : vector<1x1x16xf32> to vector<16xf32>
        %swap3A_1119 = vector.shape_cast %mul3A_1112 : vector<16xf32> to vector<1x1x16xf32>
        tpu.vector_store %arg6[%swap3A_1114, %swap3A_1115, %swap3A_1116], %swap3A_1119 {strides = array<i32>} : memref<4x128x64xf32, #tpu.memory_space<vmem>>, vector<1x1x16xf32>,
        %get3A_1120 = arith.constant 2 : i32
        %get3A_1121 = arith.index_cast %get3A_1120 : i32 to index
        %get3A_1122 = arith.index_cast %scan3A_1071 : i32 to index
        %get3A_1123 = arith.constant 48 : index
        %get3A_1124 = tpu.vector_load %arg6[%get3A_1121, %get3A_1122, %get3A_1123] {strides = array<i32>} : memref<4x128x64xf32, #tpu.memory_space<vmem>>, vector<1x1x16xf32>,
        %get3A_1125 = vector.shape_cast %get3A_1124 : vector<1x1x16xf32> to vector<16xf32>
        %mul3A_1126 = arith.constant 8.000000e+00 : f32
        %mul3A_1127 = vector.broadcast %mul3A_1126 : f32 to vector<16xf32>
        %mul3A_1128 = arith.mulf %get3A_1125, %mul3A_1127 : vector<16xf32>
        %swap3A_1129 = arith.constant 2 : i32
        %swap3A_1130 = arith.index_cast %swap3A_1129 : i32 to index
        %swap3A_1131 = arith.index_cast %scan3A_1071 : i32 to index
        %swap3A_1132 = arith.constant 48 : index
        %swap3A_1133 = tpu.vector_load %arg6[%swap3A_1130, %swap3A_1131, %swap3A_1132] {strides = array<i32>} : memref<4x128x64xf32, #tpu.memory_space<vmem>>, vector<1x1x16xf32>,
        %swap3A_1134 = vector.shape_cast %swap3A_1133 : vector<1x1x16xf32> to vector<16xf32>
        %swap3A_1135 = vector.shape_cast %mul3A_1128 : vector<16xf32> to vector<1x1x16xf32>
        tpu.vector_store %arg6[%swap3A_1130, %swap3A_1131, %swap3A_1132], %swap3A_1135 {strides = array<i32>} : memref<4x128x64xf32, #tpu.memory_space<vmem>>, vector<1x1x16xf32>,
        %scan3A_1136 = arith.constant 3 : i32
        %scan3A_1137 = arith.addi %scan3A_941, %scan3A_1136 : i32
        %get3A_1138 = arith.constant 2 : i32
        %get3A_1139 = arith.index_cast %get3A_1138 : i32 to index
        %get3A_1140 = arith.index_cast %scan3A_1137 : i32 to index
        %get3A_1141 = arith.constant 0 : index
        %get3A_1142 = tpu.vector_load %arg6[%get3A_1139, %get3A_1140, %get3A_1141] {strides = array<i32>} : memref<4x128x64xf32, #tpu.memory_space<vmem>>, vector<1x1x16xf32>,
        %get3A_1143 = vector.shape_cast %get3A_1142 : vector<1x1x16xf32> to vector<16xf32>
        %mul3A_1144 = arith.constant 8.000000e+00 : f32
        %mul3A_1145 = vector.broadcast %mul3A_1144 : f32 to vector<16xf32>
        %mul3A_1146 = arith.mulf %get3A_1143, %mul3A_1145 : vector<16xf32>
        %swap3A_1147 = arith.constant 2 : i32
        %swap3A_1148 = arith.index_cast %swap3A_1147 : i32 to index
        %swap3A_1149 = arith.index_cast %scan3A_1137 : i32 to index
        %swap3A_1150 = arith.constant 0 : index
        %swap3A_1151 = tpu.vector_load %arg6[%swap3A_1148, %swap3A_1149, %swap3A_1150] {strides = array<i32>} : memref<4x128x64xf32, #tpu.memory_space<vmem>>, vector<1x1x16xf32>,
        %swap3A_1152 = vector.shape_cast %swap3A_1151 : vector<1x1x16xf32> to vector<16xf32>
        %swap3A_1153 = vector.shape_cast %mul3A_1146 : vector<16xf32> to vector<1x1x16xf32>
        tpu.vector_store %arg6[%swap3A_1148, %swap3A_1149, %swap3A_1150], %swap3A_1153 {strides = array<i32>} : memref<4x128x64xf32, #tpu.memory_space<vmem>>, vector<1x1x16xf32>,
        %get3A_1154 = arith.constant 2 : i32
        %get3A_1155 = arith.index_cast %get3A_1154 : i32 to index
        %get3A_1156 = arith.index_cast %scan3A_1137 : i32 to index
        %get3A_1157 = arith.constant 16 : index
        %get3A_1158 = tpu.vector_load %arg6[%get3A_1155, %get3A_1156, %get3A_1157] {strides = array<i32>} : memref<4x128x64xf32, #tpu.memory_space<vmem>>, vector<1x1x16xf32>,
        %get3A_1159 = vector.shape_cast %get3A_1158 : vector<1x1x16xf32> to vector<16xf32>
        %mul3A_1160 = arith.constant 8.000000e+00 : f32
        %mul3A_1161 = vector.broadcast %mul3A_1160 : f32 to vector<16xf32>
        %mul3A_1162 = arith.mulf %get3A_1159, %mul3A_1161 : vector<16xf32>
        %swap3A_1163 = arith.constant 2 : i32
        %swap3A_1164 = arith.index_cast %swap3A_1163 : i32 to index
        %swap3A_1165 = arith.index_cast %scan3A_1137 : i32 to index
        %swap3A_1166 = arith.constant 16 : index
        %swap3A_1167 = tpu.vector_load %arg6[%swap3A_1164, %swap3A_1165, %swap3A_1166] {strides = array<i32>} : memref<4x128x64xf32, #tpu.memory_space<vmem>>, vector<1x1x16xf32>,
        %swap3A_1168 = vector.shape_cast %swap3A_1167 : vector<1x1x16xf32> to vector<16xf32>
        %swap3A_1169 = vector.shape_cast %mul3A_1162 : vector<16xf32> to vector<1x1x16xf32>
        tpu.vector_store %arg6[%swap3A_1164, %swap3A_1165, %swap3A_1166], %swap3A_1169 {strides = array<i32>} : memref<4x128x64xf32, #tpu.memory_space<vmem>>, vector<1x1x16xf32>,
        %get3A_1170 = arith.constant 2 : i32
        %get3A_1171 = arith.index_cast %get3A_1170 : i32 to index
        %get3A_1172 = arith.index_cast %scan3A_1137 : i32 to index
        %get3A_1173 = arith.constant 32 : index
        %get3A_1174 = tpu.vector_load %arg6[%get3A_1171, %get3A_1172, %get3A_1173] {strides = array<i32>} : memref<4x128x64xf32, #tpu.memory_space<vmem>>, vector<1x1x16xf32>,
        %get3A_1175 = vector.shape_cast %get3A_1174 : vector<1x1x16xf32> to vector<16xf32>
        %mul3A_1176 = arith.constant 8.000000e+00 : f32
        %mul3A_1177 = vector.broadcast %mul3A_1176 : f32 to vector<16xf32>
        %mul3A_1178 = arith.mulf %get3A_1175, %mul3A_1177 : vector<16xf32>
        %swap3A_1179 = arith.constant 2 : i32
        %swap3A_1180 = arith.index_cast %swap3A_1179 : i32 to index
        %swap3A_1181 = arith.index_cast %scan3A_1137 : i32 to index
        %swap3A_1182 = arith.constant 32 : index
        %swap3A_1183 = tpu.vector_load %arg6[%swap3A_1180, %swap3A_1181, %swap3A_1182] {strides = array<i32>} : memref<4x128x64xf32, #tpu.memory_space<vmem>>, vector<1x1x16xf32>,
        %swap3A_1184 = vector.shape_cast %swap3A_1183 : vector<1x1x16xf32> to vector<16xf32>
        %swap3A_1185 = vector.shape_cast %mul3A_1178 : vector<16xf32> to vector<1x1x16xf32>
        tpu.vector_store %arg6[%swap3A_1180, %swap3A_1181, %swap3A_1182], %swap3A_1185 {strides = array<i32>} : memref<4x128x64xf32, #tpu.memory_space<vmem>>, vector<1x1x16xf32>,
        %get3A_1186 = arith.constant 2 : i32
        %get3A_1187 = arith.index_cast %get3A_1186 : i32 to index
        %get3A_1188 = arith.index_cast %scan3A_1137 : i32 to index
        %get3A_1189 = arith.constant 48 : index
        %get3A_1190 = tpu.vector_load %arg6[%get3A_1187, %get3A_1188, %get3A_1189] {strides = array<i32>} : memref<4x128x64xf32, #tpu.memory_space<vmem>>, vector<1x1x16xf32>,
        %get3A_1191 = vector.shape_cast %get3A_1190 : vector<1x1x16xf32> to vector<16xf32>
        %mul3A_1192 = arith.constant 8.000000e+00 : f32
        %mul3A_1193 = vector.broadcast %mul3A_1192 : f32 to vector<16xf32>
        %mul3A_1194 = arith.mulf %get3A_1191, %mul3A_1193 : vector<16xf32>
        %swap3A_1195 = arith.constant 2 : i32
        %swap3A_1196 = arith.index_cast %swap3A_1195 : i32 to index
        %swap3A_1197 = arith.index_cast %scan3A_1137 : i32 to index
        %swap3A_1198 = arith.constant 48 : index
        %swap3A_1199 = tpu.vector_load %arg6[%swap3A_1196, %swap3A_1197, %swap3A_1198] {strides = array<i32>} : memref<4x128x64xf32, #tpu.memory_space<vmem>>, vector<1x1x16xf32>,
        %swap3A_1200 = vector.shape_cast %swap3A_1199 : vector<1x1x16xf32> to vector<16xf32>
        %swap3A_1201 = vector.shape_cast %mul3A_1194 : vector<16xf32> to vector<1x1x16xf32>
        tpu.vector_store %arg6[%swap3A_1196, %swap3A_1197, %swap3A_1198], %swap3A_1201 {strides = array<i32>} : memref<4x128x64xf32, #tpu.memory_space<vmem>>, vector<1x1x16xf32>,
      }
      %scan3A_842 = arith.constant 128 : i32
      %add3A_843 = arith.addi %mul3A_2, %add3A_784 : i32
      %mul3A_844 = arith.constant 128 : i32
      %mul3A_845 = arith.muli %add3A_843, %mul3A_844 : i32
      %dma_start3A_846 = arith.constant 2 : i32
      %dma_start3A_847 = arith.constant 2 : i32
      %dma_start3A_848 = arith.constant 0 : i32
      %dma_start3A_849 = arith.constant 0 : i32
      %dma_start3A_850 = tpu.memref_slice %arg6[%dma_start3A_846, %dma_start3A_848, %dma_start3A_849] : memref<4x128x64xf32, #tpu.memory_space<vmem>> -> memref<1x128x64xf32, #tpu.memory_space<vmem>>
      %dma_start3A_851 = tpu.memref_squeeze %dma_start3A_850 : memref<1x128x64xf32, #tpu.memory_space<vmem>> -> memref<128x64xf32, #tpu.memory_space<vmem>>
      %dma_start3A_852 = arith.constant 0 : i32
      %dma_start3A_853 = tpu.memref_slice %arg4[%mul3A_845, %dma_start3A_852] : memref<819200x64xf32, #tpu.memory_space<hbm>> -> memref<128x64xf32, #tpu.memory_space<hbm>>
      %dma_start3A_854 = tpu.memref_slice %arg8[%dma_start3A_847] : memref<4x!tpu.dma_semaphore, #tpu.memory_space<semaphore_mem>> -> memref<1x!tpu.dma_semaphore, #tpu.memory_space<semaphore_mem>>
      %dma_start3A_855 = tpu.memref_squeeze %dma_start3A_854 : memref<1x!tpu.dma_semaphore, #tpu.memory_space<semaphore_mem>> -> memref<!tpu.dma_semaphore, #tpu.memory_space<semaphore_mem>>
      %dma_start3A_856 = arith.constant 0 : i32
      %dma_start3A_857 = tpu.memref_slice %arg4[%mul3A_845, %dma_start3A_856] : memref<819200x64xf32, #tpu.memory_space<hbm>> -> memref<128x64xf32, #tpu.memory_space<hbm>>
      %dma_start3A_858 = arith.constant 0 : i32
      %dma_start3A_859 = arith.constant 0 : i32
      %dma_start3A_860 = tpu.memref_slice %arg6[%dma_start3A_846, %dma_start3A_858, %dma_start3A_859] : memref<4x128x64xf32, #tpu.memory_space<vmem>> -> memref<1x128x64xf32, #tpu.memory_space<vmem>>
      %dma_start3A_861 = tpu.memref_squeeze %dma_start3A_860 : memref<1x128x64xf32, #tpu.memory_space<vmem>> -> memref<128x64xf32, #tpu.memory_space<vmem>>
      tpu.enqueue_dma source(%dma_start3A_861 : memref<128x64xf32, #tpu.memory_space<vmem>>) target(%dma_start3A_857 : memref<128x64xf32, #tpu.memory_space<hbm>>) target_semaphore(%dma_start3A_855 : memref<!tpu.dma_semaphore, #tpu.memory_space<semaphore_mem>>)
      %add3A_862 = arith.constant 3 : i32
      %add3A_863 = arith.addi %mul3A_624, %add3A_862 : i32
      %dma_wait3A_864 = arith.constant 1 : i32
      %dma_wait3A_865 = arith.constant 1 : i32
      %dma_wait3A_866 = arith.constant 0 : i32
      %dma_wait3A_867 = arith.constant 0 : i32
      %dma_wait3A_868 = tpu.memref_slice %arg6[%dma_wait3A_864, %dma_wait3A_866, %dma_wait3A_867] : memref<4x128x64xf32, #tpu.memory_space<vmem>> -> memref<1x128x64xf32, #tpu.memory_space<vmem>>
      %dma_wait3A_869 = tpu.memref_squeeze %dma_wait3A_868 : memref<1x128x64xf32, #tpu.memory_space<vmem>> -> memref<128x64xf32, #tpu.memory_space<vmem>>
      %dma_wait3A_870 = arith.constant 0 : i32
      %dma_wait3A_871 = arith.constant 0 : i32
      %dma_wait3A_872 = tpu.memref_slice %arg4[%dma_wait3A_870, %dma_wait3A_871] : memref<819200x64xf32, #tpu.memory_space<hbm>> -> memref<128x64xf32, #tpu.memory_space<hbm>>
      %dma_wait3A_873 = tpu.memref_slice %arg8[%dma_wait3A_865] : memref<4x!tpu.dma_semaphore, #tpu.memory_space<semaphore_mem>> -> memref<1x!tpu.dma_semaphore, #tpu.memory_space<semaphore_mem>>
      %dma_wait3A_874 = tpu.memref_squeeze %dma_wait3A_873 : memref<1x!tpu.dma_semaphore, #tpu.memory_space<semaphore_mem>> -> memref<!tpu.dma_semaphore, #tpu.memory_space<semaphore_mem>>
      %dma_wait3A_875 = arith.constant 0 : i32
      %dma_wait3A_876 = arith.constant 0 : i32
      %dma_wait3A_877 = tpu.memref_slice %arg4[%dma_wait3A_875, %dma_wait3A_876] : memref<819200x64xf32, #tpu.memory_space<hbm>> -> memref<128x64xf32, #tpu.memory_space<hbm>>
      %dma_wait3A_878 = arith.constant 0 : i32
      %dma_wait3A_879 = arith.constant 0 : i32
      %dma_wait3A_880 = tpu.memref_slice %arg6[%dma_wait3A_864, %dma_wait3A_878, %dma_wait3A_879] : memref<4x128x64xf32, #tpu.memory_space<vmem>> -> memref<1x128x64xf32, #tpu.memory_space<vmem>>
      %dma_wait3A_881 = tpu.memref_squeeze %dma_wait3A_880 : memref<1x128x64xf32, #tpu.memory_space<vmem>> -> memref<128x64xf32, #tpu.memory_space<vmem>>
      tpu.wait_dma2 semaphore(%dma_wait3A_874 : memref<!tpu.dma_semaphore, #tpu.memory_space<semaphore_mem>>) src(%dma_wait3A_881 : memref<128x64xf32, #tpu.memory_space<vmem>>) dst(%dma_wait3A_877 : memref<128x64xf32, #tpu.memory_space<hbm>>)
      %add3A_882 = arith.constant 2 : i32
      %add3A_883 = arith.addi %add3A_863, %add3A_882 : i32
      %dma_start3A_884 = arith.constant 1 : i32
      %dma_start3A_885 = arith.constant 1 : i32
      %dma_start3A_886 = arith.constant 0 : i32
      %dma_start3A_887 = arith.constant 0 : i32
      %dma_start3A_888 = tpu.memref_slice %arg6[%dma_start3A_884, %dma_start3A_886, %dma_start3A_887] : memref<4x128x64xf32, #tpu.memory_space<vmem>> -> memref<1x128x64xf32, #tpu.memory_space<vmem>>
      %dma_start3A_889 = tpu.memref_squeeze %dma_start3A_888 : memref<1x128x64xf32, #tpu.memory_space<vmem>> -> memref<128x64xf32, #tpu.memory_space<vmem>>
      %dma_start3A_890 = arith.constant 0 : i32
      %dma_start3A_891 = tpu.memref_slice %arg5[%add3A_883, %dma_start3A_890] : memref<200x128xi32, #tpu.memory_space<vmem>> -> memref<1x128xi32, #tpu.memory_space<vmem>>
      %dma_start3A_892 = tpu.memref_squeeze %dma_start3A_891 : memref<1x128xi32, #tpu.memory_space<vmem>> -> memref<128xi32, #tpu.memory_space<vmem>>
      %dma_start3A_893 = arith.constant 0 : i32
      %dma_start3A_894 = arith.constant 0 : i32
      %dma_start3A_895 = tpu.memref_slice %arg3[%dma_start3A_893, %dma_start3A_894] : memref<1000000x64xf32, #tpu.memory_space<hbm>> -> memref<1000000x64xf32, #tpu.memory_space<hbm>>
      %dma_start3A_896 = tpu.memref_slice %arg7[%dma_start3A_885] : memref<4x!tpu.dma_semaphore, #tpu.memory_space<semaphore_mem>> -> memref<1x!tpu.dma_semaphore, #tpu.memory_space<semaphore_mem>>
      %dma_start3A_897 = tpu.memref_squeeze %dma_start3A_896 : memref<1x!tpu.dma_semaphore, #tpu.memory_space<semaphore_mem>> -> memref<!tpu.dma_semaphore, #tpu.memory_space<semaphore_mem>>
      tpu.enqueue_indirect_dma source(%dma_start3A_895 : memref<1000000x64xf32, #tpu.memory_space<hbm>>) target(%dma_start3A_889 : memref<128x64xf32, #tpu.memory_space<vmem>>) offsets(%dma_start3A_892 : memref<128xi32, #tpu.memory_space<vmem>>) semaphore(%dma_start3A_897 : memref<!tpu.dma_semaphore, #tpu.memory_space<semaphore_mem>>)
      %dma_wait3A_898 = arith.constant 3 : i32
      %dma_wait3A_899 = arith.constant 3 : i32
      %dma_wait3A_900 = arith.constant 0 : i32
      %dma_wait3A_901 = arith.constant 0 : i32
      %dma_wait3A_902 = tpu.memref_slice %arg6[%dma_wait3A_898, %dma_wait3A_900, %dma_wait3A_901] : memref<4x128x64xf32, #tpu.memory_space<vmem>> -> memref<1x128x64xf32, #tpu.memory_space<vmem>>
      %dma_wait3A_903 = tpu.memref_squeeze %dma_wait3A_902 : memref<1x128x64xf32, #tpu.memory_space<vmem>> -> memref<128x64xf32, #tpu.memory_space<vmem>>
      %dma_wait3A_904 = arith.constant 0 : i32
      %dma_wait3A_905 = arith.constant 0 : i32
      %dma_wait3A_906 = tpu.memref_slice %arg4[%dma_wait3A_904, %dma_wait3A_905] : memref<819200x64xf32, #tpu.memory_space<hbm>> -> memref<128x64xf32, #tpu.memory_space<hbm>>
      %dma_wait3A_907 = tpu.memref_slice %arg7[%dma_wait3A_899] : memref<4x!tpu.dma_semaphore, #tpu.memory_space<semaphore_mem>> -> memref<1x!tpu.dma_semaphore, #tpu.memory_space<semaphore_mem>>
      %dma_wait3A_908 = tpu.memref_squeeze %dma_wait3A_907 : memref<1x!tpu.dma_semaphore, #tpu.memory_space<semaphore_mem>> -> memref<!tpu.dma_semaphore, #tpu.memory_space<semaphore_mem>>
      %dma_wait3A_909 = arith.constant 0 : i32
      %dma_wait3A_910 = arith.constant 0 : i32
      %dma_wait3A_911 = tpu.memref_slice %arg6[%dma_wait3A_898, %dma_wait3A_909, %dma_wait3A_910] : memref<4x128x64xf32, #tpu.memory_space<vmem>> -> memref<1x128x64xf32, #tpu.memory_space<vmem>>
      %dma_wait3A_912 = tpu.memref_squeeze %dma_wait3A_911 : memref<1x128x64xf32, #tpu.memory_space<vmem>> -> memref<128x64xf32, #tpu.memory_space<vmem>>
      %dma_wait3A_913 = arith.constant 0 : i32
      %dma_wait3A_914 = arith.constant 0 : i32
      %dma_wait3A_915 = tpu.memref_slice %arg4[%dma_wait3A_913, %dma_wait3A_914] : memref<819200x64xf32, #tpu.memory_space<hbm>> -> memref<128x64xf32, #tpu.memory_space<hbm>>
      tpu.wait_dma2 semaphore(%dma_wait3A_908 : memref<!tpu.dma_semaphore, #tpu.memory_space<semaphore_mem>>) src(%dma_wait3A_915 : memref<128x64xf32, #tpu.memory_space<hbm>>) dst(%dma_wait3A_912 : memref<128x64xf32, #tpu.memory_space<vmem>>)
      %scan3A_916 = arith.constant 0 : i32
      %scan3A_917 = arith.constant 0 : i32
      %scan3A_918 = arith.constant 128 : i32
      %scan3A_919 = arith.addi %scan3A_917, %scan3A_918 : i32
      %scan3A_920 = arith.constant 4 : i32
      scf.for %scan3A_941 = %scan3A_917 to %scan3A_919 step %scan3A_920  : i32 {
        %get3A = arith.constant 3 : i32
        %get3A_942 = arith.index_cast %get3A : i32 to index
        %get3A_943 = arith.index_cast %scan3A_941 : i32 to index
        %get3A_944 = arith.constant 0 : index
        %get3A_945 = tpu.vector_load %arg6[%get3A_942, %get3A_943, %get3A_944] {strides = array<i32>} : memref<4x128x64xf32, #tpu.memory_space<vmem>>, vector<1x1x16xf32>,
        %get3A_946 = vector.shape_cast %get3A_945 : vector<1x1x16xf32> to vector<16xf32>
        %mul3A_947 = arith.constant 8.000000e+00 : f32
        %mul3A_948 = vector.broadcast %mul3A_947 : f32 to vector<16xf32>
        %mul3A_949 = arith.mulf %get3A_946, %mul3A_948 : vector<16xf32>
        %swap3A = arith.constant 3 : i32
        %swap3A_950 = arith.index_cast %swap3A : i32 to index
        %swap3A_951 = arith.index_cast %scan3A_941 : i32 to index
        %swap3A_952 = arith.constant 0 : index
        %swap3A_953 = tpu.vector_load %arg6[%swap3A_950, %swap3A_951, %swap3A_952] {strides = array<i32>} : memref<4x128x64xf32, #tpu.memory_space<vmem>>, vector<1x1x16xf32>,
        %swap3A_954 = vector.shape_cast %swap3A_953 : vector<1x1x16xf32> to vector<16xf32>
        %swap3A_955 = vector.shape_cast %mul3A_949 : vector<16xf32> to vector<1x1x16xf32>
        tpu.vector_store %arg6[%swap3A_950, %swap3A_951, %swap3A_952], %swap3A_955 {strides = array<i32>} : memref<4x128x64xf32, #tpu.memory_space<vmem>>, vector<1x1x16xf32>,
        %get3A_956 = arith.constant 3 : i32
        %get3A_957 = arith.index_cast %get3A_956 : i32 to index
        %get3A_958 = arith.index_cast %scan3A_941 : i32 to index
        %get3A_959 = arith.constant 16 : index
        %get3A_960 = tpu.vector_load %arg6[%get3A_957, %get3A_958, %get3A_959] {strides = array<i32>} : memref<4x128x64xf32, #tpu.memory_space<vmem>>, vector<1x1x16xf32>,
        %get3A_961 = vector.shape_cast %get3A_960 : vector<1x1x16xf32> to vector<16xf32>
        %mul3A_962 = arith.constant 8.000000e+00 : f32
        %mul3A_963 = vector.broadcast %mul3A_962 : f32 to vector<16xf32>
        %mul3A_964 = arith.mulf %get3A_961, %mul3A_963 : vector<16xf32>
        %swap3A_965 = arith.constant 3 : i32
        %swap3A_966 = arith.index_cast %swap3A_965 : i32 to index
        %swap3A_967 = arith.index_cast %scan3A_941 : i32 to index
        %swap3A_968 = arith.constant 16 : index
        %swap3A_969 = tpu.vector_load %arg6[%swap3A_966, %swap3A_967, %swap3A_968] {strides = array<i32>} : memref<4x128x64xf32, #tpu.memory_space<vmem>>, vector<1x1x16xf32>,
        %swap3A_970 = vector.shape_cast %swap3A_969 : vector<1x1x16xf32> to vector<16xf32>
        %swap3A_971 = vector.shape_cast %mul3A_964 : vector<16xf32> to vector<1x1x16xf32>
        tpu.vector_store %arg6[%swap3A_966, %swap3A_967, %swap3A_968], %swap3A_971 {strides = array<i32>} : memref<4x128x64xf32, #tpu.memory_space<vmem>>, vector<1x1x16xf32>,
        %get3A_972 = arith.constant 3 : i32
        %get3A_973 = arith.index_cast %get3A_972 : i32 to index
        %get3A_974 = arith.index_cast %scan3A_941 : i32 to index
        %get3A_975 = arith.constant 32 : index
        %get3A_976 = tpu.vector_load %arg6[%get3A_973, %get3A_974, %get3A_975] {strides = array<i32>} : memref<4x128x64xf32, #tpu.memory_space<vmem>>, vector<1x1x16xf32>,
        %get3A_977 = vector.shape_cast %get3A_976 : vector<1x1x16xf32> to vector<16xf32>
        %mul3A_978 = arith.constant 8.000000e+00 : f32
        %mul3A_979 = vector.broadcast %mul3A_978 : f32 to vector<16xf32>
        %mul3A_980 = arith.mulf %get3A_977, %mul3A_979 : vector<16xf32>
        %swap3A_981 = arith.constant 3 : i32
        %swap3A_982 = arith.index_cast %swap3A_981 : i32 to index
        %swap3A_983 = arith.index_cast %scan3A_941 : i32 to index
        %swap3A_984 = arith.constant 32 : index
        %swap3A_985 = tpu.vector_load %arg6[%swap3A_982, %swap3A_983, %swap3A_984] {strides = array<i32>} : memref<4x128x64xf32, #tpu.memory_space<vmem>>, vector<1x1x16xf32>,
        %swap3A_986 = vector.shape_cast %swap3A_985 : vector<1x1x16xf32> to vector<16xf32>
        %swap3A_987 = vector.shape_cast %mul3A_980 : vector<16xf32> to vector<1x1x16xf32>
        tpu.vector_store %arg6[%swap3A_982, %swap3A_983, %swap3A_984], %swap3A_987 {strides = array<i32>} : memref<4x128x64xf32, #tpu.memory_space<vmem>>, vector<1x1x16xf32>,
        %get3A_988 = arith.constant 3 : i32
        %get3A_989 = arith.index_cast %get3A_988 : i32 to index
        %get3A_990 = arith.index_cast %scan3A_941 : i32 to index
        %get3A_991 = arith.constant 48 : index
        %get3A_992 = tpu.vector_load %arg6[%get3A_989, %get3A_990, %get3A_991] {strides = array<i32>} : memref<4x128x64xf32, #tpu.memory_space<vmem>>, vector<1x1x16xf32>,
        %get3A_993 = vector.shape_cast %get3A_992 : vector<1x1x16xf32> to vector<16xf32>
        %mul3A_994 = arith.constant 8.000000e+00 : f32
        %mul3A_995 = vector.broadcast %mul3A_994 : f32 to vector<16xf32>
        %mul3A_996 = arith.mulf %get3A_993, %mul3A_995 : vector<16xf32>
        %swap3A_997 = arith.constant 3 : i32
        %swap3A_998 = arith.index_cast %swap3A_997 : i32 to index
        %swap3A_999 = arith.index_cast %scan3A_941 : i32 to index
        %swap3A_1000 = arith.constant 48 : index
        %swap3A_1001 = tpu.vector_load %arg6[%swap3A_998, %swap3A_999, %swap3A_1000] {strides = array<i32>} : memref<4x128x64xf32, #tpu.memory_space<vmem>>, vector<1x1x16xf32>,
        %swap3A_1002 = vector.shape_cast %swap3A_1001 : vector<1x1x16xf32> to vector<16xf32>
        %swap3A_1003 = vector.shape_cast %mul3A_996 : vector<16xf32> to vector<1x1x16xf32>
        tpu.vector_store %arg6[%swap3A_998, %swap3A_999, %swap3A_1000], %swap3A_1003 {strides = array<i32>} : memref<4x128x64xf32, #tpu.memory_space<vmem>>, vector<1x1x16xf32>,
        %scan3A_1004 = arith.constant 1 : i32
        %scan3A_1005 = arith.addi %scan3A_941, %scan3A_1004 : i32
        %get3A_1006 = arith.constant 3 : i32
        %get3A_1007 = arith.index_cast %get3A_1006 : i32 to index
        %get3A_1008 = arith.index_cast %scan3A_1005 : i32 to index
        %get3A_1009 = arith.constant 0 : index
        %get3A_1010 = tpu.vector_load %arg6[%get3A_1007, %get3A_1008, %get3A_1009] {strides = array<i32>} : memref<4x128x64xf32, #tpu.memory_space<vmem>>, vector<1x1x16xf32>,
        %get3A_1011 = vector.shape_cast %get3A_1010 : vector<1x1x16xf32> to vector<16xf32>
        %mul3A_1012 = arith.constant 8.000000e+00 : f32
        %mul3A_1013 = vector.broadcast %mul3A_1012 : f32 to vector<16xf32>
        %mul3A_1014 = arith.mulf %get3A_1011, %mul3A_1013 : vector<16xf32>
        %swap3A_1015 = arith.constant 3 : i32
        %swap3A_1016 = arith.index_cast %swap3A_1015 : i32 to index
        %swap3A_1017 = arith.index_cast %scan3A_1005 : i32 to index
        %swap3A_1018 = arith.constant 0 : index
        %swap3A_1019 = tpu.vector_load %arg6[%swap3A_1016, %swap3A_1017, %swap3A_1018] {strides = array<i32>} : memref<4x128x64xf32, #tpu.memory_space<vmem>>, vector<1x1x16xf32>,
        %swap3A_1020 = vector.shape_cast %swap3A_1019 : vector<1x1x16xf32> to vector<16xf32>
        %swap3A_1021 = vector.shape_cast %mul3A_1014 : vector<16xf32> to vector<1x1x16xf32>
        tpu.vector_store %arg6[%swap3A_1016, %swap3A_1017, %swap3A_1018], %swap3A_1021 {strides = array<i32>} : memref<4x128x64xf32, #tpu.memory_space<vmem>>, vector<1x1x16xf32>,
        %get3A_1022 = arith.constant 3 : i32
        %get3A_1023 = arith.index_cast %get3A_1022 : i32 to index
        %get3A_1024 = arith.index_cast %scan3A_1005 : i32 to index
        %get3A_1025 = arith.constant 16 : index
        %get3A_1026 = tpu.vector_load %arg6[%get3A_1023, %get3A_1024, %get3A_1025] {strides = array<i32>} : memref<4x128x64xf32, #tpu.memory_space<vmem>>, vector<1x1x16xf32>,
        %get3A_1027 = vector.shape_cast %get3A_1026 : vector<1x1x16xf32> to vector<16xf32>
        %mul3A_1028 = arith.constant 8.000000e+00 : f32
        %mul3A_1029 = vector.broadcast %mul3A_1028 : f32 to vector<16xf32>
        %mul3A_1030 = arith.mulf %get3A_1027, %mul3A_1029 : vector<16xf32>
        %swap3A_1031 = arith.constant 3 : i32
        %swap3A_1032 = arith.index_cast %swap3A_1031 : i32 to index
        %swap3A_1033 = arith.index_cast %scan3A_1005 : i32 to index
        %swap3A_1034 = arith.constant 16 : index
        %swap3A_1035 = tpu.vector_load %arg6[%swap3A_1032, %swap3A_1033, %swap3A_1034] {strides = array<i32>} : memref<4x128x64xf32, #tpu.memory_space<vmem>>, vector<1x1x16xf32>,
        %swap3A_1036 = vector.shape_cast %swap3A_1035 : vector<1x1x16xf32> to vector<16xf32>
        %swap3A_1037 = vector.shape_cast %mul3A_1030 : vector<16xf32> to vector<1x1x16xf32>
        tpu.vector_store %arg6[%swap3A_1032, %swap3A_1033, %swap3A_1034], %swap3A_1037 {strides = array<i32>} : memref<4x128x64xf32, #tpu.memory_space<vmem>>, vector<1x1x16xf32>,
        %get3A_1038 = arith.constant 3 : i32
        %get3A_1039 = arith.index_cast %get3A_1038 : i32 to index
        %get3A_1040 = arith.index_cast %scan3A_1005 : i32 to index
        %get3A_1041 = arith.constant 32 : index
        %get3A_1042 = tpu.vector_load %arg6[%get3A_1039, %get3A_1040, %get3A_1041] {strides = array<i32>} : memref<4x128x64xf32, #tpu.memory_space<vmem>>, vector<1x1x16xf32>,
        %get3A_1043 = vector.shape_cast %get3A_1042 : vector<1x1x16xf32> to vector<16xf32>
        %mul3A_1044 = arith.constant 8.000000e+00 : f32
        %mul3A_1045 = vector.broadcast %mul3A_1044 : f32 to vector<16xf32>
        %mul3A_1046 = arith.mulf %get3A_1043, %mul3A_1045 : vector<16xf32>
        %swap3A_1047 = arith.constant 3 : i32
        %swap3A_1048 = arith.index_cast %swap3A_1047 : i32 to index
        %swap3A_1049 = arith.index_cast %scan3A_1005 : i32 to index
        %swap3A_1050 = arith.constant 32 : index
        %swap3A_1051 = tpu.vector_load %arg6[%swap3A_1048, %swap3A_1049, %swap3A_1050] {strides = array<i32>} : memref<4x128x64xf32, #tpu.memory_space<vmem>>, vector<1x1x16xf32>,
        %swap3A_1052 = vector.shape_cast %swap3A_1051 : vector<1x1x16xf32> to vector<16xf32>
        %swap3A_1053 = vector.shape_cast %mul3A_1046 : vector<16xf32> to vector<1x1x16xf32>
        tpu.vector_store %arg6[%swap3A_1048, %swap3A_1049, %swap3A_1050], %swap3A_1053 {strides = array<i32>} : memref<4x128x64xf32, #tpu.memory_space<vmem>>, vector<1x1x16xf32>,
        %get3A_1054 = arith.constant 3 : i32
        %get3A_1055 = arith.index_cast %get3A_1054 : i32 to index
        %get3A_1056 = arith.index_cast %scan3A_1005 : i32 to index
        %get3A_1057 = arith.constant 48 : index
        %get3A_1058 = tpu.vector_load %arg6[%get3A_1055, %get3A_1056, %get3A_1057] {strides = array<i32>} : memref<4x128x64xf32, #tpu.memory_space<vmem>>, vector<1x1x16xf32>,
        %get3A_1059 = vector.shape_cast %get3A_1058 : vector<1x1x16xf32> to vector<16xf32>
        %mul3A_1060 = arith.constant 8.000000e+00 : f32
        %mul3A_1061 = vector.broadcast %mul3A_1060 : f32 to vector<16xf32>
        %mul3A_1062 = arith.mulf %get3A_1059, %mul3A_1061 : vector<16xf32>
        %swap3A_1063 = arith.constant 3 : i32
        %swap3A_1064 = arith.index_cast %swap3A_1063 : i32 to index
        %swap3A_1065 = arith.index_cast %scan3A_1005 : i32 to index
        %swap3A_1066 = arith.constant 48 : index
        %swap3A_1067 = tpu.vector_load %arg6[%swap3A_1064, %swap3A_1065, %swap3A_1066] {strides = array<i32>} : memref<4x128x64xf32, #tpu.memory_space<vmem>>, vector<1x1x16xf32>,
        %swap3A_1068 = vector.shape_cast %swap3A_1067 : vector<1x1x16xf32> to vector<16xf32>
        %swap3A_1069 = vector.shape_cast %mul3A_1062 : vector<16xf32> to vector<1x1x16xf32>
        tpu.vector_store %arg6[%swap3A_1064, %swap3A_1065, %swap3A_1066], %swap3A_1069 {strides = array<i32>} : memref<4x128x64xf32, #tpu.memory_space<vmem>>, vector<1x1x16xf32>,
        %scan3A_1070 = arith.constant 2 : i32
        %scan3A_1071 = arith.addi %scan3A_941, %scan3A_1070 : i32
        %get3A_1072 = arith.constant 3 : i32
        %get3A_1073 = arith.index_cast %get3A_1072 : i32 to index
        %get3A_1074 = arith.index_cast %scan3A_1071 : i32 to index
        %get3A_1075 = arith.constant 0 : index
        %get3A_1076 = tpu.vector_load %arg6[%get3A_1073, %get3A_1074, %get3A_1075] {strides = array<i32>} : memref<4x128x64xf32, #tpu.memory_space<vmem>>, vector<1x1x16xf32>,
        %get3A_1077 = vector.shape_cast %get3A_1076 : vector<1x1x16xf32> to vector<16xf32>
        %mul3A_1078 = arith.constant 8.000000e+00 : f32
        %mul3A_1079 = vector.broadcast %mul3A_1078 : f32 to vector<16xf32>
        %mul3A_1080 = arith.mulf %get3A_1077, %mul3A_1079 : vector<16xf32>
        %swap3A_1081 = arith.constant 3 : i32
        %swap3A_1082 = arith.index_cast %swap3A_1081 : i32 to index
        %swap3A_1083 = arith.index_cast %scan3A_1071 : i32 to index
        %swap3A_1084 = arith.constant 0 : index
        %swap3A_1085 = tpu.vector_load %arg6[%swap3A_1082, %swap3A_1083, %swap3A_1084] {strides = array<i32>} : memref<4x128x64xf32, #tpu.memory_space<vmem>>, vector<1x1x16xf32>,
        %swap3A_1086 = vector.shape_cast %swap3A_1085 : vector<1x1x16xf32> to vector<16xf32>
        %swap3A_1087 = vector.shape_cast %mul3A_1080 : vector<16xf32> to vector<1x1x16xf32>
        tpu.vector_store %arg6[%swap3A_1082, %swap3A_1083, %swap3A_1084], %swap3A_1087 {strides = array<i32>} : memref<4x128x64xf32, #tpu.memory_space<vmem>>, vector<1x1x16xf32>,
        %get3A_1088 = arith.constant 3 : i32
        %get3A_1089 = arith.index_cast %get3A_1088 : i32 to index
        %get3A_1090 = arith.index_cast %scan3A_1071 : i32 to index
        %get3A_1091 = arith.constant 16 : index
        %get3A_1092 = tpu.vector_load %arg6[%get3A_1089, %get3A_1090, %get3A_1091] {strides = array<i32>} : memref<4x128x64xf32, #tpu.memory_space<vmem>>, vector<1x1x16xf32>,
        %get3A_1093 = vector.shape_cast %get3A_1092 : vector<1x1x16xf32> to vector<16xf32>
        %mul3A_1094 = arith.constant 8.000000e+00 : f32
        %mul3A_1095 = vector.broadcast %mul3A_1094 : f32 to vector<16xf32>
        %mul3A_1096 = arith.mulf %get3A_1093, %mul3A_1095 : vector<16xf32>
        %swap3A_1097 = arith.constant 3 : i32
        %swap3A_1098 = arith.index_cast %swap3A_1097 : i32 to index
        %swap3A_1099 = arith.index_cast %scan3A_1071 : i32 to index
        %swap3A_1100 = arith.constant 16 : index
        %swap3A_1101 = tpu.vector_load %arg6[%swap3A_1098, %swap3A_1099, %swap3A_1100] {strides = array<i32>} : memref<4x128x64xf32, #tpu.memory_space<vmem>>, vector<1x1x16xf32>,
        %swap3A_1102 = vector.shape_cast %swap3A_1101 : vector<1x1x16xf32> to vector<16xf32>
        %swap3A_1103 = vector.shape_cast %mul3A_1096 : vector<16xf32> to vector<1x1x16xf32>
        tpu.vector_store %arg6[%swap3A_1098, %swap3A_1099, %swap3A_1100], %swap3A_1103 {strides = array<i32>} : memref<4x128x64xf32, #tpu.memory_space<vmem>>, vector<1x1x16xf32>,
        %get3A_1104 = arith.constant 3 : i32
        %get3A_1105 = arith.index_cast %get3A_1104 : i32 to index
        %get3A_1106 = arith.index_cast %scan3A_1071 : i32 to index
        %get3A_1107 = arith.constant 32 : index
        %get3A_1108 = tpu.vector_load %arg6[%get3A_1105, %get3A_1106, %get3A_1107] {strides = array<i32>} : memref<4x128x64xf32, #tpu.memory_space<vmem>>, vector<1x1x16xf32>,
        %get3A_1109 = vector.shape_cast %get3A_1108 : vector<1x1x16xf32> to vector<16xf32>
        %mul3A_1110 = arith.constant 8.000000e+00 : f32
        %mul3A_1111 = vector.broadcast %mul3A_1110 : f32 to vector<16xf32>
        %mul3A_1112 = arith.mulf %get3A_1109, %mul3A_1111 : vector<16xf32>
        %swap3A_1113 = arith.constant 3 : i32
        %swap3A_1114 = arith.index_cast %swap3A_1113 : i32 to index
        %swap3A_1115 = arith.index_cast %scan3A_1071 : i32 to index
        %swap3A_1116 = arith.constant 32 : index
        %swap3A_1117 = tpu.vector_load %arg6[%swap3A_1114, %swap3A_1115, %swap3A_1116] {strides = array<i32>} : memref<4x128x64xf32, #tpu.memory_space<vmem>>, vector<1x1x16xf32>,
        %swap3A_1118 = vector.shape_cast %swap3A_1117 : vector<1x1x16xf32> to vector<16xf32>
        %swap3A_1119 = vector.shape_cast %mul3A_1112 : vector<16xf32> to vector<1x1x16xf32>
        tpu.vector_store %arg6[%swap3A_1114, %swap3A_1115, %swap3A_1116], %swap3A_1119 {strides = array<i32>} : memref<4x128x64xf32, #tpu.memory_space<vmem>>, vector<1x1x16xf32>,
        %get3A_1120 = arith.constant 3 : i32
        %get3A_1121 = arith.index_cast %get3A_1120 : i32 to index
        %get3A_1122 = arith.index_cast %scan3A_1071 : i32 to index
        %get3A_1123 = arith.constant 48 : index
        %get3A_1124 = tpu.vector_load %arg6[%get3A_1121, %get3A_1122, %get3A_1123] {strides = array<i32>} : memref<4x128x64xf32, #tpu.memory_space<vmem>>, vector<1x1x16xf32>,
        %get3A_1125 = vector.shape_cast %get3A_1124 : vector<1x1x16xf32> to vector<16xf32>
        %mul3A_1126 = arith.constant 8.000000e+00 : f32
        %mul3A_1127 = vector.broadcast %mul3A_1126 : f32 to vector<16xf32>
        %mul3A_1128 = arith.mulf %get3A_1125, %mul3A_1127 : vector<16xf32>
        %swap3A_1129 = arith.constant 3 : i32
        %swap3A_1130 = arith.index_cast %swap3A_1129 : i32 to index
        %swap3A_1131 = arith.index_cast %scan3A_1071 : i32 to index
        %swap3A_1132 = arith.constant 48 : index
        %swap3A_1133 = tpu.vector_load %arg6[%swap3A_1130, %swap3A_1131, %swap3A_1132] {strides = array<i32>} : memref<4x128x64xf32, #tpu.memory_space<vmem>>, vector<1x1x16xf32>,
        %swap3A_1134 = vector.shape_cast %swap3A_1133 : vector<1x1x16xf32> to vector<16xf32>
        %swap3A_1135 = vector.shape_cast %mul3A_1128 : vector<16xf32> to vector<1x1x16xf32>
        tpu.vector_store %arg6[%swap3A_1130, %swap3A_1131, %swap3A_1132], %swap3A_1135 {strides = array<i32>} : memref<4x128x64xf32, #tpu.memory_space<vmem>>, vector<1x1x16xf32>,
        %scan3A_1136 = arith.constant 3 : i32
        %scan3A_1137 = arith.addi %scan3A_941, %scan3A_1136 : i32
        %get3A_1138 = arith.constant 3 : i32
        %get3A_1139 = arith.index_cast %get3A_1138 : i32 to index
        %get3A_1140 = arith.index_cast %scan3A_1137 : i32 to index
        %get3A_1141 = arith.constant 0 : index
        %get3A_1142 = tpu.vector_load %arg6[%get3A_1139, %get3A_1140, %get3A_1141] {strides = array<i32>} : memref<4x128x64xf32, #tpu.memory_space<vmem>>, vector<1x1x16xf32>,
        %get3A_1143 = vector.shape_cast %get3A_1142 : vector<1x1x16xf32> to vector<16xf32>
        %mul3A_1144 = arith.constant 8.000000e+00 : f32
        %mul3A_1145 = vector.broadcast %mul3A_1144 : f32 to vector<16xf32>
        %mul3A_1146 = arith.mulf %get3A_1143, %mul3A_1145 : vector<16xf32>
        %swap3A_1147 = arith.constant 3 : i32
        %swap3A_1148 = arith.index_cast %swap3A_1147 : i32 to index
        %swap3A_1149 = arith.index_cast %scan3A_1137 : i32 to index
        %swap3A_1150 = arith.constant 0 : index
        %swap3A_1151 = tpu.vector_load %arg6[%swap3A_1148, %swap3A_1149, %swap3A_1150] {strides = array<i32>} : memref<4x128x64xf32, #tpu.memory_space<vmem>>, vector<1x1x16xf32>,
        %swap3A_1152 = vector.shape_cast %swap3A_1151 : vector<1x1x16xf32> to vector<16xf32>
        %swap3A_1153 = vector.shape_cast %mul3A_1146 : vector<16xf32> to vector<1x1x16xf32>
        tpu.vector_store %arg6[%swap3A_1148, %swap3A_1149, %swap3A_1150], %swap3A_1153 {strides = array<i32>} : memref<4x128x64xf32, #tpu.memory_space<vmem>>, vector<1x1x16xf32>,
        %get3A_1154 = arith.constant 3 : i32
        %get3A_1155 = arith.index_cast %get3A_1154 : i32 to index
        %get3A_1156 = arith.index_cast %scan3A_1137 : i32 to index
        %get3A_1157 = arith.constant 16 : index
        %get3A_1158 = tpu.vector_load %arg6[%get3A_1155, %get3A_1156, %get3A_1157] {strides = array<i32>} : memref<4x128x64xf32, #tpu.memory_space<vmem>>, vector<1x1x16xf32>,
        %get3A_1159 = vector.shape_cast %get3A_1158 : vector<1x1x16xf32> to vector<16xf32>
        %mul3A_1160 = arith.constant 8.000000e+00 : f32
        %mul3A_1161 = vector.broadcast %mul3A_1160 : f32 to vector<16xf32>
        %mul3A_1162 = arith.mulf %get3A_1159, %mul3A_1161 : vector<16xf32>
        %swap3A_1163 = arith.constant 3 : i32
        %swap3A_1164 = arith.index_cast %swap3A_1163 : i32 to index
        %swap3A_1165 = arith.index_cast %scan3A_1137 : i32 to index
        %swap3A_1166 = arith.constant 16 : index
        %swap3A_1167 = tpu.vector_load %arg6[%swap3A_1164, %swap3A_1165, %swap3A_1166] {strides = array<i32>} : memref<4x128x64xf32, #tpu.memory_space<vmem>>, vector<1x1x16xf32>,
        %swap3A_1168 = vector.shape_cast %swap3A_1167 : vector<1x1x16xf32> to vector<16xf32>
        %swap3A_1169 = vector.shape_cast %mul3A_1162 : vector<16xf32> to vector<1x1x16xf32>
        tpu.vector_store %arg6[%swap3A_1164, %swap3A_1165, %swap3A_1166], %swap3A_1169 {strides = array<i32>} : memref<4x128x64xf32, #tpu.memory_space<vmem>>, vector<1x1x16xf32>,
        %get3A_1170 = arith.constant 3 : i32
        %get3A_1171 = arith.index_cast %get3A_1170 : i32 to index
        %get3A_1172 = arith.index_cast %scan3A_1137 : i32 to index
        %get3A_1173 = arith.constant 32 : index
        %get3A_1174 = tpu.vector_load %arg6[%get3A_1171, %get3A_1172, %get3A_1173] {strides = array<i32>} : memref<4x128x64xf32, #tpu.memory_space<vmem>>, vector<1x1x16xf32>,
        %get3A_1175 = vector.shape_cast %get3A_1174 : vector<1x1x16xf32> to vector<16xf32>
        %mul3A_1176 = arith.constant 8.000000e+00 : f32
        %mul3A_1177 = vector.broadcast %mul3A_1176 : f32 to vector<16xf32>
        %mul3A_1178 = arith.mulf %get3A_1175, %mul3A_1177 : vector<16xf32>
        %swap3A_1179 = arith.constant 3 : i32
        %swap3A_1180 = arith.index_cast %swap3A_1179 : i32 to index
        %swap3A_1181 = arith.index_cast %scan3A_1137 : i32 to index
        %swap3A_1182 = arith.constant 32 : index
        %swap3A_1183 = tpu.vector_load %arg6[%swap3A_1180, %swap3A_1181, %swap3A_1182] {strides = array<i32>} : memref<4x128x64xf32, #tpu.memory_space<vmem>>, vector<1x1x16xf32>,
        %swap3A_1184 = vector.shape_cast %swap3A_1183 : vector<1x1x16xf32> to vector<16xf32>
        %swap3A_1185 = vector.shape_cast %mul3A_1178 : vector<16xf32> to vector<1x1x16xf32>
        tpu.vector_store %arg6[%swap3A_1180, %swap3A_1181, %swap3A_1182], %swap3A_1185 {strides = array<i32>} : memref<4x128x64xf32, #tpu.memory_space<vmem>>, vector<1x1x16xf32>,
        %get3A_1186 = arith.constant 3 : i32
        %get3A_1187 = arith.index_cast %get3A_1186 : i32 to index
        %get3A_1188 = arith.index_cast %scan3A_1137 : i32 to index
        %get3A_1189 = arith.constant 48 : index
        %get3A_1190 = tpu.vector_load %arg6[%get3A_1187, %get3A_1188, %get3A_1189] {strides = array<i32>} : memref<4x128x64xf32, #tpu.memory_space<vmem>>, vector<1x1x16xf32>,
        %get3A_1191 = vector.shape_cast %get3A_1190 : vector<1x1x16xf32> to vector<16xf32>
        %mul3A_1192 = arith.constant 8.000000e+00 : f32
        %mul3A_1193 = vector.broadcast %mul3A_1192 : f32 to vector<16xf32>
        %mul3A_1194 = arith.mulf %get3A_1191, %mul3A_1193 : vector<16xf32>
        %swap3A_1195 = arith.constant 3 : i32
        %swap3A_1196 = arith.index_cast %swap3A_1195 : i32 to index
        %swap3A_1197 = arith.index_cast %scan3A_1137 : i32 to index
        %swap3A_1198 = arith.constant 48 : index
        %swap3A_1199 = tpu.vector_load %arg6[%swap3A_1196, %swap3A_1197, %swap3A_1198] {strides = array<i32>} : memref<4x128x64xf32, #tpu.memory_space<vmem>>, vector<1x1x16xf32>,
        %swap3A_1200 = vector.shape_cast %swap3A_1199 : vector<1x1x16xf32> to vector<16xf32>
        %swap3A_1201 = vector.shape_cast %mul3A_1194 : vector<16xf32> to vector<1x1x16xf32>
        tpu.vector_store %arg6[%swap3A_1196, %swap3A_1197, %swap3A_1198], %swap3A_1201 {strides = array<i32>} : memref<4x128x64xf32, #tpu.memory_space<vmem>>, vector<1x1x16xf32>,
      }
      %scan3A_921 = arith.constant 128 : i32
      %add3A_922 = arith.addi %mul3A_2, %add3A_863 : i32
      %mul3A_923 = arith.constant 128 : i32
      %mul3A_924 = arith.muli %add3A_922, %mul3A_923 : i32
      %dma_start3A_925 = arith.constant 3 : i32
      %dma_start3A_926 = arith.constant 3 : i32
      %dma_start3A_927 = arith.constant 0 : i32
      %dma_start3A_928 = arith.constant 0 : i32
      %dma_start3A_929 = tpu.memref_slice %arg6[%dma_start3A_925, %dma_start3A_927, %dma_start3A_928] : memref<4x128x64xf32, #tpu.memory_space<vmem>> -> memref<1x128x64xf32, #tpu.memory_space<vmem>>
      %dma_start3A_930 = tpu.memref_squeeze %dma_start3A_929 : memref<1x128x64xf32, #tpu.memory_space<vmem>> -> memref<128x64xf32, #tpu.memory_space<vmem>>
      %dma_start3A_931 = arith.constant 0 : i32
      %dma_start3A_932 = tpu.memref_slice %arg4[%mul3A_924, %dma_start3A_931] : memref<819200x64xf32, #tpu.memory_space<hbm>> -> memref<128x64xf32, #tpu.memory_space<hbm>>
      %dma_start3A_933 = tpu.memref_slice %arg8[%dma_start3A_926] : memref<4x!tpu.dma_semaphore, #tpu.memory_space<semaphore_mem>> -> memref<1x!tpu.dma_semaphore, #tpu.memory_space<semaphore_mem>>
      %dma_start3A_934 = tpu.memref_squeeze %dma_start3A_933 : memref<1x!tpu.dma_semaphore, #tpu.memory_space<semaphore_mem>> -> memref<!tpu.dma_semaphore, #tpu.memory_space<semaphore_mem>>
      %dma_start3A_935 = arith.constant 0 : i32
      %dma_start3A_936 = tpu.memref_slice %arg4[%mul3A_924, %dma_start3A_935] : memref<819200x64xf32, #tpu.memory_space<hbm>> -> memref<128x64xf32, #tpu.memory_space<hbm>>
      %dma_start3A_937 = arith.constant 0 : i32
      %dma_start3A_938 = arith.constant 0 : i32
      %dma_start3A_939 = tpu.memref_slice %arg6[%dma_start3A_925, %dma_start3A_937, %dma_start3A_938] : memref<4x128x64xf32, #tpu.memory_space<vmem>> -> memref<1x128x64xf32, #tpu.memory_space<vmem>>
      %dma_start3A_940 = tpu.memref_squeeze %dma_start3A_939 : memref<1x128x64xf32, #tpu.memory_space<vmem>> -> memref<128x64xf32, #tpu.memory_space<vmem>>
      tpu.enqueue_dma source(%dma_start3A_940 : memref<128x64xf32, #tpu.memory_space<vmem>>) target(%dma_start3A_936 : memref<128x64xf32, #tpu.memory_space<hbm>>) target_semaphore(%dma_start3A_934 : memref<!tpu.dma_semaphore, #tpu.memory_space<semaphore_mem>>)
    }
    %scan3A_307 = arith.constant 48 : i32
    %dma_wait3A_308 = arith.constant 2 : i32
    %dma_wait3A_309 = arith.constant 2 : i32
    %dma_wait3A_310 = arith.constant 0 : i32
    %dma_wait3A_311 = arith.constant 0 : i32
    %dma_wait3A_312 = tpu.memref_slice %arg6[%dma_wait3A_308, %dma_wait3A_310, %dma_wait3A_311] : memref<4x128x64xf32, #tpu.memory_space<vmem>> -> memref<1x128x64xf32, #tpu.memory_space<vmem>>
    %dma_wait3A_313 = tpu.memref_squeeze %dma_wait3A_312 : memref<1x128x64xf32, #tpu.memory_space<vmem>> -> memref<128x64xf32, #tpu.memory_space<vmem>>
    %dma_wait3A_314 = arith.constant 0 : i32
    %dma_wait3A_315 = arith.constant 0 : i32
    %dma_wait3A_316 = tpu.memref_slice %arg4[%dma_wait3A_314, %dma_wait3A_315] : memref<819200x64xf32, #tpu.memory_space<hbm>> -> memref<128x64xf32, #tpu.memory_space<hbm>>
    %dma_wait3A_317 = tpu.memref_slice %arg8[%dma_wait3A_309] : memref<4x!tpu.dma_semaphore, #tpu.memory_space<semaphore_mem>> -> memref<1x!tpu.dma_semaphore, #tpu.memory_space<semaphore_mem>>
    %dma_wait3A_318 = tpu.memref_squeeze %dma_wait3A_317 : memref<1x!tpu.dma_semaphore, #tpu.memory_space<semaphore_mem>> -> memref<!tpu.dma_semaphore, #tpu.memory_space<semaphore_mem>>
    %dma_wait3A_319 = arith.constant 0 : i32
    %dma_wait3A_320 = arith.constant 0 : i32
    %dma_wait3A_321 = tpu.memref_slice %arg4[%dma_wait3A_319, %dma_wait3A_320] : memref<819200x64xf32, #tpu.memory_space<hbm>> -> memref<128x64xf32, #tpu.memory_space<hbm>>
    %dma_wait3A_322 = arith.constant 0 : i32
    %dma_wait3A_323 = arith.constant 0 : i32
    %dma_wait3A_324 = tpu.memref_slice %arg6[%dma_wait3A_308, %dma_wait3A_322, %dma_wait3A_323] : memref<4x128x64xf32, #tpu.memory_space<vmem>> -> memref<1x128x64xf32, #tpu.memory_space<vmem>>
    %dma_wait3A_325 = tpu.memref_squeeze %dma_wait3A_324 : memref<1x128x64xf32, #tpu.memory_space<vmem>> -> memref<128x64xf32, #tpu.memory_space<vmem>>
    tpu.wait_dma2 semaphore(%dma_wait3A_318 : memref<!tpu.dma_semaphore, #tpu.memory_space<semaphore_mem>>) src(%dma_wait3A_325 : memref<128x64xf32, #tpu.memory_space<vmem>>) dst(%dma_wait3A_321 : memref<128x64xf32, #tpu.memory_space<hbm>>)
    %dma_start3A_326 = arith.constant 198 : i32
    %dma_start3A_327 = arith.constant 2 : i32
    %dma_start3A_328 = arith.constant 2 : i32
    %dma_start3A_329 = arith.constant 0 : i32
    %dma_start3A_330 = arith.constant 0 : i32
    %dma_start3A_331 = tpu.memref_slice %arg6[%dma_start3A_327, %dma_start3A_329, %dma_start3A_330] : memref<4x128x64xf32, #tpu.memory_space<vmem>> -> memref<1x128x64xf32, #tpu.memory_space<vmem>>
    %dma_start3A_332 = tpu.memref_squeeze %dma_start3A_331 : memref<1x128x64xf32, #tpu.memory_space<vmem>> -> memref<128x64xf32, #tpu.memory_space<vmem>>
    %dma_start3A_333 = arith.constant 0 : i32
    %dma_start3A_334 = tpu.memref_slice %arg5[%dma_start3A_326, %dma_start3A_333] : memref<200x128xi32, #tpu.memory_space<vmem>> -> memref<1x128xi32, #tpu.memory_space<vmem>>
    %dma_start3A_335 = tpu.memref_squeeze %dma_start3A_334 : memref<1x128xi32, #tpu.memory_space<vmem>> -> memref<128xi32, #tpu.memory_space<vmem>>
    %dma_start3A_336 = arith.constant 0 : i32
    %dma_start3A_337 = arith.constant 0 : i32
    %dma_start3A_338 = tpu.memref_slice %arg3[%dma_start3A_336, %dma_start3A_337] : memref<1000000x64xf32, #tpu.memory_space<hbm>> -> memref<1000000x64xf32, #tpu.memory_space<hbm>>
    %dma_start3A_339 = tpu.memref_slice %arg7[%dma_start3A_328] : memref<4x!tpu.dma_semaphore, #tpu.memory_space<semaphore_mem>> -> memref<1x!tpu.dma_semaphore, #tpu.memory_space<semaphore_mem>>
    %dma_start3A_340 = tpu.memref_squeeze %dma_start3A_339 : memref<1x!tpu.dma_semaphore, #tpu.memory_space<semaphore_mem>> -> memref<!tpu.dma_semaphore, #tpu.memory_space<semaphore_mem>>
    tpu.enqueue_indirect_dma source(%dma_start3A_338 : memref<1000000x64xf32, #tpu.memory_space<hbm>>) target(%dma_start3A_332 : memref<128x64xf32, #tpu.memory_space<vmem>>) offsets(%dma_start3A_335 : memref<128xi32, #tpu.memory_space<vmem>>) semaphore(%dma_start3A_340 : memref<!tpu.dma_semaphore, #tpu.memory_space<semaphore_mem>>)
    %dma_wait3A_341 = arith.constant 0 : i32
    %dma_wait3A_342 = arith.constant 0 : i32
    %dma_wait3A_343 = arith.constant 0 : i32
    %dma_wait3A_344 = arith.constant 0 : i32
    %dma_wait3A_345 = tpu.memref_slice %arg6[%dma_wait3A_341, %dma_wait3A_343, %dma_wait3A_344] : memref<4x128x64xf32, #tpu.memory_space<vmem>> -> memref<1x128x64xf32, #tpu.memory_space<vmem>>
    %dma_wait3A_346 = tpu.memref_squeeze %dma_wait3A_345 : memref<1x128x64xf32, #tpu.memory_space<vmem>> -> memref<128x64xf32, #tpu.memory_space<vmem>>
    %dma_wait3A_347 = arith.constant 0 : i32
    %dma_wait3A_348 = arith.constant 0 : i32
    %dma_wait3A_349 = tpu.memref_slice %arg4[%dma_wait3A_347, %dma_wait3A_348] : memref<819200x64xf32, #tpu.memory_space<hbm>> -> memref<128x64xf32, #tpu.memory_space<hbm>>
    %dma_wait3A_350 = tpu.memref_slice %arg7[%dma_wait3A_342] : memref<4x!tpu.dma_semaphore, #tpu.memory_space<semaphore_mem>> -> memref<1x!tpu.dma_semaphore, #tpu.memory_space<semaphore_mem>>
    %dma_wait3A_351 = tpu.memref_squeeze %dma_wait3A_350 : memref<1x!tpu.dma_semaphore, #tpu.memory_space<semaphore_mem>> -> memref<!tpu.dma_semaphore, #tpu.memory_space<semaphore_mem>>
    %dma_wait3A_352 = arith.constant 0 : i32
    %dma_wait3A_353 = arith.constant 0 : i32
    %dma_wait3A_354 = tpu.memref_slice %arg6[%dma_wait3A_341, %dma_wait3A_352, %dma_wait3A_353] : memref<4x128x64xf32, #tpu.memory_space<vmem>> -> memref<1x128x64xf32, #tpu.memory_space<vmem>>
    %dma_wait3A_355 = tpu.memref_squeeze %dma_wait3A_354 : memref<1x128x64xf32, #tpu.memory_space<vmem>> -> memref<128x64xf32, #tpu.memory_space<vmem>>
    %dma_wait3A_356 = arith.constant 0 : i32
    %dma_wait3A_357 = arith.constant 0 : i32
    %dma_wait3A_358 = tpu.memref_slice %arg4[%dma_wait3A_356, %dma_wait3A_357] : memref<819200x64xf32, #tpu.memory_space<hbm>> -> memref<128x64xf32, #tpu.memory_space<hbm>>
    tpu.wait_dma2 semaphore(%dma_wait3A_351 : memref<!tpu.dma_semaphore, #tpu.memory_space<semaphore_mem>>) src(%dma_wait3A_358 : memref<128x64xf32, #tpu.memory_space<hbm>>) dst(%dma_wait3A_355 : memref<128x64xf32, #tpu.memory_space<vmem>>)
    %scan3A_359 = arith.constant 0 : i32
    %scan3A_360 = arith.constant 0 : i32
    %scan3A_361 = arith.constant 128 : i32
    %scan3A_362 = arith.addi %scan3A_360, %scan3A_361 : i32
    %scan3A_363 = arith.constant 4 : i32
    scf.for %scan3A_622 = %scan3A_360 to %scan3A_362 step %scan3A_363  : i32 {
      %get3A = arith.constant 0 : i32
      %get3A_623 = arith.index_cast %get3A : i32 to index
      %get3A_624 = arith.index_cast %scan3A_622 : i32 to index
      %get3A_625 = arith.constant 0 : index
      %get3A_626 = tpu.vector_load %arg6[%get3A_623, %get3A_624, %get3A_625] {strides = array<i32>} : memref<4x128x64xf32, #tpu.memory_space<vmem>>, vector<1x1x16xf32>,
      %get3A_627 = vector.shape_cast %get3A_626 : vector<1x1x16xf32> to vector<16xf32>
      %mul3A_628 = arith.constant 8.000000e+00 : f32
      %mul3A_629 = vector.broadcast %mul3A_628 : f32 to vector<16xf32>
      %mul3A_630 = arith.mulf %get3A_627, %mul3A_629 : vector<16xf32>
      %swap3A = arith.constant 0 : i32
      %swap3A_631 = arith.index_cast %swap3A : i32 to index
      %swap3A_632 = arith.index_cast %scan3A_622 : i32 to index
      %swap3A_633 = arith.constant 0 : index
      %swap3A_634 = tpu.vector_load %arg6[%swap3A_631, %swap3A_632, %swap3A_633] {strides = array<i32>} : memref<4x128x64xf32, #tpu.memory_space<vmem>>, vector<1x1x16xf32>,
      %swap3A_635 = vector.shape_cast %swap3A_634 : vector<1x1x16xf32> to vector<16xf32>
      %swap3A_636 = vector.shape_cast %mul3A_630 : vector<16xf32> to vector<1x1x16xf32>
      tpu.vector_store %arg6[%swap3A_631, %swap3A_632, %swap3A_633], %swap3A_636 {strides = array<i32>} : memref<4x128x64xf32, #tpu.memory_space<vmem>>, vector<1x1x16xf32>,
      %get3A_637 = arith.constant 0 : i32
      %get3A_638 = arith.index_cast %get3A_637 : i32 to index
      %get3A_639 = arith.index_cast %scan3A_622 : i32 to index
      %get3A_640 = arith.constant 16 : index
      %get3A_641 = tpu.vector_load %arg6[%get3A_638, %get3A_639, %get3A_640] {strides = array<i32>} : memref<4x128x64xf32, #tpu.memory_space<vmem>>, vector<1x1x16xf32>,
      %get3A_642 = vector.shape_cast %get3A_641 : vector<1x1x16xf32> to vector<16xf32>
      %mul3A_643 = arith.constant 8.000000e+00 : f32
      %mul3A_644 = vector.broadcast %mul3A_643 : f32 to vector<16xf32>
      %mul3A_645 = arith.mulf %get3A_642, %mul3A_644 : vector<16xf32>
      %swap3A_646 = arith.constant 0 : i32
      %swap3A_647 = arith.index_cast %swap3A_646 : i32 to index
      %swap3A_648 = arith.index_cast %scan3A_622 : i32 to index
      %swap3A_649 = arith.constant 16 : index
      %swap3A_650 = tpu.vector_load %arg6[%swap3A_647, %swap3A_648, %swap3A_649] {strides = array<i32>} : memref<4x128x64xf32, #tpu.memory_space<vmem>>, vector<1x1x16xf32>,
      %swap3A_651 = vector.shape_cast %swap3A_650 : vector<1x1x16xf32> to vector<16xf32>
      %swap3A_652 = vector.shape_cast %mul3A_645 : vector<16xf32> to vector<1x1x16xf32>
      tpu.vector_store %arg6[%swap3A_647, %swap3A_648, %swap3A_649], %swap3A_652 {strides = array<i32>} : memref<4x128x64xf32, #tpu.memory_space<vmem>>, vector<1x1x16xf32>,
      %get3A_653 = arith.constant 0 : i32
      %get3A_654 = arith.index_cast %get3A_653 : i32 to index
      %get3A_655 = arith.index_cast %scan3A_622 : i32 to index
      %get3A_656 = arith.constant 32 : index
      %get3A_657 = tpu.vector_load %arg6[%get3A_654, %get3A_655, %get3A_656] {strides = array<i32>} : memref<4x128x64xf32, #tpu.memory_space<vmem>>, vector<1x1x16xf32>,
      %get3A_658 = vector.shape_cast %get3A_657 : vector<1x1x16xf32> to vector<16xf32>
      %mul3A_659 = arith.constant 8.000000e+00 : f32
      %mul3A_660 = vector.broadcast %mul3A_659 : f32 to vector<16xf32>
      %mul3A_661 = arith.mulf %get3A_658, %mul3A_660 : vector<16xf32>
      %swap3A_662 = arith.constant 0 : i32
      %swap3A_663 = arith.index_cast %swap3A_662 : i32 to index
      %swap3A_664 = arith.index_cast %scan3A_622 : i32 to index
      %swap3A_665 = arith.constant 32 : index
      %swap3A_666 = tpu.vector_load %arg6[%swap3A_663, %swap3A_664, %swap3A_665] {strides = array<i32>} : memref<4x128x64xf32, #tpu.memory_space<vmem>>, vector<1x1x16xf32>,
      %swap3A_667 = vector.shape_cast %swap3A_666 : vector<1x1x16xf32> to vector<16xf32>
      %swap3A_668 = vector.shape_cast %mul3A_661 : vector<16xf32> to vector<1x1x16xf32>
      tpu.vector_store %arg6[%swap3A_663, %swap3A_664, %swap3A_665], %swap3A_668 {strides = array<i32>} : memref<4x128x64xf32, #tpu.memory_space<vmem>>, vector<1x1x16xf32>,
      %get3A_669 = arith.constant 0 : i32
      %get3A_670 = arith.index_cast %get3A_669 : i32 to index
      %get3A_671 = arith.index_cast %scan3A_622 : i32 to index
      %get3A_672 = arith.constant 48 : index
      %get3A_673 = tpu.vector_load %arg6[%get3A_670, %get3A_671, %get3A_672] {strides = array<i32>} : memref<4x128x64xf32, #tpu.memory_space<vmem>>, vector<1x1x16xf32>,
      %get3A_674 = vector.shape_cast %get3A_673 : vector<1x1x16xf32> to vector<16xf32>
      %mul3A_675 = arith.constant 8.000000e+00 : f32
      %mul3A_676 = vector.broadcast %mul3A_675 : f32 to vector<16xf32>
      %mul3A_677 = arith.mulf %get3A_674, %mul3A_676 : vector<16xf32>
      %swap3A_678 = arith.constant 0 : i32
      %swap3A_679 = arith.index_cast %swap3A_678 : i32 to index
      %swap3A_680 = arith.index_cast %scan3A_622 : i32 to index
      %swap3A_681 = arith.constant 48 : index
      %swap3A_682 = tpu.vector_load %arg6[%swap3A_679, %swap3A_680, %swap3A_681] {strides = array<i32>} : memref<4x128x64xf32, #tpu.memory_space<vmem>>, vector<1x1x16xf32>,
      %swap3A_683 = vector.shape_cast %swap3A_682 : vector<1x1x16xf32> to vector<16xf32>
      %swap3A_684 = vector.shape_cast %mul3A_677 : vector<16xf32> to vector<1x1x16xf32>
      tpu.vector_store %arg6[%swap3A_679, %swap3A_680, %swap3A_681], %swap3A_684 {strides = array<i32>} : memref<4x128x64xf32, #tpu.memory_space<vmem>>, vector<1x1x16xf32>,
      %scan3A_685 = arith.constant 1 : i32
      %scan3A_686 = arith.addi %scan3A_622, %scan3A_685 : i32
      %get3A_687 = arith.constant 0 : i32
      %get3A_688 = arith.index_cast %get3A_687 : i32 to index
      %get3A_689 = arith.index_cast %scan3A_686 : i32 to index
      %get3A_690 = arith.constant 0 : index
      %get3A_691 = tpu.vector_load %arg6[%get3A_688, %get3A_689, %get3A_690] {strides = array<i32>} : memref<4x128x64xf32, #tpu.memory_space<vmem>>, vector<1x1x16xf32>,
      %get3A_692 = vector.shape_cast %get3A_691 : vector<1x1x16xf32> to vector<16xf32>
      %mul3A_693 = arith.constant 8.000000e+00 : f32
      %mul3A_694 = vector.broadcast %mul3A_693 : f32 to vector<16xf32>
      %mul3A_695 = arith.mulf %get3A_692, %mul3A_694 : vector<16xf32>
      %swap3A_696 = arith.constant 0 : i32
      %swap3A_697 = arith.index_cast %swap3A_696 : i32 to index
      %swap3A_698 = arith.index_cast %scan3A_686 : i32 to index
      %swap3A_699 = arith.constant 0 : index
      %swap3A_700 = tpu.vector_load %arg6[%swap3A_697, %swap3A_698, %swap3A_699] {strides = array<i32>} : memref<4x128x64xf32, #tpu.memory_space<vmem>>, vector<1x1x16xf32>,
      %swap3A_701 = vector.shape_cast %swap3A_700 : vector<1x1x16xf32> to vector<16xf32>
      %swap3A_702 = vector.shape_cast %mul3A_695 : vector<16xf32> to vector<1x1x16xf32>
      tpu.vector_store %arg6[%swap3A_697, %swap3A_698, %swap3A_699], %swap3A_702 {strides = array<i32>} : memref<4x128x64xf32, #tpu.memory_space<vmem>>, vector<1x1x16xf32>,
      %get3A_703 = arith.constant 0 : i32
      %get3A_704 = arith.index_cast %get3A_703 : i32 to index
      %get3A_705 = arith.index_cast %scan3A_686 : i32 to index
      %get3A_706 = arith.constant 16 : index
      %get3A_707 = tpu.vector_load %arg6[%get3A_704, %get3A_705, %get3A_706] {strides = array<i32>} : memref<4x128x64xf32, #tpu.memory_space<vmem>>, vector<1x1x16xf32>,
      %get3A_708 = vector.shape_cast %get3A_707 : vector<1x1x16xf32> to vector<16xf32>
      %mul3A_709 = arith.constant 8.000000e+00 : f32
      %mul3A_710 = vector.broadcast %mul3A_709 : f32 to vector<16xf32>
      %mul3A_711 = arith.mulf %get3A_708, %mul3A_710 : vector<16xf32>
      %swap3A_712 = arith.constant 0 : i32
      %swap3A_713 = arith.index_cast %swap3A_712 : i32 to index
      %swap3A_714 = arith.index_cast %scan3A_686 : i32 to index
      %swap3A_715 = arith.constant 16 : index
      %swap3A_716 = tpu.vector_load %arg6[%swap3A_713, %swap3A_714, %swap3A_715] {strides = array<i32>} : memref<4x128x64xf32, #tpu.memory_space<vmem>>, vector<1x1x16xf32>,
      %swap3A_717 = vector.shape_cast %swap3A_716 : vector<1x1x16xf32> to vector<16xf32>
      %swap3A_718 = vector.shape_cast %mul3A_711 : vector<16xf32> to vector<1x1x16xf32>
      tpu.vector_store %arg6[%swap3A_713, %swap3A_714, %swap3A_715], %swap3A_718 {strides = array<i32>} : memref<4x128x64xf32, #tpu.memory_space<vmem>>, vector<1x1x16xf32>,
      %get3A_719 = arith.constant 0 : i32
      %get3A_720 = arith.index_cast %get3A_719 : i32 to index
      %get3A_721 = arith.index_cast %scan3A_686 : i32 to index
      %get3A_722 = arith.constant 32 : index
      %get3A_723 = tpu.vector_load %arg6[%get3A_720, %get3A_721, %get3A_722] {strides = array<i32>} : memref<4x128x64xf32, #tpu.memory_space<vmem>>, vector<1x1x16xf32>,
      %get3A_724 = vector.shape_cast %get3A_723 : vector<1x1x16xf32> to vector<16xf32>
      %mul3A_725 = arith.constant 8.000000e+00 : f32
      %mul3A_726 = vector.broadcast %mul3A_725 : f32 to vector<16xf32>
      %mul3A_727 = arith.mulf %get3A_724, %mul3A_726 : vector<16xf32>
      %swap3A_728 = arith.constant 0 : i32
      %swap3A_729 = arith.index_cast %swap3A_728 : i32 to index
      %swap3A_730 = arith.index_cast %scan3A_686 : i32 to index
      %swap3A_731 = arith.constant 32 : index
      %swap3A_732 = tpu.vector_load %arg6[%swap3A_729, %swap3A_730, %swap3A_731] {strides = array<i32>} : memref<4x128x64xf32, #tpu.memory_space<vmem>>, vector<1x1x16xf32>,
      %swap3A_733 = vector.shape_cast %swap3A_732 : vector<1x1x16xf32> to vector<16xf32>
      %swap3A_734 = vector.shape_cast %mul3A_727 : vector<16xf32> to vector<1x1x16xf32>
      tpu.vector_store %arg6[%swap3A_729, %swap3A_730, %swap3A_731], %swap3A_734 {strides = array<i32>} : memref<4x128x64xf32, #tpu.memory_space<vmem>>, vector<1x1x16xf32>,
      %get3A_735 = arith.constant 0 : i32
      %get3A_736 = arith.index_cast %get3A_735 : i32 to index
      %get3A_737 = arith.index_cast %scan3A_686 : i32 to index
      %get3A_738 = arith.constant 48 : index
      %get3A_739 = tpu.vector_load %arg6[%get3A_736, %get3A_737, %get3A_738] {strides = array<i32>} : memref<4x128x64xf32, #tpu.memory_space<vmem>>, vector<1x1x16xf32>,
      %get3A_740 = vector.shape_cast %get3A_739 : vector<1x1x16xf32> to vector<16xf32>
      %mul3A_741 = arith.constant 8.000000e+00 : f32
      %mul3A_742 = vector.broadcast %mul3A_741 : f32 to vector<16xf32>
      %mul3A_743 = arith.mulf %get3A_740, %mul3A_742 : vector<16xf32>
      %swap3A_744 = arith.constant 0 : i32
      %swap3A_745 = arith.index_cast %swap3A_744 : i32 to index
      %swap3A_746 = arith.index_cast %scan3A_686 : i32 to index
      %swap3A_747 = arith.constant 48 : index
      %swap3A_748 = tpu.vector_load %arg6[%swap3A_745, %swap3A_746, %swap3A_747] {strides = array<i32>} : memref<4x128x64xf32, #tpu.memory_space<vmem>>, vector<1x1x16xf32>,
      %swap3A_749 = vector.shape_cast %swap3A_748 : vector<1x1x16xf32> to vector<16xf32>
      %swap3A_750 = vector.shape_cast %mul3A_743 : vector<16xf32> to vector<1x1x16xf32>
      tpu.vector_store %arg6[%swap3A_745, %swap3A_746, %swap3A_747], %swap3A_750 {strides = array<i32>} : memref<4x128x64xf32, #tpu.memory_space<vmem>>, vector<1x1x16xf32>,
      %scan3A_751 = arith.constant 2 : i32
      %scan3A_752 = arith.addi %scan3A_622, %scan3A_751 : i32
      %get3A_753 = arith.constant 0 : i32
      %get3A_754 = arith.index_cast %get3A_753 : i32 to index
      %get3A_755 = arith.index_cast %scan3A_752 : i32 to index
      %get3A_756 = arith.constant 0 : index
      %get3A_757 = tpu.vector_load %arg6[%get3A_754, %get3A_755, %get3A_756] {strides = array<i32>} : memref<4x128x64xf32, #tpu.memory_space<vmem>>, vector<1x1x16xf32>,
      %get3A_758 = vector.shape_cast %get3A_757 : vector<1x1x16xf32> to vector<16xf32>
      %mul3A_759 = arith.constant 8.000000e+00 : f32
      %mul3A_760 = vector.broadcast %mul3A_759 : f32 to vector<16xf32>
      %mul3A_761 = arith.mulf %get3A_758, %mul3A_760 : vector<16xf32>
      %swap3A_762 = arith.constant 0 : i32
      %swap3A_763 = arith.index_cast %swap3A_762 : i32 to index
      %swap3A_764 = arith.index_cast %scan3A_752 : i32 to index
      %swap3A_765 = arith.constant 0 : index
      %swap3A_766 = tpu.vector_load %arg6[%swap3A_763, %swap3A_764, %swap3A_765] {strides = array<i32>} : memref<4x128x64xf32, #tpu.memory_space<vmem>>, vector<1x1x16xf32>,
      %swap3A_767 = vector.shape_cast %swap3A_766 : vector<1x1x16xf32> to vector<16xf32>
      %swap3A_768 = vector.shape_cast %mul3A_761 : vector<16xf32> to vector<1x1x16xf32>
      tpu.vector_store %arg6[%swap3A_763, %swap3A_764, %swap3A_765], %swap3A_768 {strides = array<i32>} : memref<4x128x64xf32, #tpu.memory_space<vmem>>, vector<1x1x16xf32>,
      %get3A_769 = arith.constant 0 : i32
      %get3A_770 = arith.index_cast %get3A_769 : i32 to index
      %get3A_771 = arith.index_cast %scan3A_752 : i32 to index
      %get3A_772 = arith.constant 16 : index
      %get3A_773 = tpu.vector_load %arg6[%get3A_770, %get3A_771, %get3A_772] {strides = array<i32>} : memref<4x128x64xf32, #tpu.memory_space<vmem>>, vector<1x1x16xf32>,
      %get3A_774 = vector.shape_cast %get3A_773 : vector<1x1x16xf32> to vector<16xf32>
      %mul3A_775 = arith.constant 8.000000e+00 : f32
      %mul3A_776 = vector.broadcast %mul3A_775 : f32 to vector<16xf32>
      %mul3A_777 = arith.mulf %get3A_774, %mul3A_776 : vector<16xf32>
      %swap3A_778 = arith.constant 0 : i32
      %swap3A_779 = arith.index_cast %swap3A_778 : i32 to index
      %swap3A_780 = arith.index_cast %scan3A_752 : i32 to index
      %swap3A_781 = arith.constant 16 : index
      %swap3A_782 = tpu.vector_load %arg6[%swap3A_779, %swap3A_780, %swap3A_781] {strides = array<i32>} : memref<4x128x64xf32, #tpu.memory_space<vmem>>, vector<1x1x16xf32>,
      %swap3A_783 = vector.shape_cast %swap3A_782 : vector<1x1x16xf32> to vector<16xf32>
      %swap3A_784 = vector.shape_cast %mul3A_777 : vector<16xf32> to vector<1x1x16xf32>
      tpu.vector_store %arg6[%swap3A_779, %swap3A_780, %swap3A_781], %swap3A_784 {strides = array<i32>} : memref<4x128x64xf32, #tpu.memory_space<vmem>>, vector<1x1x16xf32>,
      %get3A_785 = arith.constant 0 : i32
      %get3A_786 = arith.index_cast %get3A_785 : i32 to index
      %get3A_787 = arith.index_cast %scan3A_752 : i32 to index
      %get3A_788 = arith.constant 32 : index
      %get3A_789 = tpu.vector_load %arg6[%get3A_786, %get3A_787, %get3A_788] {strides = array<i32>} : memref<4x128x64xf32, #tpu.memory_space<vmem>>, vector<1x1x16xf32>,
      %get3A_790 = vector.shape_cast %get3A_789 : vector<1x1x16xf32> to vector<16xf32>
      %mul3A_791 = arith.constant 8.000000e+00 : f32
      %mul3A_792 = vector.broadcast %mul3A_791 : f32 to vector<16xf32>
      %mul3A_793 = arith.mulf %get3A_790, %mul3A_792 : vector<16xf32>
      %swap3A_794 = arith.constant 0 : i32
      %swap3A_795 = arith.index_cast %swap3A_794 : i32 to index
      %swap3A_796 = arith.index_cast %scan3A_752 : i32 to index
      %swap3A_797 = arith.constant 32 : index
      %swap3A_798 = tpu.vector_load %arg6[%swap3A_795, %swap3A_796, %swap3A_797] {strides = array<i32>} : memref<4x128x64xf32, #tpu.memory_space<vmem>>, vector<1x1x16xf32>,
      %swap3A_799 = vector.shape_cast %swap3A_798 : vector<1x1x16xf32> to vector<16xf32>
      %swap3A_800 = vector.shape_cast %mul3A_793 : vector<16xf32> to vector<1x1x16xf32>
      tpu.vector_store %arg6[%swap3A_795, %swap3A_796, %swap3A_797], %swap3A_800 {strides = array<i32>} : memref<4x128x64xf32, #tpu.memory_space<vmem>>, vector<1x1x16xf32>,
      %get3A_801 = arith.constant 0 : i32
      %get3A_802 = arith.index_cast %get3A_801 : i32 to index
      %get3A_803 = arith.index_cast %scan3A_752 : i32 to index
      %get3A_804 = arith.constant 48 : index
      %get3A_805 = tpu.vector_load %arg6[%get3A_802, %get3A_803, %get3A_804] {strides = array<i32>} : memref<4x128x64xf32, #tpu.memory_space<vmem>>, vector<1x1x16xf32>,
      %get3A_806 = vector.shape_cast %get3A_805 : vector<1x1x16xf32> to vector<16xf32>
      %mul3A_807 = arith.constant 8.000000e+00 : f32
      %mul3A_808 = vector.broadcast %mul3A_807 : f32 to vector<16xf32>
      %mul3A_809 = arith.mulf %get3A_806, %mul3A_808 : vector<16xf32>
      %swap3A_810 = arith.constant 0 : i32
      %swap3A_811 = arith.index_cast %swap3A_810 : i32 to index
      %swap3A_812 = arith.index_cast %scan3A_752 : i32 to index
      %swap3A_813 = arith.constant 48 : index
      %swap3A_814 = tpu.vector_load %arg6[%swap3A_811, %swap3A_812, %swap3A_813] {strides = array<i32>} : memref<4x128x64xf32, #tpu.memory_space<vmem>>, vector<1x1x16xf32>,
      %swap3A_815 = vector.shape_cast %swap3A_814 : vector<1x1x16xf32> to vector<16xf32>
      %swap3A_816 = vector.shape_cast %mul3A_809 : vector<16xf32> to vector<1x1x16xf32>
      tpu.vector_store %arg6[%swap3A_811, %swap3A_812, %swap3A_813], %swap3A_816 {strides = array<i32>} : memref<4x128x64xf32, #tpu.memory_space<vmem>>, vector<1x1x16xf32>,
      %scan3A_817 = arith.constant 3 : i32
      %scan3A_818 = arith.addi %scan3A_622, %scan3A_817 : i32
      %get3A_819 = arith.constant 0 : i32
      %get3A_820 = arith.index_cast %get3A_819 : i32 to index
      %get3A_821 = arith.index_cast %scan3A_818 : i32 to index
      %get3A_822 = arith.constant 0 : index
      %get3A_823 = tpu.vector_load %arg6[%get3A_820, %get3A_821, %get3A_822] {strides = array<i32>} : memref<4x128x64xf32, #tpu.memory_space<vmem>>, vector<1x1x16xf32>,
      %get3A_824 = vector.shape_cast %get3A_823 : vector<1x1x16xf32> to vector<16xf32>
      %mul3A_825 = arith.constant 8.000000e+00 : f32
      %mul3A_826 = vector.broadcast %mul3A_825 : f32 to vector<16xf32>
      %mul3A_827 = arith.mulf %get3A_824, %mul3A_826 : vector<16xf32>
      %swap3A_828 = arith.constant 0 : i32
      %swap3A_829 = arith.index_cast %swap3A_828 : i32 to index
      %swap3A_830 = arith.index_cast %scan3A_818 : i32 to index
      %swap3A_831 = arith.constant 0 : index
      %swap3A_832 = tpu.vector_load %arg6[%swap3A_829, %swap3A_830, %swap3A_831] {strides = array<i32>} : memref<4x128x64xf32, #tpu.memory_space<vmem>>, vector<1x1x16xf32>,
      %swap3A_833 = vector.shape_cast %swap3A_832 : vector<1x1x16xf32> to vector<16xf32>
      %swap3A_834 = vector.shape_cast %mul3A_827 : vector<16xf32> to vector<1x1x16xf32>
      tpu.vector_store %arg6[%swap3A_829, %swap3A_830, %swap3A_831], %swap3A_834 {strides = array<i32>} : memref<4x128x64xf32, #tpu.memory_space<vmem>>, vector<1x1x16xf32>,
      %get3A_835 = arith.constant 0 : i32
      %get3A_836 = arith.index_cast %get3A_835 : i32 to index
      %get3A_837 = arith.index_cast %scan3A_818 : i32 to index
      %get3A_838 = arith.constant 16 : index
      %get3A_839 = tpu.vector_load %arg6[%get3A_836, %get3A_837, %get3A_838] {strides = array<i32>} : memref<4x128x64xf32, #tpu.memory_space<vmem>>, vector<1x1x16xf32>,
      %get3A_840 = vector.shape_cast %get3A_839 : vector<1x1x16xf32> to vector<16xf32>
      %mul3A_841 = arith.constant 8.000000e+00 : f32
      %mul3A_842 = vector.broadcast %mul3A_841 : f32 to vector<16xf32>
      %mul3A_843 = arith.mulf %get3A_840, %mul3A_842 : vector<16xf32>
      %swap3A_844 = arith.constant 0 : i32
      %swap3A_845 = arith.index_cast %swap3A_844 : i32 to index
      %swap3A_846 = arith.index_cast %scan3A_818 : i32 to index
      %swap3A_847 = arith.constant 16 : index
      %swap3A_848 = tpu.vector_load %arg6[%swap3A_845, %swap3A_846, %swap3A_847] {strides = array<i32>} : memref<4x128x64xf32, #tpu.memory_space<vmem>>, vector<1x1x16xf32>,
      %swap3A_849 = vector.shape_cast %swap3A_848 : vector<1x1x16xf32> to vector<16xf32>
      %swap3A_850 = vector.shape_cast %mul3A_843 : vector<16xf32> to vector<1x1x16xf32>
      tpu.vector_store %arg6[%swap3A_845, %swap3A_846, %swap3A_847], %swap3A_850 {strides = array<i32>} : memref<4x128x64xf32, #tpu.memory_space<vmem>>, vector<1x1x16xf32>,
      %get3A_851 = arith.constant 0 : i32
      %get3A_852 = arith.index_cast %get3A_851 : i32 to index
      %get3A_853 = arith.index_cast %scan3A_818 : i32 to index
      %get3A_854 = arith.constant 32 : index
      %get3A_855 = tpu.vector_load %arg6[%get3A_852, %get3A_853, %get3A_854] {strides = array<i32>} : memref<4x128x64xf32, #tpu.memory_space<vmem>>, vector<1x1x16xf32>,
      %get3A_856 = vector.shape_cast %get3A_855 : vector<1x1x16xf32> to vector<16xf32>
      %mul3A_857 = arith.constant 8.000000e+00 : f32
      %mul3A_858 = vector.broadcast %mul3A_857 : f32 to vector<16xf32>
      %mul3A_859 = arith.mulf %get3A_856, %mul3A_858 : vector<16xf32>
      %swap3A_860 = arith.constant 0 : i32
      %swap3A_861 = arith.index_cast %swap3A_860 : i32 to index
      %swap3A_862 = arith.index_cast %scan3A_818 : i32 to index
      %swap3A_863 = arith.constant 32 : index
      %swap3A_864 = tpu.vector_load %arg6[%swap3A_861, %swap3A_862, %swap3A_863] {strides = array<i32>} : memref<4x128x64xf32, #tpu.memory_space<vmem>>, vector<1x1x16xf32>,
      %swap3A_865 = vector.shape_cast %swap3A_864 : vector<1x1x16xf32> to vector<16xf32>
      %swap3A_866 = vector.shape_cast %mul3A_859 : vector<16xf32> to vector<1x1x16xf32>
      tpu.vector_store %arg6[%swap3A_861, %swap3A_862, %swap3A_863], %swap3A_866 {strides = array<i32>} : memref<4x128x64xf32, #tpu.memory_space<vmem>>, vector<1x1x16xf32>,
      %get3A_867 = arith.constant 0 : i32
      %get3A_868 = arith.index_cast %get3A_867 : i32 to index
      %get3A_869 = arith.index_cast %scan3A_818 : i32 to index
      %get3A_870 = arith.constant 48 : index
      %get3A_871 = tpu.vector_load %arg6[%get3A_868, %get3A_869, %get3A_870] {strides = array<i32>} : memref<4x128x64xf32, #tpu.memory_space<vmem>>, vector<1x1x16xf32>,
      %get3A_872 = vector.shape_cast %get3A_871 : vector<1x1x16xf32> to vector<16xf32>
      %mul3A_873 = arith.constant 8.000000e+00 : f32
      %mul3A_874 = vector.broadcast %mul3A_873 : f32 to vector<16xf32>
      %mul3A_875 = arith.mulf %get3A_872, %mul3A_874 : vector<16xf32>
      %swap3A_876 = arith.constant 0 : i32
      %swap3A_877 = arith.index_cast %swap3A_876 : i32 to index
      %swap3A_878 = arith.index_cast %scan3A_818 : i32 to index
      %swap3A_879 = arith.constant 48 : index
      %swap3A_880 = tpu.vector_load %arg6[%swap3A_877, %swap3A_878, %swap3A_879] {strides = array<i32>} : memref<4x128x64xf32, #tpu.memory_space<vmem>>, vector<1x1x16xf32>,
      %swap3A_881 = vector.shape_cast %swap3A_880 : vector<1x1x16xf32> to vector<16xf32>
      %swap3A_882 = vector.shape_cast %mul3A_875 : vector<16xf32> to vector<1x1x16xf32>
      tpu.vector_store %arg6[%swap3A_877, %swap3A_878, %swap3A_879], %swap3A_882 {strides = array<i32>} : memref<4x128x64xf32, #tpu.memory_space<vmem>>, vector<1x1x16xf32>,
    }
    %scan3A_364 = arith.constant 128 : i32
    %add3A_365 = arith.constant 196 : i32
    %add3A_366 = arith.addi %mul3A_2, %add3A_365 : i32
    %mul3A_367 = arith.constant 128 : i32
    %mul3A_368 = arith.muli %add3A_366, %mul3A_367 : i32
    %dma_start3A_369 = arith.constant 0 : i32
    %dma_start3A_370 = arith.constant 0 : i32
    %dma_start3A_371 = arith.constant 0 : i32
    %dma_start3A_372 = arith.constant 0 : i32
    %dma_start3A_373 = tpu.memref_slice %arg6[%dma_start3A_369, %dma_start3A_371, %dma_start3A_372] : memref<4x128x64xf32, #tpu.memory_space<vmem>> -> memref<1x128x64xf32, #tpu.memory_space<vmem>>
    %dma_start3A_374 = tpu.memref_squeeze %dma_start3A_373 : memref<1x128x64xf32, #tpu.memory_space<vmem>> -> memref<128x64xf32, #tpu.memory_space<vmem>>
    %dma_start3A_375 = arith.constant 0 : i32
    %dma_start3A_376 = tpu.memref_slice %arg4[%mul3A_368, %dma_start3A_375] : memref<819200x64xf32, #tpu.memory_space<hbm>> -> memref<128x64xf32, #tpu.memory_space<hbm>>
    %dma_start3A_377 = tpu.memref_slice %arg8[%dma_start3A_370] : memref<4x!tpu.dma_semaphore, #tpu.memory_space<semaphore_mem>> -> memref<1x!tpu.dma_semaphore, #tpu.memory_space<semaphore_mem>>
    %dma_start3A_378 = tpu.memref_squeeze %dma_start3A_377 : memref<1x!tpu.dma_semaphore, #tpu.memory_space<semaphore_mem>> -> memref<!tpu.dma_semaphore, #tpu.memory_space<semaphore_mem>>
    %dma_start3A_379 = arith.constant 0 : i32
    %dma_start3A_380 = tpu.memref_slice %arg4[%mul3A_368, %dma_start3A_379] : memref<819200x64xf32, #tpu.memory_space<hbm>> -> memref<128x64xf32, #tpu.memory_space<hbm>>
    %dma_start3A_381 = arith.constant 0 : i32
    %dma_start3A_382 = arith.constant 0 : i32
    %dma_start3A_383 = tpu.memref_slice %arg6[%dma_start3A_369, %dma_start3A_381, %dma_start3A_382] : memref<4x128x64xf32, #tpu.memory_space<vmem>> -> memref<1x128x64xf32, #tpu.memory_space<vmem>>
    %dma_start3A_384 = tpu.memref_squeeze %dma_start3A_383 : memref<1x128x64xf32, #tpu.memory_space<vmem>> -> memref<128x64xf32, #tpu.memory_space<vmem>>
    tpu.enqueue_dma source(%dma_start3A_384 : memref<128x64xf32, #tpu.memory_space<vmem>>) target(%dma_start3A_380 : memref<128x64xf32, #tpu.memory_space<hbm>>) target_semaphore(%dma_start3A_378 : memref<!tpu.dma_semaphore, #tpu.memory_space<semaphore_mem>>)
    %dma_wait3A_385 = arith.constant 3 : i32
    %dma_wait3A_386 = arith.constant 3 : i32
    %dma_wait3A_387 = arith.constant 0 : i32
    %dma_wait3A_388 = arith.constant 0 : i32
    %dma_wait3A_389 = tpu.memref_slice %arg6[%dma_wait3A_385, %dma_wait3A_387, %dma_wait3A_388] : memref<4x128x64xf32, #tpu.memory_space<vmem>> -> memref<1x128x64xf32, #tpu.memory_space<vmem>>
    %dma_wait3A_390 = tpu.memref_squeeze %dma_wait3A_389 : memref<1x128x64xf32, #tpu.memory_space<vmem>> -> memref<128x64xf32, #tpu.memory_space<vmem>>
    %dma_wait3A_391 = arith.constant 0 : i32
    %dma_wait3A_392 = arith.constant 0 : i32
    %dma_wait3A_393 = tpu.memref_slice %arg4[%dma_wait3A_391, %dma_wait3A_392] : memref<819200x64xf32, #tpu.memory_space<hbm>> -> memref<128x64xf32, #tpu.memory_space<hbm>>
    %dma_wait3A_394 = tpu.memref_slice %arg8[%dma_wait3A_386] : memref<4x!tpu.dma_semaphore, #tpu.memory_space<semaphore_mem>> -> memref<1x!tpu.dma_semaphore, #tpu.memory_space<semaphore_mem>>
    %dma_wait3A_395 = tpu.memref_squeeze %dma_wait3A_394 : memref<1x!tpu.dma_semaphore, #tpu.memory_space<semaphore_mem>> -> memref<!tpu.dma_semaphore, #tpu.memory_space<semaphore_mem>>
    %dma_wait3A_396 = arith.constant 0 : i32
    %dma_wait3A_397 = arith.constant 0 : i32
    %dma_wait3A_398 = tpu.memref_slice %arg4[%dma_wait3A_396, %dma_wait3A_397] : memref<819200x64xf32, #tpu.memory_space<hbm>> -> memref<128x64xf32, #tpu.memory_space<hbm>>
    %dma_wait3A_399 = arith.constant 0 : i32
    %dma_wait3A_400 = arith.constant 0 : i32
    %dma_wait3A_401 = tpu.memref_slice %arg6[%dma_wait3A_385, %dma_wait3A_399, %dma_wait3A_400] : memref<4x128x64xf32, #tpu.memory_space<vmem>> -> memref<1x128x64xf32, #tpu.memory_space<vmem>>
    %dma_wait3A_402 = tpu.memref_squeeze %dma_wait3A_401 : memref<1x128x64xf32, #tpu.memory_space<vmem>> -> memref<128x64xf32, #tpu.memory_space<vmem>>
    tpu.wait_dma2 semaphore(%dma_wait3A_395 : memref<!tpu.dma_semaphore, #tpu.memory_space<semaphore_mem>>) src(%dma_wait3A_402 : memref<128x64xf32, #tpu.memory_space<vmem>>) dst(%dma_wait3A_398 : memref<128x64xf32, #tpu.memory_space<hbm>>)
    %dma_start3A_403 = arith.constant 199 : i32
    %dma_start3A_404 = arith.constant 3 : i32
    %dma_start3A_405 = arith.constant 3 : i32
    %dma_start3A_406 = arith.constant 0 : i32
    %dma_start3A_407 = arith.constant 0 : i32
    %dma_start3A_408 = tpu.memref_slice %arg6[%dma_start3A_404, %dma_start3A_406, %dma_start3A_407] : memref<4x128x64xf32, #tpu.memory_space<vmem>> -> memref<1x128x64xf32, #tpu.memory_space<vmem>>
    %dma_start3A_409 = tpu.memref_squeeze %dma_start3A_408 : memref<1x128x64xf32, #tpu.memory_space<vmem>> -> memref<128x64xf32, #tpu.memory_space<vmem>>
    %dma_start3A_410 = arith.constant 0 : i32
    %dma_start3A_411 = tpu.memref_slice %arg5[%dma_start3A_403, %dma_start3A_410] : memref<200x128xi32, #tpu.memory_space<vmem>> -> memref<1x128xi32, #tpu.memory_space<vmem>>
    %dma_start3A_412 = tpu.memref_squeeze %dma_start3A_411 : memref<1x128xi32, #tpu.memory_space<vmem>> -> memref<128xi32, #tpu.memory_space<vmem>>
    %dma_start3A_413 = arith.constant 0 : i32
    %dma_start3A_414 = arith.constant 0 : i32
    %dma_start3A_415 = tpu.memref_slice %arg3[%dma_start3A_413, %dma_start3A_414] : memref<1000000x64xf32, #tpu.memory_space<hbm>> -> memref<1000000x64xf32, #tpu.memory_space<hbm>>
    %dma_start3A_416 = tpu.memref_slice %arg7[%dma_start3A_405] : memref<4x!tpu.dma_semaphore, #tpu.memory_space<semaphore_mem>> -> memref<1x!tpu.dma_semaphore, #tpu.memory_space<semaphore_mem>>
    %dma_start3A_417 = tpu.memref_squeeze %dma_start3A_416 : memref<1x!tpu.dma_semaphore, #tpu.memory_space<semaphore_mem>> -> memref<!tpu.dma_semaphore, #tpu.memory_space<semaphore_mem>>
    tpu.enqueue_indirect_dma source(%dma_start3A_415 : memref<1000000x64xf32, #tpu.memory_space<hbm>>) target(%dma_start3A_409 : memref<128x64xf32, #tpu.memory_space<vmem>>) offsets(%dma_start3A_412 : memref<128xi32, #tpu.memory_space<vmem>>) semaphore(%dma_start3A_417 : memref<!tpu.dma_semaphore, #tpu.memory_space<semaphore_mem>>)
    %dma_wait3A_418 = arith.constant 1 : i32
    %dma_wait3A_419 = arith.constant 1 : i32
    %dma_wait3A_420 = arith.constant 0 : i32
    %dma_wait3A_421 = arith.constant 0 : i32
    %dma_wait3A_422 = tpu.memref_slice %arg6[%dma_wait3A_418, %dma_wait3A_420, %dma_wait3A_421] : memref<4x128x64xf32, #tpu.memory_space<vmem>> -> memref<1x128x64xf32, #tpu.memory_space<vmem>>
    %dma_wait3A_423 = tpu.memref_squeeze %dma_wait3A_422 : memref<1x128x64xf32, #tpu.memory_space<vmem>> -> memref<128x64xf32, #tpu.memory_space<vmem>>
    %dma_wait3A_424 = arith.constant 0 : i32
    %dma_wait3A_425 = arith.constant 0 : i32
    %dma_wait3A_426 = tpu.memref_slice %arg4[%dma_wait3A_424, %dma_wait3A_425] : memref<819200x64xf32, #tpu.memory_space<hbm>> -> memref<128x64xf32, #tpu.memory_space<hbm>>
    %dma_wait3A_427 = tpu.memref_slice %arg7[%dma_wait3A_419] : memref<4x!tpu.dma_semaphore, #tpu.memory_space<semaphore_mem>> -> memref<1x!tpu.dma_semaphore, #tpu.memory_space<semaphore_mem>>
    %dma_wait3A_428 = tpu.memref_squeeze %dma_wait3A_427 : memref<1x!tpu.dma_semaphore, #tpu.memory_space<semaphore_mem>> -> memref<!tpu.dma_semaphore, #tpu.memory_space<semaphore_mem>>
    %dma_wait3A_429 = arith.constant 0 : i32
    %dma_wait3A_430 = arith.constant 0 : i32
    %dma_wait3A_431 = tpu.memref_slice %arg6[%dma_wait3A_418, %dma_wait3A_429, %dma_wait3A_430] : memref<4x128x64xf32, #tpu.memory_space<vmem>> -> memref<1x128x64xf32, #tpu.memory_space<vmem>>
    %dma_wait3A_432 = tpu.memref_squeeze %dma_wait3A_431 : memref<1x128x64xf32, #tpu.memory_space<vmem>> -> memref<128x64xf32, #tpu.memory_space<vmem>>
    %dma_wait3A_433 = arith.constant 0 : i32
    %dma_wait3A_434 = arith.constant 0 : i32
    %dma_wait3A_435 = tpu.memref_slice %arg4[%dma_wait3A_433, %dma_wait3A_434] : memref<819200x64xf32, #tpu.memory_space<hbm>> -> memref<128x64xf32, #tpu.memory_space<hbm>>
    tpu.wait_dma2 semaphore(%dma_wait3A_428 : memref<!tpu.dma_semaphore, #tpu.memory_space<semaphore_mem>>) src(%dma_wait3A_435 : memref<128x64xf32, #tpu.memory_space<hbm>>) dst(%dma_wait3A_432 : memref<128x64xf32, #tpu.memory_space<vmem>>)
    %scan3A_436 = arith.constant 0 : i32
    %scan3A_437 = arith.constant 0 : i32
    %scan3A_438 = arith.constant 128 : i32
    %scan3A_439 = arith.addi %scan3A_437, %scan3A_438 : i32
    %scan3A_440 = arith.constant 4 : i32
    scf.for %scan3A_622 = %scan3A_437 to %scan3A_439 step %scan3A_440  : i32 {
      %get3A = arith.constant 1 : i32
      %get3A_623 = arith.index_cast %get3A : i32 to index
      %get3A_624 = arith.index_cast %scan3A_622 : i32 to index
      %get3A_625 = arith.constant 0 : index
      %get3A_626 = tpu.vector_load %arg6[%get3A_623, %get3A_624, %get3A_625] {strides = array<i32>} : memref<4x128x64xf32, #tpu.memory_space<vmem>>, vector<1x1x16xf32>,
      %get3A_627 = vector.shape_cast %get3A_626 : vector<1x1x16xf32> to vector<16xf32>
      %mul3A_628 = arith.constant 8.000000e+00 : f32
      %mul3A_629 = vector.broadcast %mul3A_628 : f32 to vector<16xf32>
      %mul3A_630 = arith.mulf %get3A_627, %mul3A_629 : vector<16xf32>
      %swap3A = arith.constant 1 : i32
      %swap3A_631 = arith.index_cast %swap3A : i32 to index
      %swap3A_632 = arith.index_cast %scan3A_622 : i32 to index
      %swap3A_633 = arith.constant 0 : index
      %swap3A_634 = tpu.vector_load %arg6[%swap3A_631, %swap3A_632, %swap3A_633] {strides = array<i32>} : memref<4x128x64xf32, #tpu.memory_space<vmem>>, vector<1x1x16xf32>,
      %swap3A_635 = vector.shape_cast %swap3A_634 : vector<1x1x16xf32> to vector<16xf32>
      %swap3A_636 = vector.shape_cast %mul3A_630 : vector<16xf32> to vector<1x1x16xf32>
      tpu.vector_store %arg6[%swap3A_631, %swap3A_632, %swap3A_633], %swap3A_636 {strides = array<i32>} : memref<4x128x64xf32, #tpu.memory_space<vmem>>, vector<1x1x16xf32>,
      %get3A_637 = arith.constant 1 : i32
      %get3A_638 = arith.index_cast %get3A_637 : i32 to index
      %get3A_639 = arith.index_cast %scan3A_622 : i32 to index
      %get3A_640 = arith.constant 16 : index
      %get3A_641 = tpu.vector_load %arg6[%get3A_638, %get3A_639, %get3A_640] {strides = array<i32>} : memref<4x128x64xf32, #tpu.memory_space<vmem>>, vector<1x1x16xf32>,
      %get3A_642 = vector.shape_cast %get3A_641 : vector<1x1x16xf32> to vector<16xf32>
      %mul3A_643 = arith.constant 8.000000e+00 : f32
      %mul3A_644 = vector.broadcast %mul3A_643 : f32 to vector<16xf32>
      %mul3A_645 = arith.mulf %get3A_642, %mul3A_644 : vector<16xf32>
      %swap3A_646 = arith.constant 1 : i32
      %swap3A_647 = arith.index_cast %swap3A_646 : i32 to index
      %swap3A_648 = arith.index_cast %scan3A_622 : i32 to index
      %swap3A_649 = arith.constant 16 : index
      %swap3A_650 = tpu.vector_load %arg6[%swap3A_647, %swap3A_648, %swap3A_649] {strides = array<i32>} : memref<4x128x64xf32, #tpu.memory_space<vmem>>, vector<1x1x16xf32>,
      %swap3A_651 = vector.shape_cast %swap3A_650 : vector<1x1x16xf32> to vector<16xf32>
      %swap3A_652 = vector.shape_cast %mul3A_645 : vector<16xf32> to vector<1x1x16xf32>
      tpu.vector_store %arg6[%swap3A_647, %swap3A_648, %swap3A_649], %swap3A_652 {strides = array<i32>} : memref<4x128x64xf32, #tpu.memory_space<vmem>>, vector<1x1x16xf32>,
      %get3A_653 = arith.constant 1 : i32
      %get3A_654 = arith.index_cast %get3A_653 : i32 to index
      %get3A_655 = arith.index_cast %scan3A_622 : i32 to index
      %get3A_656 = arith.constant 32 : index
      %get3A_657 = tpu.vector_load %arg6[%get3A_654, %get3A_655, %get3A_656] {strides = array<i32>} : memref<4x128x64xf32, #tpu.memory_space<vmem>>, vector<1x1x16xf32>,
      %get3A_658 = vector.shape_cast %get3A_657 : vector<1x1x16xf32> to vector<16xf32>
      %mul3A_659 = arith.constant 8.000000e+00 : f32
      %mul3A_660 = vector.broadcast %mul3A_659 : f32 to vector<16xf32>
      %mul3A_661 = arith.mulf %get3A_658, %mul3A_660 : vector<16xf32>
      %swap3A_662 = arith.constant 1 : i32
      %swap3A_663 = arith.index_cast %swap3A_662 : i32 to index
      %swap3A_664 = arith.index_cast %scan3A_622 : i32 to index
      %swap3A_665 = arith.constant 32 : index
      %swap3A_666 = tpu.vector_load %arg6[%swap3A_663, %swap3A_664, %swap3A_665] {strides = array<i32>} : memref<4x128x64xf32, #tpu.memory_space<vmem>>, vector<1x1x16xf32>,
      %swap3A_667 = vector.shape_cast %swap3A_666 : vector<1x1x16xf32> to vector<16xf32>
      %swap3A_668 = vector.shape_cast %mul3A_661 : vector<16xf32> to vector<1x1x16xf32>
      tpu.vector_store %arg6[%swap3A_663, %swap3A_664, %swap3A_665], %swap3A_668 {strides = array<i32>} : memref<4x128x64xf32, #tpu.memory_space<vmem>>, vector<1x1x16xf32>,
      %get3A_669 = arith.constant 1 : i32
      %get3A_670 = arith.index_cast %get3A_669 : i32 to index
      %get3A_671 = arith.index_cast %scan3A_622 : i32 to index
      %get3A_672 = arith.constant 48 : index
      %get3A_673 = tpu.vector_load %arg6[%get3A_670, %get3A_671, %get3A_672] {strides = array<i32>} : memref<4x128x64xf32, #tpu.memory_space<vmem>>, vector<1x1x16xf32>,
      %get3A_674 = vector.shape_cast %get3A_673 : vector<1x1x16xf32> to vector<16xf32>
      %mul3A_675 = arith.constant 8.000000e+00 : f32
      %mul3A_676 = vector.broadcast %mul3A_675 : f32 to vector<16xf32>
      %mul3A_677 = arith.mulf %get3A_674, %mul3A_676 : vector<16xf32>
      %swap3A_678 = arith.constant 1 : i32
      %swap3A_679 = arith.index_cast %swap3A_678 : i32 to index
      %swap3A_680 = arith.index_cast %scan3A_622 : i32 to index
      %swap3A_681 = arith.constant 48 : index
      %swap3A_682 = tpu.vector_load %arg6[%swap3A_679, %swap3A_680, %swap3A_681] {strides = array<i32>} : memref<4x128x64xf32, #tpu.memory_space<vmem>>, vector<1x1x16xf32>,
      %swap3A_683 = vector.shape_cast %swap3A_682 : vector<1x1x16xf32> to vector<16xf32>
      %swap3A_684 = vector.shape_cast %mul3A_677 : vector<16xf32> to vector<1x1x16xf32>
      tpu.vector_store %arg6[%swap3A_679, %swap3A_680, %swap3A_681], %swap3A_684 {strides = array<i32>} : memref<4x128x64xf32, #tpu.memory_space<vmem>>, vector<1x1x16xf32>,
      %scan3A_685 = arith.constant 1 : i32
      %scan3A_686 = arith.addi %scan3A_622, %scan3A_685 : i32
      %get3A_687 = arith.constant 1 : i32
      %get3A_688 = arith.index_cast %get3A_687 : i32 to index
      %get3A_689 = arith.index_cast %scan3A_686 : i32 to index
      %get3A_690 = arith.constant 0 : index
      %get3A_691 = tpu.vector_load %arg6[%get3A_688, %get3A_689, %get3A_690] {strides = array<i32>} : memref<4x128x64xf32, #tpu.memory_space<vmem>>, vector<1x1x16xf32>,
      %get3A_692 = vector.shape_cast %get3A_691 : vector<1x1x16xf32> to vector<16xf32>
      %mul3A_693 = arith.constant 8.000000e+00 : f32
      %mul3A_694 = vector.broadcast %mul3A_693 : f32 to vector<16xf32>
      %mul3A_695 = arith.mulf %get3A_692, %mul3A_694 : vector<16xf32>
      %swap3A_696 = arith.constant 1 : i32
      %swap3A_697 = arith.index_cast %swap3A_696 : i32 to index
      %swap3A_698 = arith.index_cast %scan3A_686 : i32 to index
      %swap3A_699 = arith.constant 0 : index
      %swap3A_700 = tpu.vector_load %arg6[%swap3A_697, %swap3A_698, %swap3A_699] {strides = array<i32>} : memref<4x128x64xf32, #tpu.memory_space<vmem>>, vector<1x1x16xf32>,
      %swap3A_701 = vector.shape_cast %swap3A_700 : vector<1x1x16xf32> to vector<16xf32>
      %swap3A_702 = vector.shape_cast %mul3A_695 : vector<16xf32> to vector<1x1x16xf32>
      tpu.vector_store %arg6[%swap3A_697, %swap3A_698, %swap3A_699], %swap3A_702 {strides = array<i32>} : memref<4x128x64xf32, #tpu.memory_space<vmem>>, vector<1x1x16xf32>,
      %get3A_703 = arith.constant 1 : i32
      %get3A_704 = arith.index_cast %get3A_703 : i32 to index
      %get3A_705 = arith.index_cast %scan3A_686 : i32 to index
      %get3A_706 = arith.constant 16 : index
      %get3A_707 = tpu.vector_load %arg6[%get3A_704, %get3A_705, %get3A_706] {strides = array<i32>} : memref<4x128x64xf32, #tpu.memory_space<vmem>>, vector<1x1x16xf32>,
      %get3A_708 = vector.shape_cast %get3A_707 : vector<1x1x16xf32> to vector<16xf32>
      %mul3A_709 = arith.constant 8.000000e+00 : f32
      %mul3A_710 = vector.broadcast %mul3A_709 : f32 to vector<16xf32>
      %mul3A_711 = arith.mulf %get3A_708, %mul3A_710 : vector<16xf32>
      %swap3A_712 = arith.constant 1 : i32
      %swap3A_713 = arith.index_cast %swap3A_712 : i32 to index
      %swap3A_714 = arith.index_cast %scan3A_686 : i32 to index
      %swap3A_715 = arith.constant 16 : index
      %swap3A_716 = tpu.vector_load %arg6[%swap3A_713, %swap3A_714, %swap3A_715] {strides = array<i32>} : memref<4x128x64xf32, #tpu.memory_space<vmem>>, vector<1x1x16xf32>,
      %swap3A_717 = vector.shape_cast %swap3A_716 : vector<1x1x16xf32> to vector<16xf32>
      %swap3A_718 = vector.shape_cast %mul3A_711 : vector<16xf32> to vector<1x1x16xf32>
      tpu.vector_store %arg6[%swap3A_713, %swap3A_714, %swap3A_715], %swap3A_718 {strides = array<i32>} : memref<4x128x64xf32, #tpu.memory_space<vmem>>, vector<1x1x16xf32>,
      %get3A_719 = arith.constant 1 : i32
      %get3A_720 = arith.index_cast %get3A_719 : i32 to index
      %get3A_721 = arith.index_cast %scan3A_686 : i32 to index
      %get3A_722 = arith.constant 32 : index
      %get3A_723 = tpu.vector_load %arg6[%get3A_720, %get3A_721, %get3A_722] {strides = array<i32>} : memref<4x128x64xf32, #tpu.memory_space<vmem>>, vector<1x1x16xf32>,
      %get3A_724 = vector.shape_cast %get3A_723 : vector<1x1x16xf32> to vector<16xf32>
      %mul3A_725 = arith.constant 8.000000e+00 : f32
      %mul3A_726 = vector.broadcast %mul3A_725 : f32 to vector<16xf32>
      %mul3A_727 = arith.mulf %get3A_724, %mul3A_726 : vector<16xf32>
      %swap3A_728 = arith.constant 1 : i32
      %swap3A_729 = arith.index_cast %swap3A_728 : i32 to index
      %swap3A_730 = arith.index_cast %scan3A_686 : i32 to index
      %swap3A_731 = arith.constant 32 : index
      %swap3A_732 = tpu.vector_load %arg6[%swap3A_729, %swap3A_730, %swap3A_731] {strides = array<i32>} : memref<4x128x64xf32, #tpu.memory_space<vmem>>, vector<1x1x16xf32>,
      %swap3A_733 = vector.shape_cast %swap3A_732 : vector<1x1x16xf32> to vector<16xf32>
      %swap3A_734 = vector.shape_cast %mul3A_727 : vector<16xf32> to vector<1x1x16xf32>
      tpu.vector_store %arg6[%swap3A_729, %swap3A_730, %swap3A_731], %swap3A_734 {strides = array<i32>} : memref<4x128x64xf32, #tpu.memory_space<vmem>>, vector<1x1x16xf32>,
      %get3A_735 = arith.constant 1 : i32
      %get3A_736 = arith.index_cast %get3A_735 : i32 to index
      %get3A_737 = arith.index_cast %scan3A_686 : i32 to index
      %get3A_738 = arith.constant 48 : index
      %get3A_739 = tpu.vector_load %arg6[%get3A_736, %get3A_737, %get3A_738] {strides = array<i32>} : memref<4x128x64xf32, #tpu.memory_space<vmem>>, vector<1x1x16xf32>,
      %get3A_740 = vector.shape_cast %get3A_739 : vector<1x1x16xf32> to vector<16xf32>
      %mul3A_741 = arith.constant 8.000000e+00 : f32
      %mul3A_742 = vector.broadcast %mul3A_741 : f32 to vector<16xf32>
      %mul3A_743 = arith.mulf %get3A_740, %mul3A_742 : vector<16xf32>
      %swap3A_744 = arith.constant 1 : i32
      %swap3A_745 = arith.index_cast %swap3A_744 : i32 to index
      %swap3A_746 = arith.index_cast %scan3A_686 : i32 to index
      %swap3A_747 = arith.constant 48 : index
      %swap3A_748 = tpu.vector_load %arg6[%swap3A_745, %swap3A_746, %swap3A_747] {strides = array<i32>} : memref<4x128x64xf32, #tpu.memory_space<vmem>>, vector<1x1x16xf32>,
      %swap3A_749 = vector.shape_cast %swap3A_748 : vector<1x1x16xf32> to vector<16xf32>
      %swap3A_750 = vector.shape_cast %mul3A_743 : vector<16xf32> to vector<1x1x16xf32>
      tpu.vector_store %arg6[%swap3A_745, %swap3A_746, %swap3A_747], %swap3A_750 {strides = array<i32>} : memref<4x128x64xf32, #tpu.memory_space<vmem>>, vector<1x1x16xf32>,
      %scan3A_751 = arith.constant 2 : i32
      %scan3A_752 = arith.addi %scan3A_622, %scan3A_751 : i32
      %get3A_753 = arith.constant 1 : i32
      %get3A_754 = arith.index_cast %get3A_753 : i32 to index
      %get3A_755 = arith.index_cast %scan3A_752 : i32 to index
      %get3A_756 = arith.constant 0 : index
      %get3A_757 = tpu.vector_load %arg6[%get3A_754, %get3A_755, %get3A_756] {strides = array<i32>} : memref<4x128x64xf32, #tpu.memory_space<vmem>>, vector<1x1x16xf32>,
      %get3A_758 = vector.shape_cast %get3A_757 : vector<1x1x16xf32> to vector<16xf32>
      %mul3A_759 = arith.constant 8.000000e+00 : f32
      %mul3A_760 = vector.broadcast %mul3A_759 : f32 to vector<16xf32>
      %mul3A_761 = arith.mulf %get3A_758, %mul3A_760 : vector<16xf32>
      %swap3A_762 = arith.constant 1 : i32
      %swap3A_763 = arith.index_cast %swap3A_762 : i32 to index
      %swap3A_764 = arith.index_cast %scan3A_752 : i32 to index
      %swap3A_765 = arith.constant 0 : index
      %swap3A_766 = tpu.vector_load %arg6[%swap3A_763, %swap3A_764, %swap3A_765] {strides = array<i32>} : memref<4x128x64xf32, #tpu.memory_space<vmem>>, vector<1x1x16xf32>,
      %swap3A_767 = vector.shape_cast %swap3A_766 : vector<1x1x16xf32> to vector<16xf32>
      %swap3A_768 = vector.shape_cast %mul3A_761 : vector<16xf32> to vector<1x1x16xf32>
      tpu.vector_store %arg6[%swap3A_763, %swap3A_764, %swap3A_765], %swap3A_768 {strides = array<i32>} : memref<4x128x64xf32, #tpu.memory_space<vmem>>, vector<1x1x16xf32>,
      %get3A_769 = arith.constant 1 : i32
      %get3A_770 = arith.index_cast %get3A_769 : i32 to index
      %get3A_771 = arith.index_cast %scan3A_752 : i32 to index
      %get3A_772 = arith.constant 16 : index
      %get3A_773 = tpu.vector_load %arg6[%get3A_770, %get3A_771, %get3A_772] {strides = array<i32>} : memref<4x128x64xf32, #tpu.memory_space<vmem>>, vector<1x1x16xf32>,
      %get3A_774 = vector.shape_cast %get3A_773 : vector<1x1x16xf32> to vector<16xf32>
      %mul3A_775 = arith.constant 8.000000e+00 : f32
      %mul3A_776 = vector.broadcast %mul3A_775 : f32 to vector<16xf32>
      %mul3A_777 = arith.mulf %get3A_774, %mul3A_776 : vector<16xf32>
      %swap3A_778 = arith.constant 1 : i32
      %swap3A_779 = arith.index_cast %swap3A_778 : i32 to index
      %swap3A_780 = arith.index_cast %scan3A_752 : i32 to index
      %swap3A_781 = arith.constant 16 : index
      %swap3A_782 = tpu.vector_load %arg6[%swap3A_779, %swap3A_780, %swap3A_781] {strides = array<i32>} : memref<4x128x64xf32, #tpu.memory_space<vmem>>, vector<1x1x16xf32>,
      %swap3A_783 = vector.shape_cast %swap3A_782 : vector<1x1x16xf32> to vector<16xf32>
      %swap3A_784 = vector.shape_cast %mul3A_777 : vector<16xf32> to vector<1x1x16xf32>
      tpu.vector_store %arg6[%swap3A_779, %swap3A_780, %swap3A_781], %swap3A_784 {strides = array<i32>} : memref<4x128x64xf32, #tpu.memory_space<vmem>>, vector<1x1x16xf32>,
      %get3A_785 = arith.constant 1 : i32
      %get3A_786 = arith.index_cast %get3A_785 : i32 to index
      %get3A_787 = arith.index_cast %scan3A_752 : i32 to index
      %get3A_788 = arith.constant 32 : index
      %get3A_789 = tpu.vector_load %arg6[%get3A_786, %get3A_787, %get3A_788] {strides = array<i32>} : memref<4x128x64xf32, #tpu.memory_space<vmem>>, vector<1x1x16xf32>,
      %get3A_790 = vector.shape_cast %get3A_789 : vector<1x1x16xf32> to vector<16xf32>
      %mul3A_791 = arith.constant 8.000000e+00 : f32
      %mul3A_792 = vector.broadcast %mul3A_791 : f32 to vector<16xf32>
      %mul3A_793 = arith.mulf %get3A_790, %mul3A_792 : vector<16xf32>
      %swap3A_794 = arith.constant 1 : i32
      %swap3A_795 = arith.index_cast %swap3A_794 : i32 to index
      %swap3A_796 = arith.index_cast %scan3A_752 : i32 to index
      %swap3A_797 = arith.constant 32 : index
      %swap3A_798 = tpu.vector_load %arg6[%swap3A_795, %swap3A_796, %swap3A_797] {strides = array<i32>} : memref<4x128x64xf32, #tpu.memory_space<vmem>>, vector<1x1x16xf32>,
      %swap3A_799 = vector.shape_cast %swap3A_798 : vector<1x1x16xf32> to vector<16xf32>
      %swap3A_800 = vector.shape_cast %mul3A_793 : vector<16xf32> to vector<1x1x16xf32>
      tpu.vector_store %arg6[%swap3A_795, %swap3A_796, %swap3A_797], %swap3A_800 {strides = array<i32>} : memref<4x128x64xf32, #tpu.memory_space<vmem>>, vector<1x1x16xf32>,
      %get3A_801 = arith.constant 1 : i32
      %get3A_802 = arith.index_cast %get3A_801 : i32 to index
      %get3A_803 = arith.index_cast %scan3A_752 : i32 to index
      %get3A_804 = arith.constant 48 : index
      %get3A_805 = tpu.vector_load %arg6[%get3A_802, %get3A_803, %get3A_804] {strides = array<i32>} : memref<4x128x64xf32, #tpu.memory_space<vmem>>, vector<1x1x16xf32>,
      %get3A_806 = vector.shape_cast %get3A_805 : vector<1x1x16xf32> to vector<16xf32>
      %mul3A_807 = arith.constant 8.000000e+00 : f32
      %mul3A_808 = vector.broadcast %mul3A_807 : f32 to vector<16xf32>
      %mul3A_809 = arith.mulf %get3A_806, %mul3A_808 : vector<16xf32>
      %swap3A_810 = arith.constant 1 : i32
      %swap3A_811 = arith.index_cast %swap3A_810 : i32 to index
      %swap3A_812 = arith.index_cast %scan3A_752 : i32 to index
      %swap3A_813 = arith.constant 48 : index
      %swap3A_814 = tpu.vector_load %arg6[%swap3A_811, %swap3A_812, %swap3A_813] {strides = array<i32>} : memref<4x128x64xf32, #tpu.memory_space<vmem>>, vector<1x1x16xf32>,
      %swap3A_815 = vector.shape_cast %swap3A_814 : vector<1x1x16xf32> to vector<16xf32>
      %swap3A_816 = vector.shape_cast %mul3A_809 : vector<16xf32> to vector<1x1x16xf32>
      tpu.vector_store %arg6[%swap3A_811, %swap3A_812, %swap3A_813], %swap3A_816 {strides = array<i32>} : memref<4x128x64xf32, #tpu.memory_space<vmem>>, vector<1x1x16xf32>,
      %scan3A_817 = arith.constant 3 : i32
      %scan3A_818 = arith.addi %scan3A_622, %scan3A_817 : i32
      %get3A_819 = arith.constant 1 : i32
      %get3A_820 = arith.index_cast %get3A_819 : i32 to index
      %get3A_821 = arith.index_cast %scan3A_818 : i32 to index
      %get3A_822 = arith.constant 0 : index
      %get3A_823 = tpu.vector_load %arg6[%get3A_820, %get3A_821, %get3A_822] {strides = array<i32>} : memref<4x128x64xf32, #tpu.memory_space<vmem>>, vector<1x1x16xf32>,
      %get3A_824 = vector.shape_cast %get3A_823 : vector<1x1x16xf32> to vector<16xf32>
      %mul3A_825 = arith.constant 8.000000e+00 : f32
      %mul3A_826 = vector.broadcast %mul3A_825 : f32 to vector<16xf32>
      %mul3A_827 = arith.mulf %get3A_824, %mul3A_826 : vector<16xf32>
      %swap3A_828 = arith.constant 1 : i32
      %swap3A_829 = arith.index_cast %swap3A_828 : i32 to index
      %swap3A_830 = arith.index_cast %scan3A_818 : i32 to index
      %swap3A_831 = arith.constant 0 : index
      %swap3A_832 = tpu.vector_load %arg6[%swap3A_829, %swap3A_830, %swap3A_831] {strides = array<i32>} : memref<4x128x64xf32, #tpu.memory_space<vmem>>, vector<1x1x16xf32>,
      %swap3A_833 = vector.shape_cast %swap3A_832 : vector<1x1x16xf32> to vector<16xf32>
      %swap3A_834 = vector.shape_cast %mul3A_827 : vector<16xf32> to vector<1x1x16xf32>
      tpu.vector_store %arg6[%swap3A_829, %swap3A_830, %swap3A_831], %swap3A_834 {strides = array<i32>} : memref<4x128x64xf32, #tpu.memory_space<vmem>>, vector<1x1x16xf32>,
      %get3A_835 = arith.constant 1 : i32
      %get3A_836 = arith.index_cast %get3A_835 : i32 to index
      %get3A_837 = arith.index_cast %scan3A_818 : i32 to index
      %get3A_838 = arith.constant 16 : index
      %get3A_839 = tpu.vector_load %arg6[%get3A_836, %get3A_837, %get3A_838] {strides = array<i32>} : memref<4x128x64xf32, #tpu.memory_space<vmem>>, vector<1x1x16xf32>,
      %get3A_840 = vector.shape_cast %get3A_839 : vector<1x1x16xf32> to vector<16xf32>
      %mul3A_841 = arith.constant 8.000000e+00 : f32
      %mul3A_842 = vector.broadcast %mul3A_841 : f32 to vector<16xf32>
      %mul3A_843 = arith.mulf %get3A_840, %mul3A_842 : vector<16xf32>
      %swap3A_844 = arith.constant 1 : i32
      %swap3A_845 = arith.index_cast %swap3A_844 : i32 to index
      %swap3A_846 = arith.index_cast %scan3A_818 : i32 to index
      %swap3A_847 = arith.constant 16 : index
      %swap3A_848 = tpu.vector_load %arg6[%swap3A_845, %swap3A_846, %swap3A_847] {strides = array<i32>} : memref<4x128x64xf32, #tpu.memory_space<vmem>>, vector<1x1x16xf32>,
      %swap3A_849 = vector.shape_cast %swap3A_848 : vector<1x1x16xf32> to vector<16xf32>
      %swap3A_850 = vector.shape_cast %mul3A_843 : vector<16xf32> to vector<1x1x16xf32>
      tpu.vector_store %arg6[%swap3A_845, %swap3A_846, %swap3A_847], %swap3A_850 {strides = array<i32>} : memref<4x128x64xf32, #tpu.memory_space<vmem>>, vector<1x1x16xf32>,
      %get3A_851 = arith.constant 1 : i32
      %get3A_852 = arith.index_cast %get3A_851 : i32 to index
      %get3A_853 = arith.index_cast %scan3A_818 : i32 to index
      %get3A_854 = arith.constant 32 : index
      %get3A_855 = tpu.vector_load %arg6[%get3A_852, %get3A_853, %get3A_854] {strides = array<i32>} : memref<4x128x64xf32, #tpu.memory_space<vmem>>, vector<1x1x16xf32>,
      %get3A_856 = vector.shape_cast %get3A_855 : vector<1x1x16xf32> to vector<16xf32>
      %mul3A_857 = arith.constant 8.000000e+00 : f32
      %mul3A_858 = vector.broadcast %mul3A_857 : f32 to vector<16xf32>
      %mul3A_859 = arith.mulf %get3A_856, %mul3A_858 : vector<16xf32>
      %swap3A_860 = arith.constant 1 : i32
      %swap3A_861 = arith.index_cast %swap3A_860 : i32 to index
      %swap3A_862 = arith.index_cast %scan3A_818 : i32 to index
      %swap3A_863 = arith.constant 32 : index
      %swap3A_864 = tpu.vector_load %arg6[%swap3A_861, %swap3A_862, %swap3A_863] {strides = array<i32>} : memref<4x128x64xf32, #tpu.memory_space<vmem>>, vector<1x1x16xf32>,
      %swap3A_865 = vector.shape_cast %swap3A_864 : vector<1x1x16xf32> to vector<16xf32>
      %swap3A_866 = vector.shape_cast %mul3A_859 : vector<16xf32> to vector<1x1x16xf32>
      tpu.vector_store %arg6[%swap3A_861, %swap3A_862, %swap3A_863], %swap3A_866 {strides = array<i32>} : memref<4x128x64xf32, #tpu.memory_space<vmem>>, vector<1x1x16xf32>,
      %get3A_867 = arith.constant 1 : i32
      %get3A_868 = arith.index_cast %get3A_867 : i32 to index
      %get3A_869 = arith.index_cast %scan3A_818 : i32 to index
      %get3A_870 = arith.constant 48 : index
      %get3A_871 = tpu.vector_load %arg6[%get3A_868, %get3A_869, %get3A_870] {strides = array<i32>} : memref<4x128x64xf32, #tpu.memory_space<vmem>>, vector<1x1x16xf32>,
      %get3A_872 = vector.shape_cast %get3A_871 : vector<1x1x16xf32> to vector<16xf32>
      %mul3A_873 = arith.constant 8.000000e+00 : f32
      %mul3A_874 = vector.broadcast %mul3A_873 : f32 to vector<16xf32>
      %mul3A_875 = arith.mulf %get3A_872, %mul3A_874 : vector<16xf32>
      %swap3A_876 = arith.constant 1 : i32
      %swap3A_877 = arith.index_cast %swap3A_876 : i32 to index
      %swap3A_878 = arith.index_cast %scan3A_818 : i32 to index
      %swap3A_879 = arith.constant 48 : index
      %swap3A_880 = tpu.vector_load %arg6[%swap3A_877, %swap3A_878, %swap3A_879] {strides = array<i32>} : memref<4x128x64xf32, #tpu.memory_space<vmem>>, vector<1x1x16xf32>,
      %swap3A_881 = vector.shape_cast %swap3A_880 : vector<1x1x16xf32> to vector<16xf32>
      %swap3A_882 = vector.shape_cast %mul3A_875 : vector<16xf32> to vector<1x1x16xf32>
      tpu.vector_store %arg6[%swap3A_877, %swap3A_878, %swap3A_879], %swap3A_882 {strides = array<i32>} : memref<4x128x64xf32, #tpu.memory_space<vmem>>, vector<1x1x16xf32>,
    }
    %scan3A_441 = arith.constant 128 : i32
    %add3A_442 = arith.constant 197 : i32
    %add3A_443 = arith.addi %mul3A_2, %add3A_442 : i32
    %mul3A_444 = arith.constant 128 : i32
    %mul3A_445 = arith.muli %add3A_443, %mul3A_444 : i32
    %dma_start3A_446 = arith.constant 1 : i32
    %dma_start3A_447 = arith.constant 1 : i32
    %dma_start3A_448 = arith.constant 0 : i32
    %dma_start3A_449 = arith.constant 0 : i32
    %dma_start3A_450 = tpu.memref_slice %arg6[%dma_start3A_446, %dma_start3A_448, %dma_start3A_449] : memref<4x128x64xf32, #tpu.memory_space<vmem>> -> memref<1x128x64xf32, #tpu.memory_space<vmem>>
    %dma_start3A_451 = tpu.memref_squeeze %dma_start3A_450 : memref<1x128x64xf32, #tpu.memory_space<vmem>> -> memref<128x64xf32, #tpu.memory_space<vmem>>
    %dma_start3A_452 = arith.constant 0 : i32
    %dma_start3A_453 = tpu.memref_slice %arg4[%mul3A_445, %dma_start3A_452] : memref<819200x64xf32, #tpu.memory_space<hbm>> -> memref<128x64xf32, #tpu.memory_space<hbm>>
    %dma_start3A_454 = tpu.memref_slice %arg8[%dma_start3A_447] : memref<4x!tpu.dma_semaphore, #tpu.memory_space<semaphore_mem>> -> memref<1x!tpu.dma_semaphore, #tpu.memory_space<semaphore_mem>>
    %dma_start3A_455 = tpu.memref_squeeze %dma_start3A_454 : memref<1x!tpu.dma_semaphore, #tpu.memory_space<semaphore_mem>> -> memref<!tpu.dma_semaphore, #tpu.memory_space<semaphore_mem>>
    %dma_start3A_456 = arith.constant 0 : i32
    %dma_start3A_457 = tpu.memref_slice %arg4[%mul3A_445, %dma_start3A_456] : memref<819200x64xf32, #tpu.memory_space<hbm>> -> memref<128x64xf32, #tpu.memory_space<hbm>>
    %dma_start3A_458 = arith.constant 0 : i32
    %dma_start3A_459 = arith.constant 0 : i32
    %dma_start3A_460 = tpu.memref_slice %arg6[%dma_start3A_446, %dma_start3A_458, %dma_start3A_459] : memref<4x128x64xf32, #tpu.memory_space<vmem>> -> memref<1x128x64xf32, #tpu.memory_space<vmem>>
    %dma_start3A_461 = tpu.memref_squeeze %dma_start3A_460 : memref<1x128x64xf32, #tpu.memory_space<vmem>> -> memref<128x64xf32, #tpu.memory_space<vmem>>
    tpu.enqueue_dma source(%dma_start3A_461 : memref<128x64xf32, #tpu.memory_space<vmem>>) target(%dma_start3A_457 : memref<128x64xf32, #tpu.memory_space<hbm>>) target_semaphore(%dma_start3A_455 : memref<!tpu.dma_semaphore, #tpu.memory_space<semaphore_mem>>)
    %dma_wait3A_462 = arith.constant 0 : i32
    %dma_wait3A_463 = arith.constant 0 : i32
    %dma_wait3A_464 = arith.constant 0 : i32
    %dma_wait3A_465 = arith.constant 0 : i32
    %dma_wait3A_466 = tpu.memref_slice %arg6[%dma_wait3A_462, %dma_wait3A_464, %dma_wait3A_465] : memref<4x128x64xf32, #tpu.memory_space<vmem>> -> memref<1x128x64xf32, #tpu.memory_space<vmem>>
    %dma_wait3A_467 = tpu.memref_squeeze %dma_wait3A_466 : memref<1x128x64xf32, #tpu.memory_space<vmem>> -> memref<128x64xf32, #tpu.memory_space<vmem>>
    %dma_wait3A_468 = arith.constant 0 : i32
    %dma_wait3A_469 = arith.constant 0 : i32
    %dma_wait3A_470 = tpu.memref_slice %arg4[%dma_wait3A_468, %dma_wait3A_469] : memref<819200x64xf32, #tpu.memory_space<hbm>> -> memref<128x64xf32, #tpu.memory_space<hbm>>
    %dma_wait3A_471 = tpu.memref_slice %arg8[%dma_wait3A_463] : memref<4x!tpu.dma_semaphore, #tpu.memory_space<semaphore_mem>> -> memref<1x!tpu.dma_semaphore, #tpu.memory_space<semaphore_mem>>
    %dma_wait3A_472 = tpu.memref_squeeze %dma_wait3A_471 : memref<1x!tpu.dma_semaphore, #tpu.memory_space<semaphore_mem>> -> memref<!tpu.dma_semaphore, #tpu.memory_space<semaphore_mem>>
    %dma_wait3A_473 = arith.constant 0 : i32
    %dma_wait3A_474 = arith.constant 0 : i32
    %dma_wait3A_475 = tpu.memref_slice %arg4[%dma_wait3A_473, %dma_wait3A_474] : memref<819200x64xf32, #tpu.memory_space<hbm>> -> memref<128x64xf32, #tpu.memory_space<hbm>>
    %dma_wait3A_476 = arith.constant 0 : i32
    %dma_wait3A_477 = arith.constant 0 : i32
    %dma_wait3A_478 = tpu.memref_slice %arg6[%dma_wait3A_462, %dma_wait3A_476, %dma_wait3A_477] : memref<4x128x64xf32, #tpu.memory_space<vmem>> -> memref<1x128x64xf32, #tpu.memory_space<vmem>>
    %dma_wait3A_479 = tpu.memref_squeeze %dma_wait3A_478 : memref<1x128x64xf32, #tpu.memory_space<vmem>> -> memref<128x64xf32, #tpu.memory_space<vmem>>
    tpu.wait_dma2 semaphore(%dma_wait3A_472 : memref<!tpu.dma_semaphore, #tpu.memory_space<semaphore_mem>>) src(%dma_wait3A_479 : memref<128x64xf32, #tpu.memory_space<vmem>>) dst(%dma_wait3A_475 : memref<128x64xf32, #tpu.memory_space<hbm>>)
    %dma_wait3A_480 = arith.constant 2 : i32
    %dma_wait3A_481 = arith.constant 2 : i32
    %dma_wait3A_482 = arith.constant 0 : i32
    %dma_wait3A_483 = arith.constant 0 : i32
    %dma_wait3A_484 = tpu.memref_slice %arg6[%dma_wait3A_480, %dma_wait3A_482, %dma_wait3A_483] : memref<4x128x64xf32, #tpu.memory_space<vmem>> -> memref<1x128x64xf32, #tpu.memory_space<vmem>>
    %dma_wait3A_485 = tpu.memref_squeeze %dma_wait3A_484 : memref<1x128x64xf32, #tpu.memory_space<vmem>> -> memref<128x64xf32, #tpu.memory_space<vmem>>
    %dma_wait3A_486 = arith.constant 0 : i32
    %dma_wait3A_487 = arith.constant 0 : i32
    %dma_wait3A_488 = tpu.memref_slice %arg4[%dma_wait3A_486, %dma_wait3A_487] : memref<819200x64xf32, #tpu.memory_space<hbm>> -> memref<128x64xf32, #tpu.memory_space<hbm>>
    %dma_wait3A_489 = tpu.memref_slice %arg7[%dma_wait3A_481] : memref<4x!tpu.dma_semaphore, #tpu.memory_space<semaphore_mem>> -> memref<1x!tpu.dma_semaphore, #tpu.memory_space<semaphore_mem>>
    %dma_wait3A_490 = tpu.memref_squeeze %dma_wait3A_489 : memref<1x!tpu.dma_semaphore, #tpu.memory_space<semaphore_mem>> -> memref<!tpu.dma_semaphore, #tpu.memory_space<semaphore_mem>>
    %dma_wait3A_491 = arith.constant 0 : i32
    %dma_wait3A_492 = arith.constant 0 : i32
    %dma_wait3A_493 = tpu.memref_slice %arg6[%dma_wait3A_480, %dma_wait3A_491, %dma_wait3A_492] : memref<4x128x64xf32, #tpu.memory_space<vmem>> -> memref<1x128x64xf32, #tpu.memory_space<vmem>>
    %dma_wait3A_494 = tpu.memref_squeeze %dma_wait3A_493 : memref<1x128x64xf32, #tpu.memory_space<vmem>> -> memref<128x64xf32, #tpu.memory_space<vmem>>
    %dma_wait3A_495 = arith.constant 0 : i32
    %dma_wait3A_496 = arith.constant 0 : i32
    %dma_wait3A_497 = tpu.memref_slice %arg4[%dma_wait3A_495, %dma_wait3A_496] : memref<819200x64xf32, #tpu.memory_space<hbm>> -> memref<128x64xf32, #tpu.memory_space<hbm>>
    tpu.wait_dma2 semaphore(%dma_wait3A_490 : memref<!tpu.dma_semaphore, #tpu.memory_space<semaphore_mem>>) src(%dma_wait3A_497 : memref<128x64xf32, #tpu.memory_space<hbm>>) dst(%dma_wait3A_494 : memref<128x64xf32, #tpu.memory_space<vmem>>)
    %scan3A_498 = arith.constant 0 : i32
    %scan3A_499 = arith.constant 0 : i32
    %scan3A_500 = arith.constant 128 : i32
    %scan3A_501 = arith.addi %scan3A_499, %scan3A_500 : i32
    %scan3A_502 = arith.constant 4 : i32
    scf.for %scan3A_622 = %scan3A_499 to %scan3A_501 step %scan3A_502  : i32 {
      %get3A = arith.constant 2 : i32
      %get3A_623 = arith.index_cast %get3A : i32 to index
      %get3A_624 = arith.index_cast %scan3A_622 : i32 to index
      %get3A_625 = arith.constant 0 : index
      %get3A_626 = tpu.vector_load %arg6[%get3A_623, %get3A_624, %get3A_625] {strides = array<i32>} : memref<4x128x64xf32, #tpu.memory_space<vmem>>, vector<1x1x16xf32>,
      %get3A_627 = vector.shape_cast %get3A_626 : vector<1x1x16xf32> to vector<16xf32>
      %mul3A_628 = arith.constant 8.000000e+00 : f32
      %mul3A_629 = vector.broadcast %mul3A_628 : f32 to vector<16xf32>
      %mul3A_630 = arith.mulf %get3A_627, %mul3A_629 : vector<16xf32>
      %swap3A = arith.constant 2 : i32
      %swap3A_631 = arith.index_cast %swap3A : i32 to index
      %swap3A_632 = arith.index_cast %scan3A_622 : i32 to index
      %swap3A_633 = arith.constant 0 : index
      %swap3A_634 = tpu.vector_load %arg6[%swap3A_631, %swap3A_632, %swap3A_633] {strides = array<i32>} : memref<4x128x64xf32, #tpu.memory_space<vmem>>, vector<1x1x16xf32>,
      %swap3A_635 = vector.shape_cast %swap3A_634 : vector<1x1x16xf32> to vector<16xf32>
      %swap3A_636 = vector.shape_cast %mul3A_630 : vector<16xf32> to vector<1x1x16xf32>
      tpu.vector_store %arg6[%swap3A_631, %swap3A_632, %swap3A_633], %swap3A_636 {strides = array<i32>} : memref<4x128x64xf32, #tpu.memory_space<vmem>>, vector<1x1x16xf32>,
      %get3A_637 = arith.constant 2 : i32
      %get3A_638 = arith.index_cast %get3A_637 : i32 to index
      %get3A_639 = arith.index_cast %scan3A_622 : i32 to index
      %get3A_640 = arith.constant 16 : index
      %get3A_641 = tpu.vector_load %arg6[%get3A_638, %get3A_639, %get3A_640] {strides = array<i32>} : memref<4x128x64xf32, #tpu.memory_space<vmem>>, vector<1x1x16xf32>,
      %get3A_642 = vector.shape_cast %get3A_641 : vector<1x1x16xf32> to vector<16xf32>
      %mul3A_643 = arith.constant 8.000000e+00 : f32
      %mul3A_644 = vector.broadcast %mul3A_643 : f32 to vector<16xf32>
      %mul3A_645 = arith.mulf %get3A_642, %mul3A_644 : vector<16xf32>
      %swap3A_646 = arith.constant 2 : i32
      %swap3A_647 = arith.index_cast %swap3A_646 : i32 to index
      %swap3A_648 = arith.index_cast %scan3A_622 : i32 to index
      %swap3A_649 = arith.constant 16 : index
      %swap3A_650 = tpu.vector_load %arg6[%swap3A_647, %swap3A_648, %swap3A_649] {strides = array<i32>} : memref<4x128x64xf32, #tpu.memory_space<vmem>>, vector<1x1x16xf32>,
      %swap3A_651 = vector.shape_cast %swap3A_650 : vector<1x1x16xf32> to vector<16xf32>
      %swap3A_652 = vector.shape_cast %mul3A_645 : vector<16xf32> to vector<1x1x16xf32>
      tpu.vector_store %arg6[%swap3A_647, %swap3A_648, %swap3A_649], %swap3A_652 {strides = array<i32>} : memref<4x128x64xf32, #tpu.memory_space<vmem>>, vector<1x1x16xf32>,
      %get3A_653 = arith.constant 2 : i32
      %get3A_654 = arith.index_cast %get3A_653 : i32 to index
      %get3A_655 = arith.index_cast %scan3A_622 : i32 to index
      %get3A_656 = arith.constant 32 : index
      %get3A_657 = tpu.vector_load %arg6[%get3A_654, %get3A_655, %get3A_656] {strides = array<i32>} : memref<4x128x64xf32, #tpu.memory_space<vmem>>, vector<1x1x16xf32>,
      %get3A_658 = vector.shape_cast %get3A_657 : vector<1x1x16xf32> to vector<16xf32>
      %mul3A_659 = arith.constant 8.000000e+00 : f32
      %mul3A_660 = vector.broadcast %mul3A_659 : f32 to vector<16xf32>
      %mul3A_661 = arith.mulf %get3A_658, %mul3A_660 : vector<16xf32>
      %swap3A_662 = arith.constant 2 : i32
      %swap3A_663 = arith.index_cast %swap3A_662 : i32 to index
      %swap3A_664 = arith.index_cast %scan3A_622 : i32 to index
      %swap3A_665 = arith.constant 32 : index
      %swap3A_666 = tpu.vector_load %arg6[%swap3A_663, %swap3A_664, %swap3A_665] {strides = array<i32>} : memref<4x128x64xf32, #tpu.memory_space<vmem>>, vector<1x1x16xf32>,
      %swap3A_667 = vector.shape_cast %swap3A_666 : vector<1x1x16xf32> to vector<16xf32>
      %swap3A_668 = vector.shape_cast %mul3A_661 : vector<16xf32> to vector<1x1x16xf32>
      tpu.vector_store %arg6[%swap3A_663, %swap3A_664, %swap3A_665], %swap3A_668 {strides = array<i32>} : memref<4x128x64xf32, #tpu.memory_space<vmem>>, vector<1x1x16xf32>,
      %get3A_669 = arith.constant 2 : i32
      %get3A_670 = arith.index_cast %get3A_669 : i32 to index
      %get3A_671 = arith.index_cast %scan3A_622 : i32 to index
      %get3A_672 = arith.constant 48 : index
      %get3A_673 = tpu.vector_load %arg6[%get3A_670, %get3A_671, %get3A_672] {strides = array<i32>} : memref<4x128x64xf32, #tpu.memory_space<vmem>>, vector<1x1x16xf32>,
      %get3A_674 = vector.shape_cast %get3A_673 : vector<1x1x16xf32> to vector<16xf32>
      %mul3A_675 = arith.constant 8.000000e+00 : f32
      %mul3A_676 = vector.broadcast %mul3A_675 : f32 to vector<16xf32>
      %mul3A_677 = arith.mulf %get3A_674, %mul3A_676 : vector<16xf32>
      %swap3A_678 = arith.constant 2 : i32
      %swap3A_679 = arith.index_cast %swap3A_678 : i32 to index
      %swap3A_680 = arith.index_cast %scan3A_622 : i32 to index
      %swap3A_681 = arith.constant 48 : index
      %swap3A_682 = tpu.vector_load %arg6[%swap3A_679, %swap3A_680, %swap3A_681] {strides = array<i32>} : memref<4x128x64xf32, #tpu.memory_space<vmem>>, vector<1x1x16xf32>,
      %swap3A_683 = vector.shape_cast %swap3A_682 : vector<1x1x16xf32> to vector<16xf32>
      %swap3A_684 = vector.shape_cast %mul3A_677 : vector<16xf32> to vector<1x1x16xf32>
      tpu.vector_store %arg6[%swap3A_679, %swap3A_680, %swap3A_681], %swap3A_684 {strides = array<i32>} : memref<4x128x64xf32, #tpu.memory_space<vmem>>, vector<1x1x16xf32>,
      %scan3A_685 = arith.constant 1 : i32
      %scan3A_686 = arith.addi %scan3A_622, %scan3A_685 : i32
      %get3A_687 = arith.constant 2 : i32
      %get3A_688 = arith.index_cast %get3A_687 : i32 to index
      %get3A_689 = arith.index_cast %scan3A_686 : i32 to index
      %get3A_690 = arith.constant 0 : index
      %get3A_691 = tpu.vector_load %arg6[%get3A_688, %get3A_689, %get3A_690] {strides = array<i32>} : memref<4x128x64xf32, #tpu.memory_space<vmem>>, vector<1x1x16xf32>,
      %get3A_692 = vector.shape_cast %get3A_691 : vector<1x1x16xf32> to vector<16xf32>
      %mul3A_693 = arith.constant 8.000000e+00 : f32
      %mul3A_694 = vector.broadcast %mul3A_693 : f32 to vector<16xf32>
      %mul3A_695 = arith.mulf %get3A_692, %mul3A_694 : vector<16xf32>
      %swap3A_696 = arith.constant 2 : i32
      %swap3A_697 = arith.index_cast %swap3A_696 : i32 to index
      %swap3A_698 = arith.index_cast %scan3A_686 : i32 to index
      %swap3A_699 = arith.constant 0 : index
      %swap3A_700 = tpu.vector_load %arg6[%swap3A_697, %swap3A_698, %swap3A_699] {strides = array<i32>} : memref<4x128x64xf32, #tpu.memory_space<vmem>>, vector<1x1x16xf32>,
      %swap3A_701 = vector.shape_cast %swap3A_700 : vector<1x1x16xf32> to vector<16xf32>
      %swap3A_702 = vector.shape_cast %mul3A_695 : vector<16xf32> to vector<1x1x16xf32>
      tpu.vector_store %arg6[%swap3A_697, %swap3A_698, %swap3A_699], %swap3A_702 {strides = array<i32>} : memref<4x128x64xf32, #tpu.memory_space<vmem>>, vector<1x1x16xf32>,
      %get3A_703 = arith.constant 2 : i32
      %get3A_704 = arith.index_cast %get3A_703 : i32 to index
      %get3A_705 = arith.index_cast %scan3A_686 : i32 to index
      %get3A_706 = arith.constant 16 : index
      %get3A_707 = tpu.vector_load %arg6[%get3A_704, %get3A_705, %get3A_706] {strides = array<i32>} : memref<4x128x64xf32, #tpu.memory_space<vmem>>, vector<1x1x16xf32>,
      %get3A_708 = vector.shape_cast %get3A_707 : vector<1x1x16xf32> to vector<16xf32>
      %mul3A_709 = arith.constant 8.000000e+00 : f32
      %mul3A_710 = vector.broadcast %mul3A_709 : f32 to vector<16xf32>
      %mul3A_711 = arith.mulf %get3A_708, %mul3A_710 : vector<16xf32>
      %swap3A_712 = arith.constant 2 : i32
      %swap3A_713 = arith.index_cast %swap3A_712 : i32 to index
      %swap3A_714 = arith.index_cast %scan3A_686 : i32 to index
      %swap3A_715 = arith.constant 16 : index
      %swap3A_716 = tpu.vector_load %arg6[%swap3A_713, %swap3A_714, %swap3A_715] {strides = array<i32>} : memref<4x128x64xf32, #tpu.memory_space<vmem>>, vector<1x1x16xf32>,
      %swap3A_717 = vector.shape_cast %swap3A_716 : vector<1x1x16xf32> to vector<16xf32>
      %swap3A_718 = vector.shape_cast %mul3A_711 : vector<16xf32> to vector<1x1x16xf32>
      tpu.vector_store %arg6[%swap3A_713, %swap3A_714, %swap3A_715], %swap3A_718 {strides = array<i32>} : memref<4x128x64xf32, #tpu.memory_space<vmem>>, vector<1x1x16xf32>,
      %get3A_719 = arith.constant 2 : i32
      %get3A_720 = arith.index_cast %get3A_719 : i32 to index
      %get3A_721 = arith.index_cast %scan3A_686 : i32 to index
      %get3A_722 = arith.constant 32 : index
      %get3A_723 = tpu.vector_load %arg6[%get3A_720, %get3A_721, %get3A_722] {strides = array<i32>} : memref<4x128x64xf32, #tpu.memory_space<vmem>>, vector<1x1x16xf32>,
      %get3A_724 = vector.shape_cast %get3A_723 : vector<1x1x16xf32> to vector<16xf32>
      %mul3A_725 = arith.constant 8.000000e+00 : f32
      %mul3A_726 = vector.broadcast %mul3A_725 : f32 to vector<16xf32>
      %mul3A_727 = arith.mulf %get3A_724, %mul3A_726 : vector<16xf32>
      %swap3A_728 = arith.constant 2 : i32
      %swap3A_729 = arith.index_cast %swap3A_728 : i32 to index
      %swap3A_730 = arith.index_cast %scan3A_686 : i32 to index
      %swap3A_731 = arith.constant 32 : index
      %swap3A_732 = tpu.vector_load %arg6[%swap3A_729, %swap3A_730, %swap3A_731] {strides = array<i32>} : memref<4x128x64xf32, #tpu.memory_space<vmem>>, vector<1x1x16xf32>,
      %swap3A_733 = vector.shape_cast %swap3A_732 : vector<1x1x16xf32> to vector<16xf32>
      %swap3A_734 = vector.shape_cast %mul3A_727 : vector<16xf32> to vector<1x1x16xf32>
      tpu.vector_store %arg6[%swap3A_729, %swap3A_730, %swap3A_731], %swap3A_734 {strides = array<i32>} : memref<4x128x64xf32, #tpu.memory_space<vmem>>, vector<1x1x16xf32>,
      %get3A_735 = arith.constant 2 : i32
      %get3A_736 = arith.index_cast %get3A_735 : i32 to index
      %get3A_737 = arith.index_cast %scan3A_686 : i32 to index
      %get3A_738 = arith.constant 48 : index
      %get3A_739 = tpu.vector_load %arg6[%get3A_736, %get3A_737, %get3A_738] {strides = array<i32>} : memref<4x128x64xf32, #tpu.memory_space<vmem>>, vector<1x1x16xf32>,
      %get3A_740 = vector.shape_cast %get3A_739 : vector<1x1x16xf32> to vector<16xf32>
      %mul3A_741 = arith.constant 8.000000e+00 : f32
      %mul3A_742 = vector.broadcast %mul3A_741 : f32 to vector<16xf32>
      %mul3A_743 = arith.mulf %get3A_740, %mul3A_742 : vector<16xf32>
      %swap3A_744 = arith.constant 2 : i32
      %swap3A_745 = arith.index_cast %swap3A_744 : i32 to index
      %swap3A_746 = arith.index_cast %scan3A_686 : i32 to index
      %swap3A_747 = arith.constant 48 : index
      %swap3A_748 = tpu.vector_load %arg6[%swap3A_745, %swap3A_746, %swap3A_747] {strides = array<i32>} : memref<4x128x64xf32, #tpu.memory_space<vmem>>, vector<1x1x16xf32>,
      %swap3A_749 = vector.shape_cast %swap3A_748 : vector<1x1x16xf32> to vector<16xf32>
      %swap3A_750 = vector.shape_cast %mul3A_743 : vector<16xf32> to vector<1x1x16xf32>
      tpu.vector_store %arg6[%swap3A_745, %swap3A_746, %swap3A_747], %swap3A_750 {strides = array<i32>} : memref<4x128x64xf32, #tpu.memory_space<vmem>>, vector<1x1x16xf32>,
      %scan3A_751 = arith.constant 2 : i32
      %scan3A_752 = arith.addi %scan3A_622, %scan3A_751 : i32
      %get3A_753 = arith.constant 2 : i32
      %get3A_754 = arith.index_cast %get3A_753 : i32 to index
      %get3A_755 = arith.index_cast %scan3A_752 : i32 to index
      %get3A_756 = arith.constant 0 : index
      %get3A_757 = tpu.vector_load %arg6[%get3A_754, %get3A_755, %get3A_756] {strides = array<i32>} : memref<4x128x64xf32, #tpu.memory_space<vmem>>, vector<1x1x16xf32>,
      %get3A_758 = vector.shape_cast %get3A_757 : vector<1x1x16xf32> to vector<16xf32>
      %mul3A_759 = arith.constant 8.000000e+00 : f32
      %mul3A_760 = vector.broadcast %mul3A_759 : f32 to vector<16xf32>
      %mul3A_761 = arith.mulf %get3A_758, %mul3A_760 : vector<16xf32>
      %swap3A_762 = arith.constant 2 : i32
      %swap3A_763 = arith.index_cast %swap3A_762 : i32 to index
      %swap3A_764 = arith.index_cast %scan3A_752 : i32 to index
      %swap3A_765 = arith.constant 0 : index
      %swap3A_766 = tpu.vector_load %arg6[%swap3A_763, %swap3A_764, %swap3A_765] {strides = array<i32>} : memref<4x128x64xf32, #tpu.memory_space<vmem>>, vector<1x1x16xf32>,
      %swap3A_767 = vector.shape_cast %swap3A_766 : vector<1x1x16xf32> to vector<16xf32>
      %swap3A_768 = vector.shape_cast %mul3A_761 : vector<16xf32> to vector<1x1x16xf32>
      tpu.vector_store %arg6[%swap3A_763, %swap3A_764, %swap3A_765], %swap3A_768 {strides = array<i32>} : memref<4x128x64xf32, #tpu.memory_space<vmem>>, vector<1x1x16xf32>,
      %get3A_769 = arith.constant 2 : i32
      %get3A_770 = arith.index_cast %get3A_769 : i32 to index
      %get3A_771 = arith.index_cast %scan3A_752 : i32 to index
      %get3A_772 = arith.constant 16 : index
      %get3A_773 = tpu.vector_load %arg6[%get3A_770, %get3A_771, %get3A_772] {strides = array<i32>} : memref<4x128x64xf32, #tpu.memory_space<vmem>>, vector<1x1x16xf32>,
      %get3A_774 = vector.shape_cast %get3A_773 : vector<1x1x16xf32> to vector<16xf32>
      %mul3A_775 = arith.constant 8.000000e+00 : f32
      %mul3A_776 = vector.broadcast %mul3A_775 : f32 to vector<16xf32>
      %mul3A_777 = arith.mulf %get3A_774, %mul3A_776 : vector<16xf32>
      %swap3A_778 = arith.constant 2 : i32
      %swap3A_779 = arith.index_cast %swap3A_778 : i32 to index
      %swap3A_780 = arith.index_cast %scan3A_752 : i32 to index
      %swap3A_781 = arith.constant 16 : index
      %swap3A_782 = tpu.vector_load %arg6[%swap3A_779, %swap3A_780, %swap3A_781] {strides = array<i32>} : memref<4x128x64xf32, #tpu.memory_space<vmem>>, vector<1x1x16xf32>,
      %swap3A_783 = vector.shape_cast %swap3A_782 : vector<1x1x16xf32> to vector<16xf32>
      %swap3A_784 = vector.shape_cast %mul3A_777 : vector<16xf32> to vector<1x1x16xf32>
      tpu.vector_store %arg6[%swap3A_779, %swap3A_780, %swap3A_781], %swap3A_784 {strides = array<i32>} : memref<4x128x64xf32, #tpu.memory_space<vmem>>, vector<1x1x16xf32>,
      %get3A_785 = arith.constant 2 : i32
      %get3A_786 = arith.index_cast %get3A_785 : i32 to index
      %get3A_787 = arith.index_cast %scan3A_752 : i32 to index
      %get3A_788 = arith.constant 32 : index
      %get3A_789 = tpu.vector_load %arg6[%get3A_786, %get3A_787, %get3A_788] {strides = array<i32>} : memref<4x128x64xf32, #tpu.memory_space<vmem>>, vector<1x1x16xf32>,
      %get3A_790 = vector.shape_cast %get3A_789 : vector<1x1x16xf32> to vector<16xf32>
      %mul3A_791 = arith.constant 8.000000e+00 : f32
      %mul3A_792 = vector.broadcast %mul3A_791 : f32 to vector<16xf32>
      %mul3A_793 = arith.mulf %get3A_790, %mul3A_792 : vector<16xf32>
      %swap3A_794 = arith.constant 2 : i32
      %swap3A_795 = arith.index_cast %swap3A_794 : i32 to index
      %swap3A_796 = arith.index_cast %scan3A_752 : i32 to index
      %swap3A_797 = arith.constant 32 : index
      %swap3A_798 = tpu.vector_load %arg6[%swap3A_795, %swap3A_796, %swap3A_797] {strides = array<i32>} : memref<4x128x64xf32, #tpu.memory_space<vmem>>, vector<1x1x16xf32>,
      %swap3A_799 = vector.shape_cast %swap3A_798 : vector<1x1x16xf32> to vector<16xf32>
      %swap3A_800 = vector.shape_cast %mul3A_793 : vector<16xf32> to vector<1x1x16xf32>
      tpu.vector_store %arg6[%swap3A_795, %swap3A_796, %swap3A_797], %swap3A_800 {strides = array<i32>} : memref<4x128x64xf32, #tpu.memory_space<vmem>>, vector<1x1x16xf32>,
      %get3A_801 = arith.constant 2 : i32
      %get3A_802 = arith.index_cast %get3A_801 : i32 to index
      %get3A_803 = arith.index_cast %scan3A_752 : i32 to index
      %get3A_804 = arith.constant 48 : index
      %get3A_805 = tpu.vector_load %arg6[%get3A_802, %get3A_803, %get3A_804] {strides = array<i32>} : memref<4x128x64xf32, #tpu.memory_space<vmem>>, vector<1x1x16xf32>,
      %get3A_806 = vector.shape_cast %get3A_805 : vector<1x1x16xf32> to vector<16xf32>
      %mul3A_807 = arith.constant 8.000000e+00 : f32
      %mul3A_808 = vector.broadcast %mul3A_807 : f32 to vector<16xf32>
      %mul3A_809 = arith.mulf %get3A_806, %mul3A_808 : vector<16xf32>
      %swap3A_810 = arith.constant 2 : i32
      %swap3A_811 = arith.index_cast %swap3A_810 : i32 to index
      %swap3A_812 = arith.index_cast %scan3A_752 : i32 to index
      %swap3A_813 = arith.constant 48 : index
      %swap3A_814 = tpu.vector_load %arg6[%swap3A_811, %swap3A_812, %swap3A_813] {strides = array<i32>} : memref<4x128x64xf32, #tpu.memory_space<vmem>>, vector<1x1x16xf32>,
      %swap3A_815 = vector.shape_cast %swap3A_814 : vector<1x1x16xf32> to vector<16xf32>
      %swap3A_816 = vector.shape_cast %mul3A_809 : vector<16xf32> to vector<1x1x16xf32>
      tpu.vector_store %arg6[%swap3A_811, %swap3A_812, %swap3A_813], %swap3A_816 {strides = array<i32>} : memref<4x128x64xf32, #tpu.memory_space<vmem>>, vector<1x1x16xf32>,
      %scan3A_817 = arith.constant 3 : i32
      %scan3A_818 = arith.addi %scan3A_622, %scan3A_817 : i32
      %get3A_819 = arith.constant 2 : i32
      %get3A_820 = arith.index_cast %get3A_819 : i32 to index
      %get3A_821 = arith.index_cast %scan3A_818 : i32 to index
      %get3A_822 = arith.constant 0 : index
      %get3A_823 = tpu.vector_load %arg6[%get3A_820, %get3A_821, %get3A_822] {strides = array<i32>} : memref<4x128x64xf32, #tpu.memory_space<vmem>>, vector<1x1x16xf32>,
      %get3A_824 = vector.shape_cast %get3A_823 : vector<1x1x16xf32> to vector<16xf32>
      %mul3A_825 = arith.constant 8.000000e+00 : f32
      %mul3A_826 = vector.broadcast %mul3A_825 : f32 to vector<16xf32>
      %mul3A_827 = arith.mulf %get3A_824, %mul3A_826 : vector<16xf32>
      %swap3A_828 = arith.constant 2 : i32
      %swap3A_829 = arith.index_cast %swap3A_828 : i32 to index
      %swap3A_830 = arith.index_cast %scan3A_818 : i32 to index
      %swap3A_831 = arith.constant 0 : index
      %swap3A_832 = tpu.vector_load %arg6[%swap3A_829, %swap3A_830, %swap3A_831] {strides = array<i32>} : memref<4x128x64xf32, #tpu.memory_space<vmem>>, vector<1x1x16xf32>,
      %swap3A_833 = vector.shape_cast %swap3A_832 : vector<1x1x16xf32> to vector<16xf32>
      %swap3A_834 = vector.shape_cast %mul3A_827 : vector<16xf32> to vector<1x1x16xf32>
      tpu.vector_store %arg6[%swap3A_829, %swap3A_830, %swap3A_831], %swap3A_834 {strides = array<i32>} : memref<4x128x64xf32, #tpu.memory_space<vmem>>, vector<1x1x16xf32>,
      %get3A_835 = arith.constant 2 : i32
      %get3A_836 = arith.index_cast %get3A_835 : i32 to index
      %get3A_837 = arith.index_cast %scan3A_818 : i32 to index
      %get3A_838 = arith.constant 16 : index
      %get3A_839 = tpu.vector_load %arg6[%get3A_836, %get3A_837, %get3A_838] {strides = array<i32>} : memref<4x128x64xf32, #tpu.memory_space<vmem>>, vector<1x1x16xf32>,
      %get3A_840 = vector.shape_cast %get3A_839 : vector<1x1x16xf32> to vector<16xf32>
      %mul3A_841 = arith.constant 8.000000e+00 : f32
      %mul3A_842 = vector.broadcast %mul3A_841 : f32 to vector<16xf32>
      %mul3A_843 = arith.mulf %get3A_840, %mul3A_842 : vector<16xf32>
      %swap3A_844 = arith.constant 2 : i32
      %swap3A_845 = arith.index_cast %swap3A_844 : i32 to index
      %swap3A_846 = arith.index_cast %scan3A_818 : i32 to index
      %swap3A_847 = arith.constant 16 : index
      %swap3A_848 = tpu.vector_load %arg6[%swap3A_845, %swap3A_846, %swap3A_847] {strides = array<i32>} : memref<4x128x64xf32, #tpu.memory_space<vmem>>, vector<1x1x16xf32>,
      %swap3A_849 = vector.shape_cast %swap3A_848 : vector<1x1x16xf32> to vector<16xf32>
      %swap3A_850 = vector.shape_cast %mul3A_843 : vector<16xf32> to vector<1x1x16xf32>
      tpu.vector_store %arg6[%swap3A_845, %swap3A_846, %swap3A_847], %swap3A_850 {strides = array<i32>} : memref<4x128x64xf32, #tpu.memory_space<vmem>>, vector<1x1x16xf32>,
      %get3A_851 = arith.constant 2 : i32
      %get3A_852 = arith.index_cast %get3A_851 : i32 to index
      %get3A_853 = arith.index_cast %scan3A_818 : i32 to index
      %get3A_854 = arith.constant 32 : index
      %get3A_855 = tpu.vector_load %arg6[%get3A_852, %get3A_853, %get3A_854] {strides = array<i32>} : memref<4x128x64xf32, #tpu.memory_space<vmem>>, vector<1x1x16xf32>,
      %get3A_856 = vector.shape_cast %get3A_855 : vector<1x1x16xf32> to vector<16xf32>
      %mul3A_857 = arith.constant 8.000000e+00 : f32
      %mul3A_858 = vector.broadcast %mul3A_857 : f32 to vector<16xf32>
      %mul3A_859 = arith.mulf %get3A_856, %mul3A_858 : vector<16xf32>
      %swap3A_860 = arith.constant 2 : i32
      %swap3A_861 = arith.index_cast %swap3A_860 : i32 to index
      %swap3A_862 = arith.index_cast %scan3A_818 : i32 to index
      %swap3A_863 = arith.constant 32 : index
      %swap3A_864 = tpu.vector_load %arg6[%swap3A_861, %swap3A_862, %swap3A_863] {strides = array<i32>} : memref<4x128x64xf32, #tpu.memory_space<vmem>>, vector<1x1x16xf32>,
      %swap3A_865 = vector.shape_cast %swap3A_864 : vector<1x1x16xf32> to vector<16xf32>
      %swap3A_866 = vector.shape_cast %mul3A_859 : vector<16xf32> to vector<1x1x16xf32>
      tpu.vector_store %arg6[%swap3A_861, %swap3A_862, %swap3A_863], %swap3A_866 {strides = array<i32>} : memref<4x128x64xf32, #tpu.memory_space<vmem>>, vector<1x1x16xf32>,
      %get3A_867 = arith.constant 2 : i32
      %get3A_868 = arith.index_cast %get3A_867 : i32 to index
      %get3A_869 = arith.index_cast %scan3A_818 : i32 to index
      %get3A_870 = arith.constant 48 : index
      %get3A_871 = tpu.vector_load %arg6[%get3A_868, %get3A_869, %get3A_870] {strides = array<i32>} : memref<4x128x64xf32, #tpu.memory_space<vmem>>, vector<1x1x16xf32>,
      %get3A_872 = vector.shape_cast %get3A_871 : vector<1x1x16xf32> to vector<16xf32>
      %mul3A_873 = arith.constant 8.000000e+00 : f32
      %mul3A_874 = vector.broadcast %mul3A_873 : f32 to vector<16xf32>
      %mul3A_875 = arith.mulf %get3A_872, %mul3A_874 : vector<16xf32>
      %swap3A_876 = arith.constant 2 : i32
      %swap3A_877 = arith.index_cast %swap3A_876 : i32 to index
      %swap3A_878 = arith.index_cast %scan3A_818 : i32 to index
      %swap3A_879 = arith.constant 48 : index
      %swap3A_880 = tpu.vector_load %arg6[%swap3A_877, %swap3A_878, %swap3A_879] {strides = array<i32>} : memref<4x128x64xf32, #tpu.memory_space<vmem>>, vector<1x1x16xf32>,
      %swap3A_881 = vector.shape_cast %swap3A_880 : vector<1x1x16xf32> to vector<16xf32>
      %swap3A_882 = vector.shape_cast %mul3A_875 : vector<16xf32> to vector<1x1x16xf32>
      tpu.vector_store %arg6[%swap3A_877, %swap3A_878, %swap3A_879], %swap3A_882 {strides = array<i32>} : memref<4x128x64xf32, #tpu.memory_space<vmem>>, vector<1x1x16xf32>,
    }
    %scan3A_503 = arith.constant 128 : i32
    %add3A_504 = arith.constant 198 : i32
    %add3A_505 = arith.addi %mul3A_2, %add3A_504 : i32
    %mul3A_506 = arith.constant 128 : i32
    %mul3A_507 = arith.muli %add3A_505, %mul3A_506 : i32
    %dma_start3A_508 = arith.constant 2 : i32
    %dma_start3A_509 = arith.constant 2 : i32
    %dma_start3A_510 = arith.constant 0 : i32
    %dma_start3A_511 = arith.constant 0 : i32
    %dma_start3A_512 = tpu.memref_slice %arg6[%dma_start3A_508, %dma_start3A_510, %dma_start3A_511] : memref<4x128x64xf32, #tpu.memory_space<vmem>> -> memref<1x128x64xf32, #tpu.memory_space<vmem>>
    %dma_start3A_513 = tpu.memref_squeeze %dma_start3A_512 : memref<1x128x64xf32, #tpu.memory_space<vmem>> -> memref<128x64xf32, #tpu.memory_space<vmem>>
    %dma_start3A_514 = arith.constant 0 : i32
    %dma_start3A_515 = tpu.memref_slice %arg4[%mul3A_507, %dma_start3A_514] : memref<819200x64xf32, #tpu.memory_space<hbm>> -> memref<128x64xf32, #tpu.memory_space<hbm>>
    %dma_start3A_516 = tpu.memref_slice %arg8[%dma_start3A_509] : memref<4x!tpu.dma_semaphore, #tpu.memory_space<semaphore_mem>> -> memref<1x!tpu.dma_semaphore, #tpu.memory_space<semaphore_mem>>
    %dma_start3A_517 = tpu.memref_squeeze %dma_start3A_516 : memref<1x!tpu.dma_semaphore, #tpu.memory_space<semaphore_mem>> -> memref<!tpu.dma_semaphore, #tpu.memory_space<semaphore_mem>>
    %dma_start3A_518 = arith.constant 0 : i32
    %dma_start3A_519 = tpu.memref_slice %arg4[%mul3A_507, %dma_start3A_518] : memref<819200x64xf32, #tpu.memory_space<hbm>> -> memref<128x64xf32, #tpu.memory_space<hbm>>
    %dma_start3A_520 = arith.constant 0 : i32
    %dma_start3A_521 = arith.constant 0 : i32
    %dma_start3A_522 = tpu.memref_slice %arg6[%dma_start3A_508, %dma_start3A_520, %dma_start3A_521] : memref<4x128x64xf32, #tpu.memory_space<vmem>> -> memref<1x128x64xf32, #tpu.memory_space<vmem>>
    %dma_start3A_523 = tpu.memref_squeeze %dma_start3A_522 : memref<1x128x64xf32, #tpu.memory_space<vmem>> -> memref<128x64xf32, #tpu.memory_space<vmem>>
    tpu.enqueue_dma source(%dma_start3A_523 : memref<128x64xf32, #tpu.memory_space<vmem>>) target(%dma_start3A_519 : memref<128x64xf32, #tpu.memory_space<hbm>>) target_semaphore(%dma_start3A_517 : memref<!tpu.dma_semaphore, #tpu.memory_space<semaphore_mem>>)
    %dma_wait3A_524 = arith.constant 1 : i32
    %dma_wait3A_525 = arith.constant 1 : i32
    %dma_wait3A_526 = arith.constant 0 : i32
    %dma_wait3A_527 = arith.constant 0 : i32
    %dma_wait3A_528 = tpu.memref_slice %arg6[%dma_wait3A_524, %dma_wait3A_526, %dma_wait3A_527] : memref<4x128x64xf32, #tpu.memory_space<vmem>> -> memref<1x128x64xf32, #tpu.memory_space<vmem>>
    %dma_wait3A_529 = tpu.memref_squeeze %dma_wait3A_528 : memref<1x128x64xf32, #tpu.memory_space<vmem>> -> memref<128x64xf32, #tpu.memory_space<vmem>>
    %dma_wait3A_530 = arith.constant 0 : i32
    %dma_wait3A_531 = arith.constant 0 : i32
    %dma_wait3A_532 = tpu.memref_slice %arg4[%dma_wait3A_530, %dma_wait3A_531] : memref<819200x64xf32, #tpu.memory_space<hbm>> -> memref<128x64xf32, #tpu.memory_space<hbm>>
    %dma_wait3A_533 = tpu.memref_slice %arg8[%dma_wait3A_525] : memref<4x!tpu.dma_semaphore, #tpu.memory_space<semaphore_mem>> -> memref<1x!tpu.dma_semaphore, #tpu.memory_space<semaphore_mem>>
    %dma_wait3A_534 = tpu.memref_squeeze %dma_wait3A_533 : memref<1x!tpu.dma_semaphore, #tpu.memory_space<semaphore_mem>> -> memref<!tpu.dma_semaphore, #tpu.memory_space<semaphore_mem>>
    %dma_wait3A_535 = arith.constant 0 : i32
    %dma_wait3A_536 = arith.constant 0 : i32
    %dma_wait3A_537 = tpu.memref_slice %arg4[%dma_wait3A_535, %dma_wait3A_536] : memref<819200x64xf32, #tpu.memory_space<hbm>> -> memref<128x64xf32, #tpu.memory_space<hbm>>
    %dma_wait3A_538 = arith.constant 0 : i32
    %dma_wait3A_539 = arith.constant 0 : i32
    %dma_wait3A_540 = tpu.memref_slice %arg6[%dma_wait3A_524, %dma_wait3A_538, %dma_wait3A_539] : memref<4x128x64xf32, #tpu.memory_space<vmem>> -> memref<1x128x64xf32, #tpu.memory_space<vmem>>
    %dma_wait3A_541 = tpu.memref_squeeze %dma_wait3A_540 : memref<1x128x64xf32, #tpu.memory_space<vmem>> -> memref<128x64xf32, #tpu.memory_space<vmem>>
    tpu.wait_dma2 semaphore(%dma_wait3A_534 : memref<!tpu.dma_semaphore, #tpu.memory_space<semaphore_mem>>) src(%dma_wait3A_541 : memref<128x64xf32, #tpu.memory_space<vmem>>) dst(%dma_wait3A_537 : memref<128x64xf32, #tpu.memory_space<hbm>>)
    %dma_wait3A_542 = arith.constant 3 : i32
    %dma_wait3A_543 = arith.constant 3 : i32
    %dma_wait3A_544 = arith.constant 0 : i32
    %dma_wait3A_545 = arith.constant 0 : i32
    %dma_wait3A_546 = tpu.memref_slice %arg6[%dma_wait3A_542, %dma_wait3A_544, %dma_wait3A_545] : memref<4x128x64xf32, #tpu.memory_space<vmem>> -> memref<1x128x64xf32, #tpu.memory_space<vmem>>
    %dma_wait3A_547 = tpu.memref_squeeze %dma_wait3A_546 : memref<1x128x64xf32, #tpu.memory_space<vmem>> -> memref<128x64xf32, #tpu.memory_space<vmem>>
    %dma_wait3A_548 = arith.constant 0 : i32
    %dma_wait3A_549 = arith.constant 0 : i32
    %dma_wait3A_550 = tpu.memref_slice %arg4[%dma_wait3A_548, %dma_wait3A_549] : memref<819200x64xf32, #tpu.memory_space<hbm>> -> memref<128x64xf32, #tpu.memory_space<hbm>>
    %dma_wait3A_551 = tpu.memref_slice %arg7[%dma_wait3A_543] : memref<4x!tpu.dma_semaphore, #tpu.memory_space<semaphore_mem>> -> memref<1x!tpu.dma_semaphore, #tpu.memory_space<semaphore_mem>>
    %dma_wait3A_552 = tpu.memref_squeeze %dma_wait3A_551 : memref<1x!tpu.dma_semaphore, #tpu.memory_space<semaphore_mem>> -> memref<!tpu.dma_semaphore, #tpu.memory_space<semaphore_mem>>
    %dma_wait3A_553 = arith.constant 0 : i32
    %dma_wait3A_554 = arith.constant 0 : i32
    %dma_wait3A_555 = tpu.memref_slice %arg6[%dma_wait3A_542, %dma_wait3A_553, %dma_wait3A_554] : memref<4x128x64xf32, #tpu.memory_space<vmem>> -> memref<1x128x64xf32, #tpu.memory_space<vmem>>
    %dma_wait3A_556 = tpu.memref_squeeze %dma_wait3A_555 : memref<1x128x64xf32, #tpu.memory_space<vmem>> -> memref<128x64xf32, #tpu.memory_space<vmem>>
    %dma_wait3A_557 = arith.constant 0 : i32
    %dma_wait3A_558 = arith.constant 0 : i32
    %dma_wait3A_559 = tpu.memref_slice %arg4[%dma_wait3A_557, %dma_wait3A_558] : memref<819200x64xf32, #tpu.memory_space<hbm>> -> memref<128x64xf32, #tpu.memory_space<hbm>>
    tpu.wait_dma2 semaphore(%dma_wait3A_552 : memref<!tpu.dma_semaphore, #tpu.memory_space<semaphore_mem>>) src(%dma_wait3A_559 : memref<128x64xf32, #tpu.memory_space<hbm>>) dst(%dma_wait3A_556 : memref<128x64xf32, #tpu.memory_space<vmem>>)
    %scan3A_560 = arith.constant 0 : i32
    %scan3A_561 = arith.constant 0 : i32
    %scan3A_562 = arith.constant 128 : i32
    %scan3A_563 = arith.addi %scan3A_561, %scan3A_562 : i32
    %scan3A_564 = arith.constant 4 : i32
    scf.for %scan3A_622 = %scan3A_561 to %scan3A_563 step %scan3A_564  : i32 {
      %get3A = arith.constant 3 : i32
      %get3A_623 = arith.index_cast %get3A : i32 to index
      %get3A_624 = arith.index_cast %scan3A_622 : i32 to index
      %get3A_625 = arith.constant 0 : index
      %get3A_626 = tpu.vector_load %arg6[%get3A_623, %get3A_624, %get3A_625] {strides = array<i32>} : memref<4x128x64xf32, #tpu.memory_space<vmem>>, vector<1x1x16xf32>,
      %get3A_627 = vector.shape_cast %get3A_626 : vector<1x1x16xf32> to vector<16xf32>
      %mul3A_628 = arith.constant 8.000000e+00 : f32
      %mul3A_629 = vector.broadcast %mul3A_628 : f32 to vector<16xf32>
      %mul3A_630 = arith.mulf %get3A_627, %mul3A_629 : vector<16xf32>
      %swap3A = arith.constant 3 : i32
      %swap3A_631 = arith.index_cast %swap3A : i32 to index
      %swap3A_632 = arith.index_cast %scan3A_622 : i32 to index
      %swap3A_633 = arith.constant 0 : index
      %swap3A_634 = tpu.vector_load %arg6[%swap3A_631, %swap3A_632, %swap3A_633] {strides = array<i32>} : memref<4x128x64xf32, #tpu.memory_space<vmem>>, vector<1x1x16xf32>,
      %swap3A_635 = vector.shape_cast %swap3A_634 : vector<1x1x16xf32> to vector<16xf32>
      %swap3A_636 = vector.shape_cast %mul3A_630 : vector<16xf32> to vector<1x1x16xf32>
      tpu.vector_store %arg6[%swap3A_631, %swap3A_632, %swap3A_633], %swap3A_636 {strides = array<i32>} : memref<4x128x64xf32, #tpu.memory_space<vmem>>, vector<1x1x16xf32>,
      %get3A_637 = arith.constant 3 : i32
      %get3A_638 = arith.index_cast %get3A_637 : i32 to index
      %get3A_639 = arith.index_cast %scan3A_622 : i32 to index
      %get3A_640 = arith.constant 16 : index
      %get3A_641 = tpu.vector_load %arg6[%get3A_638, %get3A_639, %get3A_640] {strides = array<i32>} : memref<4x128x64xf32, #tpu.memory_space<vmem>>, vector<1x1x16xf32>,
      %get3A_642 = vector.shape_cast %get3A_641 : vector<1x1x16xf32> to vector<16xf32>
      %mul3A_643 = arith.constant 8.000000e+00 : f32
      %mul3A_644 = vector.broadcast %mul3A_643 : f32 to vector<16xf32>
      %mul3A_645 = arith.mulf %get3A_642, %mul3A_644 : vector<16xf32>
      %swap3A_646 = arith.constant 3 : i32
      %swap3A_647 = arith.index_cast %swap3A_646 : i32 to index
      %swap3A_648 = arith.index_cast %scan3A_622 : i32 to index
      %swap3A_649 = arith.constant 16 : index
      %swap3A_650 = tpu.vector_load %arg6[%swap3A_647, %swap3A_648, %swap3A_649] {strides = array<i32>} : memref<4x128x64xf32, #tpu.memory_space<vmem>>, vector<1x1x16xf32>,
      %swap3A_651 = vector.shape_cast %swap3A_650 : vector<1x1x16xf32> to vector<16xf32>
      %swap3A_652 = vector.shape_cast %mul3A_645 : vector<16xf32> to vector<1x1x16xf32>
      tpu.vector_store %arg6[%swap3A_647, %swap3A_648, %swap3A_649], %swap3A_652 {strides = array<i32>} : memref<4x128x64xf32, #tpu.memory_space<vmem>>, vector<1x1x16xf32>,
      %get3A_653 = arith.constant 3 : i32
      %get3A_654 = arith.index_cast %get3A_653 : i32 to index
      %get3A_655 = arith.index_cast %scan3A_622 : i32 to index
      %get3A_656 = arith.constant 32 : index
      %get3A_657 = tpu.vector_load %arg6[%get3A_654, %get3A_655, %get3A_656] {strides = array<i32>} : memref<4x128x64xf32, #tpu.memory_space<vmem>>, vector<1x1x16xf32>,
      %get3A_658 = vector.shape_cast %get3A_657 : vector<1x1x16xf32> to vector<16xf32>
      %mul3A_659 = arith.constant 8.000000e+00 : f32
      %mul3A_660 = vector.broadcast %mul3A_659 : f32 to vector<16xf32>
      %mul3A_661 = arith.mulf %get3A_658, %mul3A_660 : vector<16xf32>
      %swap3A_662 = arith.constant 3 : i32
      %swap3A_663 = arith.index_cast %swap3A_662 : i32 to index
      %swap3A_664 = arith.index_cast %scan3A_622 : i32 to index
      %swap3A_665 = arith.constant 32 : index
      %swap3A_666 = tpu.vector_load %arg6[%swap3A_663, %swap3A_664, %swap3A_665] {strides = array<i32>} : memref<4x128x64xf32, #tpu.memory_space<vmem>>, vector<1x1x16xf32>,
      %swap3A_667 = vector.shape_cast %swap3A_666 : vector<1x1x16xf32> to vector<16xf32>
      %swap3A_668 = vector.shape_cast %mul3A_661 : vector<16xf32> to vector<1x1x16xf32>
      tpu.vector_store %arg6[%swap3A_663, %swap3A_664, %swap3A_665], %swap3A_668 {strides = array<i32>} : memref<4x128x64xf32, #tpu.memory_space<vmem>>, vector<1x1x16xf32>,
      %get3A_669 = arith.constant 3 : i32
      %get3A_670 = arith.index_cast %get3A_669 : i32 to index
      %get3A_671 = arith.index_cast %scan3A_622 : i32 to index
      %get3A_672 = arith.constant 48 : index
      %get3A_673 = tpu.vector_load %arg6[%get3A_670, %get3A_671, %get3A_672] {strides = array<i32>} : memref<4x128x64xf32, #tpu.memory_space<vmem>>, vector<1x1x16xf32>,
      %get3A_674 = vector.shape_cast %get3A_673 : vector<1x1x16xf32> to vector<16xf32>
      %mul3A_675 = arith.constant 8.000000e+00 : f32
      %mul3A_676 = vector.broadcast %mul3A_675 : f32 to vector<16xf32>
      %mul3A_677 = arith.mulf %get3A_674, %mul3A_676 : vector<16xf32>
      %swap3A_678 = arith.constant 3 : i32
      %swap3A_679 = arith.index_cast %swap3A_678 : i32 to index
      %swap3A_680 = arith.index_cast %scan3A_622 : i32 to index
      %swap3A_681 = arith.constant 48 : index
      %swap3A_682 = tpu.vector_load %arg6[%swap3A_679, %swap3A_680, %swap3A_681] {strides = array<i32>} : memref<4x128x64xf32, #tpu.memory_space<vmem>>, vector<1x1x16xf32>,
      %swap3A_683 = vector.shape_cast %swap3A_682 : vector<1x1x16xf32> to vector<16xf32>
      %swap3A_684 = vector.shape_cast %mul3A_677 : vector<16xf32> to vector<1x1x16xf32>
      tpu.vector_store %arg6[%swap3A_679, %swap3A_680, %swap3A_681], %swap3A_684 {strides = array<i32>} : memref<4x128x64xf32, #tpu.memory_space<vmem>>, vector<1x1x16xf32>,
      %scan3A_685 = arith.constant 1 : i32
      %scan3A_686 = arith.addi %scan3A_622, %scan3A_685 : i32
      %get3A_687 = arith.constant 3 : i32
      %get3A_688 = arith.index_cast %get3A_687 : i32 to index
      %get3A_689 = arith.index_cast %scan3A_686 : i32 to index
      %get3A_690 = arith.constant 0 : index
      %get3A_691 = tpu.vector_load %arg6[%get3A_688, %get3A_689, %get3A_690] {strides = array<i32>} : memref<4x128x64xf32, #tpu.memory_space<vmem>>, vector<1x1x16xf32>,
      %get3A_692 = vector.shape_cast %get3A_691 : vector<1x1x16xf32> to vector<16xf32>
      %mul3A_693 = arith.constant 8.000000e+00 : f32
      %mul3A_694 = vector.broadcast %mul3A_693 : f32 to vector<16xf32>
      %mul3A_695 = arith.mulf %get3A_692, %mul3A_694 : vector<16xf32>
      %swap3A_696 = arith.constant 3 : i32
      %swap3A_697 = arith.index_cast %swap3A_696 : i32 to index
      %swap3A_698 = arith.index_cast %scan3A_686 : i32 to index
      %swap3A_699 = arith.constant 0 : index
      %swap3A_700 = tpu.vector_load %arg6[%swap3A_697, %swap3A_698, %swap3A_699] {strides = array<i32>} : memref<4x128x64xf32, #tpu.memory_space<vmem>>, vector<1x1x16xf32>,
      %swap3A_701 = vector.shape_cast %swap3A_700 : vector<1x1x16xf32> to vector<16xf32>
      %swap3A_702 = vector.shape_cast %mul3A_695 : vector<16xf32> to vector<1x1x16xf32>
      tpu.vector_store %arg6[%swap3A_697, %swap3A_698, %swap3A_699], %swap3A_702 {strides = array<i32>} : memref<4x128x64xf32, #tpu.memory_space<vmem>>, vector<1x1x16xf32>,
      %get3A_703 = arith.constant 3 : i32
      %get3A_704 = arith.index_cast %get3A_703 : i32 to index
      %get3A_705 = arith.index_cast %scan3A_686 : i32 to index
      %get3A_706 = arith.constant 16 : index
      %get3A_707 = tpu.vector_load %arg6[%get3A_704, %get3A_705, %get3A_706] {strides = array<i32>} : memref<4x128x64xf32, #tpu.memory_space<vmem>>, vector<1x1x16xf32>,
      %get3A_708 = vector.shape_cast %get3A_707 : vector<1x1x16xf32> to vector<16xf32>
      %mul3A_709 = arith.constant 8.000000e+00 : f32
      %mul3A_710 = vector.broadcast %mul3A_709 : f32 to vector<16xf32>
      %mul3A_711 = arith.mulf %get3A_708, %mul3A_710 : vector<16xf32>
      %swap3A_712 = arith.constant 3 : i32
      %swap3A_713 = arith.index_cast %swap3A_712 : i32 to index
      %swap3A_714 = arith.index_cast %scan3A_686 : i32 to index
      %swap3A_715 = arith.constant 16 : index
      %swap3A_716 = tpu.vector_load %arg6[%swap3A_713, %swap3A_714, %swap3A_715] {strides = array<i32>} : memref<4x128x64xf32, #tpu.memory_space<vmem>>, vector<1x1x16xf32>,
      %swap3A_717 = vector.shape_cast %swap3A_716 : vector<1x1x16xf32> to vector<16xf32>
      %swap3A_718 = vector.shape_cast %mul3A_711 : vector<16xf32> to vector<1x1x16xf32>
      tpu.vector_store %arg6[%swap3A_713, %swap3A_714, %swap3A_715], %swap3A_718 {strides = array<i32>} : memref<4x128x64xf32, #tpu.memory_space<vmem>>, vector<1x1x16xf32>,
      %get3A_719 = arith.constant 3 : i32
      %get3A_720 = arith.index_cast %get3A_719 : i32 to index
      %get3A_721 = arith.index_cast %scan3A_686 : i32 to index
      %get3A_722 = arith.constant 32 : index
      %get3A_723 = tpu.vector_load %arg6[%get3A_720, %get3A_721, %get3A_722] {strides = array<i32>} : memref<4x128x64xf32, #tpu.memory_space<vmem>>, vector<1x1x16xf32>,
      %get3A_724 = vector.shape_cast %get3A_723 : vector<1x1x16xf32> to vector<16xf32>
      %mul3A_725 = arith.constant 8.000000e+00 : f32
      %mul3A_726 = vector.broadcast %mul3A_725 : f32 to vector<16xf32>
      %mul3A_727 = arith.mulf %get3A_724, %mul3A_726 : vector<16xf32>
      %swap3A_728 = arith.constant 3 : i32
      %swap3A_729 = arith.index_cast %swap3A_728 : i32 to index
      %swap3A_730 = arith.index_cast %scan3A_686 : i32 to index
      %swap3A_731 = arith.constant 32 : index
      %swap3A_732 = tpu.vector_load %arg6[%swap3A_729, %swap3A_730, %swap3A_731] {strides = array<i32>} : memref<4x128x64xf32, #tpu.memory_space<vmem>>, vector<1x1x16xf32>,
      %swap3A_733 = vector.shape_cast %swap3A_732 : vector<1x1x16xf32> to vector<16xf32>
      %swap3A_734 = vector.shape_cast %mul3A_727 : vector<16xf32> to vector<1x1x16xf32>
      tpu.vector_store %arg6[%swap3A_729, %swap3A_730, %swap3A_731], %swap3A_734 {strides = array<i32>} : memref<4x128x64xf32, #tpu.memory_space<vmem>>, vector<1x1x16xf32>,
      %get3A_735 = arith.constant 3 : i32
      %get3A_736 = arith.index_cast %get3A_735 : i32 to index
      %get3A_737 = arith.index_cast %scan3A_686 : i32 to index
      %get3A_738 = arith.constant 48 : index
      %get3A_739 = tpu.vector_load %arg6[%get3A_736, %get3A_737, %get3A_738] {strides = array<i32>} : memref<4x128x64xf32, #tpu.memory_space<vmem>>, vector<1x1x16xf32>,
      %get3A_740 = vector.shape_cast %get3A_739 : vector<1x1x16xf32> to vector<16xf32>
      %mul3A_741 = arith.constant 8.000000e+00 : f32
      %mul3A_742 = vector.broadcast %mul3A_741 : f32 to vector<16xf32>
      %mul3A_743 = arith.mulf %get3A_740, %mul3A_742 : vector<16xf32>
      %swap3A_744 = arith.constant 3 : i32
      %swap3A_745 = arith.index_cast %swap3A_744 : i32 to index
      %swap3A_746 = arith.index_cast %scan3A_686 : i32 to index
      %swap3A_747 = arith.constant 48 : index
      %swap3A_748 = tpu.vector_load %arg6[%swap3A_745, %swap3A_746, %swap3A_747] {strides = array<i32>} : memref<4x128x64xf32, #tpu.memory_space<vmem>>, vector<1x1x16xf32>,
      %swap3A_749 = vector.shape_cast %swap3A_748 : vector<1x1x16xf32> to vector<16xf32>
      %swap3A_750 = vector.shape_cast %mul3A_743 : vector<16xf32> to vector<1x1x16xf32>
      tpu.vector_store %arg6[%swap3A_745, %swap3A_746, %swap3A_747], %swap3A_750 {strides = array<i32>} : memref<4x128x64xf32, #tpu.memory_space<vmem>>, vector<1x1x16xf32>,
      %scan3A_751 = arith.constant 2 : i32
      %scan3A_752 = arith.addi %scan3A_622, %scan3A_751 : i32
      %get3A_753 = arith.constant 3 : i32
      %get3A_754 = arith.index_cast %get3A_753 : i32 to index
      %get3A_755 = arith.index_cast %scan3A_752 : i32 to index
      %get3A_756 = arith.constant 0 : index
      %get3A_757 = tpu.vector_load %arg6[%get3A_754, %get3A_755, %get3A_756] {strides = array<i32>} : memref<4x128x64xf32, #tpu.memory_space<vmem>>, vector<1x1x16xf32>,
      %get3A_758 = vector.shape_cast %get3A_757 : vector<1x1x16xf32> to vector<16xf32>
      %mul3A_759 = arith.constant 8.000000e+00 : f32
      %mul3A_760 = vector.broadcast %mul3A_759 : f32 to vector<16xf32>
      %mul3A_761 = arith.mulf %get3A_758, %mul3A_760 : vector<16xf32>
      %swap3A_762 = arith.constant 3 : i32
      %swap3A_763 = arith.index_cast %swap3A_762 : i32 to index
      %swap3A_764 = arith.index_cast %scan3A_752 : i32 to index
      %swap3A_765 = arith.constant 0 : index
      %swap3A_766 = tpu.vector_load %arg6[%swap3A_763, %swap3A_764, %swap3A_765] {strides = array<i32>} : memref<4x128x64xf32, #tpu.memory_space<vmem>>, vector<1x1x16xf32>,
      %swap3A_767 = vector.shape_cast %swap3A_766 : vector<1x1x16xf32> to vector<16xf32>
      %swap3A_768 = vector.shape_cast %mul3A_761 : vector<16xf32> to vector<1x1x16xf32>
      tpu.vector_store %arg6[%swap3A_763, %swap3A_764, %swap3A_765], %swap3A_768 {strides = array<i32>} : memref<4x128x64xf32, #tpu.memory_space<vmem>>, vector<1x1x16xf32>,
      %get3A_769 = arith.constant 3 : i32
      %get3A_770 = arith.index_cast %get3A_769 : i32 to index
      %get3A_771 = arith.index_cast %scan3A_752 : i32 to index
      %get3A_772 = arith.constant 16 : index
      %get3A_773 = tpu.vector_load %arg6[%get3A_770, %get3A_771, %get3A_772] {strides = array<i32>} : memref<4x128x64xf32, #tpu.memory_space<vmem>>, vector<1x1x16xf32>,
      %get3A_774 = vector.shape_cast %get3A_773 : vector<1x1x16xf32> to vector<16xf32>
      %mul3A_775 = arith.constant 8.000000e+00 : f32
      %mul3A_776 = vector.broadcast %mul3A_775 : f32 to vector<16xf32>
      %mul3A_777 = arith.mulf %get3A_774, %mul3A_776 : vector<16xf32>
      %swap3A_778 = arith.constant 3 : i32
      %swap3A_779 = arith.index_cast %swap3A_778 : i32 to index
      %swap3A_780 = arith.index_cast %scan3A_752 : i32 to index
      %swap3A_781 = arith.constant 16 : index
      %swap3A_782 = tpu.vector_load %arg6[%swap3A_779, %swap3A_780, %swap3A_781] {strides = array<i32>} : memref<4x128x64xf32, #tpu.memory_space<vmem>>, vector<1x1x16xf32>,
      %swap3A_783 = vector.shape_cast %swap3A_782 : vector<1x1x16xf32> to vector<16xf32>
      %swap3A_784 = vector.shape_cast %mul3A_777 : vector<16xf32> to vector<1x1x16xf32>
      tpu.vector_store %arg6[%swap3A_779, %swap3A_780, %swap3A_781], %swap3A_784 {strides = array<i32>} : memref<4x128x64xf32, #tpu.memory_space<vmem>>, vector<1x1x16xf32>,
      %get3A_785 = arith.constant 3 : i32
      %get3A_786 = arith.index_cast %get3A_785 : i32 to index
      %get3A_787 = arith.index_cast %scan3A_752 : i32 to index
      %get3A_788 = arith.constant 32 : index
      %get3A_789 = tpu.vector_load %arg6[%get3A_786, %get3A_787, %get3A_788] {strides = array<i32>} : memref<4x128x64xf32, #tpu.memory_space<vmem>>, vector<1x1x16xf32>,
      %get3A_790 = vector.shape_cast %get3A_789 : vector<1x1x16xf32> to vector<16xf32>
      %mul3A_791 = arith.constant 8.000000e+00 : f32
      %mul3A_792 = vector.broadcast %mul3A_791 : f32 to vector<16xf32>
      %mul3A_793 = arith.mulf %get3A_790, %mul3A_792 : vector<16xf32>
      %swap3A_794 = arith.constant 3 : i32
      %swap3A_795 = arith.index_cast %swap3A_794 : i32 to index
      %swap3A_796 = arith.index_cast %scan3A_752 : i32 to index
      %swap3A_797 = arith.constant 32 : index
      %swap3A_798 = tpu.vector_load %arg6[%swap3A_795, %swap3A_796, %swap3A_797] {strides = array<i32>} : memref<4x128x64xf32, #tpu.memory_space<vmem>>, vector<1x1x16xf32>,
      %swap3A_799 = vector.shape_cast %swap3A_798 : vector<1x1x16xf32> to vector<16xf32>
      %swap3A_800 = vector.shape_cast %mul3A_793 : vector<16xf32> to vector<1x1x16xf32>
      tpu.vector_store %arg6[%swap3A_795, %swap3A_796, %swap3A_797], %swap3A_800 {strides = array<i32>} : memref<4x128x64xf32, #tpu.memory_space<vmem>>, vector<1x1x16xf32>,
      %get3A_801 = arith.constant 3 : i32
      %get3A_802 = arith.index_cast %get3A_801 : i32 to index
      %get3A_803 = arith.index_cast %scan3A_752 : i32 to index
      %get3A_804 = arith.constant 48 : index
      %get3A_805 = tpu.vector_load %arg6[%get3A_802, %get3A_803, %get3A_804] {strides = array<i32>} : memref<4x128x64xf32, #tpu.memory_space<vmem>>, vector<1x1x16xf32>,
      %get3A_806 = vector.shape_cast %get3A_805 : vector<1x1x16xf32> to vector<16xf32>
      %mul3A_807 = arith.constant 8.000000e+00 : f32
      %mul3A_808 = vector.broadcast %mul3A_807 : f32 to vector<16xf32>
      %mul3A_809 = arith.mulf %get3A_806, %mul3A_808 : vector<16xf32>
      %swap3A_810 = arith.constant 3 : i32
      %swap3A_811 = arith.index_cast %swap3A_810 : i32 to index
      %swap3A_812 = arith.index_cast %scan3A_752 : i32 to index
      %swap3A_813 = arith.constant 48 : index
      %swap3A_814 = tpu.vector_load %arg6[%swap3A_811, %swap3A_812, %swap3A_813] {strides = array<i32>} : memref<4x128x64xf32, #tpu.memory_space<vmem>>, vector<1x1x16xf32>,
      %swap3A_815 = vector.shape_cast %swap3A_814 : vector<1x1x16xf32> to vector<16xf32>
      %swap3A_816 = vector.shape_cast %mul3A_809 : vector<16xf32> to vector<1x1x16xf32>
      tpu.vector_store %arg6[%swap3A_811, %swap3A_812, %swap3A_813], %swap3A_816 {strides = array<i32>} : memref<4x128x64xf32, #tpu.memory_space<vmem>>, vector<1x1x16xf32>,
      %scan3A_817 = arith.constant 3 : i32
      %scan3A_818 = arith.addi %scan3A_622, %scan3A_817 : i32
      %get3A_819 = arith.constant 3 : i32
      %get3A_820 = arith.index_cast %get3A_819 : i32 to index
      %get3A_821 = arith.index_cast %scan3A_818 : i32 to index
      %get3A_822 = arith.constant 0 : index
      %get3A_823 = tpu.vector_load %arg6[%get3A_820, %get3A_821, %get3A_822] {strides = array<i32>} : memref<4x128x64xf32, #tpu.memory_space<vmem>>, vector<1x1x16xf32>,
      %get3A_824 = vector.shape_cast %get3A_823 : vector<1x1x16xf32> to vector<16xf32>
      %mul3A_825 = arith.constant 8.000000e+00 : f32
      %mul3A_826 = vector.broadcast %mul3A_825 : f32 to vector<16xf32>
      %mul3A_827 = arith.mulf %get3A_824, %mul3A_826 : vector<16xf32>
      %swap3A_828 = arith.constant 3 : i32
      %swap3A_829 = arith.index_cast %swap3A_828 : i32 to index
      %swap3A_830 = arith.index_cast %scan3A_818 : i32 to index
      %swap3A_831 = arith.constant 0 : index
      %swap3A_832 = tpu.vector_load %arg6[%swap3A_829, %swap3A_830, %swap3A_831] {strides = array<i32>} : memref<4x128x64xf32, #tpu.memory_space<vmem>>, vector<1x1x16xf32>,
      %swap3A_833 = vector.shape_cast %swap3A_832 : vector<1x1x16xf32> to vector<16xf32>
      %swap3A_834 = vector.shape_cast %mul3A_827 : vector<16xf32> to vector<1x1x16xf32>
      tpu.vector_store %arg6[%swap3A_829, %swap3A_830, %swap3A_831], %swap3A_834 {strides = array<i32>} : memref<4x128x64xf32, #tpu.memory_space<vmem>>, vector<1x1x16xf32>,
      %get3A_835 = arith.constant 3 : i32
      %get3A_836 = arith.index_cast %get3A_835 : i32 to index
      %get3A_837 = arith.index_cast %scan3A_818 : i32 to index
      %get3A_838 = arith.constant 16 : index
      %get3A_839 = tpu.vector_load %arg6[%get3A_836, %get3A_837, %get3A_838] {strides = array<i32>} : memref<4x128x64xf32, #tpu.memory_space<vmem>>, vector<1x1x16xf32>,
      %get3A_840 = vector.shape_cast %get3A_839 : vector<1x1x16xf32> to vector<16xf32>
      %mul3A_841 = arith.constant 8.000000e+00 : f32
      %mul3A_842 = vector.broadcast %mul3A_841 : f32 to vector<16xf32>
      %mul3A_843 = arith.mulf %get3A_840, %mul3A_842 : vector<16xf32>
      %swap3A_844 = arith.constant 3 : i32
      %swap3A_845 = arith.index_cast %swap3A_844 : i32 to index
      %swap3A_846 = arith.index_cast %scan3A_818 : i32 to index
      %swap3A_847 = arith.constant 16 : index
      %swap3A_848 = tpu.vector_load %arg6[%swap3A_845, %swap3A_846, %swap3A_847] {strides = array<i32>} : memref<4x128x64xf32, #tpu.memory_space<vmem>>, vector<1x1x16xf32>,
      %swap3A_849 = vector.shape_cast %swap3A_848 : vector<1x1x16xf32> to vector<16xf32>
      %swap3A_850 = vector.shape_cast %mul3A_843 : vector<16xf32> to vector<1x1x16xf32>
      tpu.vector_store %arg6[%swap3A_845, %swap3A_846, %swap3A_847], %swap3A_850 {strides = array<i32>} : memref<4x128x64xf32, #tpu.memory_space<vmem>>, vector<1x1x16xf32>,
      %get3A_851 = arith.constant 3 : i32
      %get3A_852 = arith.index_cast %get3A_851 : i32 to index
      %get3A_853 = arith.index_cast %scan3A_818 : i32 to index
      %get3A_854 = arith.constant 32 : index
      %get3A_855 = tpu.vector_load %arg6[%get3A_852, %get3A_853, %get3A_854] {strides = array<i32>} : memref<4x128x64xf32, #tpu.memory_space<vmem>>, vector<1x1x16xf32>,
      %get3A_856 = vector.shape_cast %get3A_855 : vector<1x1x16xf32> to vector<16xf32>
      %mul3A_857 = arith.constant 8.000000e+00 : f32
      %mul3A_858 = vector.broadcast %mul3A_857 : f32 to vector<16xf32>
      %mul3A_859 = arith.mulf %get3A_856, %mul3A_858 : vector<16xf32>
      %swap3A_860 = arith.constant 3 : i32
      %swap3A_861 = arith.index_cast %swap3A_860 : i32 to index
      %swap3A_862 = arith.index_cast %scan3A_818 : i32 to index
      %swap3A_863 = arith.constant 32 : index
      %swap3A_864 = tpu.vector_load %arg6[%swap3A_861, %swap3A_862, %swap3A_863] {strides = array<i32>} : memref<4x128x64xf32, #tpu.memory_space<vmem>>, vector<1x1x16xf32>,
      %swap3A_865 = vector.shape_cast %swap3A_864 : vector<1x1x16xf32> to vector<16xf32>
      %swap3A_866 = vector.shape_cast %mul3A_859 : vector<16xf32> to vector<1x1x16xf32>
      tpu.vector_store %arg6[%swap3A_861, %swap3A_862, %swap3A_863], %swap3A_866 {strides = array<i32>} : memref<4x128x64xf32, #tpu.memory_space<vmem>>, vector<1x1x16xf32>,
      %get3A_867 = arith.constant 3 : i32
      %get3A_868 = arith.index_cast %get3A_867 : i32 to index
      %get3A_869 = arith.index_cast %scan3A_818 : i32 to index
      %get3A_870 = arith.constant 48 : index
      %get3A_871 = tpu.vector_load %arg6[%get3A_868, %get3A_869, %get3A_870] {strides = array<i32>} : memref<4x128x64xf32, #tpu.memory_space<vmem>>, vector<1x1x16xf32>,
      %get3A_872 = vector.shape_cast %get3A_871 : vector<1x1x16xf32> to vector<16xf32>
      %mul3A_873 = arith.constant 8.000000e+00 : f32
      %mul3A_874 = vector.broadcast %mul3A_873 : f32 to vector<16xf32>
      %mul3A_875 = arith.mulf %get3A_872, %mul3A_874 : vector<16xf32>
      %swap3A_876 = arith.constant 3 : i32
      %swap3A_877 = arith.index_cast %swap3A_876 : i32 to index
      %swap3A_878 = arith.index_cast %scan3A_818 : i32 to index
      %swap3A_879 = arith.constant 48 : index
      %swap3A_880 = tpu.vector_load %arg6[%swap3A_877, %swap3A_878, %swap3A_879] {strides = array<i32>} : memref<4x128x64xf32, #tpu.memory_space<vmem>>, vector<1x1x16xf32>,
      %swap3A_881 = vector.shape_cast %swap3A_880 : vector<1x1x16xf32> to vector<16xf32>
      %swap3A_882 = vector.shape_cast %mul3A_875 : vector<16xf32> to vector<1x1x16xf32>
      tpu.vector_store %arg6[%swap3A_877, %swap3A_878, %swap3A_879], %swap3A_882 {strides = array<i32>} : memref<4x128x64xf32, #tpu.memory_space<vmem>>, vector<1x1x16xf32>,
    }
    %scan3A_565 = arith.constant 128 : i32
    %add3A_566 = arith.constant 199 : i32
    %add3A_567 = arith.addi %mul3A_2, %add3A_566 : i32
    %mul3A_568 = arith.constant 128 : i32
    %mul3A_569 = arith.muli %add3A_567, %mul3A_568 : i32
    %dma_start3A_570 = arith.constant 3 : i32
    %dma_start3A_571 = arith.constant 3 : i32
    %dma_start3A_572 = arith.constant 0 : i32
    %dma_start3A_573 = arith.constant 0 : i32
    %dma_start3A_574 = tpu.memref_slice %arg6[%dma_start3A_570, %dma_start3A_572, %dma_start3A_573] : memref<4x128x64xf32, #tpu.memory_space<vmem>> -> memref<1x128x64xf32, #tpu.memory_space<vmem>>
    %dma_start3A_575 = tpu.memref_squeeze %dma_start3A_574 : memref<1x128x64xf32, #tpu.memory_space<vmem>> -> memref<128x64xf32, #tpu.memory_space<vmem>>
    %dma_start3A_576 = arith.constant 0 : i32
    %dma_start3A_577 = tpu.memref_slice %arg4[%mul3A_569, %dma_start3A_576] : memref<819200x64xf32, #tpu.memory_space<hbm>> -> memref<128x64xf32, #tpu.memory_space<hbm>>
    %dma_start3A_578 = tpu.memref_slice %arg8[%dma_start3A_571] : memref<4x!tpu.dma_semaphore, #tpu.memory_space<semaphore_mem>> -> memref<1x!tpu.dma_semaphore, #tpu.memory_space<semaphore_mem>>
    %dma_start3A_579 = tpu.memref_squeeze %dma_start3A_578 : memref<1x!tpu.dma_semaphore, #tpu.memory_space<semaphore_mem>> -> memref<!tpu.dma_semaphore, #tpu.memory_space<semaphore_mem>>
    %dma_start3A_580 = arith.constant 0 : i32
    %dma_start3A_581 = tpu.memref_slice %arg4[%mul3A_569, %dma_start3A_580] : memref<819200x64xf32, #tpu.memory_space<hbm>> -> memref<128x64xf32, #tpu.memory_space<hbm>>
    %dma_start3A_582 = arith.constant 0 : i32
    %dma_start3A_583 = arith.constant 0 : i32
    %dma_start3A_584 = tpu.memref_slice %arg6[%dma_start3A_570, %dma_start3A_582, %dma_start3A_583] : memref<4x128x64xf32, #tpu.memory_space<vmem>> -> memref<1x128x64xf32, #tpu.memory_space<vmem>>
    %dma_start3A_585 = tpu.memref_squeeze %dma_start3A_584 : memref<1x128x64xf32, #tpu.memory_space<vmem>> -> memref<128x64xf32, #tpu.memory_space<vmem>>
    tpu.enqueue_dma source(%dma_start3A_585 : memref<128x64xf32, #tpu.memory_space<vmem>>) target(%dma_start3A_581 : memref<128x64xf32, #tpu.memory_space<hbm>>) target_semaphore(%dma_start3A_579 : memref<!tpu.dma_semaphore, #tpu.memory_space<semaphore_mem>>)
    %dma_wait3A_586 = arith.constant 2 : i32
    %dma_wait3A_587 = arith.constant 2 : i32
    %dma_wait3A_588 = arith.constant 0 : i32
    %dma_wait3A_589 = arith.constant 0 : i32
    %dma_wait3A_590 = tpu.memref_slice %arg6[%dma_wait3A_586, %dma_wait3A_588, %dma_wait3A_589] : memref<4x128x64xf32, #tpu.memory_space<vmem>> -> memref<1x128x64xf32, #tpu.memory_space<vmem>>
    %dma_wait3A_591 = tpu.memref_squeeze %dma_wait3A_590 : memref<1x128x64xf32, #tpu.memory_space<vmem>> -> memref<128x64xf32, #tpu.memory_space<vmem>>
    %dma_wait3A_592 = arith.constant 0 : i32
    %dma_wait3A_593 = arith.constant 0 : i32
    %dma_wait3A_594 = tpu.memref_slice %arg4[%dma_wait3A_592, %dma_wait3A_593] : memref<819200x64xf32, #tpu.memory_space<hbm>> -> memref<128x64xf32, #tpu.memory_space<hbm>>
    %dma_wait3A_595 = tpu.memref_slice %arg8[%dma_wait3A_587] : memref<4x!tpu.dma_semaphore, #tpu.memory_space<semaphore_mem>> -> memref<1x!tpu.dma_semaphore, #tpu.memory_space<semaphore_mem>>
    %dma_wait3A_596 = tpu.memref_squeeze %dma_wait3A_595 : memref<1x!tpu.dma_semaphore, #tpu.memory_space<semaphore_mem>> -> memref<!tpu.dma_semaphore, #tpu.memory_space<semaphore_mem>>
    %dma_wait3A_597 = arith.constant 0 : i32
    %dma_wait3A_598 = arith.constant 0 : i32
    %dma_wait3A_599 = tpu.memref_slice %arg4[%dma_wait3A_597, %dma_wait3A_598] : memref<819200x64xf32, #tpu.memory_space<hbm>> -> memref<128x64xf32, #tpu.memory_space<hbm>>
    %dma_wait3A_600 = arith.constant 0 : i32
    %dma_wait3A_601 = arith.constant 0 : i32
    %dma_wait3A_602 = tpu.memref_slice %arg6[%dma_wait3A_586, %dma_wait3A_600, %dma_wait3A_601] : memref<4x128x64xf32, #tpu.memory_space<vmem>> -> memref<1x128x64xf32, #tpu.memory_space<vmem>>
    %dma_wait3A_603 = tpu.memref_squeeze %dma_wait3A_602 : memref<1x128x64xf32, #tpu.memory_space<vmem>> -> memref<128x64xf32, #tpu.memory_space<vmem>>
    tpu.wait_dma2 semaphore(%dma_wait3A_596 : memref<!tpu.dma_semaphore, #tpu.memory_space<semaphore_mem>>) src(%dma_wait3A_603 : memref<128x64xf32, #tpu.memory_space<vmem>>) dst(%dma_wait3A_599 : memref<128x64xf32, #tpu.memory_space<hbm>>)
    %dma_wait3A_604 = arith.constant 3 : i32
    %dma_wait3A_605 = arith.constant 3 : i32
    %dma_wait3A_606 = arith.constant 0 : i32
    %dma_wait3A_607 = arith.constant 0 : i32
    %dma_wait3A_608 = tpu.memref_slice %arg6[%dma_wait3A_604, %dma_wait3A_606, %dma_wait3A_607] : memref<4x128x64xf32, #tpu.memory_space<vmem>> -> memref<1x128x64xf32, #tpu.memory_space<vmem>>
    %dma_wait3A_609 = tpu.memref_squeeze %dma_wait3A_608 : memref<1x128x64xf32, #tpu.memory_space<vmem>> -> memref<128x64xf32, #tpu.memory_space<vmem>>
    %dma_wait3A_610 = arith.constant 0 : i32
    %dma_wait3A_611 = arith.constant 0 : i32
    %dma_wait3A_612 = tpu.memref_slice %arg4[%dma_wait3A_610, %dma_wait3A_611] : memref<819200x64xf32, #tpu.memory_space<hbm>> -> memref<128x64xf32, #tpu.memory_space<hbm>>
    %dma_wait3A_613 = tpu.memref_slice %arg8[%dma_wait3A_605] : memref<4x!tpu.dma_semaphore, #tpu.memory_space<semaphore_mem>> -> memref<1x!tpu.dma_semaphore, #tpu.memory_space<semaphore_mem>>
    %dma_wait3A_614 = tpu.memref_squeeze %dma_wait3A_613 : memref<1x!tpu.dma_semaphore, #tpu.memory_space<semaphore_mem>> -> memref<!tpu.dma_semaphore, #tpu.memory_space<semaphore_mem>>
    %dma_wait3A_615 = arith.constant 0 : i32
    %dma_wait3A_616 = arith.constant 0 : i32
    %dma_wait3A_617 = tpu.memref_slice %arg4[%dma_wait3A_615, %dma_wait3A_616] : memref<819200x64xf32, #tpu.memory_space<hbm>> -> memref<128x64xf32, #tpu.memory_space<hbm>>
    %dma_wait3A_618 = arith.constant 0 : i32
    %dma_wait3A_619 = arith.constant 0 : i32
    %dma_wait3A_620 = tpu.memref_slice %arg6[%dma_wait3A_604, %dma_wait3A_618, %dma_wait3A_619] : memref<4x128x64xf32, #tpu.memory_space<vmem>> -> memref<1x128x64xf32, #tpu.memory_space<vmem>>
    %dma_wait3A_621 = tpu.memref_squeeze %dma_wait3A_620 : memref<1x128x64xf32, #tpu.memory_space<vmem>> -> memref<128x64xf32, #tpu.memory_space<vmem>>
    tpu.wait_dma2 semaphore(%dma_wait3A_614 : memref<!tpu.dma_semaphore, #tpu.memory_space<semaphore_mem>>) src(%dma_wait3A_621 : memref<128x64xf32, #tpu.memory_space<vmem>>) dst(%dma_wait3A_617 : memref<128x64xf32, #tpu.memory_space<hbm>>)
    return
  }
}

</mosaic_0001>

<sc_bundles>
// kernel: kernel.3.cloned.1.call-start
scs
__scs_entry_jumppad:
0x0: {  	(pc) =	sbr.rel $0x88, $3  }
0x1: {  	(tag) =	ssettag $0x0;
	lr =	simm.s32 $0x1  }
0x2: {  	[smem:$0x3F9F] =	sst lr;
	_ =	strace $0xD0000000  }
0x3: {  	_ = 	snop  }
0x4: {  	_ = 	snop  }
0x5: {  	_ = 	snop  }
0x6: {  	_ = 	snop  }
0x7: {  	_ = 	snop  }
__scs_overlays_trampoline_lowered:
0x8: {  	[smem:$0x3FAE] =	sst s0  }
0x9: {  	[smem:$0x3FAF] =	sst s1  }
0xa: {  	[smem:$0x3FB0] =	sst s2  }
0xb: {  	[smem:$0x3FB1] =	sst s3  }
0xc: {  	[smem:$0x3FB2] =	sst s4  }
0xd: {  	[smem:$0x3FB3] =	sst s5  }
0xe: {  	[smem:$0x3FB4] =	sst s6  }
0xf: {  	[smem:$0x3FB5] =	sst s7  }
0x10: {  	[smem:$0x3FB6] =	sst s8  }
0x11: {  	[smem:$0x3FB7] =	sst s9;
	s0 =	simm.s32 @!p0 $0x0  }
0x12: {  	s1 =	sld [smem:$0x3F9D];
	s0 =	simm.s32 @p0 $0x1  }
0x13: {  	[smem:$0x3FB8] =	sst s0;
	s0 =	simm.s32 @!p1 $0x0  }
0x14: {  	s2 =	sld [smem:$0x3F9C];
	s0 =	simm.s32 @p1 $0x1  }
0x15: {  	[smem:$0x3FB9] =	sst s0;
	s0 =	simm.s32 @!p2 $0x0  }
0x16: {  	s3 =	sld [smem:$0x3FDB];
	s0 =	simm.s32 @p2 $0x1  }
0x17: {  	s4 =	simm.s32 $0x1BF5;
	[smem:$0x3FBB] =	sst s0  }
0x18: {  	s0 =	sld [smem:$0x3F9E];
	_ =	swait.ge [sflag:s4], $0x0  }
0x19: {  	s7 =	sld [smem:$0x3F9F]  }
0x1a: {  	s8 =	sadd.s32 $0xFFFFE003, lr  }
0x1b: {  	s9 =	sadd.s32 $0xFFFFFEF7, lr;
	s5 =	simm.s32 $0xFFFFFFFF;
	p2 =	slt.u32 s8, $0xFFFFF086  }
0x1c: {  	p1 =	slt.u32 s9, $0xF7A;
	s5 =	simm.s32 @!p2 $0x0  }
0x1d: {  	s5 =	simm.s32 @p1 $0x1;
	p0 =	seq.s32 s7, s2  }
0x1e: {  	s7 =	smul.u32 @!p0 $0xF7A, s2;
	p2 =	seq.s32 @!p0 s5, $0x0  }
0x1f: {  	s9 =	smul.u32 $0xF7A, s1;
	s8 =	simm.s32 @!p0 $0x1BF5;
	p2 =	por !p2, p0  }
0x20: {  	[sflag:s8] =	ssyncset.s32 @!p0 $0xFFFFF086;
	s6 =	sadd.s32 @!p0 s3, s7;
	s7 =	simm.s32 @!p0 $0x108  }
0x21: {  	s3 =	sadd.s32 s3, s9;
	s6 =	sadd.s32 @!p0 $0x88, s6;
	s7 =	simm.s32 @p2 $0x1082  }
0x22: {  	[simem:s7], [sflag:s8] =	dma.local @!p0 [hbm:s6], $0xF7A  }
0x23: {  	s9 =	sor.u32 $0xD0000000, s2;
	s6 =	simm.s32 $0x108;
	_ =	swait.ge @!p0 [sflag:s8], $0x0  }
0x24: {  	s3 =	sadd.s32 $0x88, s3;
	s6 =	simm.s32 @!p1 $0x1082;
	[sflag:s4] =	ssyncset.s32 $0xFFFFF086  }
0x25: {  	[simem:s6], [sflag:s4] =	dma.local [hbm:s3], $0xF7A  }
0x26: {  	[smem:$0x3F9F] =	sst s1;
	(tag) =	ssettag s2;
	_ =	strace s9  }
0x27: {  	s1 =	sld [smem:$0x3FAF]  }
0x28: {  	s2 =	sld [smem:$0x3FB0]  }
0x29: {  	s4 =	sld [smem:$0x3FB2]  }
0x2a: {  	p0 =	seq.s32 s5, $0x0;
	s5 =	sld [smem:$0x3FB3]  }
0x2b: {  	s6 =	sld [smem:$0x3FB4]  }
0x2c: {  	s7 =	sld [smem:$0x3FB5]  }
0x2d: {  	s3 =	simm.s32 $0x108;
	s8 =	sld [smem:$0x3FB6]  }
0x2e: {  	s3 =	simm.s32 @!p0 $0x1082;
	s9 =	sld [smem:$0x3FB7]  }
0x2f: {  	lr =	sadd.s32 s0, s3;
	s0 =	sld [smem:$0x3FAE]  }
0x30: {  	s3 =	sld [smem:$0x3FB1]  }
0x31: {  	[smem:$0x3FBA] =	sst s10  }
0x32: {  	s10 =	sld [smem:$0x3FB8];
	_ =	sdelay $0x3  }
0x33: {  	p0 =	seq.s32 s10, $0x1;
	s10 =	sld [smem:$0x3FBA];
	_ =	sdelay $0x3  }
0x34: {  	[smem:$0x3FBA] =	sst s10  }
0x35: {  	s10 =	sld [smem:$0x3FB9];
	_ =	sdelay $0x3  }
0x36: {  	p1 =	seq.s32 s10, $0x1;
	s10 =	sld [smem:$0x3FBA];
	_ =	sdelay $0x3  }
0x37: {  	[smem:$0x3FBA] =	sst s10  }
0x38: {  	s10 =	sld [smem:$0x3FBB]  }
0x39: {  	_ = 	snop;
	(pc) =	sbr.ind lr, $3  }
0x3a: {  	_ = 	snop  }
0x3b: {  	_ = 	snop  }
0x3c: {  	p2 =	seq.s32 s10, $0x1;
	s10 =	sld [smem:$0x3FBA]  }
0x3d: {  	_ =	shalt  }
0x3e: {  	_ =	shalt  }
0x3f: {  	_ =	shalt  }
0x40: {  	_ =	shalt  }
0x41: {  	_ =	shalt  }
0x42: {  	_ =	shalt  }
0x43: {  	_ =	shalt  }
0x44: {  	_ =	shalt  }
0x45: {  	_ =	shalt  }
0x46: {  	_ =	shalt  }
0x47: {  	_ =	shalt  }
0x48: {  	_ =	shalt  }
0x49: {  	_ =	shalt  }
0x4a: {  	_ =	shalt  }
0x4b: {  	_ =	shalt  }
0x4c: {  	_ =	shalt  }
0x4d: {  	_ =	shalt  }
0x4e: {  	_ =	shalt  }
0x4f: {  	_ =	shalt  }
0x50: {  	_ =	shalt  }
0x51: {  	_ =	shalt  }
0x52: {  	_ =	shalt  }
0x53: {  	_ =	shalt  }
0x54: {  	_ =	shalt  }
0x55: {  	_ =	shalt  }
0x56: {  	_ =	shalt  }
0x57: {  	_ =	shalt  }
0x58: {  	_ =	shalt  }
0x59: {  	_ =	shalt  }
0x5a: {  	_ =	shalt  }
0x5b: {  	_ =	shalt  }
0x5c: {  	_ =	shalt  }
0x5d: {  	_ =	shalt  }
0x5e: {  	_ =	shalt  }
0x5f: {  	_ =	shalt  }
0x60: {  	_ =	shalt  }
0x61: {  	_ =	shalt  }
0x62: {  	_ =	shalt  }
0x63: {  	_ =	shalt  }
0x64: {  	_ =	shalt  }
0x65: {  	_ =	shalt  }
0x66: {  	_ =	shalt  }
0x67: {  	_ =	shalt  }
0x68: {  	_ =	shalt  }
0x69: {  	_ =	shalt  }
0x6a: {  	_ =	shalt  }
0x6b: {  	_ =	shalt  }
0x6c: {  	_ =	shalt  }
0x6d: {  	_ =	shalt  }
0x6e: {  	_ =	shalt  }
0x6f: {  	_ =	shalt  }
0x70: {  	_ =	shalt  }
0x71: {  	_ =	shalt  }
0x72: {  	_ =	shalt  }
0x73: {  	_ =	shalt  }
0x74: {  	_ =	shalt  }
0x75: {  	_ =	shalt  }
0x76: {  	_ =	shalt  }
0x77: {  	_ =	shalt  }
0x78: {  	_ =	shalt  }
0x79: {  	_ =	shalt  }
0x7a: {  	_ =	shalt  }
0x7b: {  	_ =	shalt  }
0x7c: {  	_ =	shalt  }
0x7d: {  	_ =	shalt  }
0x7e: {  	_ =	shalt  }
0x7f: {  	_ =	shalt  }
0x80: {  	_ =	shalt  }
0x81: {  	_ =	shalt  }
0x82: {  	_ =	shalt  }
0x83: {  	_ =	shalt  }
0x84: {  	_ =	shalt  }
0x85: {  	_ =	shalt  }
0x86: {  	_ =	shalt  }
0x87: {  	_ =	shalt  }
.Lfunc_end0:
.L_simem_size_0:
called_computation.1_lowered:
.L_overlay_start_0:
0x88: {  	s2 =	sld [smem:$0x3FD9]  }
0x89: {  	s3 =	sld [smem:$0x3FFE];
	_ =	sdelay $0x1  }
0x8a: {  	s1 =	srdreg.scid  }
0x8b: {  	s0 =	sand.u32 $0x1, s1  }
0x8c: {  	s17 =	sshll.u32 s0, $0xA;
	s2 =	sadd.s32 s3, s2  }
0x8d: {  	s2 =	sadd.s32 s2, s17  }
0x8e: {  	[smem:$0x3FC6] =	sst s2  }
0x8f: {  	_ = 	snop  }
0x90: {  	s2 =	sld [smem:$0x3FD0];
	(tm) =	ssettm $0x1  }
0x91: {  	s18 =	sld [smem:$0x3FFB];
	_ =	sdelay $0x3  }
0x92: {  	_ =	strace s18  }
0x93: {  	s3 =	sld [smem:$0x3FFC];
	_ =	sdelay $0x3  }
0x94: {  	_ =	strace s3  }
0x95: {  	s3 =	sld [smem:$0x3FFD];
	_ =	sdelay $0x3  }
0x96: {  	_ =	strace s3  }
0x97: {  	_ =	strace $0x8FFFFFFF  }
0x98: {  	s19 =	sld [smem:$0x3FDB];
	_ =	sdelay $0x1  }
0x99: {  	s4 =	simm.s32 $_scs_section_size  }
0x9a: {  	s5 =	simm.s32 $_size__tile_overlayer_lowered;
	s6 =	simm.s32 $_tile_overlayer_lowered  }
0x9b: {  	s22 =	simm.s32 $0x1BFF;
	s21 =	sshll.u32 s6, $0x1;
	s3 =	sadd.s32 s4, s19  }
0x9c: {  	s7 =	simm.s32 $0x0;
	s20 =	sshll.u32 s5, $0x1;
	s5 =	sadd.s32 s21, s3  }
0x9d: {  	[timem:s7], [sflag:s22] =	dma.local [hbm:s5], s20  }
0x9e: {  	_ =	swait.ge [sflag:s22], s20  }
0x9f: {  	s4 =	ssub.s32 $0x0, s20;
	[sflag:s22] =	ssyncset.done $0x0  }
0xa0: {  	[sflag:s22] =	ssyncadd.s32 s4;
	_ =	sdelay $0x1  }
0xa1: {  	s23 =	simm.s32 $0x1B8B  }
0xa2: {  	_ =	swait.ge [sflag:s23], $0x1  }
0xa3: {  	[sflag:s23] =	ssyncset.done $0x0  }
0xa4: {  	s25 =	simm.s32 $0x1B8E;
	s24 =	sld [smem:$0x3FFE];
	[sflag:s23] =	ssyncadd.s32 $0xFFFFFFFF  }
0xa5: {  	s26 =	simm.s32 $execute0_lowered;
	[smem:$0x3FD2] =	sst s25  }
0xa6: {  	s5 =	sshll.u32 s26, $0x1;
	_ =	strace $0x80000046;
	[dreg:$0x1] =	wrdreg $0xFFFFFFFF  }
0xa7: {  	s28 =	simm.s32 $_size_execute0_lowered;
	s3 =	sadd.s32 s3, s5;
	[dreg:$0x0] =	wrdreg $0x0  }
0xa8: {  	s5 =	sshll.u32 s28, $0x1;
	[dreg:$0x2] =	wrdreg s3  }
0xa9: {  	[dreg:$0x3] =	wrdreg s5  }
0xaa: {  	[dreg:$0x4] =	wrdreg $0xC0  }
0xab: {  	_ =	task [dreg:s7], $0x5FFFF  }
0xac: {  	[dreg:$0x1] =	wrdreg $0xFFFFFFFF  }
0xad: {  	[dreg:$0x0] =	wrdreg $0x60  }
0xae: {  	[dreg:$0x2] =	wrdreg s24  }
0xaf: {  	[dreg:$0x3] =	wrdreg s2  }
0xb0: {  	[dreg:$0x4] =	wrdreg $0x9  }
0xb1: {  	_ =	task.clear_ibuf [dreg:s7], $0x5FFFF;
	_ =	strace $0x90000046  }
0xb2: {  	s29 =	simm.s32 $0x9;
	_ =	strace $0x80000048  }
0xb3: {  	_ =	swait.ge [sflag:s29], $0x1  }
0xb4: {  	[sflag:s29] =	ssyncadd.s32 $0xFFFFFFFF  }
0xb5: {  	_ =	strace $0x90000048  }
0xb6: {  	_ =	sfence  }
0xb7: {  	s30 =	sld [smem:$0x0];
	_ =	sdelay $0x2  }
0xb8: {  	s31 =	sshll.u32 s1, $0xD;
	s1 =	sshrl.u32 s1, $0x2  }
0xb9: {  	s3 =	sand.u32 $0x4000, s31;
	s1 =	sadd.s32 s1, s30  }
0xba: {  	s0 =	sor.u32 s3, s0;
	s1 =	sshll.u32 s1, $0x11  }
0xbb: {  	s0 =	sor.u32 s1, s0  }
0xbc: {  	s0 =	sadd.s32 $0x8F2B, s0  }
0xbd: {  	[sflag:s0] =	ssyncadd.remote.s32 $0x1  }
0xbe: {  	_ =	sfence.sel $0xFFFF  }
0xbf: {  	[dreg:$0x0] =	wrdreg $0xFFFFFFFF;
	(pc) =	sbr.abs _section_cstart, $3  }
0xc0: {  	[dreg:$0x1] =	wrdreg $0xFFFFFFFF  }
0xc1: {  	_ =	task.clear_ibuf [dreg:s7], $0x2FFFF;
	_ =	strace $0x9FFFFFFF  }
0xc2: {  	(tm) =	ssettm $0x7FFFFFFF  }
0xc3: {  	_ =	shalt  }
tec
execute0_lowered:
.L_overlay_start_1:
0x0: {  	(tag) =	ssettag $0x1  }
0x1: {  	s0 =	rddreg [dreg:$0x0];
	s1 =	srdreg.scid  }
0x2: {  	s3 =	stileid.u32;
	s2 =	rddreg [dreg:$0x1];
	s17 =	simm.s32 $0x9  }
0x3: {  	s18 =	simm.s32 $0x80;
	s1 =	sand.u32 $0x1, s1;
	s4 =	sshll.u32 s3, $0x1  }
0x4: {  	s28 =	simm.s32 $0x5;
	s30 =	simm.s32 $0x3;
	s5 =	sor.u32 s1, s4  }
0x5: {  	s31 =	simm.s32 $0x6;
	s3 =	simm.s32 $0x0;
	s4 =	smul.u32 $0xC80, s5  }
0x6: {  	s29 =	simm.s32 $0x0;
	[smem:$0x7FF] =	sst s3;
	s6 =	smul.u32 $0x32000, s5  }
0x7: {  	s1 =	ssub.s32 $0x2, s1;
	_ =	strace $0x80000047;
	s8 =	smul.u32 $0x190000, s5  }
0x8: {  	s19 =	sshrl.u32 s1, $0x1;
	s5 =	smul.u32 $0xC8, s5;
	s7 =	sadd.s32 s4, s0  }
0x9: {  	s4 =	sadd.s32 $0xF42E00, s0;
	s0 =	ssub.s32 s1, s19;
	s6 =	sadd.s32 s2, s6  }
0xa: {  	s22 =	sshrl.u32 s8, $0x3;
	s11 =	sor.u32 $0x1, s5;
	s20 =	sadd.s32 $0xA00, s7  }
0xb: {  	s19 =	simm.s32 $0x6400;
	s21 =	sadd.s32 $0x400, s6;
	[dreg:$0x3] =	wrdreg s20  }
0xc: {  	s23 =	sadd.s32 $0x800, s6;
	s24 =	sadd.s32 $0xC00, s6;
	[dreg:$0x4] =	wrdreg s21  }
0xd: {  	s1 =	sadd.s32 s2, s22;
	s16 =	smax.u32 s0, $0x1;
	[dreg:$0x5] =	wrdreg s23  }
0xe: {  	s22 =	simm.s32 $0xA400;
	s0 =	simm.s32 $0x4;
	[dreg:$0x6] =	wrdreg s24  }
0xf: {  	s25 =	sadd.s32 $0x31000, s1;
	s26 =	sadd.s32 $0x31400, s1;
	s14 =	sadd.s32 $0x31800, s1  }
0x10: {  	s15 =	sadd.s32 $0x31C00, s1;
	s20 =	simm.s32 $0x8400;
	s23 =	simm.s32 $0x1  }
0x11: {  	s21 =	simm.s32 $0x7;
	s24 =	simm.s32 $0x8;
	[dreg:$0x7] =	wrdreg s25  }
0x12: {  	[dreg:$0x8] =	wrdreg s26;
	s25 =	simm.s32 $0xC400;
	s26 =	simm.s32 $0x2  }
.LBB2_1:
0x13: {  	s1 =	rddreg [dreg:$0x3]  }
0x14: {  	[tilespmem:s3], [sflag:$0x9] =	stream.linear.gather [hbm4b:s1+s3], $0x6400, $0x38;
	[tilespmem:$0xE400] =	vst v63  }
0x15: {  	_ =	swait.ge [sflag:s17], $0x6400  }
0x16: {  	[sflag:s17] =	ssyncset.done $0x0  }
0x17: {  	[sflag:s17] =	ssyncadd.s32 $0xFFFF9C00  }
0x18: {  	[tilespmem:s19], [sflag:$0x1] =	stream.indirect.gather [hbm4b:s4+s18], $0x40, s3, s18, $0xb8;
	[tilespmem:$0xE400] =	vst v63  }
0x19: {  	_ = 	snop  }
0x1a: {  	[tilespmem:s20], [sflag:$0x2] =	stream.indirect.gather [hbm4b:s4+s18], $0x40, s18, s18, $0xb8;
	[tilespmem:$0xE400] =	vst v63  }
0x1b: {  	s13 =	simm.s32 $0x100  }
0x1c: {  	[tilespmem:s22], [sflag:$0x3] =	stream.indirect.gather [hbm4b:s4+s18], $0x40, s13, s18, $0xb8;
	[tilespmem:$0xE400] =	vst v63  }
0x1d: {  	_ =	swait.ge [sflag:s23], $0x2000  }
0x1e: {  	[sflag:s23] =	ssyncset.done $0x0  }
0x1f: {  	s1 =	simm.s32 $0x6480;
	[sflag:s23] =	ssyncadd.s32 $0xFFFFE000  }
0x20: {  	v0 =	vld [tilespmem:s1+$0xFFFFFF80]  }
0x21: {  	v1 =	vld [tilespmem:s1+$0xFFFFFF90]  }
0x22: {  	v2 =	vld [tilespmem:s1+$0xFFFFFFA0]  }
0x23: {  	v3 =	vld [tilespmem:s1+$0xFFFFFFB0]  }
0x24: {  	v4 =	vld [tilespmem:s1+$0xFFFFFFC0]  }
0x25: {  	v5 =	vld [tilespmem:s1+$0xFFFFFFD0];
	v0 =	vmul.f32 $8.000000000e+00, v0  }
0x26: {  	v6 =	vld [tilespmem:s1+$0xFFFFFFE0];
	v1 =	vmul.f32 $8.000000000e+00, v1  }
0x27: {  	[tilespmem:s1+$0xFFFFFF80] =	vst v0;
	v0 =	vmul.f32 $8.000000000e+00, v2;
	v2 =	vld [tilespmem:s1+$0x0]  }
0x28: {  	[tilespmem:s1+$0xFFFFFF90] =	vst v1;
	v1 =	vmul.f32 $8.000000000e+00, v3;
	v3 =	vld [tilespmem:s1+$0x10]  }
0x29: {  	[tilespmem:s1+$0xFFFFFFA0] =	vst v0;
	v0 =	vmul.f32 $8.000000000e+00, v4;
	v4 =	vld [tilespmem:s1+$0x20]  }
0x2a: {  	v7 =	vld [tilespmem:s1+$0x30];
	[tilespmem:s1+$0xFFFFFFB0] =	vst v1;
	v1 =	vmul.f32 $8.000000000e+00, v5  }
0x2b: {  	v5 =	vmul.f32 $8.000000000e+00, v6;
	[tilespmem:s1+$0xFFFFFFC0] =	vst v0;
	v0 =	vld [tilespmem:s1+$0x40]  }
0x2c: {  	[tilespmem:s1+$0xFFFFFFD0] =	vst v1;
	v1 =	vld [tilespmem:s1+$0x50];
	v2 =	vmul.f32 $8.000000000e+00, v2  }
0x2d: {  	[tilespmem:s1+$0xFFFFFFE0] =	vst v5;
	v6 =	vmul.f32 $8.000000000e+00, v3;
	v3 =	vld [tilespmem:s1+$0x60]  }
0x2e: {  	[tilespmem:s1+$0x0] =	vst v2;
	v5 =	vmul.f32 $8.000000000e+00, v4;
	v4 =	vld [tilespmem:s1+$0x70]  }
0x2f: {  	s7 =	simm.s32 $0x0;
	s8 =	simm.s32 $0x6580;
	v2 =	vld [tilespmem:s1+$0xFFFFFFF0];
	[tilespmem:s1+$0x10] =	vst v6;
	v6 =	vmul.f32 $8.000000000e+00, v7  }
.LBB2_2:
0x30: {  	v7 =	vld [tilespmem:s8+$0xFFFFFF80];
	[tilespmem:s1+$0x20] =	vst v5;
	v0 =	vmul.f32 $8.000000000e+00, v0  }
0x31: {  	v5 =	vld [tilespmem:s8+$0xFFFFFF90];
	[tilespmem:s1+$0x30] =	vst v6;
	v1 =	vmul.f32 $8.000000000e+00, v1  }
0x32: {  	v6 =	vld [tilespmem:s8+$0xFFFFFFA0];
	[tilespmem:s1+$0x40] =	vst v0;
	v0 =	vmul.f32 $8.000000000e+00, v3  }
0x33: {  	v3 =	vld [tilespmem:s8+$0xFFFFFFB0];
	[tilespmem:s1+$0x50] =	vst v1;
	v1 =	vmul.f32 $8.000000000e+00, v4  }
0x34: {  	v4 =	vld [tilespmem:s8+$0xFFFFFFC0];
	v2 =	vmul.f32 $8.000000000e+00, v2;
	[tilespmem:s1+$0x60] =	vst v0  }
0x35: {  	v0 =	vmul.f32 $8.000000000e+00, v7;
	v7 =	vld [tilespmem:s8+$0xFFFFFFD0];
	[tilespmem:s1+$0x70] =	vst v1  }
0x36: {  	v1 =	vmul.f32 $8.000000000e+00, v5;
	v5 =	vld [tilespmem:s8+$0xFFFFFFE0];
	[tilespmem:s1+$0xFFFFFFF0] =	vst v2;
	s1 =	smov.u32 s8  }
0x37: {  	[tilespmem:s8+$0xFFFFFF80] =	vst v0;
	v0 =	vmul.f32 $8.000000000e+00, v6;
	v2 =	vld [tilespmem:s8+$0x0]  }
0x38: {  	[tilespmem:s8+$0xFFFFFF90] =	vst v1;
	v1 =	vmul.f32 $8.000000000e+00, v3;
	v3 =	vld [tilespmem:s8+$0x10]  }
0x39: {  	s7 =	sadd.s32 $0x4, s7;
	[tilespmem:s8+$0xFFFFFFA0] =	vst v0;
	v0 =	vmul.f32 $8.000000000e+00, v4;
	v4 =	vld [tilespmem:s8+$0x20]  }
0x3a: {  	p0 =	slt.u32 s7, $0x7C;
	[tilespmem:s8+$0xFFFFFFB0] =	vst v1;
	v1 =	vmul.f32 $8.000000000e+00, v7;
	v6 =	vld [tilespmem:s8+$0x30]  }
.Ltmp0:
0x3b: {  	[tilespmem:s8+$0xFFFFFFC0] =	vst v0;
	v5 =	vmul.f32 $8.000000000e+00, v5;
	v0 =	vld [tilespmem:s8+$0x40];
	(pc) =	sbr.rel @p0 .LBB2_2-.Ltmp0, $4  }
0x3c: {  	[tilespmem:s8+$0xFFFFFFD0] =	vst v1;
	v2 =	vmul.f32 $8.000000000e+00, v2;
	v1 =	vld [tilespmem:s8+$0x50]  }
0x3d: {  	[tilespmem:s8+$0xFFFFFFE0] =	vst v5;
	v7 =	vmul.f32 $8.000000000e+00, v3;
	v3 =	vld [tilespmem:s8+$0x60]  }
0x3e: {  	[tilespmem:s8+$0x0] =	vst v2;
	v5 =	vmul.f32 $8.000000000e+00, v4;
	v4 =	vld [tilespmem:s8+$0x70]  }
0x3f: {  	s8 =	sadd.s32 $0x100, s8;
	v2 =	vld [tilespmem:s1+$0xFFFFFFF0];
	[tilespmem:s1+$0x10] =	vst v7;
	v6 =	vmul.f32 $8.000000000e+00, v6  }
0x40: {  	[tilespmem:s1+$0x20] =	vst v5;
	v0 =	vmul.f32 $8.000000000e+00, v0  }
0x41: {  	[tilespmem:s1+$0x30] =	vst v6;
	v1 =	vmul.f32 $8.000000000e+00, v1  }
0x42: {  	[tilespmem:s1+$0x40] =	vst v0;
	v0 =	vmul.f32 $8.000000000e+00, v3  }
0x43: {  	[tilespmem:s1+$0x50] =	vst v1;
	v1 =	vmul.f32 $8.000000000e+00, v4  }
0x44: {  	v2 =	vmul.f32 $8.000000000e+00, v2;
	[tilespmem:s1+$0x60] =	vst v0  }
0x45: {  	[tilespmem:s1+$0x70] =	vst v1  }
0x46: {  	[tilespmem:s1+$0xFFFFFFF0] =	vst v2  }
0x47: {  	[hbm4b:s6+s3] =	stream.linear.scatter [tilespmem:s19], [sflag:$0x5], $0x2000, $0x38;
	[tilespmem:$0xE400] =	vst v63  }
0x48: {  	s13 =	simm.s32 $0x180  }
0x49: {  	[tilespmem:s25], [sflag:$0x4] =	stream.indirect.gather [hbm4b:s4+s18], $0x40, s13, s18, $0xb8;
	[tilespmem:$0xE400] =	vst v63  }
0x4a: {  	_ =	swait.ge [sflag:s26], $0x2000  }
0x4b: {  	[sflag:s26] =	ssyncset.done $0x0  }
0x4c: {  	s1 =	simm.s32 $0x84F0;
	[sflag:s26] =	ssyncadd.s32 $0xFFFFE000  }
0x4d: {  	v0 =	vld [tilespmem:s1+$0xFFFFFF10]  }
0x4e: {  	v1 =	vld [tilespmem:s1+$0xFFFFFF20]  }
0x4f: {  	v2 =	vld [tilespmem:s1+$0xFFFFFF30]  }
0x50: {  	v3 =	vld [tilespmem:s1+$0xFFFFFF40]  }
0x51: {  	v4 =	vld [tilespmem:s1+$0xFFFFFF50]  }
0x52: {  	v5 =	vld [tilespmem:s1+$0xFFFFFF60];
	v0 =	vmul.f32 $8.000000000e+00, v0  }
0x53: {  	v6 =	vld [tilespmem:s1+$0xFFFFFF70];
	v1 =	vmul.f32 $8.000000000e+00, v1  }
0x54: {  	[tilespmem:s1+$0xFFFFFF10] =	vst v0;
	v0 =	vmul.f32 $8.000000000e+00, v2;
	v2 =	vld [tilespmem:s1+$0xFFFFFF80]  }
0x55: {  	[tilespmem:s1+$0xFFFFFF20] =	vst v1;
	v1 =	vmul.f32 $8.000000000e+00, v3;
	v3 =	vld [tilespmem:s1+$0xFFFFFF90]  }
0x56: {  	[tilespmem:s1+$0xFFFFFF30] =	vst v0;
	v0 =	vmul.f32 $8.000000000e+00, v4;
	v4 =	vld [tilespmem:s1+$0xFFFFFFA0]  }
0x57: {  	v7 =	vld [tilespmem:s1+$0xFFFFFFB0];
	[tilespmem:s1+$0xFFFFFF40] =	vst v1;
	v1 =	vmul.f32 $8.000000000e+00, v5  }
0x58: {  	v5 =	vmul.f32 $8.000000000e+00, v6;
	[tilespmem:s1+$0xFFFFFF50] =	vst v0;
	v0 =	vld [tilespmem:s1+$0xFFFFFFC0]  }
0x59: {  	[tilespmem:s1+$0xFFFFFF60] =	vst v1;
	v1 =	vld [tilespmem:s1+$0xFFFFFFD0];
	v6 =	vmul.f32 $8.000000000e+00, v2  }
0x5a: {  	[tilespmem:s1+$0xFFFFFF70] =	vst v5;
	v8 =	vmul.f32 $8.000000000e+00, v3;
	v2 =	vld [tilespmem:s1+$0xFFFFFFE0]  }
0x5b: {  	v3 =	vld [tilespmem:s1+$0x0];
	[tilespmem:s1+$0xFFFFFF80] =	vst v6;
	v5 =	vmul.f32 $8.000000000e+00, v4  }
0x5c: {  	s7 =	simm.s32 $0x0;
	s8 =	simm.s32 $0x85F0;
	[tilespmem:s1+$0xFFFFFF90] =	vst v8;
	v6 =	vmul.f32 $8.000000000e+00, v7;
	v4 =	vld [tilespmem:s1+$0xFFFFFFF0]  }
.LBB2_4:
0x5d: {  	v7 =	vld [tilespmem:s8+$0xFFFFFF10];
	[tilespmem:s1+$0xFFFFFFA0] =	vst v5;
	v0 =	vmul.f32 $8.000000000e+00, v0  }
0x5e: {  	v5 =	vld [tilespmem:s8+$0xFFFFFF20];
	[tilespmem:s1+$0xFFFFFFB0] =	vst v6;
	v1 =	vmul.f32 $8.000000000e+00, v1  }
0x5f: {  	v6 =	vld [tilespmem:s8+$0xFFFFFF30];
	[tilespmem:s1+$0xFFFFFFC0] =	vst v0;
	v0 =	vmul.f32 $8.000000000e+00, v2  }
0x60: {  	v2 =	vld [tilespmem:s8+$0xFFFFFF40];
	[tilespmem:s1+$0xFFFFFFD0] =	vst v1;
	v1 =	vmul.f32 $8.000000000e+00, v3  }
0x61: {  	v3 =	vld [tilespmem:s8+$0xFFFFFF50];
	[tilespmem:s1+$0xFFFFFFE0] =	vst v0;
	v0 =	vmul.f32 $8.000000000e+00, v4  }
0x62: {  	v4 =	vmul.f32 $8.000000000e+00, v7;
	v7 =	vld [tilespmem:s8+$0xFFFFFF60];
	[tilespmem:s1+$0x0] =	vst v1  }
0x63: {  	v1 =	vmul.f32 $8.000000000e+00, v5;
	v5 =	vld [tilespmem:s8+$0xFFFFFF70];
	[tilespmem:s1+$0xFFFFFFF0] =	vst v0;
	s1 =	smov.u32 s8  }
0x64: {  	[tilespmem:s8+$0xFFFFFF10] =	vst v4;
	v0 =	vmul.f32 $8.000000000e+00, v6;
	v4 =	vld [tilespmem:s8+$0xFFFFFF80]  }
0x65: {  	[tilespmem:s8+$0xFFFFFF20] =	vst v1;
	v1 =	vmul.f32 $8.000000000e+00, v2;
	v2 =	vld [tilespmem:s8+$0xFFFFFF90]  }
0x66: {  	s7 =	sadd.s32 $0x4, s7;
	[tilespmem:s8+$0xFFFFFF30] =	vst v0;
	v0 =	vmul.f32 $8.000000000e+00, v3;
	v3 =	vld [tilespmem:s8+$0xFFFFFFA0]  }
0x67: {  	p0 =	slt.u32 s7, $0x7C;
	[tilespmem:s8+$0xFFFFFF40] =	vst v1;
	v1 =	vmul.f32 $8.000000000e+00, v7;
	v6 =	vld [tilespmem:s8+$0xFFFFFFB0]  }
.Ltmp1:
0x68: {  	[tilespmem:s8+$0xFFFFFF50] =	vst v0;
	v5 =	vmul.f32 $8.000000000e+00, v5;
	v0 =	vld [tilespmem:s8+$0xFFFFFFC0];
	(pc) =	sbr.rel @p0 .LBB2_4-.Ltmp1, $4  }
0x69: {  	[tilespmem:s8+$0xFFFFFF60] =	vst v1;
	v4 =	vmul.f32 $8.000000000e+00, v4;
	v1 =	vld [tilespmem:s8+$0xFFFFFFD0]  }
0x6a: {  	[tilespmem:s8+$0xFFFFFF70] =	vst v5;
	v7 =	vmul.f32 $8.000000000e+00, v2;
	v2 =	vld [tilespmem:s8+$0xFFFFFFE0]  }
0x6b: {  	[tilespmem:s8+$0xFFFFFF80] =	vst v4;
	v5 =	vmul.f32 $8.000000000e+00, v3;
	v3 =	vld [tilespmem:s8+$0x0]  }
0x6c: {  	s8 =	sadd.s32 $0x100, s8;
	[tilespmem:s1+$0xFFFFFF90] =	vst v7;
	v6 =	vmul.f32 $8.000000000e+00, v6;
	v4 =	vld [tilespmem:s1+$0xFFFFFFF0]  }
0x6d: {  	[tilespmem:s1+$0xFFFFFFA0] =	vst v5;
	v0 =	vmul.f32 $8.000000000e+00, v0  }
0x6e: {  	[tilespmem:s1+$0xFFFFFFB0] =	vst v6;
	v1 =	vmul.f32 $8.000000000e+00, v1  }
0x6f: {  	[tilespmem:s1+$0xFFFFFFC0] =	vst v0;
	v0 =	vmul.f32 $8.000000000e+00, v2  }
0x70: {  	[tilespmem:s1+$0xFFFFFFD0] =	vst v1;
	v1 =	vmul.f32 $8.000000000e+00, v3  }
0x71: {  	[tilespmem:s1+$0xFFFFFFE0] =	vst v0;
	v0 =	vmul.f32 $8.000000000e+00, v4  }
0x72: {  	[tilespmem:s1+$0x0] =	vst v1  }
0x73: {  	s12 =	rddreg [dreg:$0x4];
	[tilespmem:s1+$0xFFFFFFF0] =	vst v0  }
0x74: {  	[hbm4b:s12+s3] =	stream.linear.scatter [tilespmem:s20], [sflag:$0x6], $0x2000, $0x38;
	[tilespmem:$0xE400] =	vst v63  }
0x75: {  	_ =	swait.ge [sflag:s28], $0x2000  }
0x76: {  	[sflag:s28] =	ssyncset.done $0x0  }
0x77: {  	s13 =	simm.s32 $0x200;
	[sflag:s28] =	ssyncadd.s32 $0xFFFFE000  }
0x78: {  	[tilespmem:s19], [sflag:$0x1] =	stream.indirect.gather [hbm4b:s4+s18], $0x40, s13, s18, $0xb8;
	[tilespmem:$0xE400] =	vst v63  }
0x79: {  	_ =	swait.ge [sflag:s30], $0x2000  }
0x7a: {  	[sflag:s30] =	ssyncset.done $0x0  }
0x7b: {  	s1 =	simm.s32 $0xA400;
	[sflag:s30] =	ssyncadd.s32 $0xFFFFE000  }
0x7c: {  	v1 =	vld [tilespmem:s1+$0xA0]  }
0x7d: {  	v2 =	vld [tilespmem:s1+$0x40]  }
0x7e: {  	v3 =	vld [tilespmem:s1+$0xE0]  }
0x7f: {  	v4 =	vld [tilespmem:s1+$0xD0]  }
0x80: {  	v5 =	vld [tilespmem:s1+$0x20]  }
0x81: {  	v0 =	vld [tilespmem:s1+$0x90]  }
0x82: {  	v8 =	vld [tilespmem:s1+$0xC0]  }
0x83: {  	v7 =	vld [tilespmem:s1+$0x10]  }
0x84: {  	v9 =	vld [tilespmem:s1+$0x0];
	v1 =	vmul.f32 $8.000000000e+00, v1  }
0x85: {  	v11 =	vld [tilespmem:s1+$0x50];
	v4 =	vmul.f32 $8.000000000e+00, v4  }
0x86: {  	v10 =	vld [tilespmem:s1+$0xB0];
	v12 =	vmul.f32 $8.000000000e+00, v5;
	[tilespmem:s1+$0xA0] =	vst v1  }
0x87: {  	v6 =	vld [tilespmem:s1+$0xF0];
	v13 =	vmul.f32 $8.000000000e+00, v8;
	[tilespmem:s1+$0xD0] =	vst v4  }
0x88: {  	v1 =	vmul.f32 $8.000000000e+00, v2;
	v2 =	vmul.f32 $8.000000000e+00, v3;
	v3 =	vld [tilespmem:s1+$0x80];
	[tilespmem:s1+$0x20] =	vst v12  }
0x89: {  	v4 =	vld [tilespmem:s1+$0x70];
	[tilespmem:s1+$0xC0] =	vst v13  }
0x8a: {  	v8 =	vmul.f32 $8.000000000e+00, v9;
	v5 =	vld [tilespmem:s1+$0x60];
	v9 =	vmul.f32 $8.000000000e+00, v11;
	[tilespmem:s1+$0x40] =	vst v1  }
0x8b: {  	s7 =	simm.s32 $0x0;
	s8 =	simm.s32 $0xA500;
	[tilespmem:s1+$0xE0] =	vst v2;
	v1 =	vmul.f32 $8.000000000e+00, v7;
	v7 =	vld [tilespmem:s1+$0x30];
	v2 =	vmul.f32 $8.000000000e+00, v10  }
.LBB2_6:
0x8c: {  	v10 =	vld [tilespmem:s8+$0xA0];
	s7 =	sadd.s32 $0x4, s7;
	[tilespmem:s1+$0x0] =	vst v8;
	v0 =	vmul.f32 $8.000000000e+00, v0;
	v6 =	vmul.f32 $8.000000000e+00, v6  }
0x8d: {  	v8 =	vld [tilespmem:s8+$0x40];
	p0 =	slt.u32 s7, $0x7C;
	[tilespmem:s1+$0x50] =	vst v9;
	v3 =	vmul.f32 $8.000000000e+00, v3  }
0x8e: {  	v9 =	vld [tilespmem:s8+$0xE0];
	v4 =	vmul.f32 $8.000000000e+00, v4;
	[tilespmem:s1+$0xF0] =	vst v6  }
0x8f: {  	v11 =	vld [tilespmem:s8+$0x20];
	v5 =	vmul.f32 $8.000000000e+00, v5;
	[tilespmem:s1+$0x80] =	vst v3  }
0x90: {  	v3 =	vld [tilespmem:s8+$0xD0];
	v6 =	vmul.f32 $8.000000000e+00, v7;
	[tilespmem:s1+$0x90] =	vst v0  }
0x91: {  	v0 =	vld [tilespmem:s8+$0x90];
	v7 =	vmul.f32 $8.000000000e+00, v10;
	[tilespmem:s1+$0x10] =	vst v1  }
0x92: {  	v1 =	vld [tilespmem:s8+$0x10];
	[tilespmem:s1+$0x30] =	vst v6  }
0x93: {  	v10 =	vld [tilespmem:s8+$0xC0];
	v9 =	vmul.f32 $8.000000000e+00, v9;
	[tilespmem:s1+$0xB0] =	vst v2  }
0x94: {  	v2 =	vld [tilespmem:s8+$0x0];
	[tilespmem:s1+$0x70] =	vst v4  }
0x95: {  	v12 =	vld [tilespmem:s8+$0xB0];
	v3 =	vmul.f32 $8.000000000e+00, v3;
	[tilespmem:s1+$0x60] =	vst v5;
	s1 =	smov.u32 s8  }
0x96: {  	v13 =	vld [tilespmem:s8+$0x50];
	[tilespmem:s8+$0xA0] =	vst v7  }
.Ltmp2:
0x97: {  	v4 =	vmul.f32 $8.000000000e+00, v8;
	[tilespmem:s8+$0xD0] =	vst v3;
	v6 =	vld [tilespmem:s8+$0xF0];
	(pc) =	sbr.rel @p0 .LBB2_6-.Ltmp2, $4  }
0x98: {  	v3 =	vld [tilespmem:s8+$0x80];
	v7 =	vmul.f32 $8.000000000e+00, v10;
	[tilespmem:s8+$0xE0] =	vst v9  }
0x99: {  	v9 =	vmul.f32 $8.000000000e+00, v11;
	[tilespmem:s8+$0x40] =	vst v4;
	v4 =	vld [tilespmem:s8+$0x70]  }
0x9a: {  	v1 =	vmul.f32 $8.000000000e+00, v1;
	v8 =	vmul.f32 $8.000000000e+00, v2;
	v5 =	vld [tilespmem:s8+$0x60];
	[tilespmem:s8+$0xC0] =	vst v7  }
0x9b: {  	v2 =	vmul.f32 $8.000000000e+00, v12;
	s8 =	sadd.s32 $0x100, s8;
	[tilespmem:s1+$0x20] =	vst v9;
	v7 =	vld [tilespmem:s1+$0x30];
	v9 =	vmul.f32 $8.000000000e+00, v13  }
0x9c: {  	[tilespmem:s1+$0x0] =	vst v8  }
0x9d: {  	[tilespmem:s1+$0x10] =	vst v1  }
0x9e: {  	v6 =	vmul.f32 $8.000000000e+00, v6;
	[tilespmem:s1+$0x50] =	vst v9  }
0x9f: {  	v0 =	vmul.f32 $8.000000000e+00, v0;
	[tilespmem:s1+$0xB0] =	vst v2  }
0xa0: {  	v3 =	vmul.f32 $8.000000000e+00, v3;
	[tilespmem:s1+$0xF0] =	vst v6  }
0xa1: {  	[tilespmem:s1+$0x90] =	vst v0;
	v0 =	vmul.f32 $8.000000000e+00, v4  }
0xa2: {  	[tilespmem:s1+$0x80] =	vst v3;
	v1 =	vmul.f32 $8.000000000e+00, v5  }
0xa3: {  	v3 =	vmul.f32 $8.000000000e+00, v7;
	[tilespmem:s1+$0x70] =	vst v0  }
0xa4: {  	[tilespmem:s1+$0x60] =	vst v1  }
0xa5: {  	s12 =	rddreg [dreg:$0x5];
	[tilespmem:s1+$0x30] =	vst v3  }
0xa6: {  	[hbm4b:s12+s3] =	stream.linear.scatter [tilespmem:s22], [sflag:$0x7], $0x2000, $0x38;
	[tilespmem:$0xE400] =	vst v63  }
0xa7: {  	_ =	swait.ge [sflag:s31], $0x2000  }
0xa8: {  	[sflag:s31] =	ssyncset.done $0x0  }
0xa9: {  	s13 =	simm.s32 $0x280;
	[sflag:s31] =	ssyncadd.s32 $0xFFFFE000  }
0xaa: {  	[tilespmem:s20], [sflag:$0x2] =	stream.indirect.gather [hbm4b:s4+s18], $0x40, s13, s18, $0xb8;
	[tilespmem:$0xE400] =	vst v63  }
0xab: {  	_ =	swait.ge [sflag:s0], $0x2000  }
0xac: {  	[sflag:s0] =	ssyncset.done $0x0  }
0xad: {  	s1 =	simm.s32 $0xC400;
	[sflag:s0] =	ssyncadd.s32 $0xFFFFE000  }
0xae: {  	v1 =	vld [tilespmem:s1+$0xA0]  }
0xaf: {  	v2 =	vld [tilespmem:s1+$0x40]  }
0xb0: {  	v3 =	vld [tilespmem:s1+$0xE0]  }
0xb1: {  	v4 =	vld [tilespmem:s1+$0xD0]  }
0xb2: {  	v5 =	vld [tilespmem:s1+$0x20]  }
0xb3: {  	v0 =	vld [tilespmem:s1+$0x90]  }
0xb4: {  	v8 =	vld [tilespmem:s1+$0xC0]  }
0xb5: {  	v7 =	vld [tilespmem:s1+$0x10]  }
0xb6: {  	v9 =	vld [tilespmem:s1+$0x0];
	v1 =	vmul.f32 $8.000000000e+00, v1  }
0xb7: {  	v11 =	vld [tilespmem:s1+$0x50];
	v4 =	vmul.f32 $8.000000000e+00, v4  }
0xb8: {  	v10 =	vld [tilespmem:s1+$0xB0];
	v12 =	vmul.f32 $8.000000000e+00, v5;
	[tilespmem:s1+$0xA0] =	vst v1  }
0xb9: {  	v6 =	vld [tilespmem:s1+$0xF0];
	v13 =	vmul.f32 $8.000000000e+00, v8;
	[tilespmem:s1+$0xD0] =	vst v4  }
0xba: {  	v1 =	vmul.f32 $8.000000000e+00, v2;
	v2 =	vmul.f32 $8.000000000e+00, v3;
	v3 =	vld [tilespmem:s1+$0x80];
	[tilespmem:s1+$0x20] =	vst v12  }
0xbb: {  	v4 =	vld [tilespmem:s1+$0x70];
	[tilespmem:s1+$0xC0] =	vst v13  }
0xbc: {  	v8 =	vmul.f32 $8.000000000e+00, v9;
	v5 =	vld [tilespmem:s1+$0x60];
	v9 =	vmul.f32 $8.000000000e+00, v11;
	[tilespmem:s1+$0x40] =	vst v1  }
0xbd: {  	s7 =	simm.s32 $0x0;
	s8 =	simm.s32 $0xC500;
	[tilespmem:s1+$0xE0] =	vst v2;
	v1 =	vmul.f32 $8.000000000e+00, v7;
	v7 =	vld [tilespmem:s1+$0x30];
	v2 =	vmul.f32 $8.000000000e+00, v10  }
.LBB2_8:
0xbe: {  	v10 =	vld [tilespmem:s8+$0xA0];
	s7 =	sadd.s32 $0x4, s7;
	[tilespmem:s1+$0x0] =	vst v8;
	v0 =	vmul.f32 $8.000000000e+00, v0;
	v6 =	vmul.f32 $8.000000000e+00, v6  }
0xbf: {  	v8 =	vld [tilespmem:s8+$0x40];
	p0 =	slt.u32 s7, $0x7C;
	[tilespmem:s1+$0x50] =	vst v9;
	v3 =	vmul.f32 $8.000000000e+00, v3  }
0xc0: {  	v9 =	vld [tilespmem:s8+$0xE0];
	v4 =	vmul.f32 $8.000000000e+00, v4;
	[tilespmem:s1+$0xF0] =	vst v6  }
0xc1: {  	v11 =	vld [tilespmem:s8+$0x20];
	v5 =	vmul.f32 $8.000000000e+00, v5;
	[tilespmem:s1+$0x80] =	vst v3  }
0xc2: {  	v3 =	vld [tilespmem:s8+$0xD0];
	v6 =	vmul.f32 $8.000000000e+00, v7;
	[tilespmem:s1+$0x90] =	vst v0  }
0xc3: {  	v0 =	vld [tilespmem:s8+$0x90];
	v7 =	vmul.f32 $8.000000000e+00, v10;
	[tilespmem:s1+$0x10] =	vst v1  }
0xc4: {  	v1 =	vld [tilespmem:s8+$0x10];
	[tilespmem:s1+$0x30] =	vst v6  }
0xc5: {  	v10 =	vld [tilespmem:s8+$0xC0];
	v9 =	vmul.f32 $8.000000000e+00, v9;
	[tilespmem:s1+$0xB0] =	vst v2  }
0xc6: {  	v2 =	vld [tilespmem:s8+$0x0];
	[tilespmem:s1+$0x70] =	vst v4  }
0xc7: {  	v12 =	vld [tilespmem:s8+$0xB0];
	v3 =	vmul.f32 $8.000000000e+00, v3;
	[tilespmem:s1+$0x60] =	vst v5;
	s1 =	smov.u32 s8  }
0xc8: {  	v13 =	vld [tilespmem:s8+$0x50];
	[tilespmem:s8+$0xA0] =	vst v7  }
.Ltmp3:
0xc9: {  	v4 =	vmul.f32 $8.000000000e+00, v8;
	[tilespmem:s8+$0xD0] =	vst v3;
	v6 =	vld [tilespmem:s8+$0xF0];
	(pc) =	sbr.rel @p0 .LBB2_8-.Ltmp3, $4  }
0xca: {  	v3 =	vld [tilespmem:s8+$0x80];
	v7 =	vmul.f32 $8.000000000e+00, v10;
	[tilespmem:s8+$0xE0] =	vst v9  }
0xcb: {  	v9 =	vmul.f32 $8.000000000e+00, v11;
	[tilespmem:s8+$0x40] =	vst v4;
	v4 =	vld [tilespmem:s8+$0x70]  }
0xcc: {  	v1 =	vmul.f32 $8.000000000e+00, v1;
	v8 =	vmul.f32 $8.000000000e+00, v2;
	v5 =	vld [tilespmem:s8+$0x60];
	[tilespmem:s8+$0xC0] =	vst v7  }
0xcd: {  	v2 =	vmul.f32 $8.000000000e+00, v12;
	s8 =	sadd.s32 $0x100, s8;
	[tilespmem:s1+$0x20] =	vst v9;
	v7 =	vld [tilespmem:s1+$0x30];
	v9 =	vmul.f32 $8.000000000e+00, v13  }
0xce: {  	[tilespmem:s1+$0x0] =	vst v8  }
0xcf: {  	[tilespmem:s1+$0x10] =	vst v1  }
0xd0: {  	v6 =	vmul.f32 $8.000000000e+00, v6;
	[tilespmem:s1+$0x50] =	vst v9  }
0xd1: {  	v0 =	vmul.f32 $8.000000000e+00, v0;
	[tilespmem:s1+$0xB0] =	vst v2  }
0xd2: {  	v3 =	vmul.f32 $8.000000000e+00, v3;
	[tilespmem:s1+$0xF0] =	vst v6  }
0xd3: {  	[tilespmem:s1+$0x90] =	vst v0;
	v62 =	vmul.f32 $8.000000000e+00, v4  }
0xd4: {  	[tilespmem:s1+$0x80] =	vst v3;
	v63 =	vmul.f32 $8.000000000e+00, v5  }
0xd5: {  	v61 =	vmul.f32 $8.000000000e+00, v7;
	[tilespmem:s1+$0x70] =	vst v62  }
0xd6: {  	[tilespmem:s1+$0x60] =	vst v63  }
0xd7: {  	s13 =	rddreg [dreg:$0x6];
	[tilespmem:s1+$0x30] =	vst v61;
	s1 =	simm.s32 $0x1  }
0xd8: {  	[hbm4b:s13+s3] =	stream.linear.scatter [tilespmem:s25], [sflag:$0x8], $0x2000, $0x38;
	[tilespmem:$0xE400] =	vst v63  }
.LBB2_10:
0xd9: {  	s9 =	sshll.u32 s1, $0x2  }
0xda: {  	_ =	swait.ge [sflag:s21], $0x2000;
	s7 =	sor.u32 $0x2, s9  }
0xdb: {  	[sflag:s21] =	ssyncset.done $0x0;
	s8 =	sshll.u32 s7, $0x7  }
0xdc: {  	[sflag:s21] =	ssyncadd.s32 $0xFFFFE000;
	s8 =	sand.u32 $0x3FFFFF00, s8  }
0xdd: {  	[tilespmem:s22], [sflag:$0x3] =	stream.indirect.gather [hbm4b:s4+s18], $0x40, s8, s18, $0xb8;
	[tilespmem:$0xE400] =	vst v63  }
0xde: {  	_ =	swait.ge [sflag:s23], $0x2000  }
0xdf: {  	[sflag:s23] =	ssyncset.done $0x0  }
0xe0: {  	s8 =	simm.s32 $0x6480;
	[sflag:s23] =	ssyncadd.s32 $0xFFFFE000  }
0xe1: {  	v0 =	vld [tilespmem:s8+$0xFFFFFF80]  }
0xe2: {  	v1 =	vld [tilespmem:s8+$0xFFFFFF90]  }
0xe3: {  	v2 =	vld [tilespmem:s8+$0xFFFFFFA0]  }
0xe4: {  	v3 =	vld [tilespmem:s8+$0xFFFFFFB0]  }
0xe5: {  	v4 =	vld [tilespmem:s8+$0xFFFFFFC0]  }
0xe6: {  	v5 =	vld [tilespmem:s8+$0xFFFFFFD0];
	v0 =	vmul.f32 $8.000000000e+00, v0  }
0xe7: {  	v6 =	vld [tilespmem:s8+$0xFFFFFFE0];
	v1 =	vmul.f32 $8.000000000e+00, v1  }
0xe8: {  	[tilespmem:s8+$0xFFFFFF80] =	vst v0;
	v0 =	vmul.f32 $8.000000000e+00, v2;
	v2 =	vld [tilespmem:s8+$0x0]  }
0xe9: {  	[tilespmem:s8+$0xFFFFFF90] =	vst v1;
	v1 =	vmul.f32 $8.000000000e+00, v3;
	v3 =	vld [tilespmem:s8+$0x10]  }
0xea: {  	[tilespmem:s8+$0xFFFFFFA0] =	vst v0;
	v0 =	vmul.f32 $8.000000000e+00, v4;
	v4 =	vld [tilespmem:s8+$0x20]  }
0xeb: {  	v7 =	vld [tilespmem:s8+$0x30];
	[tilespmem:s8+$0xFFFFFFB0] =	vst v1;
	v1 =	vmul.f32 $8.000000000e+00, v5  }
0xec: {  	v5 =	vmul.f32 $8.000000000e+00, v6;
	[tilespmem:s8+$0xFFFFFFC0] =	vst v0;
	v0 =	vld [tilespmem:s8+$0x40]  }
0xed: {  	[tilespmem:s8+$0xFFFFFFD0] =	vst v1;
	v1 =	vmul.f32 $8.000000000e+00, v2;
	v2 =	vld [tilespmem:s8+$0x50]  }
0xee: {  	[tilespmem:s8+$0xFFFFFFE0] =	vst v5;
	v6 =	vmul.f32 $8.000000000e+00, v3;
	v3 =	vld [tilespmem:s8+$0x60]  }
0xef: {  	[tilespmem:s8+$0x0] =	vst v1;
	v5 =	vmul.f32 $8.000000000e+00, v4;
	v4 =	vld [tilespmem:s8+$0x70]  }
0xf0: {  	s10 =	simm.s32 $0x0;
	s12 =	simm.s32 $0x6580;
	v1 =	vld [tilespmem:s8+$0xFFFFFFF0];
	[tilespmem:s8+$0x10] =	vst v6;
	v6 =	vmul.f32 $8.000000000e+00, v7  }
.LBB2_11:
0xf1: {  	v7 =	vld [tilespmem:s12+$0xFFFFFF80];
	[tilespmem:s8+$0x20] =	vst v5;
	v0 =	vmul.f32 $8.000000000e+00, v0  }
0xf2: {  	v5 =	vld [tilespmem:s12+$0xFFFFFF90];
	[tilespmem:s8+$0x30] =	vst v6;
	v2 =	vmul.f32 $8.000000000e+00, v2  }
0xf3: {  	v6 =	vld [tilespmem:s12+$0xFFFFFFA0];
	[tilespmem:s8+$0x40] =	vst v0;
	v0 =	vmul.f32 $8.000000000e+00, v3  }
0xf4: {  	v3 =	vld [tilespmem:s12+$0xFFFFFFB0];
	[tilespmem:s8+$0x50] =	vst v2;
	v2 =	vmul.f32 $8.000000000e+00, v4  }
0xf5: {  	v4 =	vld [tilespmem:s12+$0xFFFFFFC0];
	v1 =	vmul.f32 $8.000000000e+00, v1;
	[tilespmem:s8+$0x60] =	vst v0  }
0xf6: {  	v0 =	vmul.f32 $8.000000000e+00, v7;
	v7 =	vld [tilespmem:s12+$0xFFFFFFD0];
	[tilespmem:s8+$0x70] =	vst v2  }
0xf7: {  	v2 =	vmul.f32 $8.000000000e+00, v5;
	v5 =	vld [tilespmem:s12+$0xFFFFFFE0];
	[tilespmem:s8+$0xFFFFFFF0] =	vst v1;
	s8 =	smov.u32 s12  }
0xf8: {  	[tilespmem:s12+$0xFFFFFF80] =	vst v0;
	v0 =	vmul.f32 $8.000000000e+00, v6;
	v1 =	vld [tilespmem:s12+$0x0]  }
0xf9: {  	[tilespmem:s12+$0xFFFFFF90] =	vst v2;
	v2 =	vmul.f32 $8.000000000e+00, v3;
	v3 =	vld [tilespmem:s12+$0x10]  }
0xfa: {  	s10 =	sadd.s32 $0x4, s10;
	[tilespmem:s12+$0xFFFFFFA0] =	vst v0;
	v0 =	vmul.f32 $8.000000000e+00, v4;
	v4 =	vld [tilespmem:s12+$0x20]  }
0xfb: {  	p0 =	slt.u32 s10, $0x7C;
	[tilespmem:s12+$0xFFFFFFB0] =	vst v2;
	v2 =	vmul.f32 $8.000000000e+00, v7;
	v6 =	vld [tilespmem:s12+$0x30]  }
.Ltmp4:
0xfc: {  	[tilespmem:s12+$0xFFFFFFC0] =	vst v0;
	v5 =	vmul.f32 $8.000000000e+00, v5;
	v0 =	vld [tilespmem:s12+$0x40];
	(pc) =	sbr.rel @p0 .LBB2_11-.Ltmp4, $4  }
0xfd: {  	[tilespmem:s12+$0xFFFFFFD0] =	vst v2;
	v1 =	vmul.f32 $8.000000000e+00, v1;
	v2 =	vld [tilespmem:s12+$0x50]  }
0xfe: {  	[tilespmem:s12+$0xFFFFFFE0] =	vst v5;
	v7 =	vmul.f32 $8.000000000e+00, v3;
	v3 =	vld [tilespmem:s12+$0x60]  }
0xff: {  	[tilespmem:s12+$0x0] =	vst v1;
	v5 =	vmul.f32 $8.000000000e+00, v4;
	v4 =	vld [tilespmem:s12+$0x70]  }
0x100: {  	s12 =	sadd.s32 $0x100, s12;
	v1 =	vld [tilespmem:s8+$0xFFFFFFF0];
	[tilespmem:s8+$0x10] =	vst v7;
	v6 =	vmul.f32 $8.000000000e+00, v6  }
0x101: {  	[tilespmem:s8+$0x20] =	vst v5;
	v0 =	vmul.f32 $8.000000000e+00, v0  }
0x102: {  	[tilespmem:s8+$0x30] =	vst v6;
	v2 =	vmul.f32 $8.000000000e+00, v2  }
0x103: {  	[tilespmem:s8+$0x40] =	vst v0;
	v0 =	vmul.f32 $8.000000000e+00, v3  }
0x104: {  	s10 =	sadd.s32 s5, s9;
	[tilespmem:s8+$0x50] =	vst v2;
	v2 =	vmul.f32 $8.000000000e+00, v4  }
0x105: {  	s10 =	sshll.u32 s10, $0xA;
	v1 =	vmul.f32 $8.000000000e+00, v1;
	[tilespmem:s8+$0x60] =	vst v0  }
0x106: {  	s10 =	sand.u32 $0x1FFFF000, s10;
	[tilespmem:s8+$0x70] =	vst v2  }
0x107: {  	s12 =	sadd.s32 s2, s10;
	[tilespmem:s8+$0xFFFFFFF0] =	vst v1  }
0x108: {  	[hbm4b:s12+s3] =	stream.linear.scatter [tilespmem:s19], [sflag:$0x5], $0x2000, $0x38;
	[tilespmem:$0xE400] =	vst v63  }
0x109: {  	s8 =	sor.u32 $0x3, s9;
	_ =	swait.ge [sflag:s24], $0x2000  }
0x10a: {  	s13 =	sshll.u32 s8, $0x7;
	[sflag:s24] =	ssyncset.done $0x0  }
0x10b: {  	s10 =	sand.u32 $0x3FFFFF80, s13;
	[sflag:s24] =	ssyncadd.s32 $0xFFFFE000  }
0x10c: {  	[tilespmem:s25], [sflag:$0x4] =	stream.indirect.gather [hbm4b:s4+s18], $0x40, s10, s18, $0xb8;
	[tilespmem:$0xE400] =	vst v63  }
0x10d: {  	_ =	swait.ge [sflag:s26], $0x2000  }
0x10e: {  	[sflag:s26] =	ssyncset.done $0x0  }
0x10f: {  	s10 =	simm.s32 $0x84F0;
	[sflag:s26] =	ssyncadd.s32 $0xFFFFE000  }
0x110: {  	v0 =	vld [tilespmem:s10+$0xFFFFFF10]  }
0x111: {  	v1 =	vld [tilespmem:s10+$0xFFFFFF20]  }
0x112: {  	v2 =	vld [tilespmem:s10+$0xFFFFFF30]  }
0x113: {  	v3 =	vld [tilespmem:s10+$0xFFFFFF40]  }
0x114: {  	v4 =	vld [tilespmem:s10+$0xFFFFFF50]  }
0x115: {  	v5 =	vld [tilespmem:s10+$0xFFFFFF60];
	v0 =	vmul.f32 $8.000000000e+00, v0  }
0x116: {  	v6 =	vld [tilespmem:s10+$0xFFFFFF70];
	v1 =	vmul.f32 $8.000000000e+00, v1  }
0x117: {  	[tilespmem:s10+$0xFFFFFF10] =	vst v0;
	v0 =	vmul.f32 $8.000000000e+00, v2;
	v2 =	vld [tilespmem:s10+$0xFFFFFF80]  }
0x118: {  	[tilespmem:s10+$0xFFFFFF20] =	vst v1;
	v1 =	vmul.f32 $8.000000000e+00, v3;
	v3 =	vld [tilespmem:s10+$0xFFFFFF90]  }
0x119: {  	[tilespmem:s10+$0xFFFFFF30] =	vst v0;
	v0 =	vmul.f32 $8.000000000e+00, v4;
	v4 =	vld [tilespmem:s10+$0xFFFFFFA0]  }
0x11a: {  	v7 =	vld [tilespmem:s10+$0xFFFFFFB0];
	[tilespmem:s10+$0xFFFFFF40] =	vst v1;
	v1 =	vmul.f32 $8.000000000e+00, v5  }
0x11b: {  	v5 =	vmul.f32 $8.000000000e+00, v6;
	[tilespmem:s10+$0xFFFFFF50] =	vst v0;
	v0 =	vld [tilespmem:s10+$0xFFFFFFC0]  }
0x11c: {  	[tilespmem:s10+$0xFFFFFF60] =	vst v1;
	v1 =	vld [tilespmem:s10+$0xFFFFFFD0];
	v6 =	vmul.f32 $8.000000000e+00, v2  }
0x11d: {  	[tilespmem:s10+$0xFFFFFF70] =	vst v5;
	v8 =	vmul.f32 $8.000000000e+00, v3;
	v2 =	vld [tilespmem:s10+$0xFFFFFFE0]  }
0x11e: {  	v3 =	vld [tilespmem:s10+$0x0];
	[tilespmem:s10+$0xFFFFFF80] =	vst v6;
	v5 =	vmul.f32 $8.000000000e+00, v4  }
0x11f: {  	s12 =	simm.s32 $0x0;
	s13 =	simm.s32 $0x85F0;
	[tilespmem:s10+$0xFFFFFF90] =	vst v8;
	v6 =	vmul.f32 $8.000000000e+00, v7;
	v4 =	vld [tilespmem:s10+$0xFFFFFFF0]  }
.LBB2_13:
0x120: {  	v7 =	vld [tilespmem:s13+$0xFFFFFF10];
	[tilespmem:s10+$0xFFFFFFA0] =	vst v5;
	v0 =	vmul.f32 $8.000000000e+00, v0  }
0x121: {  	v5 =	vld [tilespmem:s13+$0xFFFFFF20];
	[tilespmem:s10+$0xFFFFFFB0] =	vst v6;
	v1 =	vmul.f32 $8.000000000e+00, v1  }
0x122: {  	v6 =	vld [tilespmem:s13+$0xFFFFFF30];
	[tilespmem:s10+$0xFFFFFFC0] =	vst v0;
	v0 =	vmul.f32 $8.000000000e+00, v2  }
0x123: {  	v2 =	vld [tilespmem:s13+$0xFFFFFF40];
	[tilespmem:s10+$0xFFFFFFD0] =	vst v1;
	v1 =	vmul.f32 $8.000000000e+00, v3  }
0x124: {  	v3 =	vld [tilespmem:s13+$0xFFFFFF50];
	[tilespmem:s10+$0xFFFFFFE0] =	vst v0;
	v0 =	vmul.f32 $8.000000000e+00, v4  }
0x125: {  	v4 =	vmul.f32 $8.000000000e+00, v7;
	v7 =	vld [tilespmem:s13+$0xFFFFFF60];
	[tilespmem:s10+$0x0] =	vst v1  }
0x126: {  	v1 =	vmul.f32 $8.000000000e+00, v5;
	v5 =	vld [tilespmem:s13+$0xFFFFFF70];
	[tilespmem:s10+$0xFFFFFFF0] =	vst v0;
	s10 =	smov.u32 s13  }
0x127: {  	[tilespmem:s13+$0xFFFFFF10] =	vst v4;
	v0 =	vmul.f32 $8.000000000e+00, v6;
	v4 =	vld [tilespmem:s13+$0xFFFFFF80]  }
0x128: {  	[tilespmem:s13+$0xFFFFFF20] =	vst v1;
	v1 =	vmul.f32 $8.000000000e+00, v2;
	v2 =	vld [tilespmem:s13+$0xFFFFFF90]  }
0x129: {  	s12 =	sadd.s32 $0x4, s12;
	[tilespmem:s13+$0xFFFFFF30] =	vst v0;
	v0 =	vmul.f32 $8.000000000e+00, v3;
	v3 =	vld [tilespmem:s13+$0xFFFFFFA0]  }
0x12a: {  	p0 =	slt.u32 s12, $0x7C;
	[tilespmem:s13+$0xFFFFFF40] =	vst v1;
	v1 =	vmul.f32 $8.000000000e+00, v7;
	v6 =	vld [tilespmem:s13+$0xFFFFFFB0]  }
.Ltmp5:
0x12b: {  	[tilespmem:s13+$0xFFFFFF50] =	vst v0;
	v5 =	vmul.f32 $8.000000000e+00, v5;
	v0 =	vld [tilespmem:s13+$0xFFFFFFC0];
	(pc) =	sbr.rel @p0 .LBB2_13-.Ltmp5, $4  }
0x12c: {  	[tilespmem:s13+$0xFFFFFF60] =	vst v1;
	v4 =	vmul.f32 $8.000000000e+00, v4;
	v1 =	vld [tilespmem:s13+$0xFFFFFFD0]  }
0x12d: {  	[tilespmem:s13+$0xFFFFFF70] =	vst v5;
	v7 =	vmul.f32 $8.000000000e+00, v2;
	v2 =	vld [tilespmem:s13+$0xFFFFFFE0]  }
0x12e: {  	[tilespmem:s13+$0xFFFFFF80] =	vst v4;
	v5 =	vmul.f32 $8.000000000e+00, v3;
	v3 =	vld [tilespmem:s13+$0x0]  }
0x12f: {  	s13 =	sadd.s32 $0x100, s13;
	[tilespmem:s10+$0xFFFFFF90] =	vst v7;
	v6 =	vmul.f32 $8.000000000e+00, v6;
	v4 =	vld [tilespmem:s10+$0xFFFFFFF0]  }
0x130: {  	[tilespmem:s10+$0xFFFFFFA0] =	vst v5;
	v0 =	vmul.f32 $8.000000000e+00, v0  }
0x131: {  	[tilespmem:s10+$0xFFFFFFB0] =	vst v6;
	v1 =	vmul.f32 $8.000000000e+00, v1  }
0x132: {  	[tilespmem:s10+$0xFFFFFFC0] =	vst v0;
	v0 =	vmul.f32 $8.000000000e+00, v2  }
0x133: {  	s9 =	sadd.s32 s9, s11;
	[tilespmem:s10+$0xFFFFFFD0] =	vst v1;
	v1 =	vmul.f32 $8.000000000e+00, v3  }
0x134: {  	s9 =	sshll.u32 s9, $0xA;
	[tilespmem:s10+$0xFFFFFFE0] =	vst v0;
	v0 =	vmul.f32 $8.000000000e+00, v4  }
0x135: {  	s9 =	sand.u32 $0x1FFFF400, s9;
	[tilespmem:s10+$0x0] =	vst v1  }
0x136: {  	s9 =	sadd.s32 s2, s9;
	[tilespmem:s10+$0xFFFFFFF0] =	vst v0  }
0x137: {  	[hbm4b:s9+s3] =	stream.linear.scatter [tilespmem:s20], [sflag:$0x6], $0x2000, $0x38;
	[tilespmem:$0xE400] =	vst v63  }
0x138: {  	s12 =	sshll.u32 s1, $0x9;
	_ =	swait.ge [sflag:s28], $0x2000  }
0x139: {  	s9 =	sand.u32 $0x3FFFFE00, s12;
	[sflag:s28] =	ssyncset.done $0x0  }
0x13a: {  	s13 =	sadd.s32 $0x200, s9;
	[sflag:s28] =	ssyncadd.s32 $0xFFFFE000  }
0x13b: {  	[tilespmem:s19], [sflag:$0x1] =	stream.indirect.gather [hbm4b:s4+s18], $0x40, s13, s18, $0xb8;
	[tilespmem:$0xE400] =	vst v63  }
0x13c: {  	_ =	swait.ge [sflag:s30], $0x2000  }
0x13d: {  	[sflag:s30] =	ssyncset.done $0x0  }
0x13e: {  	s10 =	simm.s32 $0xA400;
	[sflag:s30] =	ssyncadd.s32 $0xFFFFE000  }
0x13f: {  	v1 =	vld [tilespmem:s10+$0xA0]  }
0x140: {  	v2 =	vld [tilespmem:s10+$0x40]  }
0x141: {  	v3 =	vld [tilespmem:s10+$0xE0]  }
0x142: {  	v4 =	vld [tilespmem:s10+$0xD0]  }
0x143: {  	v5 =	vld [tilespmem:s10+$0x20]  }
0x144: {  	v0 =	vld [tilespmem:s10+$0x90]  }
0x145: {  	v8 =	vld [tilespmem:s10+$0xC0]  }
0x146: {  	v7 =	vld [tilespmem:s10+$0x10]  }
0x147: {  	v9 =	vld [tilespmem:s10+$0x0];
	v1 =	vmul.f32 $8.000000000e+00, v1  }
0x148: {  	v11 =	vld [tilespmem:s10+$0x50];
	v4 =	vmul.f32 $8.000000000e+00, v4  }
0x149: {  	v10 =	vld [tilespmem:s10+$0xB0];
	v12 =	vmul.f32 $8.000000000e+00, v5;
	[tilespmem:s10+$0xA0] =	vst v1  }
0x14a: {  	v6 =	vld [tilespmem:s10+$0xF0];
	v13 =	vmul.f32 $8.000000000e+00, v8;
	[tilespmem:s10+$0xD0] =	vst v4  }
0x14b: {  	v1 =	vmul.f32 $8.000000000e+00, v2;
	v2 =	vmul.f32 $8.000000000e+00, v3;
	v3 =	vld [tilespmem:s10+$0x80];
	[tilespmem:s10+$0x20] =	vst v12  }
0x14c: {  	v4 =	vld [tilespmem:s10+$0x70];
	[tilespmem:s10+$0xC0] =	vst v13  }
0x14d: {  	v8 =	vmul.f32 $8.000000000e+00, v9;
	v5 =	vld [tilespmem:s10+$0x60];
	v9 =	vmul.f32 $8.000000000e+00, v11;
	[tilespmem:s10+$0x40] =	vst v1  }
0x14e: {  	s12 =	simm.s32 $0x0;
	s13 =	simm.s32 $0xA500;
	[tilespmem:s10+$0xE0] =	vst v2;
	v1 =	vmul.f32 $8.000000000e+00, v7;
	v7 =	vld [tilespmem:s10+$0x30];
	v2 =	vmul.f32 $8.000000000e+00, v10  }
.LBB2_15:
0x14f: {  	v10 =	vld [tilespmem:s13+$0xA0];
	s12 =	sadd.s32 $0x4, s12;
	[tilespmem:s10+$0x0] =	vst v8;
	v0 =	vmul.f32 $8.000000000e+00, v0;
	v6 =	vmul.f32 $8.000000000e+00, v6  }
0x150: {  	v8 =	vld [tilespmem:s13+$0x40];
	p0 =	slt.u32 s12, $0x7C;
	[tilespmem:s10+$0x50] =	vst v9;
	v3 =	vmul.f32 $8.000000000e+00, v3  }
0x151: {  	v9 =	vld [tilespmem:s13+$0xE0];
	v4 =	vmul.f32 $8.000000000e+00, v4;
	[tilespmem:s10+$0xF0] =	vst v6  }
0x152: {  	v11 =	vld [tilespmem:s13+$0x20];
	v5 =	vmul.f32 $8.000000000e+00, v5;
	[tilespmem:s10+$0x80] =	vst v3  }
0x153: {  	v3 =	vld [tilespmem:s13+$0xD0];
	v6 =	vmul.f32 $8.000000000e+00, v7;
	[tilespmem:s10+$0x90] =	vst v0  }
0x154: {  	v0 =	vld [tilespmem:s13+$0x90];
	v7 =	vmul.f32 $8.000000000e+00, v10;
	[tilespmem:s10+$0x10] =	vst v1  }
0x155: {  	v1 =	vld [tilespmem:s13+$0x10];
	[tilespmem:s10+$0x30] =	vst v6  }
0x156: {  	v10 =	vld [tilespmem:s13+$0xC0];
	v9 =	vmul.f32 $8.000000000e+00, v9;
	[tilespmem:s10+$0xB0] =	vst v2  }
0x157: {  	v2 =	vld [tilespmem:s13+$0x0];
	[tilespmem:s10+$0x70] =	vst v4  }
0x158: {  	v12 =	vld [tilespmem:s13+$0xB0];
	v3 =	vmul.f32 $8.000000000e+00, v3;
	[tilespmem:s10+$0x60] =	vst v5;
	s10 =	smov.u32 s13  }
0x159: {  	v13 =	vld [tilespmem:s13+$0x50];
	[tilespmem:s13+$0xA0] =	vst v7  }
.Ltmp6:
0x15a: {  	v4 =	vmul.f32 $8.000000000e+00, v8;
	[tilespmem:s13+$0xD0] =	vst v3;
	v6 =	vld [tilespmem:s13+$0xF0];
	(pc) =	sbr.rel @p0 .LBB2_15-.Ltmp6, $4  }
0x15b: {  	v3 =	vld [tilespmem:s13+$0x80];
	v7 =	vmul.f32 $8.000000000e+00, v10;
	[tilespmem:s13+$0xE0] =	vst v9  }
0x15c: {  	v9 =	vmul.f32 $8.000000000e+00, v11;
	[tilespmem:s13+$0x40] =	vst v4;
	v4 =	vld [tilespmem:s13+$0x70]  }
0x15d: {  	v1 =	vmul.f32 $8.000000000e+00, v1;
	v8 =	vmul.f32 $8.000000000e+00, v2;
	v5 =	vld [tilespmem:s13+$0x60];
	[tilespmem:s13+$0xC0] =	vst v7  }
0x15e: {  	v2 =	vmul.f32 $8.000000000e+00, v12;
	s13 =	sadd.s32 $0x100, s13;
	[tilespmem:s10+$0x20] =	vst v9;
	v7 =	vld [tilespmem:s10+$0x30];
	v9 =	vmul.f32 $8.000000000e+00, v13  }
0x15f: {  	[tilespmem:s10+$0x0] =	vst v8  }
0x160: {  	[tilespmem:s10+$0x10] =	vst v1  }
0x161: {  	v6 =	vmul.f32 $8.000000000e+00, v6;
	[tilespmem:s10+$0x50] =	vst v9  }
0x162: {  	v0 =	vmul.f32 $8.000000000e+00, v0;
	[tilespmem:s10+$0xB0] =	vst v2  }
0x163: {  	v3 =	vmul.f32 $8.000000000e+00, v3;
	[tilespmem:s10+$0xF0] =	vst v6  }
0x164: {  	[tilespmem:s10+$0x90] =	vst v0;
	v0 =	vmul.f32 $8.000000000e+00, v4  }
0x165: {  	s7 =	sadd.s32 s5, s7;
	[tilespmem:s10+$0x80] =	vst v3;
	v1 =	vmul.f32 $8.000000000e+00, v5  }
0x166: {  	s7 =	sshll.u32 s7, $0xA;
	v3 =	vmul.f32 $8.000000000e+00, v7;
	[tilespmem:s10+$0x70] =	vst v0  }
0x167: {  	s7 =	sand.u32 $0x1FFFF800, s7;
	[tilespmem:s10+$0x60] =	vst v1  }
0x168: {  	s7 =	sadd.s32 s2, s7;
	[tilespmem:s10+$0x30] =	vst v3  }
0x169: {  	[hbm4b:s7+s3] =	stream.linear.scatter [tilespmem:s22], [sflag:$0x7], $0x2000, $0x38;
	[tilespmem:$0xE400] =	vst v63  }
0x16a: {  	_ =	swait.ge [sflag:s31], $0x2000  }
0x16b: {  	[sflag:s31] =	ssyncset.done $0x0  }
0x16c: {  	s13 =	sadd.s32 $0x280, s9;
	[sflag:s31] =	ssyncadd.s32 $0xFFFFE000  }
0x16d: {  	[tilespmem:s20], [sflag:$0x2] =	stream.indirect.gather [hbm4b:s4+s18], $0x40, s13, s18, $0xb8;
	[tilespmem:$0xE400] =	vst v63  }
0x16e: {  	_ =	swait.ge [sflag:s0], $0x2000  }
0x16f: {  	[sflag:s0] =	ssyncset.done $0x0  }
0x170: {  	s7 =	simm.s32 $0xC400;
	[sflag:s0] =	ssyncadd.s32 $0xFFFFE000  }
0x171: {  	v1 =	vld [tilespmem:s7+$0xA0]  }
0x172: {  	v2 =	vld [tilespmem:s7+$0x40]  }
0x173: {  	v3 =	vld [tilespmem:s7+$0xE0]  }
0x174: {  	v4 =	vld [tilespmem:s7+$0xD0]  }
0x175: {  	v5 =	vld [tilespmem:s7+$0x20]  }
0x176: {  	v0 =	vld [tilespmem:s7+$0x90]  }
0x177: {  	v8 =	vld [tilespmem:s7+$0xC0]  }
0x178: {  	v7 =	vld [tilespmem:s7+$0x10]  }
0x179: {  	v9 =	vld [tilespmem:s7+$0x0];
	v1 =	vmul.f32 $8.000000000e+00, v1  }
0x17a: {  	v11 =	vld [tilespmem:s7+$0x50];
	v4 =	vmul.f32 $8.000000000e+00, v4  }
0x17b: {  	v10 =	vld [tilespmem:s7+$0xB0];
	v12 =	vmul.f32 $8.000000000e+00, v5;
	[tilespmem:s7+$0xA0] =	vst v1  }
0x17c: {  	v6 =	vld [tilespmem:s7+$0xF0];
	v13 =	vmul.f32 $8.000000000e+00, v8;
	[tilespmem:s7+$0xD0] =	vst v4  }
0x17d: {  	v1 =	vmul.f32 $8.000000000e+00, v2;
	v2 =	vmul.f32 $8.000000000e+00, v3;
	v3 =	vld [tilespmem:s7+$0x80];
	[tilespmem:s7+$0x20] =	vst v12  }
0x17e: {  	v4 =	vld [tilespmem:s7+$0x70];
	[tilespmem:s7+$0xC0] =	vst v13  }
0x17f: {  	v8 =	vmul.f32 $8.000000000e+00, v9;
	v5 =	vld [tilespmem:s7+$0x60];
	v9 =	vmul.f32 $8.000000000e+00, v11;
	[tilespmem:s7+$0x40] =	vst v1  }
0x180: {  	s9 =	simm.s32 $0x0;
	s10 =	simm.s32 $0xC500;
	[tilespmem:s7+$0xE0] =	vst v2;
	v1 =	vmul.f32 $8.000000000e+00, v7;
	v7 =	vld [tilespmem:s7+$0x30];
	v2 =	vmul.f32 $8.000000000e+00, v10  }
.LBB2_17:
0x181: {  	v10 =	vld [tilespmem:s10+$0xA0];
	s9 =	sadd.s32 $0x4, s9;
	[tilespmem:s7+$0x0] =	vst v8;
	v0 =	vmul.f32 $8.000000000e+00, v0;
	v6 =	vmul.f32 $8.000000000e+00, v6  }
0x182: {  	v8 =	vld [tilespmem:s10+$0x40];
	p0 =	slt.u32 s9, $0x7C;
	[tilespmem:s7+$0x50] =	vst v9;
	v3 =	vmul.f32 $8.000000000e+00, v3  }
0x183: {  	v9 =	vld [tilespmem:s10+$0xE0];
	v4 =	vmul.f32 $8.000000000e+00, v4;
	[tilespmem:s7+$0xF0] =	vst v6  }
0x184: {  	v11 =	vld [tilespmem:s10+$0x20];
	v5 =	vmul.f32 $8.000000000e+00, v5;
	[tilespmem:s7+$0x80] =	vst v3  }
0x185: {  	v3 =	vld [tilespmem:s10+$0xD0];
	v6 =	vmul.f32 $8.000000000e+00, v7;
	[tilespmem:s7+$0x90] =	vst v0  }
0x186: {  	v0 =	vld [tilespmem:s10+$0x90];
	v7 =	vmul.f32 $8.000000000e+00, v10;
	[tilespmem:s7+$0x10] =	vst v1  }
0x187: {  	v1 =	vld [tilespmem:s10+$0x10];
	[tilespmem:s7+$0x30] =	vst v6  }
0x188: {  	v10 =	vld [tilespmem:s10+$0xC0];
	v9 =	vmul.f32 $8.000000000e+00, v9;
	[tilespmem:s7+$0xB0] =	vst v2  }
0x189: {  	v2 =	vld [tilespmem:s10+$0x0];
	[tilespmem:s7+$0x70] =	vst v4  }
0x18a: {  	v12 =	vld [tilespmem:s10+$0xB0];
	v3 =	vmul.f32 $8.000000000e+00, v3;
	[tilespmem:s7+$0x60] =	vst v5;
	s7 =	smov.u32 s10  }
0x18b: {  	v13 =	vld [tilespmem:s10+$0x50];
	[tilespmem:s10+$0xA0] =	vst v7  }
.Ltmp7:
0x18c: {  	v4 =	vmul.f32 $8.000000000e+00, v8;
	[tilespmem:s10+$0xD0] =	vst v3;
	v6 =	vld [tilespmem:s10+$0xF0];
	(pc) =	sbr.rel @p0 .LBB2_17-.Ltmp7, $4  }
0x18d: {  	v3 =	vld [tilespmem:s10+$0x80];
	v7 =	vmul.f32 $8.000000000e+00, v10;
	[tilespmem:s10+$0xE0] =	vst v9  }
0x18e: {  	v9 =	vmul.f32 $8.000000000e+00, v11;
	[tilespmem:s10+$0x40] =	vst v4;
	v4 =	vld [tilespmem:s10+$0x70]  }
0x18f: {  	v1 =	vmul.f32 $8.000000000e+00, v1;
	v8 =	vmul.f32 $8.000000000e+00, v2;
	v5 =	vld [tilespmem:s10+$0x60];
	[tilespmem:s10+$0xC0] =	vst v7  }
0x190: {  	v2 =	vmul.f32 $8.000000000e+00, v12;
	s10 =	sadd.s32 $0x100, s10;
	[tilespmem:s7+$0x20] =	vst v9;
	v7 =	vld [tilespmem:s7+$0x30];
	v9 =	vmul.f32 $8.000000000e+00, v13  }
0x191: {  	[tilespmem:s7+$0x0] =	vst v8  }
0x192: {  	[tilespmem:s7+$0x10] =	vst v1  }
0x193: {  	v6 =	vmul.f32 $8.000000000e+00, v6;
	[tilespmem:s7+$0x50] =	vst v9  }
0x194: {  	v0 =	vmul.f32 $8.000000000e+00, v0;
	[tilespmem:s7+$0xB0] =	vst v2  }
0x195: {  	s1 =	sadd.s32 $0x1, s1;
	v3 =	vmul.f32 $8.000000000e+00, v3;
	[tilespmem:s7+$0xF0] =	vst v6  }
0x196: {  	p0 =	sne.s32 s1, $0x31;
	[tilespmem:s7+$0x90] =	vst v0;
	v62 =	vmul.f32 $8.000000000e+00, v4  }
.Ltmp8:
0x197: {  	s8 =	sadd.s32 s5, s8;
	[tilespmem:s7+$0x80] =	vst v3;
	v63 =	vmul.f32 $8.000000000e+00, v5;
	(pc) =	sbr.rel @p0 .LBB2_10-.Ltmp8, $4  }
0x198: {  	s8 =	sshll.u32 s8, $0xA;
	v61 =	vmul.f32 $8.000000000e+00, v7;
	[tilespmem:s7+$0x70] =	vst v62  }
0x199: {  	s8 =	sand.u32 $0x1FFFFC00, s8;
	[tilespmem:s7+$0x60] =	vst v63  }
0x19a: {  	s13 =	sadd.s32 s2, s8;
	[tilespmem:s7+$0x30] =	vst v61  }
0x19b: {  	[hbm4b:s13+s3] =	stream.linear.scatter [tilespmem:s25], [sflag:$0x8], $0x2000, $0x38;
	[tilespmem:$0xE400] =	vst v63  }
0x19c: {  	_ =	swait.ge [sflag:s21], $0x2000  }
0x19d: {  	[sflag:s21] =	ssyncset.done $0x0  }
0x19e: {  	s1 =	simm.s32 $0x6300;
	[sflag:s21] =	ssyncadd.s32 $0xFFFFE000  }
0x19f: {  	[tilespmem:s22], [sflag:$0x3] =	stream.indirect.gather [hbm4b:s4+s18], $0x40, s1, s18, $0xb8;
	[tilespmem:$0xE400] =	vst v63  }
0x1a0: {  	_ =	swait.ge [sflag:s23], $0x2000  }
0x1a1: {  	[sflag:s23] =	ssyncset.done $0x0  }
0x1a2: {  	s1 =	simm.s32 $0x6480;
	[sflag:s23] =	ssyncadd.s32 $0xFFFFE000  }
0x1a3: {  	v0 =	vld [tilespmem:s1+$0xFFFFFF80]  }
0x1a4: {  	v1 =	vld [tilespmem:s1+$0xFFFFFF90]  }
0x1a5: {  	v2 =	vld [tilespmem:s1+$0xFFFFFFA0]  }
0x1a6: {  	v3 =	vld [tilespmem:s1+$0xFFFFFFB0]  }
0x1a7: {  	v4 =	vld [tilespmem:s1+$0xFFFFFFC0]  }
0x1a8: {  	v5 =	vld [tilespmem:s1+$0xFFFFFFD0];
	v0 =	vmul.f32 $8.000000000e+00, v0  }
0x1a9: {  	v6 =	vld [tilespmem:s1+$0xFFFFFFE0];
	v1 =	vmul.f32 $8.000000000e+00, v1  }
0x1aa: {  	[tilespmem:s1+$0xFFFFFF80] =	vst v0;
	v0 =	vmul.f32 $8.000000000e+00, v2;
	v2 =	vld [tilespmem:s1+$0x0]  }
0x1ab: {  	[tilespmem:s1+$0xFFFFFF90] =	vst v1;
	v1 =	vmul.f32 $8.000000000e+00, v3;
	v3 =	vld [tilespmem:s1+$0x10]  }
0x1ac: {  	[tilespmem:s1+$0xFFFFFFA0] =	vst v0;
	v0 =	vmul.f32 $8.000000000e+00, v4;
	v4 =	vld [tilespmem:s1+$0x20]  }
0x1ad: {  	v7 =	vld [tilespmem:s1+$0x30];
	[tilespmem:s1+$0xFFFFFFB0] =	vst v1;
	v1 =	vmul.f32 $8.000000000e+00, v5  }
0x1ae: {  	v5 =	vmul.f32 $8.000000000e+00, v6;
	[tilespmem:s1+$0xFFFFFFC0] =	vst v0;
	v0 =	vld [tilespmem:s1+$0x40]  }
0x1af: {  	[tilespmem:s1+$0xFFFFFFD0] =	vst v1;
	v1 =	vld [tilespmem:s1+$0x50];
	v2 =	vmul.f32 $8.000000000e+00, v2  }
0x1b0: {  	[tilespmem:s1+$0xFFFFFFE0] =	vst v5;
	v6 =	vmul.f32 $8.000000000e+00, v3;
	v3 =	vld [tilespmem:s1+$0x60]  }
0x1b1: {  	[tilespmem:s1+$0x0] =	vst v2;
	v5 =	vmul.f32 $8.000000000e+00, v4;
	v4 =	vld [tilespmem:s1+$0x70]  }
0x1b2: {  	s7 =	simm.s32 $0x0;
	s8 =	simm.s32 $0x6580;
	v2 =	vld [tilespmem:s1+$0xFFFFFFF0];
	[tilespmem:s1+$0x10] =	vst v6;
	v6 =	vmul.f32 $8.000000000e+00, v7  }
.LBB2_20:
0x1b3: {  	v7 =	vld [tilespmem:s8+$0xFFFFFF80];
	[tilespmem:s1+$0x20] =	vst v5;
	v0 =	vmul.f32 $8.000000000e+00, v0  }
0x1b4: {  	v5 =	vld [tilespmem:s8+$0xFFFFFF90];
	[tilespmem:s1+$0x30] =	vst v6;
	v1 =	vmul.f32 $8.000000000e+00, v1  }
0x1b5: {  	v6 =	vld [tilespmem:s8+$0xFFFFFFA0];
	[tilespmem:s1+$0x40] =	vst v0;
	v0 =	vmul.f32 $8.000000000e+00, v3  }
0x1b6: {  	v3 =	vld [tilespmem:s8+$0xFFFFFFB0];
	[tilespmem:s1+$0x50] =	vst v1;
	v1 =	vmul.f32 $8.000000000e+00, v4  }
0x1b7: {  	v4 =	vld [tilespmem:s8+$0xFFFFFFC0];
	v2 =	vmul.f32 $8.000000000e+00, v2;
	[tilespmem:s1+$0x60] =	vst v0  }
0x1b8: {  	v0 =	vmul.f32 $8.000000000e+00, v7;
	v7 =	vld [tilespmem:s8+$0xFFFFFFD0];
	[tilespmem:s1+$0x70] =	vst v1  }
0x1b9: {  	v1 =	vmul.f32 $8.000000000e+00, v5;
	v5 =	vld [tilespmem:s8+$0xFFFFFFE0];
	[tilespmem:s1+$0xFFFFFFF0] =	vst v2;
	s1 =	smov.u32 s8  }
0x1ba: {  	[tilespmem:s8+$0xFFFFFF80] =	vst v0;
	v0 =	vmul.f32 $8.000000000e+00, v6;
	v2 =	vld [tilespmem:s8+$0x0]  }
0x1bb: {  	[tilespmem:s8+$0xFFFFFF90] =	vst v1;
	v1 =	vmul.f32 $8.000000000e+00, v3;
	v3 =	vld [tilespmem:s8+$0x10]  }
0x1bc: {  	s7 =	sadd.s32 $0x4, s7;
	[tilespmem:s8+$0xFFFFFFA0] =	vst v0;
	v0 =	vmul.f32 $8.000000000e+00, v4;
	v4 =	vld [tilespmem:s8+$0x20]  }
0x1bd: {  	p0 =	slt.u32 s7, $0x7C;
	[tilespmem:s8+$0xFFFFFFB0] =	vst v1;
	v1 =	vmul.f32 $8.000000000e+00, v7;
	v6 =	vld [tilespmem:s8+$0x30]  }
.Ltmp9:
0x1be: {  	[tilespmem:s8+$0xFFFFFFC0] =	vst v0;
	v5 =	vmul.f32 $8.000000000e+00, v5;
	v0 =	vld [tilespmem:s8+$0x40];
	(pc) =	sbr.rel @p0 .LBB2_20-.Ltmp9, $4  }
0x1bf: {  	[tilespmem:s8+$0xFFFFFFD0] =	vst v1;
	v2 =	vmul.f32 $8.000000000e+00, v2;
	v1 =	vld [tilespmem:s8+$0x50]  }
0x1c0: {  	[tilespmem:s8+$0xFFFFFFE0] =	vst v5;
	v7 =	vmul.f32 $8.000000000e+00, v3;
	v3 =	vld [tilespmem:s8+$0x60]  }
0x1c1: {  	[tilespmem:s8+$0x0] =	vst v2;
	v5 =	vmul.f32 $8.000000000e+00, v4;
	v4 =	vld [tilespmem:s8+$0x70]  }
0x1c2: {  	s8 =	sadd.s32 $0x100, s8;
	v2 =	vld [tilespmem:s1+$0xFFFFFFF0];
	[tilespmem:s1+$0x10] =	vst v7;
	v6 =	vmul.f32 $8.000000000e+00, v6  }
0x1c3: {  	[tilespmem:s1+$0x20] =	vst v5;
	v0 =	vmul.f32 $8.000000000e+00, v0  }
0x1c4: {  	[tilespmem:s1+$0x30] =	vst v6;
	v1 =	vmul.f32 $8.000000000e+00, v1  }
0x1c5: {  	[tilespmem:s1+$0x40] =	vst v0;
	v0 =	vmul.f32 $8.000000000e+00, v3  }
0x1c6: {  	[tilespmem:s1+$0x50] =	vst v1;
	v1 =	vmul.f32 $8.000000000e+00, v4  }
0x1c7: {  	v2 =	vmul.f32 $8.000000000e+00, v2;
	[tilespmem:s1+$0x60] =	vst v0  }
0x1c8: {  	[tilespmem:s1+$0x70] =	vst v1  }
0x1c9: {  	s12 =	rddreg [dreg:$0x7];
	[tilespmem:s1+$0xFFFFFFF0] =	vst v2  }
0x1ca: {  	[hbm4b:s12+s3] =	stream.linear.scatter [tilespmem:s19], [sflag:$0x5], $0x2000, $0x38;
	[tilespmem:$0xE400] =	vst v63  }
0x1cb: {  	_ =	swait.ge [sflag:s24], $0x2000  }
0x1cc: {  	[sflag:s24] =	ssyncset.done $0x0  }
0x1cd: {  	s13 =	simm.s32 $0x6380;
	[sflag:s24] =	ssyncadd.s32 $0xFFFFE000  }
0x1ce: {  	[tilespmem:s25], [sflag:$0x4] =	stream.indirect.gather [hbm4b:s4+s18], $0x40, s13, s18, $0xb8;
	[tilespmem:$0xE400] =	vst v63  }
0x1cf: {  	_ =	swait.ge [sflag:s26], $0x2000  }
0x1d0: {  	[sflag:s26] =	ssyncset.done $0x0  }
0x1d1: {  	s1 =	simm.s32 $0x84F0;
	[sflag:s26] =	ssyncadd.s32 $0xFFFFE000  }
0x1d2: {  	v0 =	vld [tilespmem:s1+$0xFFFFFF10]  }
0x1d3: {  	v1 =	vld [tilespmem:s1+$0xFFFFFF20]  }
0x1d4: {  	v2 =	vld [tilespmem:s1+$0xFFFFFF30]  }
0x1d5: {  	v3 =	vld [tilespmem:s1+$0xFFFFFF40]  }
0x1d6: {  	v4 =	vld [tilespmem:s1+$0xFFFFFF50]  }
0x1d7: {  	v5 =	vld [tilespmem:s1+$0xFFFFFF60];
	v0 =	vmul.f32 $8.000000000e+00, v0  }
0x1d8: {  	v6 =	vld [tilespmem:s1+$0xFFFFFF70];
	v1 =	vmul.f32 $8.000000000e+00, v1  }
0x1d9: {  	[tilespmem:s1+$0xFFFFFF10] =	vst v0;
	v0 =	vmul.f32 $8.000000000e+00, v2;
	v2 =	vld [tilespmem:s1+$0xFFFFFF80]  }
0x1da: {  	[tilespmem:s1+$0xFFFFFF20] =	vst v1;
	v1 =	vmul.f32 $8.000000000e+00, v3;
	v3 =	vld [tilespmem:s1+$0xFFFFFF90]  }
0x1db: {  	[tilespmem:s1+$0xFFFFFF30] =	vst v0;
	v0 =	vmul.f32 $8.000000000e+00, v4;
	v4 =	vld [tilespmem:s1+$0xFFFFFFA0]  }
0x1dc: {  	v7 =	vld [tilespmem:s1+$0xFFFFFFB0];
	[tilespmem:s1+$0xFFFFFF40] =	vst v1;
	v1 =	vmul.f32 $8.000000000e+00, v5  }
0x1dd: {  	v5 =	vmul.f32 $8.000000000e+00, v6;
	[tilespmem:s1+$0xFFFFFF50] =	vst v0;
	v0 =	vld [tilespmem:s1+$0xFFFFFFC0]  }
0x1de: {  	[tilespmem:s1+$0xFFFFFF60] =	vst v1;
	v1 =	vld [tilespmem:s1+$0xFFFFFFD0];
	v6 =	vmul.f32 $8.000000000e+00, v2  }
0x1df: {  	[tilespmem:s1+$0xFFFFFF70] =	vst v5;
	v8 =	vmul.f32 $8.000000000e+00, v3;
	v2 =	vld [tilespmem:s1+$0xFFFFFFE0]  }
0x1e0: {  	v3 =	vld [tilespmem:s1+$0x0];
	[tilespmem:s1+$0xFFFFFF80] =	vst v6;
	v5 =	vmul.f32 $8.000000000e+00, v4  }
0x1e1: {  	s7 =	simm.s32 $0x0;
	s8 =	simm.s32 $0x85F0;
	[tilespmem:s1+$0xFFFFFF90] =	vst v8;
	v6 =	vmul.f32 $8.000000000e+00, v7;
	v4 =	vld [tilespmem:s1+$0xFFFFFFF0]  }
.LBB2_22:
0x1e2: {  	v7 =	vld [tilespmem:s8+$0xFFFFFF10];
	[tilespmem:s1+$0xFFFFFFA0] =	vst v5;
	v0 =	vmul.f32 $8.000000000e+00, v0  }
0x1e3: {  	v5 =	vld [tilespmem:s8+$0xFFFFFF20];
	[tilespmem:s1+$0xFFFFFFB0] =	vst v6;
	v1 =	vmul.f32 $8.000000000e+00, v1  }
0x1e4: {  	v6 =	vld [tilespmem:s8+$0xFFFFFF30];
	[tilespmem:s1+$0xFFFFFFC0] =	vst v0;
	v0 =	vmul.f32 $8.000000000e+00, v2  }
0x1e5: {  	v2 =	vld [tilespmem:s8+$0xFFFFFF40];
	[tilespmem:s1+$0xFFFFFFD0] =	vst v1;
	v1 =	vmul.f32 $8.000000000e+00, v3  }
0x1e6: {  	v3 =	vld [tilespmem:s8+$0xFFFFFF50];
	[tilespmem:s1+$0xFFFFFFE0] =	vst v0;
	v0 =	vmul.f32 $8.000000000e+00, v4  }
0x1e7: {  	v4 =	vmul.f32 $8.000000000e+00, v7;
	v7 =	vld [tilespmem:s8+$0xFFFFFF60];
	[tilespmem:s1+$0x0] =	vst v1  }
0x1e8: {  	v1 =	vmul.f32 $8.000000000e+00, v5;
	v5 =	vld [tilespmem:s8+$0xFFFFFF70];
	[tilespmem:s1+$0xFFFFFFF0] =	vst v0;
	s1 =	smov.u32 s8  }
0x1e9: {  	[tilespmem:s8+$0xFFFFFF10] =	vst v4;
	v0 =	vmul.f32 $8.000000000e+00, v6;
	v4 =	vld [tilespmem:s8+$0xFFFFFF80]  }
0x1ea: {  	[tilespmem:s8+$0xFFFFFF20] =	vst v1;
	v1 =	vmul.f32 $8.000000000e+00, v2;
	v2 =	vld [tilespmem:s8+$0xFFFFFF90]  }
0x1eb: {  	s7 =	sadd.s32 $0x4, s7;
	[tilespmem:s8+$0xFFFFFF30] =	vst v0;
	v0 =	vmul.f32 $8.000000000e+00, v3;
	v3 =	vld [tilespmem:s8+$0xFFFFFFA0]  }
0x1ec: {  	p0 =	slt.u32 s7, $0x7C;
	[tilespmem:s8+$0xFFFFFF40] =	vst v1;
	v1 =	vmul.f32 $8.000000000e+00, v7;
	v6 =	vld [tilespmem:s8+$0xFFFFFFB0]  }
.Ltmp10:
0x1ed: {  	[tilespmem:s8+$0xFFFFFF50] =	vst v0;
	v5 =	vmul.f32 $8.000000000e+00, v5;
	v0 =	vld [tilespmem:s8+$0xFFFFFFC0];
	(pc) =	sbr.rel @p0 .LBB2_22-.Ltmp10, $4  }
0x1ee: {  	[tilespmem:s8+$0xFFFFFF60] =	vst v1;
	v4 =	vmul.f32 $8.000000000e+00, v4;
	v1 =	vld [tilespmem:s8+$0xFFFFFFD0]  }
0x1ef: {  	[tilespmem:s8+$0xFFFFFF70] =	vst v5;
	v7 =	vmul.f32 $8.000000000e+00, v2;
	v2 =	vld [tilespmem:s8+$0xFFFFFFE0]  }
0x1f0: {  	[tilespmem:s8+$0xFFFFFF80] =	vst v4;
	v5 =	vmul.f32 $8.000000000e+00, v3;
	v3 =	vld [tilespmem:s8+$0x0]  }
0x1f1: {  	s8 =	sadd.s32 $0x100, s8;
	[tilespmem:s1+$0xFFFFFF90] =	vst v7;
	v6 =	vmul.f32 $8.000000000e+00, v6;
	v4 =	vld [tilespmem:s1+$0xFFFFFFF0]  }
0x1f2: {  	[tilespmem:s1+$0xFFFFFFA0] =	vst v5;
	v0 =	vmul.f32 $8.000000000e+00, v0  }
0x1f3: {  	[tilespmem:s1+$0xFFFFFFB0] =	vst v6;
	v1 =	vmul.f32 $8.000000000e+00, v1  }
0x1f4: {  	[tilespmem:s1+$0xFFFFFFC0] =	vst v0;
	v0 =	vmul.f32 $8.000000000e+00, v2  }
0x1f5: {  	[tilespmem:s1+$0xFFFFFFD0] =	vst v1;
	v1 =	vmul.f32 $8.000000000e+00, v3  }
0x1f6: {  	[tilespmem:s1+$0xFFFFFFE0] =	vst v0;
	v0 =	vmul.f32 $8.000000000e+00, v4  }
0x1f7: {  	[tilespmem:s1+$0x0] =	vst v1  }
0x1f8: {  	s13 =	rddreg [dreg:$0x8];
	[tilespmem:s1+$0xFFFFFFF0] =	vst v0  }
0x1f9: {  	[hbm4b:s13+s3] =	stream.linear.scatter [tilespmem:s20], [sflag:$0x6], $0x2000, $0x38;
	[tilespmem:$0xE400] =	vst v63  }
0x1fa: {  	_ =	swait.ge [sflag:s28], $0x2000  }
0x1fb: {  	[sflag:s28] =	ssyncset.done $0x0  }
0x1fc: {  	[sflag:s28] =	ssyncadd.s32 $0xFFFFE000  }
0x1fd: {  	_ =	swait.ge [sflag:s30], $0x2000  }
0x1fe: {  	[sflag:s30] =	ssyncset.done $0x0  }
0x1ff: {  	s1 =	simm.s32 $0xA400;
	[sflag:s30] =	ssyncadd.s32 $0xFFFFE000  }
0x200: {  	v1 =	vld [tilespmem:s1+$0xA0]  }
0x201: {  	v2 =	vld [tilespmem:s1+$0x40]  }
0x202: {  	v3 =	vld [tilespmem:s1+$0xE0]  }
0x203: {  	v4 =	vld [tilespmem:s1+$0xD0]  }
0x204: {  	v5 =	vld [tilespmem:s1+$0x20]  }
0x205: {  	v0 =	vld [tilespmem:s1+$0x90]  }
0x206: {  	v8 =	vld [tilespmem:s1+$0xC0]  }
0x207: {  	v7 =	vld [tilespmem:s1+$0x10]  }
0x208: {  	v9 =	vld [tilespmem:s1+$0x0];
	v1 =	vmul.f32 $8.000000000e+00, v1  }
0x209: {  	v11 =	vld [tilespmem:s1+$0x50];
	v4 =	vmul.f32 $8.000000000e+00, v4  }
0x20a: {  	v10 =	vld [tilespmem:s1+$0xB0];
	v12 =	vmul.f32 $8.000000000e+00, v5;
	[tilespmem:s1+$0xA0] =	vst v1  }
0x20b: {  	v6 =	vld [tilespmem:s1+$0xF0];
	v13 =	vmul.f32 $8.000000000e+00, v8;
	[tilespmem:s1+$0xD0] =	vst v4  }
0x20c: {  	v1 =	vmul.f32 $8.000000000e+00, v2;
	v2 =	vmul.f32 $8.000000000e+00, v3;
	v3 =	vld [tilespmem:s1+$0x80];
	[tilespmem:s1+$0x20] =	vst v12  }
0x20d: {  	v4 =	vld [tilespmem:s1+$0x70];
	[tilespmem:s1+$0xC0] =	vst v13  }
0x20e: {  	v8 =	vmul.f32 $8.000000000e+00, v9;
	v5 =	vld [tilespmem:s1+$0x60];
	v9 =	vmul.f32 $8.000000000e+00, v11;
	[tilespmem:s1+$0x40] =	vst v1  }
0x20f: {  	s7 =	simm.s32 $0x0;
	s8 =	simm.s32 $0xA500;
	[tilespmem:s1+$0xE0] =	vst v2;
	v1 =	vmul.f32 $8.000000000e+00, v7;
	v7 =	vld [tilespmem:s1+$0x30];
	v2 =	vmul.f32 $8.000000000e+00, v10  }
.LBB2_24:
0x210: {  	v10 =	vld [tilespmem:s8+$0xA0];
	s7 =	sadd.s32 $0x4, s7;
	[tilespmem:s1+$0x0] =	vst v8;
	v0 =	vmul.f32 $8.000000000e+00, v0;
	v6 =	vmul.f32 $8.000000000e+00, v6  }
0x211: {  	v8 =	vld [tilespmem:s8+$0x40];
	p0 =	slt.u32 s7, $0x7C;
	[tilespmem:s1+$0x50] =	vst v9;
	v3 =	vmul.f32 $8.000000000e+00, v3  }
0x212: {  	v9 =	vld [tilespmem:s8+$0xE0];
	v4 =	vmul.f32 $8.000000000e+00, v4;
	[tilespmem:s1+$0xF0] =	vst v6  }
0x213: {  	v11 =	vld [tilespmem:s8+$0x20];
	v5 =	vmul.f32 $8.000000000e+00, v5;
	[tilespmem:s1+$0x80] =	vst v3  }
0x214: {  	v3 =	vld [tilespmem:s8+$0xD0];
	v6 =	vmul.f32 $8.000000000e+00, v7;
	[tilespmem:s1+$0x90] =	vst v0  }
0x215: {  	v0 =	vld [tilespmem:s8+$0x90];
	v7 =	vmul.f32 $8.000000000e+00, v10;
	[tilespmem:s1+$0x10] =	vst v1  }
0x216: {  	v1 =	vld [tilespmem:s8+$0x10];
	[tilespmem:s1+$0x30] =	vst v6  }
0x217: {  	v10 =	vld [tilespmem:s8+$0xC0];
	v9 =	vmul.f32 $8.000000000e+00, v9;
	[tilespmem:s1+$0xB0] =	vst v2  }
0x218: {  	v2 =	vld [tilespmem:s8+$0x0];
	[tilespmem:s1+$0x70] =	vst v4  }
0x219: {  	v12 =	vld [tilespmem:s8+$0xB0];
	v3 =	vmul.f32 $8.000000000e+00, v3;
	[tilespmem:s1+$0x60] =	vst v5;
	s1 =	smov.u32 s8  }
0x21a: {  	v13 =	vld [tilespmem:s8+$0x50];
	[tilespmem:s8+$0xA0] =	vst v7  }
.Ltmp11:
0x21b: {  	v4 =	vmul.f32 $8.000000000e+00, v8;
	[tilespmem:s8+$0xD0] =	vst v3;
	v6 =	vld [tilespmem:s8+$0xF0];
	(pc) =	sbr.rel @p0 .LBB2_24-.Ltmp11, $4  }
0x21c: {  	v3 =	vld [tilespmem:s8+$0x80];
	v7 =	vmul.f32 $8.000000000e+00, v10;
	[tilespmem:s8+$0xE0] =	vst v9  }
0x21d: {  	v9 =	vmul.f32 $8.000000000e+00, v11;
	[tilespmem:s8+$0x40] =	vst v4;
	v4 =	vld [tilespmem:s8+$0x70]  }
0x21e: {  	v1 =	vmul.f32 $8.000000000e+00, v1;
	v8 =	vmul.f32 $8.000000000e+00, v2;
	v5 =	vld [tilespmem:s8+$0x60];
	[tilespmem:s8+$0xC0] =	vst v7  }
0x21f: {  	v2 =	vmul.f32 $8.000000000e+00, v12;
	s8 =	sadd.s32 $0x100, s8;
	[tilespmem:s1+$0x20] =	vst v9;
	v7 =	vld [tilespmem:s1+$0x30];
	v9 =	vmul.f32 $8.000000000e+00, v13  }
0x220: {  	[tilespmem:s1+$0x0] =	vst v8  }
0x221: {  	[tilespmem:s1+$0x10] =	vst v1  }
0x222: {  	v6 =	vmul.f32 $8.000000000e+00, v6;
	[tilespmem:s1+$0x50] =	vst v9  }
0x223: {  	v0 =	vmul.f32 $8.000000000e+00, v0;
	[tilespmem:s1+$0xB0] =	vst v2  }
0x224: {  	v3 =	vmul.f32 $8.000000000e+00, v3;
	[tilespmem:s1+$0xF0] =	vst v6  }
0x225: {  	[tilespmem:s1+$0x90] =	vst v0;
	v0 =	vmul.f32 $8.000000000e+00, v4  }
0x226: {  	[tilespmem:s1+$0x80] =	vst v3;
	v1 =	vmul.f32 $8.000000000e+00, v5  }
0x227: {  	v3 =	vmul.f32 $8.000000000e+00, v7;
	[tilespmem:s1+$0x70] =	vst v0  }
0x228: {  	[tilespmem:s1+$0x60] =	vst v1  }
0x229: {  	[tilespmem:s1+$0x30] =	vst v3  }
0x22a: {  	[hbm4b:s14+s3] =	stream.linear.scatter [tilespmem:s22], [sflag:$0x7], $0x2000, $0x38;
	[tilespmem:$0xE400] =	vst v63  }
0x22b: {  	_ =	swait.ge [sflag:s31], $0x2000  }
0x22c: {  	[sflag:s31] =	ssyncset.done $0x0  }
0x22d: {  	[sflag:s31] =	ssyncadd.s32 $0xFFFFE000  }
0x22e: {  	_ =	swait.ge [sflag:s0], $0x2000  }
0x22f: {  	[sflag:s0] =	ssyncset.done $0x0  }
0x230: {  	s1 =	simm.s32 $0xC400;
	[sflag:s0] =	ssyncadd.s32 $0xFFFFE000  }
0x231: {  	v1 =	vld [tilespmem:s1+$0xA0]  }
0x232: {  	v2 =	vld [tilespmem:s1+$0x40]  }
0x233: {  	v3 =	vld [tilespmem:s1+$0xE0]  }
0x234: {  	v4 =	vld [tilespmem:s1+$0xD0]  }
0x235: {  	v5 =	vld [tilespmem:s1+$0x20]  }
0x236: {  	v0 =	vld [tilespmem:s1+$0x90]  }
0x237: {  	v8 =	vld [tilespmem:s1+$0xC0]  }
0x238: {  	v7 =	vld [tilespmem:s1+$0x10]  }
0x239: {  	v9 =	vld [tilespmem:s1+$0x0];
	v1 =	vmul.f32 $8.000000000e+00, v1  }
0x23a: {  	v11 =	vld [tilespmem:s1+$0x50];
	v4 =	vmul.f32 $8.000000000e+00, v4  }
0x23b: {  	v10 =	vld [tilespmem:s1+$0xB0];
	v12 =	vmul.f32 $8.000000000e+00, v5;
	[tilespmem:s1+$0xA0] =	vst v1  }
0x23c: {  	v6 =	vld [tilespmem:s1+$0xF0];
	v13 =	vmul.f32 $8.000000000e+00, v8;
	[tilespmem:s1+$0xD0] =	vst v4  }
0x23d: {  	v1 =	vmul.f32 $8.000000000e+00, v2;
	v2 =	vmul.f32 $8.000000000e+00, v3;
	v3 =	vld [tilespmem:s1+$0x80];
	[tilespmem:s1+$0x20] =	vst v12  }
0x23e: {  	v4 =	vld [tilespmem:s1+$0x70];
	[tilespmem:s1+$0xC0] =	vst v13  }
0x23f: {  	v8 =	vmul.f32 $8.000000000e+00, v9;
	v5 =	vld [tilespmem:s1+$0x60];
	v9 =	vmul.f32 $8.000000000e+00, v11;
	[tilespmem:s1+$0x40] =	vst v1  }
0x240: {  	s7 =	simm.s32 $0x0;
	s8 =	simm.s32 $0xC500;
	[tilespmem:s1+$0xE0] =	vst v2;
	v1 =	vmul.f32 $8.000000000e+00, v7;
	v7 =	vld [tilespmem:s1+$0x30];
	v2 =	vmul.f32 $8.000000000e+00, v10  }
.LBB2_26:
0x241: {  	v10 =	vld [tilespmem:s8+$0xA0];
	s7 =	sadd.s32 $0x4, s7;
	[tilespmem:s1+$0x0] =	vst v8;
	v0 =	vmul.f32 $8.000000000e+00, v0;
	v6 =	vmul.f32 $8.000000000e+00, v6  }
0x242: {  	v8 =	vld [tilespmem:s8+$0x40];
	p0 =	slt.u32 s7, $0x7C;
	[tilespmem:s1+$0x50] =	vst v9;
	v3 =	vmul.f32 $8.000000000e+00, v3  }
0x243: {  	v9 =	vld [tilespmem:s8+$0xE0];
	v4 =	vmul.f32 $8.000000000e+00, v4;
	[tilespmem:s1+$0xF0] =	vst v6  }
0x244: {  	v11 =	vld [tilespmem:s8+$0x20];
	v5 =	vmul.f32 $8.000000000e+00, v5;
	[tilespmem:s1+$0x80] =	vst v3  }
0x245: {  	v3 =	vld [tilespmem:s8+$0xD0];
	v6 =	vmul.f32 $8.000000000e+00, v7;
	[tilespmem:s1+$0x90] =	vst v0  }
0x246: {  	v0 =	vld [tilespmem:s8+$0x90];
	v7 =	vmul.f32 $8.000000000e+00, v10;
	[tilespmem:s1+$0x10] =	vst v1  }
0x247: {  	v1 =	vld [tilespmem:s8+$0x10];
	[tilespmem:s1+$0x30] =	vst v6  }
0x248: {  	v10 =	vld [tilespmem:s8+$0xC0];
	v9 =	vmul.f32 $8.000000000e+00, v9;
	[tilespmem:s1+$0xB0] =	vst v2  }
0x249: {  	v2 =	vld [tilespmem:s8+$0x0];
	[tilespmem:s1+$0x70] =	vst v4  }
0x24a: {  	v12 =	vld [tilespmem:s8+$0xB0];
	v3 =	vmul.f32 $8.000000000e+00, v3;
	[tilespmem:s1+$0x60] =	vst v5;
	s1 =	smov.u32 s8  }
0x24b: {  	v13 =	vld [tilespmem:s8+$0x50];
	[tilespmem:s8+$0xA0] =	vst v7  }
.Ltmp12:
0x24c: {  	v4 =	vmul.f32 $8.000000000e+00, v8;
	[tilespmem:s8+$0xD0] =	vst v3;
	v6 =	vld [tilespmem:s8+$0xF0];
	(pc) =	sbr.rel @p0 .LBB2_26-.Ltmp12, $4  }
0x24d: {  	v3 =	vld [tilespmem:s8+$0x80];
	v7 =	vmul.f32 $8.000000000e+00, v10;
	[tilespmem:s8+$0xE0] =	vst v9  }
0x24e: {  	v9 =	vmul.f32 $8.000000000e+00, v11;
	[tilespmem:s8+$0x40] =	vst v4;
	v4 =	vld [tilespmem:s8+$0x70]  }
0x24f: {  	v1 =	vmul.f32 $8.000000000e+00, v1;
	v8 =	vmul.f32 $8.000000000e+00, v2;
	v5 =	vld [tilespmem:s8+$0x60];
	[tilespmem:s8+$0xC0] =	vst v7  }
0x250: {  	v2 =	vmul.f32 $8.000000000e+00, v12;
	s8 =	sadd.s32 $0x100, s8;
	[tilespmem:s1+$0x20] =	vst v9;
	v7 =	vld [tilespmem:s1+$0x30];
	v9 =	vmul.f32 $8.000000000e+00, v13  }
0x251: {  	[tilespmem:s1+$0x0] =	vst v8  }
0x252: {  	[tilespmem:s1+$0x10] =	vst v1  }
0x253: {  	v6 =	vmul.f32 $8.000000000e+00, v6;
	[tilespmem:s1+$0x50] =	vst v9  }
0x254: {  	v0 =	vmul.f32 $8.000000000e+00, v0;
	[tilespmem:s1+$0xB0] =	vst v2  }
0x255: {  	v3 =	vmul.f32 $8.000000000e+00, v3;
	[tilespmem:s1+$0xF0] =	vst v6  }
0x256: {  	[tilespmem:s1+$0x90] =	vst v0;
	v62 =	vmul.f32 $8.000000000e+00, v4  }
0x257: {  	[tilespmem:s1+$0x80] =	vst v3;
	v63 =	vmul.f32 $8.000000000e+00, v5  }
0x258: {  	v61 =	vmul.f32 $8.000000000e+00, v7;
	[tilespmem:s1+$0x70] =	vst v62  }
0x259: {  	[tilespmem:s1+$0x60] =	vst v63  }
0x25a: {  	s29 =	sadd.s32 $0x1, s29;
	[tilespmem:s1+$0x30] =	vst v61  }
0x25b: {  	[hbm4b:s15+s3] =	stream.linear.scatter [tilespmem:s25], [sflag:$0x8], $0x2000, $0x38;
	[tilespmem:$0xE400] =	vst v63  }
0x25c: {  	p0 =	sne.s32 s29, s16;
	_ =	swait.ge [sflag:s21], $0x2000  }
.Ltmp13:
0x25d: {  	[sflag:s21] =	ssyncset.done $0x0;
	(pc) =	sbr.rel @p0 .LBB2_1-.Ltmp13, $4  }
0x25e: {  	[sflag:s21] =	ssyncadd.s32 $0xFFFFE000  }
0x25f: {  	_ =	swait.ge [sflag:s24], $0x2000  }
0x260: {  	[sflag:s24] =	ssyncset.done $0x0  }
0x261: {  	[sflag:s24] =	ssyncadd.s32 $0xFFFFE000  }
0x262: {  	_ =	sfence.sel $0x180000  }
0x263: {  	[bflag:$0x0] =	sbarrier.arrive $0xFFFF  }
0x264: {  	_ =	strace $0x90000047  }
0x265: {  	s0 =	stileid.u32;
	[bflag:$0x2] =	sbarrier.arrive $0xFFFF  }
0x266: {  	p0 =	sne.s32 s0, $0x0;
	s0 =	rddreg [dreg:$0x2]  }
0x267: {  	s0 =	sadd.s32 @!p0 $0x100000, s0  }
0x268: {  	[sflag:s0] =	ssyncadd.tile.s32 @!p0 $0x1;
	_ =	shalt  }
.Lfunc_end2:
_tile_overlayer_lowered:
.L_overlay_start_2:
0x269: {  	(tag) =	ssettag $0x2  }
0x26a: {  	s0 =	rddreg [dreg:$0x0];
	s2 =	stileid.u32  }
0x26b: {  	s1 =	rddreg [dreg:$0x1];
	p0 =	sne.s32 s2, $0x0  }
0x26c: {  	s3 =	rddreg [dreg:$0x2];
	[bflag:$0x3] =	sbarrier.arrive $0xFFFF;
	s2 =	simm.s32 @!p0 $0x1C09  }
0x26d: {  	[timem:s3], [sflag:s2] =	dma.local @!p0 [hbm:s0], s1  }
0x26e: {  	s0 =	simm.s32 @!p0 $0x9  }
0x26f: {  	_ =	swait.ge @!p0 [sflag:s0], s1  }
0x270: {  	s1 =	ssub.s32 @!p0 $0x0, s1;
	[sflag:s0] =	ssyncset.done @!p0 $0x0  }
0x271: {  	[sflag:s0] =	ssyncadd.s32 @!p0 s1  }
0x272: {  	[bflag:$0x3] =	sbarrier.arrive $0xFFFF  }
0x273: {  	_ =	shalt  }

// kernel: sparse-core-data-format-call.cloned.1.call-start
scs
called_computation_lowered:
.L_overlay_start_0:
0x0: {  	s2 =	sld [smem:$0x3FD9]  }
0x1: {  	s3 =	sld [smem:$0x3FFE];
	_ =	sdelay $0x1  }
0x2: {  	s1 =	srdreg.scid  }
0x3: {  	s0 =	sand.u32 $0x1, s1  }
0x4: {  	s18 =	sshll.u32 s0, $0xA;
	s2 =	sadd.s32 s3, s2  }
0x5: {  	s2 =	sadd.s32 s2, s18  }
0x6: {  	[smem:$0x3FC6] =	sst s2  }
0x7: {  	_ = 	snop  }
0x8: {  	s2 =	sld [smem:$0x3FD0];
	(tm) =	ssettm $0x1  }
0x9: {  	s19 =	sld [smem:$0x3FFB];
	_ =	sdelay $0x3  }
0xa: {  	_ =	strace s19  }
0xb: {  	s3 =	sld [smem:$0x3FFC];
	_ =	sdelay $0x3  }
0xc: {  	_ =	strace s3  }
0xd: {  	s3 =	sld [smem:$0x3FFD];
	_ =	sdelay $0x3  }
0xe: {  	_ =	strace s3  }
0xf: {  	_ =	strace $0x8FFFFFFF  }
0x10: {  	s20 =	sld [smem:$0x3FDB];
	_ =	sdelay $0x1  }
0x11: {  	s4 =	simm.s32 $_scs_section_size  }
0x12: {  	s5 =	simm.s32 $_size__tile_overlayer_lowered;
	s6 =	simm.s32 $_tile_overlayer_lowered  }
0x13: {  	s23 =	simm.s32 $0x1BFF;
	s22 =	sshll.u32 s6, $0x1;
	s3 =	sadd.s32 s4, s20  }
0x14: {  	s7 =	simm.s32 $0x0;
	s21 =	sshll.u32 s5, $0x1;
	s5 =	sadd.s32 s22, s3  }
0x15: {  	[timem:s7], [sflag:s23] =	dma.local [hbm:s5], s21  }
0x16: {  	_ =	swait.ge [sflag:s23], s21  }
0x17: {  	s4 =	ssub.s32 $0x0, s21;
	[sflag:s23] =	ssyncset.done $0x0  }
0x18: {  	[sflag:s23] =	ssyncadd.s32 s4;
	_ =	sdelay $0x1  }
0x19: {  	s24 =	simm.s32 $0x1B8B  }
0x1a: {  	_ =	swait.ge [sflag:s24], $0x1  }
0x1b: {  	[sflag:s24] =	ssyncset.done $0x0  }
0x1c: {  	s26 =	simm.s32 $0x1B8E;
	s25 =	sld [smem:$0x3FFE];
	[sflag:s24] =	ssyncadd.s32 $0xFFFFFFFF  }
0x1d: {  	s27 =	simm.s32 $execute0_lowered;
	[smem:$0x3FD2] =	sst s26  }
0x1e: {  	s5 =	sshll.u32 s27, $0x1;
	_ =	strace $0x80000049;
	[dreg:$0x1] =	wrdreg $0xFFFFFFFF  }
0x1f: {  	s28 =	simm.s32 $_size_execute0_lowered;
	s3 =	sadd.s32 s3, s5;
	[dreg:$0x0] =	wrdreg $0x0  }
0x20: {  	s5 =	sshll.u32 s28, $0x1;
	[dreg:$0x2] =	wrdreg s3  }
0x21: {  	[dreg:$0x3] =	wrdreg s5  }
0x22: {  	[dreg:$0x4] =	wrdreg $0xC0  }
0x23: {  	_ =	task [dreg:s7], $0x5FFFF  }
0x24: {  	[dreg:$0x1] =	wrdreg $0xFFFFFFFF  }
0x25: {  	[dreg:$0x0] =	wrdreg $0x60  }
0x26: {  	[dreg:$0x2] =	wrdreg s25  }
0x27: {  	[dreg:$0x3] =	wrdreg s2  }
0x28: {  	[dreg:$0x4] =	wrdreg $0x9  }
0x29: {  	_ =	task.clear_ibuf [dreg:s7], $0x5FFFF;
	_ =	strace $0x90000049  }
0x2a: {  	s29 =	simm.s32 $0x9;
	_ =	strace $0x8000004B  }
0x2b: {  	_ =	swait.ge [sflag:s29], $0x1  }
0x2c: {  	[sflag:s29] =	ssyncadd.s32 $0xFFFFFFFF  }
0x2d: {  	_ =	strace $0x9000004B  }
0x2e: {  	_ =	sfence  }
0x2f: {  	s30 =	sld [smem:$0x0];
	_ =	sdelay $0x2  }
0x30: {  	s31 =	sshll.u32 s1, $0xD;
	s1 =	sshrl.u32 s1, $0x2  }
0x31: {  	s3 =	sand.u32 $0x4000, s31;
	s1 =	sadd.s32 s1, s30  }
0x32: {  	s0 =	sor.u32 s3, s0;
	s1 =	sshll.u32 s1, $0x11  }
0x33: {  	s0 =	sor.u32 s1, s0  }
0x34: {  	s0 =	sadd.s32 $0x8F2B, s0  }
0x35: {  	[sflag:s0] =	ssyncadd.remote.s32 $0x1  }
0x36: {  	_ =	sfence.sel $0xFFFF  }
0x37: {  	[dreg:$0x0] =	wrdreg $0xFFFFFFFF;
	(pc) =	sbr.abs _section_cstart, $3  }
0x38: {  	[dreg:$0x1] =	wrdreg $0xFFFFFFFF  }
0x39: {  	_ =	task.clear_ibuf [dreg:s7], $0x2FFFF;
	_ =	strace $0x9FFFFFFF  }
0x3a: {  	(tm) =	ssettm $0x7FFFFFFF  }
0x3b: {  	_ =	shalt  }
tec
execute0_lowered:
.L_overlay_start_1:
0x0: {  	(tag) =	ssettag $0x1  }
0x1: {  	s0 =	srdreg.scid  }
0x2: {  	s1 =	sshll.u32 s0, $0x4  }
0x3: {  	s0 =	stileid.u32;
	s1 =	sand.u32 $0x10, s1  }
0x4: {  	s1 =	sor.u32 s0, s1  }
0x5: {  	s6 =	rddreg [dreg:$0x0];
	s4 =	simm.s32 $0x1;
	s2 =	sshll.u32 s1, $0x7  }
0x6: {  	s7 =	simm.s32 $0x2;
	s12 =	simm.s32 $0x0;
	s1 =	ssub.s32 $0x1000, s2  }
0x7: {  	s8 =	simm.s32 $0x8000;
	s13 =	simm.s32 $0x0;
	s3 =	sand.u32 $0xF80, s1  }
0x8: {  	s9 =	simm.s32 $0x0;
	s5 =	sshrl.u32 s1, $0xC;
	p0 =	sne.s32 s3, $0x0  }
.Ltmp0:
0x9: {  	s1 =	rddreg [dreg:$0x2];
	s4 =	simm.s32 @!p0 $0x0;
	(pc) =	sbr.rel .LBB1_1-.Ltmp0, $4  }
0xa: {  	s11 =	simm.s32 $0x0;
	s3 =	rddreg [dreg:$0x1];
	s5 =	sadd.s32 s4, s5  }
0xb: {  	_ =	strace $0x8000004A;
	s4 =	simm.s32 $0x1;
	s5 =	smul.u32 $0xC8, s5  }
0xc: {  	s6 =	sadd.s32 $0xA00, s6;
	s10 =	smov.u32 s2;
	[sflag:s4] =	ssyncpa.u1 $0x0  }
0xd: {  	p0 =	por $0x0, $0x0;
	[sflag:s7] =	ssyncpa.u1 $0x0;
	s7 =	sor.u32 $0x1, s5  }
.LBB1_4:
0xe: {  	s16 =	sshll.u32 s13, $0x3;
	s17 =	sand.u32 $0x78, s13  }
0xf: {  	s30 =	sand.u32 $0x7E00, s13;
	s12 =	sshll.u32 s12, $0xF;
	s16 =	sand.u32 $0xC00, s16  }
0x10: {  	[tilespmem:s15+$0x810 ss:$0x81] =	vst.msk $0xffff, v2;
	s31 =	sand.u32 $0x7, s13;
	s16 =	sor.u32 s17, s16;
	s17 =	sadd.s32 s3, s30  }
0x11: {  	[tilespmem:s15+$0x1020 ss:$0x81] =	vst.msk $0xffff, v0;
	s13 =	sshll.u32 s31, $0x12;
	s12 =	sadd.s32 s12, s17;
	s16 =	sshrl.u32 s16, $0x3  }
0x12: {  	[tilespmem:s15+$0x0 ss:$0x81] =	vst.msk $0xffff, v1;
	s13 =	sor.u32 $0x400, s13;
	s12 =	sadd.s32 s16, s12  }
0x13: {  	[hbm4b:s12+s13] =	stream.strided.scatter [tilespmem:s14], [sflag:$0x2], $0x2000, s8, s13, $0x20;
	[tilespmem:$0x8080] =	vst v63  }
.LBB1_5:
0x14: {  	s14 =	sadd.s32 $0x1, s9  }
0x15: {  	s12 =	sadd.s32 $0x1000, s10;
	s16 =	smov.u32 s10;
	p2 =	sgt.s32 s14, $0xC7  }
0x16: {  	s16 =	smov.u32 @p2 s12  }
0x17: {  	s14 =	simm.s32 @p2 $0x0;
	p2 =	sgt.s32 s16, $0xFFF  }
0x18: {  	s16 =	smov.u32 @p2 s2;
	p2 =	sne.s32 s11, s7  }
.Ltmp1:
0x19: {  	p1 =	slt.u32 s11, $0x2;
	(pc) =	sbr.rel @!p2 .LBB1_6-.Ltmp1, $4  }
0x1a: {  	s15 =	simm.s32 @!p1 $0x2  }
0x1b: {  	s13 =	smov.u32 s10;
	p0 =	por !p0, !p0;
	_ =	swait.ge @!p1 [sflag:s15], $0x2000  }
0x1c: {  	s12 =	smov.u32 s9;
	[sflag:s15] =	ssyncset.done @!p1 $0x0;
	s9 =	smov.u32 s14  }
0x1d: {  	s11 =	sadd.s32 $0x1, s11;
	[sflag:s15] =	ssyncadd.s32 @!p1 $0xFFFFE000;
	s10 =	smov.u32 s16  }
.LBB1_1:
0x1e: {  	p1 =	sge.u32 s11, s5  }
0x1f: {  	s14 =	sand.u32 @!p1 $0x1FFFFFF, s9  }
0x20: {  	s15 =	smulhi.u32 @!p1 $0x147AE15, s14;
	_ =	sdelay $0x1  }
0x21: {  	s15 =	smul.u32 @!p1 $0xC8, s15  }
0x22: {  	s16 =	sxor.u32 @!p1 $0xFFFFFFFF, s11;
	s17 =	smul.u32 @!p1 $0xC80, s10  }
0x23: {  	s31 =	sadd.s32 $0xFFFFFFFF, s11;
	s16 =	sshll.u32 @!p1 s16, $0xD;
	s14 =	ssub.s32 @!p1 s14, s15  }
0x24: {  	s15 =	sand.u32 @!p1 $0x2000, s16;
	s16 =	sadd.s32 @!p1 s6, s17;
	s14 =	sshll.u32 @!p1 s14, $0x4  }
0x25: {  	s17 =	simm.s32 @!p1 $0x6400;
	s14 =	sadd.s32 @!p1 s14, s16;
	s16 =	simm.s32 @!p1 $0x40  }
0x26: {  	[tilespmem:s15], [sflag:$0x1] =	stream.strided.gather @!p1 [hbm4b:s14+s16], $0x2000, s17, s16, $0x38;
	[tilespmem:$0x8080] =	vst v63  }
0x27: {  	p1 =	sge.u32 s31, s5  }
.Ltmp2:
0x28: {  	_ = 	snop;
	(pc) =	sbr.rel @p1 .LBB1_5-.Ltmp2, $1  }
0x29: {  	_ =	sdelay $0x3  }
0x2a: {  	s14 =	simm.s32 $0x1  }
0x2b: {  	_ =	swait.ge [sflag:s4], $0x2000;
	s14 =	simm.s32 @!p0 $0x0  }
0x2c: {  	[sflag:s4] =	ssyncset.done $0x0;
	s15 =	sshll.u32 s14, $0xD  }
0x2d: {  	[sflag:s4] =	ssyncadd.s32 $0xFFFFE000;
	s18 =	sor.u32 $0x20, s15  }
0x2e: {  	s14 =	smul.u32 $0x8100, s14;
	v3 =	vld [tilespmem:s18+$0x10]  }
0x2f: {  	s30 =	sand.u32 $0x1, s11;
	v2 =	vld [tilespmem:s18+$0xFFFFFFF0]  }
0x30: {  	s15 =	smul.u32 $0x8100, s30;
	s14 =	sshrl.u32 s14, $0x2;
	v0 =	vld [tilespmem:s18+$0x0]  }
0x31: {  	v1 =	vld [tilespmem:s18+$0xFFFFFFE0];
	s16 =	sor.u32 $0x4000, s14  }
0x32: {  	s31 =	sshrl.u32 s15, $0x2;
	s15 =	sadd.s32 $0x0, s16  }
0x33: {  	s17 =	simm.s32 $0x4;
	s18 =	sadd.s32 $0x40, s18;
	s14 =	sor.u32 $0x4000, s31;
	[tilespmem:s15+$0x1830 ss:$0x81] =	vst.msk $0xffff, v3  }
.LBB1_3:
0x34: {  	v3 =	vld [tilespmem:s18+$0x10];
	p1 =	sne.s32 s17, $0x1FC;
	[tilespmem:s15+$0x810 ss:$0x81] =	vst.msk $0xffff, v2;
	s19 =	smov.u32 s17;
	s17 =	sadd.s32 $0x4, s17  }
.Ltmp3:
0x35: {  	v2 =	vld [tilespmem:s18+$0xFFFFFFF0];
	[tilespmem:s15+$0x1020 ss:$0x81] =	vst.msk $0xffff, v0;
	(pc) =	sbr.rel @p1 .LBB1_3-.Ltmp3, $4  }
0x36: {  	v0 =	vld [tilespmem:s18+$0x0];
	[tilespmem:s15+$0x0 ss:$0x81] =	vst.msk $0xffff, v1  }
0x37: {  	s15 =	sshra.s32 s19, $0x2;
	v1 =	vld [tilespmem:s18+$0xFFFFFFE0]  }
0x38: {  	s15 =	sadd.s32 s15, s16  }
0x39: {  	s18 =	sadd.s32 $0x40, s18;
	[tilespmem:s15+$0x1830 ss:$0x81] =	vst.msk $0xffff, v3  }
.Ltmp4:
0x3a: {  	_ = 	snop;
	(pc) =	sbr.rel .LBB1_4-.Ltmp4, $1  }
0x3b: {  	_ =	sdelay $0x3  }
.LBB1_6:
0x3c: {  	_ =	sfence.sel $0x180000  }
0x3d: {  	s2 =	simm.s32 $0x1;
	[bflag:$0x0] =	sbarrier.arrive $0xFFFF  }
0x3e: {  	s31 =	simm.s32 $0x2;
	[sflag:s2] =	ssyncpa.u1 $0x1  }
0x3f: {  	[sflag:s31] =	ssyncpa.u1 $0x1  }
0x40: {  	p0 =	sne.s32 s0, $0x0;
	_ =	strace $0x9000004A  }
0x41: {  	s0 =	sadd.s32 @!p0 $0x100000, s1;
	[bflag:$0x2] =	sbarrier.arrive $0xFFFF  }
0x42: {  	[sflag:s0] =	ssyncadd.tile.s32 @!p0 $0x1;
	_ =	shalt  }
.Lfunc_end1:
_tile_overlayer_lowered:
.L_overlay_start_2:
0x43: {  	(tag) =	ssettag $0x2  }
0x44: {  	s0 =	rddreg [dreg:$0x0];
	s2 =	stileid.u32  }
0x45: {  	s1 =	rddreg [dreg:$0x1];
	p0 =	sne.s32 s2, $0x0  }
0x46: {  	s3 =	rddreg [dreg:$0x2];
	[bflag:$0x3] =	sbarrier.arrive $0xFFFF;
	s2 =	simm.s32 @!p0 $0x1C01  }
0x47: {  	[timem:s3], [sflag:s2] =	dma.local @!p0 [hbm:s0], s1  }
0x48: {  	s0 =	simm.s32 @!p0 $0x1  }
0x49: {  	_ =	swait.ge @!p0 [sflag:s0], s1  }
0x4a: {  	s1 =	ssub.s32 @!p0 $0x0, s1;
	[sflag:s0] =	ssyncset.done @!p0 $0x0  }
0x4b: {  	[sflag:s0] =	ssyncadd.s32 @!p0 s1  }
0x4c: {  	[bflag:$0x3] =	sbarrier.arrive $0xFFFF  }
0x4d: {  	_ =	shalt  }

</sc_bundles>
